<compile_context>
chip_gen: v7x
topology: tpu7x:2x2x1
jax: 0.10.2.dev20260603
libtpu: 0.0.44.dev20260713+nightly
codegen_flags: <defaults>
</compile_context>

<pallas_src>
import functools

import jax
import jax.numpy as jnp
from jax import lax
from jax.experimental import pallas as pl
from jax.experimental.pallas import tpu as pltpu
from jax.experimental.pallas import tpu_sc as plsc

ROWS, N = 128, 32768
NC, NS = 2, 16
NW = NC * NS
RPW = ROWS // NW
LANES = 16
NVEC = N // LANES
NPASS = 8
FMASK = 0x7FFFFFFF

_GDN = jax.lax.GatherDimensionNumbers(
    offset_dims=(), collapsed_slice_dims=(0,), start_index_map=(0,)
)


def _vperm(v, idx):
    return jax.lax.gather(
        v, idx[:, None], _GDN, slice_sizes=(1,),
        mode=jax.lax.GatherScatterMode.PROMISE_IN_BOUNDS,
    )


def _sort_body(in_hbm, out_hbm, bufa, bufb, hist):
    wid = lax.axis_index("s") * NC + lax.axis_index("c")
    zeros = jnp.zeros((LANES,), jnp.int32)

    def fwd_key(u):
        return jnp.where(u < 0, u, u ^ FMASK)

    def one_pass(src, dst, shift, first, last_pass):
        def digits(i):
            v = src[pl.ds(i * LANES, LANES)]
            key = fwd_key(v) if first else v
            if shift == 0:
                d = key & 0xF
            elif shift == 32 - 4:
                d = lax.shift_right_logical(key, shift)
            else:
                d = lax.shift_right_logical(key, shift) & 0xF
            return key, d

        @plsc.parallel_loop(0, NVEC, unroll=16, carry=zeros)
        def tot(i, acc):
            _, d = digits(i)
            occ, lastm = plsc.scan_count(d)
            hist[pl.ds(i * LANES, LANES)] = zeros
            plsc.store_scatter(hist, [i * LANES + d], occ, mask=lastm)
            return acc + hist[pl.ds(i * LANES, LANES)]

        base = plsc.cumsum(tot) - tot - 1

        @plsc.parallel_loop(0, NVEC, unroll=16, carry=base)
        def _run(i, run):
            key, d = digits(i)
            h = hist[pl.ds(i * LANES, LANES)]
            occ, _ = plsc.scan_count(d)
            pos = _vperm(run, d) + occ
            out = jnp.where(key < 0, key, key ^ FMASK) if last_pass else key
            plsc.store_scatter(dst, [pos], out)
            return run + h

    def row_body(r, _):
        row = wid * RPW + r
        pltpu.sync_copy(in_hbm.at[row], bufa)
        for p in range(NPASS):
            src, dst = (bufa, bufb) if p % 2 == 0 else (bufb, bufa)
            one_pass(src, dst, p * 4, first=(p == 0), last_pass=(p == NPASS - 1))
        pltpu.sync_copy(bufa, out_hbm.at[row])
        return 0

    lax.fori_loop(0, RPW, row_body, 0)


@functools.partial(
    pl.kernel,
    out_type=jax.ShapeDtypeStruct((ROWS, N), jnp.int32),
    mesh=plsc.VectorSubcoreMesh(core_axis_name="c", subcore_axis_name="s"),
    scratch_types=[
        pltpu.VMEM((N,), jnp.int32),
        pltpu.VMEM((N,), jnp.int32),
        pltpu.VMEM((N,), jnp.int32),
    ],
    compiler_params=pltpu.CompilerParams(needs_layout_passes=False),
)
def _sort_kernel(in_hbm, out_hbm, bufa, bufb, hist):
    _sort_body(in_hbm, out_hbm, bufa, bufb, hist)


def kernel(inputs):
    raw = jax.lax.bitcast_convert_type(inputs, jnp.int32)
    out = _sort_kernel(raw)
    return jax.lax.bitcast_convert_type(out, jnp.float32)

# --- scband reference (transcript-rebuilt; emitter-appended) ---
"""Pipeline reference for scband-sort-39393440039593 (READ-ONLY COPY).

The authoritative reference and input builder live on the scoring server;
editing this copy changes nothing except your own understanding.
"""

import jax, jax.numpy as jnp
import numpy as np

def setup_inputs(seed: int = 0) -> dict:
    key = jax.random.key(seed)
    inputs = jax.random.normal(key, (128, 32768), dtype=jnp.float32)
    return {"inputs": inputs}

def reference(inputs):
    # Sort each row in DESCENDING order along the last axis, then reshape
    # back to the original shape (reshape is a no-op here, kept for fidelity).
    x = jnp.flip(jnp.sort(inputs, axis=-1), axis=-1)
    return jnp.reshape(x, inputs.shape)

if __name__ == "__main__":
    import jax
    _d = setup_inputs()
    print(jax.jit(kernel)(*tuple(_d.values())))

</pallas_src>

<mosaic_0001>
#map = affine_map<(d0, d1) -> (0, 0)>
module attributes {stable_mosaic.version = 14 : i64} {
  func.func @_sort_kernel(%arg0: i32, %arg1: i32, %arg2: memref<128x32768xi32, #tpu.memory_space<hbm>>, %arg3: memref<128x32768xi32, #tpu.memory_space<hbm>>, %arg4: memref<32768xi32, #tpu.memory_space<vmem>>, %arg5: memref<32768xi32, #tpu.memory_space<vmem>>, %arg6: memref<32768xi32, #tpu.memory_space<vmem>>) attributes {dimension_semantics = [#tpu.dimension_semantics<core_parallel>, #tpu.dimension_semantics<subcore_parallel>], iteration_bounds = array<i64: 2, 16>, scalar_prefetch = 0 : i64, scratch_operands = 3 : i64, tpu.core_type = #tpu.core_type<sc_vector_subcore>, window_params = [{transform_indices = #map}, {transform_indices = #map}]} {
    %mul3A = arith.constant 2 : i32
    %mul3A_0 = arith.muli %arg1, %mul3A : i32
    %add3A = arith.addi %mul3A_0, %arg0 : i32
    %broadcast_in_dim3A = arith.constant 0 : i32
    %broadcast_in_dim3A_1 = vector.broadcast %broadcast_in_dim3A : i32 to vector<16xi32>
    %scan3A = arith.constant 0 : i32
    %scan3A_2 = arith.constant 0 : i32
    %scan3A_3 = arith.constant 4 : i32
    %scan3A_4 = arith.addi %scan3A_2, %scan3A_3 : i32
    %scan3A_5 = arith.constant 1 : i32
    %scan3A_6 = scf.for %scan3A_8 = %scan3A_2 to %scan3A_4 step %scan3A_5 iter_args(%scan3A_9 = %scan3A) -> (i32)  : i32 {
      %mul3A_10 = arith.constant 4 : i32
      %mul3A_11 = arith.muli %add3A, %mul3A_10 : i32
      %add3A_12 = arith.addi %mul3A_11, %scan3A_8 : i32
      "tpu.region"() ({
        %run_scoped3A = tpu.sem_alloc : memref<!tpu.dma_semaphore, #tpu.memory_space<semaphore_mem>>
        %dma_start3A = arith.constant 0 : i32
        %dma_start3A_131 = tpu.memref_slice %arg2[%add3A_12, %dma_start3A] : memref<128x32768xi32, #tpu.memory_space<hbm>> -> memref<1x32768xi32, #tpu.memory_space<hbm>>
        %dma_start3A_132 = tpu.memref_squeeze %dma_start3A_131 : memref<1x32768xi32, #tpu.memory_space<hbm>> -> memref<32768xi32, #tpu.memory_space<hbm>>
        %dma_start3A_133 = arith.constant 0 : i32
        %dma_start3A_134 = tpu.memref_slice %arg2[%add3A_12, %dma_start3A_133] : memref<128x32768xi32, #tpu.memory_space<hbm>> -> memref<1x32768xi32, #tpu.memory_space<hbm>>
        %dma_start3A_135 = tpu.memref_squeeze %dma_start3A_134 : memref<1x32768xi32, #tpu.memory_space<hbm>> -> memref<32768xi32, #tpu.memory_space<hbm>>
        tpu.enqueue_dma source(%dma_start3A_135 : memref<32768xi32, #tpu.memory_space<hbm>>) target(%arg4 : memref<32768xi32, #tpu.memory_space<vmem>>) target_semaphore(%run_scoped3A : memref<!tpu.dma_semaphore, #tpu.memory_space<semaphore_mem>>)
        %dma_wait3A = arith.constant 0 : i32
        %dma_wait3A_136 = tpu.memref_slice %arg2[%add3A_12, %dma_wait3A] : memref<128x32768xi32, #tpu.memory_space<hbm>> -> memref<1x32768xi32, #tpu.memory_space<hbm>>
        %dma_wait3A_137 = tpu.memref_squeeze %dma_wait3A_136 : memref<1x32768xi32, #tpu.memory_space<hbm>> -> memref<32768xi32, #tpu.memory_space<hbm>>
        %dma_wait3A_138 = arith.constant 0 : i32
        %dma_wait3A_139 = tpu.memref_slice %arg2[%add3A_12, %dma_wait3A_138] : memref<128x32768xi32, #tpu.memory_space<hbm>> -> memref<1x32768xi32, #tpu.memory_space<hbm>>
        %dma_wait3A_140 = tpu.memref_squeeze %dma_wait3A_139 : memref<1x32768xi32, #tpu.memory_space<hbm>> -> memref<32768xi32, #tpu.memory_space<hbm>>
        tpu.wait_dma2 semaphore(%run_scoped3A : memref<!tpu.dma_semaphore, #tpu.memory_space<semaphore_mem>>) src(%dma_wait3A_140 : memref<32768xi32, #tpu.memory_space<hbm>>) dst(%arg4 : memref<32768xi32, #tpu.memory_space<vmem>>)
        tpu.yield
      }) : () -> ()
      %parallel_loop3A = arith.constant 0 : i32
      %parallel_loop3A_13 = arith.constant 2048 : i32
      %parallel_loop3A_14 = arith.constant 1 : i32
      %parallel_loop3A_15 = scf.for %parallel_loop3A_131 = %parallel_loop3A to %parallel_loop3A_13 step %parallel_loop3A_14 iter_args(%parallel_loop3A_132 = %broadcast_in_dim3A_1) -> (vector<16xi32>)  : i32 {
        %parallel_loop3A_133 = arith.constant 16 : i32
        %parallel_loop3A_134 = arith.muli %parallel_loop3A_131, %parallel_loop3A_133 : i32
        %parallel_loop3A_135 = arith.index_cast %parallel_loop3A_134 : i32 to index
        %parallel_loop3A_136 = tpu.vector_load %arg4[%parallel_loop3A_135] {strides = array<i32>} : memref<32768xi32, #tpu.memory_space<vmem>>, vector<16xi32>,
        %parallel_loop3A_137 = arith.constant 0 : i32
        %parallel_loop3A_138 = vector.broadcast %parallel_loop3A_137 : i32 to vector<16xi32>
        %parallel_loop3A_139 = arith.cmpi slt, %parallel_loop3A_136, %parallel_loop3A_138 : vector<16xi32>
        %parallel_loop3A_140 = arith.constant 2147483647 : i32
        %parallel_loop3A_141 = vector.broadcast %parallel_loop3A_140 : i32 to vector<16xi32>
        %parallel_loop3A_142 = arith.xori %parallel_loop3A_136, %parallel_loop3A_141 : vector<16xi32>
        %parallel_loop3A_143 = arith.select %parallel_loop3A_139, %parallel_loop3A_136, %parallel_loop3A_142 : vector<16xi1>, vector<16xi32>
        %parallel_loop3A_144 = arith.constant 15 : i32
        %parallel_loop3A_145 = vector.broadcast %parallel_loop3A_144 : i32 to vector<16xi32>
        %parallel_loop3A_146 = arith.andi %parallel_loop3A_143, %parallel_loop3A_145 : vector<16xi32>
        %parallel_loop3A_147 = arith.constant true
        %parallel_loop3A_148 = vector.broadcast %parallel_loop3A_147 : i1 to vector<16xi1>
        %parallel_loop3A_149, %parallel_loop3A_150 = tpu.scan_count mask(%parallel_loop3A_148 : vector<16xi1>) value(%parallel_loop3A_146 : vector<16xi32>) : vector<16xi1>, vector<16xi32>
        %parallel_loop3A_151 = arith.constant 16 : i32
        %parallel_loop3A_152 = arith.muli %parallel_loop3A_131, %parallel_loop3A_151 : i32
        %parallel_loop3A_153 = arith.index_cast %parallel_loop3A_152 : i32 to index
        %parallel_loop3A_154 = tpu.vector_load %arg6[%parallel_loop3A_153] {strides = array<i32>} : memref<32768xi32, #tpu.memory_space<vmem>>, vector<16xi32>,
        tpu.vector_store %arg6[%parallel_loop3A_153], %broadcast_in_dim3A_1 {strides = array<i32>} : memref<32768xi32, #tpu.memory_space<vmem>>, vector<16xi32>,
        %parallel_loop3A_155 = arith.constant 16 : i32
        %parallel_loop3A_156 = arith.muli %parallel_loop3A_131, %parallel_loop3A_155 : i32
        %parallel_loop3A_157 = vector.broadcast %parallel_loop3A_156 : i32 to vector<16xi32>
        %parallel_loop3A_158 = arith.addi %parallel_loop3A_157, %parallel_loop3A_146 : vector<16xi32>
        tpu.vector_store_idx %arg6[%parallel_loop3A_158], %parallel_loop3A_150 masked %parallel_loop3A_149 : memref<32768xi32, #tpu.memory_space<vmem>>[vector<16xi32>], vector<16xi32>, vector<16xi1>
        %parallel_loop3A_159 = arith.constant 16 : i32
        %parallel_loop3A_160 = arith.muli %parallel_loop3A_131, %parallel_loop3A_159 : i32
        %parallel_loop3A_161 = arith.index_cast %parallel_loop3A_160 : i32 to index
        %parallel_loop3A_162 = tpu.vector_load %arg6[%parallel_loop3A_161] {strides = array<i32>} : memref<32768xi32, #tpu.memory_space<vmem>>, vector<16xi32>,
        %parallel_loop3A_163 = arith.addi %parallel_loop3A_132, %parallel_loop3A_162 : vector<16xi32>
        scf.yield %parallel_loop3A_163 : vector<16xi32>
      } {sc.loop_unroll_factor = 16 : i64, sc.parallel_access}
      %broadcast_in_dim3A_16 = arith.constant true
      %broadcast_in_dim3A_17 = vector.broadcast %broadcast_in_dim3A_16 : i1 to vector<16xi1>
      %masked_cumsum3A = tpu.scan <sum>, %parallel_loop3A_15 masked %broadcast_in_dim3A_17 : vector<16xi32>, vector<16xi1> -> vector<16xi32>
      %sub3A = arith.subi %masked_cumsum3A, %parallel_loop3A_15 : vector<16xi32>
      %sub3A_18 = arith.constant 1 : i32
      %sub3A_19 = vector.broadcast %sub3A_18 : i32 to vector<16xi32>
      %sub3A_20 = arith.subi %sub3A, %sub3A_19 : vector<16xi32>
      %parallel_loop3A_21 = arith.constant 0 : i32
      %parallel_loop3A_22 = arith.constant 2048 : i32
      %parallel_loop3A_23 = arith.constant 1 : i32
      %parallel_loop3A_24 = scf.for %parallel_loop3A_131 = %parallel_loop3A_21 to %parallel_loop3A_22 step %parallel_loop3A_23 iter_args(%parallel_loop3A_132 = %sub3A_20) -> (vector<16xi32>)  : i32 {
        %parallel_loop3A_133 = arith.constant 16 : i32
        %parallel_loop3A_134 = arith.muli %parallel_loop3A_131, %parallel_loop3A_133 : i32
        %parallel_loop3A_135 = arith.index_cast %parallel_loop3A_134 : i32 to index
        %parallel_loop3A_136 = tpu.vector_load %arg4[%parallel_loop3A_135] {strides = array<i32>} : memref<32768xi32, #tpu.memory_space<vmem>>, vector<16xi32>,
        %parallel_loop3A_137 = arith.constant 0 : i32
        %parallel_loop3A_138 = vector.broadcast %parallel_loop3A_137 : i32 to vector<16xi32>
        %parallel_loop3A_139 = arith.cmpi slt, %parallel_loop3A_136, %parallel_loop3A_138 : vector<16xi32>
        %parallel_loop3A_140 = arith.constant 2147483647 : i32
        %parallel_loop3A_141 = vector.broadcast %parallel_loop3A_140 : i32 to vector<16xi32>
        %parallel_loop3A_142 = arith.xori %parallel_loop3A_136, %parallel_loop3A_141 : vector<16xi32>
        %parallel_loop3A_143 = arith.select %parallel_loop3A_139, %parallel_loop3A_136, %parallel_loop3A_142 : vector<16xi1>, vector<16xi32>
        %parallel_loop3A_144 = arith.constant 15 : i32
        %parallel_loop3A_145 = vector.broadcast %parallel_loop3A_144 : i32 to vector<16xi32>
        %parallel_loop3A_146 = arith.andi %parallel_loop3A_143, %parallel_loop3A_145 : vector<16xi32>
        %parallel_loop3A_147 = arith.constant 16 : i32
        %parallel_loop3A_148 = arith.muli %parallel_loop3A_131, %parallel_loop3A_147 : i32
        %parallel_loop3A_149 = arith.index_cast %parallel_loop3A_148 : i32 to index
        %parallel_loop3A_150 = tpu.vector_load %arg6[%parallel_loop3A_149] {strides = array<i32>} : memref<32768xi32, #tpu.memory_space<vmem>>, vector<16xi32>,
        %parallel_loop3A_151 = arith.constant true
        %parallel_loop3A_152 = vector.broadcast %parallel_loop3A_151 : i1 to vector<16xi1>
        %parallel_loop3A_153, %parallel_loop3A_154 = tpu.scan_count mask(%parallel_loop3A_152 : vector<16xi1>) value(%parallel_loop3A_146 : vector<16xi32>) : vector<16xi1>, vector<16xi32>
        %parallel_loop3A_155 = vector.shape_cast %parallel_loop3A_146 : vector<16xi32> to vector<16x1xi32>
        %parallel_loop3A_156 = vector.shape_cast %parallel_loop3A_155 : vector<16x1xi32> to vector<16xi32>
        %parallel_loop3A_157 = tpu.dynamic_gather %parallel_loop3A_132[%parallel_loop3A_156] in [0] : vector<16xi32>, vector<16xi32> -> vector<16xi32>
        %parallel_loop3A_158 = arith.addi %parallel_loop3A_157, %parallel_loop3A_154 : vector<16xi32>
        tpu.vector_store_idx %arg5[%parallel_loop3A_158], %parallel_loop3A_143 : memref<32768xi32, #tpu.memory_space<vmem>>[vector<16xi32>], vector<16xi32>,
        %parallel_loop3A_159 = arith.addi %parallel_loop3A_132, %parallel_loop3A_150 : vector<16xi32>
        scf.yield %parallel_loop3A_159 : vector<16xi32>
      } {sc.loop_unroll_factor = 16 : i64, sc.parallel_access}
      %parallel_loop3A_25 = arith.constant 0 : i32
      %parallel_loop3A_26 = arith.constant 2048 : i32
      %parallel_loop3A_27 = arith.constant 1 : i32
      %parallel_loop3A_28 = scf.for %parallel_loop3A_131 = %parallel_loop3A_25 to %parallel_loop3A_26 step %parallel_loop3A_27 iter_args(%parallel_loop3A_132 = %broadcast_in_dim3A_1) -> (vector<16xi32>)  : i32 {
        %parallel_loop3A_133 = arith.constant 16 : i32
        %parallel_loop3A_134 = arith.muli %parallel_loop3A_131, %parallel_loop3A_133 : i32
        %parallel_loop3A_135 = arith.index_cast %parallel_loop3A_134 : i32 to index
        %parallel_loop3A_136 = tpu.vector_load %arg5[%parallel_loop3A_135] {strides = array<i32>} : memref<32768xi32, #tpu.memory_space<vmem>>, vector<16xi32>,
        %parallel_loop3A_137 = arith.constant 4 : i32
        %parallel_loop3A_138 = vector.broadcast %parallel_loop3A_137 : i32 to vector<16xi32>
        %parallel_loop3A_139 = arith.shrui %parallel_loop3A_136, %parallel_loop3A_138 : vector<16xi32>
        %parallel_loop3A_140 = arith.constant 15 : i32
        %parallel_loop3A_141 = vector.broadcast %parallel_loop3A_140 : i32 to vector<16xi32>
        %parallel_loop3A_142 = arith.andi %parallel_loop3A_139, %parallel_loop3A_141 : vector<16xi32>
        %parallel_loop3A_143 = arith.constant true
        %parallel_loop3A_144 = vector.broadcast %parallel_loop3A_143 : i1 to vector<16xi1>
        %parallel_loop3A_145, %parallel_loop3A_146 = tpu.scan_count mask(%parallel_loop3A_144 : vector<16xi1>) value(%parallel_loop3A_142 : vector<16xi32>) : vector<16xi1>, vector<16xi32>
        %parallel_loop3A_147 = arith.constant 16 : i32
        %parallel_loop3A_148 = arith.muli %parallel_loop3A_131, %parallel_loop3A_147 : i32
        %parallel_loop3A_149 = arith.index_cast %parallel_loop3A_148 : i32 to index
        %parallel_loop3A_150 = tpu.vector_load %arg6[%parallel_loop3A_149] {strides = array<i32>} : memref<32768xi32, #tpu.memory_space<vmem>>, vector<16xi32>,
        tpu.vector_store %arg6[%parallel_loop3A_149], %broadcast_in_dim3A_1 {strides = array<i32>} : memref<32768xi32, #tpu.memory_space<vmem>>, vector<16xi32>,
        %parallel_loop3A_151 = arith.constant 16 : i32
        %parallel_loop3A_152 = arith.muli %parallel_loop3A_131, %parallel_loop3A_151 : i32
        %parallel_loop3A_153 = vector.broadcast %parallel_loop3A_152 : i32 to vector<16xi32>
        %parallel_loop3A_154 = arith.addi %parallel_loop3A_153, %parallel_loop3A_142 : vector<16xi32>
        tpu.vector_store_idx %arg6[%parallel_loop3A_154], %parallel_loop3A_146 masked %parallel_loop3A_145 : memref<32768xi32, #tpu.memory_space<vmem>>[vector<16xi32>], vector<16xi32>, vector<16xi1>
        %parallel_loop3A_155 = arith.constant 16 : i32
        %parallel_loop3A_156 = arith.muli %parallel_loop3A_131, %parallel_loop3A_155 : i32
        %parallel_loop3A_157 = arith.index_cast %parallel_loop3A_156 : i32 to index
        %parallel_loop3A_158 = tpu.vector_load %arg6[%parallel_loop3A_157] {strides = array<i32>} : memref<32768xi32, #tpu.memory_space<vmem>>, vector<16xi32>,
        %parallel_loop3A_159 = arith.addi %parallel_loop3A_132, %parallel_loop3A_158 : vector<16xi32>
        scf.yield %parallel_loop3A_159 : vector<16xi32>
      } {sc.loop_unroll_factor = 16 : i64, sc.parallel_access}
      %broadcast_in_dim3A_29 = arith.constant true
      %broadcast_in_dim3A_30 = vector.broadcast %broadcast_in_dim3A_29 : i1 to vector<16xi1>
      %masked_cumsum3A_31 = tpu.scan <sum>, %parallel_loop3A_28 masked %broadcast_in_dim3A_30 : vector<16xi32>, vector<16xi1> -> vector<16xi32>
      %sub3A_32 = arith.subi %masked_cumsum3A_31, %parallel_loop3A_28 : vector<16xi32>
      %sub3A_33 = arith.constant 1 : i32
      %sub3A_34 = vector.broadcast %sub3A_33 : i32 to vector<16xi32>
      %sub3A_35 = arith.subi %sub3A_32, %sub3A_34 : vector<16xi32>
      %parallel_loop3A_36 = arith.constant 0 : i32
      %parallel_loop3A_37 = arith.constant 2048 : i32
      %parallel_loop3A_38 = arith.constant 1 : i32
      %parallel_loop3A_39 = scf.for %parallel_loop3A_131 = %parallel_loop3A_36 to %parallel_loop3A_37 step %parallel_loop3A_38 iter_args(%parallel_loop3A_132 = %sub3A_35) -> (vector<16xi32>)  : i32 {
        %parallel_loop3A_133 = arith.constant 16 : i32
        %parallel_loop3A_134 = arith.muli %parallel_loop3A_131, %parallel_loop3A_133 : i32
        %parallel_loop3A_135 = arith.index_cast %parallel_loop3A_134 : i32 to index
        %parallel_loop3A_136 = tpu.vector_load %arg5[%parallel_loop3A_135] {strides = array<i32>} : memref<32768xi32, #tpu.memory_space<vmem>>, vector<16xi32>,
        %parallel_loop3A_137 = arith.constant 4 : i32
        %parallel_loop3A_138 = vector.broadcast %parallel_loop3A_137 : i32 to vector<16xi32>
        %parallel_loop3A_139 = arith.shrui %parallel_loop3A_136, %parallel_loop3A_138 : vector<16xi32>
        %parallel_loop3A_140 = arith.constant 15 : i32
        %parallel_loop3A_141 = vector.broadcast %parallel_loop3A_140 : i32 to vector<16xi32>
        %parallel_loop3A_142 = arith.andi %parallel_loop3A_139, %parallel_loop3A_141 : vector<16xi32>
        %parallel_loop3A_143 = arith.constant 16 : i32
        %parallel_loop3A_144 = arith.muli %parallel_loop3A_131, %parallel_loop3A_143 : i32
        %parallel_loop3A_145 = arith.index_cast %parallel_loop3A_144 : i32 to index
        %parallel_loop3A_146 = tpu.vector_load %arg6[%parallel_loop3A_145] {strides = array<i32>} : memref<32768xi32, #tpu.memory_space<vmem>>, vector<16xi32>,
        %parallel_loop3A_147 = arith.constant true
        %parallel_loop3A_148 = vector.broadcast %parallel_loop3A_147 : i1 to vector<16xi1>
        %parallel_loop3A_149, %parallel_loop3A_150 = tpu.scan_count mask(%parallel_loop3A_148 : vector<16xi1>) value(%parallel_loop3A_142 : vector<16xi32>) : vector<16xi1>, vector<16xi32>
        %parallel_loop3A_151 = vector.shape_cast %parallel_loop3A_142 : vector<16xi32> to vector<16x1xi32>
        %parallel_loop3A_152 = vector.shape_cast %parallel_loop3A_151 : vector<16x1xi32> to vector<16xi32>
        %parallel_loop3A_153 = tpu.dynamic_gather %parallel_loop3A_132[%parallel_loop3A_152] in [0] : vector<16xi32>, vector<16xi32> -> vector<16xi32>
        %parallel_loop3A_154 = arith.addi %parallel_loop3A_153, %parallel_loop3A_150 : vector<16xi32>
        tpu.vector_store_idx %arg4[%parallel_loop3A_154], %parallel_loop3A_136 : memref<32768xi32, #tpu.memory_space<vmem>>[vector<16xi32>], vector<16xi32>,
        %parallel_loop3A_155 = arith.addi %parallel_loop3A_132, %parallel_loop3A_146 : vector<16xi32>
        scf.yield %parallel_loop3A_155 : vector<16xi32>
      } {sc.loop_unroll_factor = 16 : i64, sc.parallel_access}
      %parallel_loop3A_40 = arith.constant 0 : i32
      %parallel_loop3A_41 = arith.constant 2048 : i32
      %parallel_loop3A_42 = arith.constant 1 : i32
      %parallel_loop3A_43 = scf.for %parallel_loop3A_131 = %parallel_loop3A_40 to %parallel_loop3A_41 step %parallel_loop3A_42 iter_args(%parallel_loop3A_132 = %broadcast_in_dim3A_1) -> (vector<16xi32>)  : i32 {
        %parallel_loop3A_133 = arith.constant 16 : i32
        %parallel_loop3A_134 = arith.muli %parallel_loop3A_131, %parallel_loop3A_133 : i32
        %parallel_loop3A_135 = arith.index_cast %parallel_loop3A_134 : i32 to index
        %parallel_loop3A_136 = tpu.vector_load %arg4[%parallel_loop3A_135] {strides = array<i32>} : memref<32768xi32, #tpu.memory_space<vmem>>, vector<16xi32>,
        %parallel_loop3A_137 = arith.constant 8 : i32
        %parallel_loop3A_138 = vector.broadcast %parallel_loop3A_137 : i32 to vector<16xi32>
        %parallel_loop3A_139 = arith.shrui %parallel_loop3A_136, %parallel_loop3A_138 : vector<16xi32>
        %parallel_loop3A_140 = arith.constant 15 : i32
        %parallel_loop3A_141 = vector.broadcast %parallel_loop3A_140 : i32 to vector<16xi32>
        %parallel_loop3A_142 = arith.andi %parallel_loop3A_139, %parallel_loop3A_141 : vector<16xi32>
        %parallel_loop3A_143 = arith.constant true
        %parallel_loop3A_144 = vector.broadcast %parallel_loop3A_143 : i1 to vector<16xi1>
        %parallel_loop3A_145, %parallel_loop3A_146 = tpu.scan_count mask(%parallel_loop3A_144 : vector<16xi1>) value(%parallel_loop3A_142 : vector<16xi32>) : vector<16xi1>, vector<16xi32>
        %parallel_loop3A_147 = arith.constant 16 : i32
        %parallel_loop3A_148 = arith.muli %parallel_loop3A_131, %parallel_loop3A_147 : i32
        %parallel_loop3A_149 = arith.index_cast %parallel_loop3A_148 : i32 to index
        %parallel_loop3A_150 = tpu.vector_load %arg6[%parallel_loop3A_149] {strides = array<i32>} : memref<32768xi32, #tpu.memory_space<vmem>>, vector<16xi32>,
        tpu.vector_store %arg6[%parallel_loop3A_149], %broadcast_in_dim3A_1 {strides = array<i32>} : memref<32768xi32, #tpu.memory_space<vmem>>, vector<16xi32>,
        %parallel_loop3A_151 = arith.constant 16 : i32
        %parallel_loop3A_152 = arith.muli %parallel_loop3A_131, %parallel_loop3A_151 : i32
        %parallel_loop3A_153 = vector.broadcast %parallel_loop3A_152 : i32 to vector<16xi32>
        %parallel_loop3A_154 = arith.addi %parallel_loop3A_153, %parallel_loop3A_142 : vector<16xi32>
        tpu.vector_store_idx %arg6[%parallel_loop3A_154], %parallel_loop3A_146 masked %parallel_loop3A_145 : memref<32768xi32, #tpu.memory_space<vmem>>[vector<16xi32>], vector<16xi32>, vector<16xi1>
        %parallel_loop3A_155 = arith.constant 16 : i32
        %parallel_loop3A_156 = arith.muli %parallel_loop3A_131, %parallel_loop3A_155 : i32
        %parallel_loop3A_157 = arith.index_cast %parallel_loop3A_156 : i32 to index
        %parallel_loop3A_158 = tpu.vector_load %arg6[%parallel_loop3A_157] {strides = array<i32>} : memref<32768xi32, #tpu.memory_space<vmem>>, vector<16xi32>,
        %parallel_loop3A_159 = arith.addi %parallel_loop3A_132, %parallel_loop3A_158 : vector<16xi32>
        scf.yield %parallel_loop3A_159 : vector<16xi32>
      } {sc.loop_unroll_factor = 16 : i64, sc.parallel_access}
      %broadcast_in_dim3A_44 = arith.constant true
      %broadcast_in_dim3A_45 = vector.broadcast %broadcast_in_dim3A_44 : i1 to vector<16xi1>
      %masked_cumsum3A_46 = tpu.scan <sum>, %parallel_loop3A_43 masked %broadcast_in_dim3A_45 : vector<16xi32>, vector<16xi1> -> vector<16xi32>
      %sub3A_47 = arith.subi %masked_cumsum3A_46, %parallel_loop3A_43 : vector<16xi32>
      %sub3A_48 = arith.constant 1 : i32
      %sub3A_49 = vector.broadcast %sub3A_48 : i32 to vector<16xi32>
      %sub3A_50 = arith.subi %sub3A_47, %sub3A_49 : vector<16xi32>
      %parallel_loop3A_51 = arith.constant 0 : i32
      %parallel_loop3A_52 = arith.constant 2048 : i32
      %parallel_loop3A_53 = arith.constant 1 : i32
      %parallel_loop3A_54 = scf.for %parallel_loop3A_131 = %parallel_loop3A_51 to %parallel_loop3A_52 step %parallel_loop3A_53 iter_args(%parallel_loop3A_132 = %sub3A_50) -> (vector<16xi32>)  : i32 {
        %parallel_loop3A_133 = arith.constant 16 : i32
        %parallel_loop3A_134 = arith.muli %parallel_loop3A_131, %parallel_loop3A_133 : i32
        %parallel_loop3A_135 = arith.index_cast %parallel_loop3A_134 : i32 to index
        %parallel_loop3A_136 = tpu.vector_load %arg4[%parallel_loop3A_135] {strides = array<i32>} : memref<32768xi32, #tpu.memory_space<vmem>>, vector<16xi32>,
        %parallel_loop3A_137 = arith.constant 8 : i32
        %parallel_loop3A_138 = vector.broadcast %parallel_loop3A_137 : i32 to vector<16xi32>
        %parallel_loop3A_139 = arith.shrui %parallel_loop3A_136, %parallel_loop3A_138 : vector<16xi32>
        %parallel_loop3A_140 = arith.constant 15 : i32
        %parallel_loop3A_141 = vector.broadcast %parallel_loop3A_140 : i32 to vector<16xi32>
        %parallel_loop3A_142 = arith.andi %parallel_loop3A_139, %parallel_loop3A_141 : vector<16xi32>
        %parallel_loop3A_143 = arith.constant 16 : i32
        %parallel_loop3A_144 = arith.muli %parallel_loop3A_131, %parallel_loop3A_143 : i32
        %parallel_loop3A_145 = arith.index_cast %parallel_loop3A_144 : i32 to index
        %parallel_loop3A_146 = tpu.vector_load %arg6[%parallel_loop3A_145] {strides = array<i32>} : memref<32768xi32, #tpu.memory_space<vmem>>, vector<16xi32>,
        %parallel_loop3A_147 = arith.constant true
        %parallel_loop3A_148 = vector.broadcast %parallel_loop3A_147 : i1 to vector<16xi1>
        %parallel_loop3A_149, %parallel_loop3A_150 = tpu.scan_count mask(%parallel_loop3A_148 : vector<16xi1>) value(%parallel_loop3A_142 : vector<16xi32>) : vector<16xi1>, vector<16xi32>
        %parallel_loop3A_151 = vector.shape_cast %parallel_loop3A_142 : vector<16xi32> to vector<16x1xi32>
        %parallel_loop3A_152 = vector.shape_cast %parallel_loop3A_151 : vector<16x1xi32> to vector<16xi32>
        %parallel_loop3A_153 = tpu.dynamic_gather %parallel_loop3A_132[%parallel_loop3A_152] in [0] : vector<16xi32>, vector<16xi32> -> vector<16xi32>
        %parallel_loop3A_154 = arith.addi %parallel_loop3A_153, %parallel_loop3A_150 : vector<16xi32>
        tpu.vector_store_idx %arg5[%parallel_loop3A_154], %parallel_loop3A_136 : memref<32768xi32, #tpu.memory_space<vmem>>[vector<16xi32>], vector<16xi32>,
        %parallel_loop3A_155 = arith.addi %parallel_loop3A_132, %parallel_loop3A_146 : vector<16xi32>
        scf.yield %parallel_loop3A_155 : vector<16xi32>
      } {sc.loop_unroll_factor = 16 : i64, sc.parallel_access}
      %parallel_loop3A_55 = arith.constant 0 : i32
      %parallel_loop3A_56 = arith.constant 2048 : i32
      %parallel_loop3A_57 = arith.constant 1 : i32
      %parallel_loop3A_58 = scf.for %parallel_loop3A_131 = %parallel_loop3A_55 to %parallel_loop3A_56 step %parallel_loop3A_57 iter_args(%parallel_loop3A_132 = %broadcast_in_dim3A_1) -> (vector<16xi32>)  : i32 {
        %parallel_loop3A_133 = arith.constant 16 : i32
        %parallel_loop3A_134 = arith.muli %parallel_loop3A_131, %parallel_loop3A_133 : i32
        %parallel_loop3A_135 = arith.index_cast %parallel_loop3A_134 : i32 to index
        %parallel_loop3A_136 = tpu.vector_load %arg5[%parallel_loop3A_135] {strides = array<i32>} : memref<32768xi32, #tpu.memory_space<vmem>>, vector<16xi32>,
        %parallel_loop3A_137 = arith.constant 12 : i32
        %parallel_loop3A_138 = vector.broadcast %parallel_loop3A_137 : i32 to vector<16xi32>
        %parallel_loop3A_139 = arith.shrui %parallel_loop3A_136, %parallel_loop3A_138 : vector<16xi32>
        %parallel_loop3A_140 = arith.constant 15 : i32
        %parallel_loop3A_141 = vector.broadcast %parallel_loop3A_140 : i32 to vector<16xi32>
        %parallel_loop3A_142 = arith.andi %parallel_loop3A_139, %parallel_loop3A_141 : vector<16xi32>
        %parallel_loop3A_143 = arith.constant true
        %parallel_loop3A_144 = vector.broadcast %parallel_loop3A_143 : i1 to vector<16xi1>
        %parallel_loop3A_145, %parallel_loop3A_146 = tpu.scan_count mask(%parallel_loop3A_144 : vector<16xi1>) value(%parallel_loop3A_142 : vector<16xi32>) : vector<16xi1>, vector<16xi32>
        %parallel_loop3A_147 = arith.constant 16 : i32
        %parallel_loop3A_148 = arith.muli %parallel_loop3A_131, %parallel_loop3A_147 : i32
        %parallel_loop3A_149 = arith.index_cast %parallel_loop3A_148 : i32 to index
        %parallel_loop3A_150 = tpu.vector_load %arg6[%parallel_loop3A_149] {strides = array<i32>} : memref<32768xi32, #tpu.memory_space<vmem>>, vector<16xi32>,
        tpu.vector_store %arg6[%parallel_loop3A_149], %broadcast_in_dim3A_1 {strides = array<i32>} : memref<32768xi32, #tpu.memory_space<vmem>>, vector<16xi32>,
        %parallel_loop3A_151 = arith.constant 16 : i32
        %parallel_loop3A_152 = arith.muli %parallel_loop3A_131, %parallel_loop3A_151 : i32
        %parallel_loop3A_153 = vector.broadcast %parallel_loop3A_152 : i32 to vector<16xi32>
        %parallel_loop3A_154 = arith.addi %parallel_loop3A_153, %parallel_loop3A_142 : vector<16xi32>
        tpu.vector_store_idx %arg6[%parallel_loop3A_154], %parallel_loop3A_146 masked %parallel_loop3A_145 : memref<32768xi32, #tpu.memory_space<vmem>>[vector<16xi32>], vector<16xi32>, vector<16xi1>
        %parallel_loop3A_155 = arith.constant 16 : i32
        %parallel_loop3A_156 = arith.muli %parallel_loop3A_131, %parallel_loop3A_155 : i32
        %parallel_loop3A_157 = arith.index_cast %parallel_loop3A_156 : i32 to index
        %parallel_loop3A_158 = tpu.vector_load %arg6[%parallel_loop3A_157] {strides = array<i32>} : memref<32768xi32, #tpu.memory_space<vmem>>, vector<16xi32>,
        %parallel_loop3A_159 = arith.addi %parallel_loop3A_132, %parallel_loop3A_158 : vector<16xi32>
        scf.yield %parallel_loop3A_159 : vector<16xi32>
      } {sc.loop_unroll_factor = 16 : i64, sc.parallel_access}
      %broadcast_in_dim3A_59 = arith.constant true
      %broadcast_in_dim3A_60 = vector.broadcast %broadcast_in_dim3A_59 : i1 to vector<16xi1>
      %masked_cumsum3A_61 = tpu.scan <sum>, %parallel_loop3A_58 masked %broadcast_in_dim3A_60 : vector<16xi32>, vector<16xi1> -> vector<16xi32>
      %sub3A_62 = arith.subi %masked_cumsum3A_61, %parallel_loop3A_58 : vector<16xi32>
      %sub3A_63 = arith.constant 1 : i32
      %sub3A_64 = vector.broadcast %sub3A_63 : i32 to vector<16xi32>
      %sub3A_65 = arith.subi %sub3A_62, %sub3A_64 : vector<16xi32>
      %parallel_loop3A_66 = arith.constant 0 : i32
      %parallel_loop3A_67 = arith.constant 2048 : i32
      %parallel_loop3A_68 = arith.constant 1 : i32
      %parallel_loop3A_69 = scf.for %parallel_loop3A_131 = %parallel_loop3A_66 to %parallel_loop3A_67 step %parallel_loop3A_68 iter_args(%parallel_loop3A_132 = %sub3A_65) -> (vector<16xi32>)  : i32 {
        %parallel_loop3A_133 = arith.constant 16 : i32
        %parallel_loop3A_134 = arith.muli %parallel_loop3A_131, %parallel_loop3A_133 : i32
        %parallel_loop3A_135 = arith.index_cast %parallel_loop3A_134 : i32 to index
        %parallel_loop3A_136 = tpu.vector_load %arg5[%parallel_loop3A_135] {strides = array<i32>} : memref<32768xi32, #tpu.memory_space<vmem>>, vector<16xi32>,
        %parallel_loop3A_137 = arith.constant 12 : i32
        %parallel_loop3A_138 = vector.broadcast %parallel_loop3A_137 : i32 to vector<16xi32>
        %parallel_loop3A_139 = arith.shrui %parallel_loop3A_136, %parallel_loop3A_138 : vector<16xi32>
        %parallel_loop3A_140 = arith.constant 15 : i32
        %parallel_loop3A_141 = vector.broadcast %parallel_loop3A_140 : i32 to vector<16xi32>
        %parallel_loop3A_142 = arith.andi %parallel_loop3A_139, %parallel_loop3A_141 : vector<16xi32>
        %parallel_loop3A_143 = arith.constant 16 : i32
        %parallel_loop3A_144 = arith.muli %parallel_loop3A_131, %parallel_loop3A_143 : i32
        %parallel_loop3A_145 = arith.index_cast %parallel_loop3A_144 : i32 to index
        %parallel_loop3A_146 = tpu.vector_load %arg6[%parallel_loop3A_145] {strides = array<i32>} : memref<32768xi32, #tpu.memory_space<vmem>>, vector<16xi32>,
        %parallel_loop3A_147 = arith.constant true
        %parallel_loop3A_148 = vector.broadcast %parallel_loop3A_147 : i1 to vector<16xi1>
        %parallel_loop3A_149, %parallel_loop3A_150 = tpu.scan_count mask(%parallel_loop3A_148 : vector<16xi1>) value(%parallel_loop3A_142 : vector<16xi32>) : vector<16xi1>, vector<16xi32>
        %parallel_loop3A_151 = vector.shape_cast %parallel_loop3A_142 : vector<16xi32> to vector<16x1xi32>
        %parallel_loop3A_152 = vector.shape_cast %parallel_loop3A_151 : vector<16x1xi32> to vector<16xi32>
        %parallel_loop3A_153 = tpu.dynamic_gather %parallel_loop3A_132[%parallel_loop3A_152] in [0] : vector<16xi32>, vector<16xi32> -> vector<16xi32>
        %parallel_loop3A_154 = arith.addi %parallel_loop3A_153, %parallel_loop3A_150 : vector<16xi32>
        tpu.vector_store_idx %arg4[%parallel_loop3A_154], %parallel_loop3A_136 : memref<32768xi32, #tpu.memory_space<vmem>>[vector<16xi32>], vector<16xi32>,
        %parallel_loop3A_155 = arith.addi %parallel_loop3A_132, %parallel_loop3A_146 : vector<16xi32>
        scf.yield %parallel_loop3A_155 : vector<16xi32>
      } {sc.loop_unroll_factor = 16 : i64, sc.parallel_access}
      %parallel_loop3A_70 = arith.constant 0 : i32
      %parallel_loop3A_71 = arith.constant 2048 : i32
      %parallel_loop3A_72 = arith.constant 1 : i32
      %parallel_loop3A_73 = scf.for %parallel_loop3A_131 = %parallel_loop3A_70 to %parallel_loop3A_71 step %parallel_loop3A_72 iter_args(%parallel_loop3A_132 = %broadcast_in_dim3A_1) -> (vector<16xi32>)  : i32 {
        %parallel_loop3A_133 = arith.constant 16 : i32
        %parallel_loop3A_134 = arith.muli %parallel_loop3A_131, %parallel_loop3A_133 : i32
        %parallel_loop3A_135 = arith.index_cast %parallel_loop3A_134 : i32 to index
        %parallel_loop3A_136 = tpu.vector_load %arg4[%parallel_loop3A_135] {strides = array<i32>} : memref<32768xi32, #tpu.memory_space<vmem>>, vector<16xi32>,
        %parallel_loop3A_137 = arith.constant 16 : i32
        %parallel_loop3A_138 = vector.broadcast %parallel_loop3A_137 : i32 to vector<16xi32>
        %parallel_loop3A_139 = arith.shrui %parallel_loop3A_136, %parallel_loop3A_138 : vector<16xi32>
        %parallel_loop3A_140 = arith.constant 15 : i32
        %parallel_loop3A_141 = vector.broadcast %parallel_loop3A_140 : i32 to vector<16xi32>
        %parallel_loop3A_142 = arith.andi %parallel_loop3A_139, %parallel_loop3A_141 : vector<16xi32>
        %parallel_loop3A_143 = arith.constant true
        %parallel_loop3A_144 = vector.broadcast %parallel_loop3A_143 : i1 to vector<16xi1>
        %parallel_loop3A_145, %parallel_loop3A_146 = tpu.scan_count mask(%parallel_loop3A_144 : vector<16xi1>) value(%parallel_loop3A_142 : vector<16xi32>) : vector<16xi1>, vector<16xi32>
        %parallel_loop3A_147 = arith.constant 16 : i32
        %parallel_loop3A_148 = arith.muli %parallel_loop3A_131, %parallel_loop3A_147 : i32
        %parallel_loop3A_149 = arith.index_cast %parallel_loop3A_148 : i32 to index
        %parallel_loop3A_150 = tpu.vector_load %arg6[%parallel_loop3A_149] {strides = array<i32>} : memref<32768xi32, #tpu.memory_space<vmem>>, vector<16xi32>,
        tpu.vector_store %arg6[%parallel_loop3A_149], %broadcast_in_dim3A_1 {strides = array<i32>} : memref<32768xi32, #tpu.memory_space<vmem>>, vector<16xi32>,
        %parallel_loop3A_151 = arith.constant 16 : i32
        %parallel_loop3A_152 = arith.muli %parallel_loop3A_131, %parallel_loop3A_151 : i32
        %parallel_loop3A_153 = vector.broadcast %parallel_loop3A_152 : i32 to vector<16xi32>
        %parallel_loop3A_154 = arith.addi %parallel_loop3A_153, %parallel_loop3A_142 : vector<16xi32>
        tpu.vector_store_idx %arg6[%parallel_loop3A_154], %parallel_loop3A_146 masked %parallel_loop3A_145 : memref<32768xi32, #tpu.memory_space<vmem>>[vector<16xi32>], vector<16xi32>, vector<16xi1>
        %parallel_loop3A_155 = arith.constant 16 : i32
        %parallel_loop3A_156 = arith.muli %parallel_loop3A_131, %parallel_loop3A_155 : i32
        %parallel_loop3A_157 = arith.index_cast %parallel_loop3A_156 : i32 to index
        %parallel_loop3A_158 = tpu.vector_load %arg6[%parallel_loop3A_157] {strides = array<i32>} : memref<32768xi32, #tpu.memory_space<vmem>>, vector<16xi32>,
        %parallel_loop3A_159 = arith.addi %parallel_loop3A_132, %parallel_loop3A_158 : vector<16xi32>
        scf.yield %parallel_loop3A_159 : vector<16xi32>
      } {sc.loop_unroll_factor = 16 : i64, sc.parallel_access}
      %broadcast_in_dim3A_74 = arith.constant true
      %broadcast_in_dim3A_75 = vector.broadcast %broadcast_in_dim3A_74 : i1 to vector<16xi1>
      %masked_cumsum3A_76 = tpu.scan <sum>, %parallel_loop3A_73 masked %broadcast_in_dim3A_75 : vector<16xi32>, vector<16xi1> -> vector<16xi32>
      %sub3A_77 = arith.subi %masked_cumsum3A_76, %parallel_loop3A_73 : vector<16xi32>
      %sub3A_78 = arith.constant 1 : i32
      %sub3A_79 = vector.broadcast %sub3A_78 : i32 to vector<16xi32>
      %sub3A_80 = arith.subi %sub3A_77, %sub3A_79 : vector<16xi32>
      %parallel_loop3A_81 = arith.constant 0 : i32
      %parallel_loop3A_82 = arith.constant 2048 : i32
      %parallel_loop3A_83 = arith.constant 1 : i32
      %parallel_loop3A_84 = scf.for %parallel_loop3A_131 = %parallel_loop3A_81 to %parallel_loop3A_82 step %parallel_loop3A_83 iter_args(%parallel_loop3A_132 = %sub3A_80) -> (vector<16xi32>)  : i32 {
        %parallel_loop3A_133 = arith.constant 16 : i32
        %parallel_loop3A_134 = arith.muli %parallel_loop3A_131, %parallel_loop3A_133 : i32
        %parallel_loop3A_135 = arith.index_cast %parallel_loop3A_134 : i32 to index
        %parallel_loop3A_136 = tpu.vector_load %arg4[%parallel_loop3A_135] {strides = array<i32>} : memref<32768xi32, #tpu.memory_space<vmem>>, vector<16xi32>,
        %parallel_loop3A_137 = arith.constant 16 : i32
        %parallel_loop3A_138 = vector.broadcast %parallel_loop3A_137 : i32 to vector<16xi32>
        %parallel_loop3A_139 = arith.shrui %parallel_loop3A_136, %parallel_loop3A_138 : vector<16xi32>
        %parallel_loop3A_140 = arith.constant 15 : i32
        %parallel_loop3A_141 = vector.broadcast %parallel_loop3A_140 : i32 to vector<16xi32>
        %parallel_loop3A_142 = arith.andi %parallel_loop3A_139, %parallel_loop3A_141 : vector<16xi32>
        %parallel_loop3A_143 = arith.constant 16 : i32
        %parallel_loop3A_144 = arith.muli %parallel_loop3A_131, %parallel_loop3A_143 : i32
        %parallel_loop3A_145 = arith.index_cast %parallel_loop3A_144 : i32 to index
        %parallel_loop3A_146 = tpu.vector_load %arg6[%parallel_loop3A_145] {strides = array<i32>} : memref<32768xi32, #tpu.memory_space<vmem>>, vector<16xi32>,
        %parallel_loop3A_147 = arith.constant true
        %parallel_loop3A_148 = vector.broadcast %parallel_loop3A_147 : i1 to vector<16xi1>
        %parallel_loop3A_149, %parallel_loop3A_150 = tpu.scan_count mask(%parallel_loop3A_148 : vector<16xi1>) value(%parallel_loop3A_142 : vector<16xi32>) : vector<16xi1>, vector<16xi32>
        %parallel_loop3A_151 = vector.shape_cast %parallel_loop3A_142 : vector<16xi32> to vector<16x1xi32>
        %parallel_loop3A_152 = vector.shape_cast %parallel_loop3A_151 : vector<16x1xi32> to vector<16xi32>
        %parallel_loop3A_153 = tpu.dynamic_gather %parallel_loop3A_132[%parallel_loop3A_152] in [0] : vector<16xi32>, vector<16xi32> -> vector<16xi32>
        %parallel_loop3A_154 = arith.addi %parallel_loop3A_153, %parallel_loop3A_150 : vector<16xi32>
        tpu.vector_store_idx %arg5[%parallel_loop3A_154], %parallel_loop3A_136 : memref<32768xi32, #tpu.memory_space<vmem>>[vector<16xi32>], vector<16xi32>,
        %parallel_loop3A_155 = arith.addi %parallel_loop3A_132, %parallel_loop3A_146 : vector<16xi32>
        scf.yield %parallel_loop3A_155 : vector<16xi32>
      } {sc.loop_unroll_factor = 16 : i64, sc.parallel_access}
      %parallel_loop3A_85 = arith.constant 0 : i32
      %parallel_loop3A_86 = arith.constant 2048 : i32
      %parallel_loop3A_87 = arith.constant 1 : i32
      %parallel_loop3A_88 = scf.for %parallel_loop3A_131 = %parallel_loop3A_85 to %parallel_loop3A_86 step %parallel_loop3A_87 iter_args(%parallel_loop3A_132 = %broadcast_in_dim3A_1) -> (vector<16xi32>)  : i32 {
        %parallel_loop3A_133 = arith.constant 16 : i32
        %parallel_loop3A_134 = arith.muli %parallel_loop3A_131, %parallel_loop3A_133 : i32
        %parallel_loop3A_135 = arith.index_cast %parallel_loop3A_134 : i32 to index
        %parallel_loop3A_136 = tpu.vector_load %arg5[%parallel_loop3A_135] {strides = array<i32>} : memref<32768xi32, #tpu.memory_space<vmem>>, vector<16xi32>,
        %parallel_loop3A_137 = arith.constant 20 : i32
        %parallel_loop3A_138 = vector.broadcast %parallel_loop3A_137 : i32 to vector<16xi32>
        %parallel_loop3A_139 = arith.shrui %parallel_loop3A_136, %parallel_loop3A_138 : vector<16xi32>
        %parallel_loop3A_140 = arith.constant 15 : i32
        %parallel_loop3A_141 = vector.broadcast %parallel_loop3A_140 : i32 to vector<16xi32>
        %parallel_loop3A_142 = arith.andi %parallel_loop3A_139, %parallel_loop3A_141 : vector<16xi32>
        %parallel_loop3A_143 = arith.constant true
        %parallel_loop3A_144 = vector.broadcast %parallel_loop3A_143 : i1 to vector<16xi1>
        %parallel_loop3A_145, %parallel_loop3A_146 = tpu.scan_count mask(%parallel_loop3A_144 : vector<16xi1>) value(%parallel_loop3A_142 : vector<16xi32>) : vector<16xi1>, vector<16xi32>
        %parallel_loop3A_147 = arith.constant 16 : i32
        %parallel_loop3A_148 = arith.muli %parallel_loop3A_131, %parallel_loop3A_147 : i32
        %parallel_loop3A_149 = arith.index_cast %parallel_loop3A_148 : i32 to index
        %parallel_loop3A_150 = tpu.vector_load %arg6[%parallel_loop3A_149] {strides = array<i32>} : memref<32768xi32, #tpu.memory_space<vmem>>, vector<16xi32>,
        tpu.vector_store %arg6[%parallel_loop3A_149], %broadcast_in_dim3A_1 {strides = array<i32>} : memref<32768xi32, #tpu.memory_space<vmem>>, vector<16xi32>,
        %parallel_loop3A_151 = arith.constant 16 : i32
        %parallel_loop3A_152 = arith.muli %parallel_loop3A_131, %parallel_loop3A_151 : i32
        %parallel_loop3A_153 = vector.broadcast %parallel_loop3A_152 : i32 to vector<16xi32>
        %parallel_loop3A_154 = arith.addi %parallel_loop3A_153, %parallel_loop3A_142 : vector<16xi32>
        tpu.vector_store_idx %arg6[%parallel_loop3A_154], %parallel_loop3A_146 masked %parallel_loop3A_145 : memref<32768xi32, #tpu.memory_space<vmem>>[vector<16xi32>], vector<16xi32>, vector<16xi1>
        %parallel_loop3A_155 = arith.constant 16 : i32
        %parallel_loop3A_156 = arith.muli %parallel_loop3A_131, %parallel_loop3A_155 : i32
        %parallel_loop3A_157 = arith.index_cast %parallel_loop3A_156 : i32 to index
        %parallel_loop3A_158 = tpu.vector_load %arg6[%parallel_loop3A_157] {strides = array<i32>} : memref<32768xi32, #tpu.memory_space<vmem>>, vector<16xi32>,
        %parallel_loop3A_159 = arith.addi %parallel_loop3A_132, %parallel_loop3A_158 : vector<16xi32>
        scf.yield %parallel_loop3A_159 : vector<16xi32>
      } {sc.loop_unroll_factor = 16 : i64, sc.parallel_access}
      %broadcast_in_dim3A_89 = arith.constant true
      %broadcast_in_dim3A_90 = vector.broadcast %broadcast_in_dim3A_89 : i1 to vector<16xi1>
      %masked_cumsum3A_91 = tpu.scan <sum>, %parallel_loop3A_88 masked %broadcast_in_dim3A_90 : vector<16xi32>, vector<16xi1> -> vector<16xi32>
      %sub3A_92 = arith.subi %masked_cumsum3A_91, %parallel_loop3A_88 : vector<16xi32>
      %sub3A_93 = arith.constant 1 : i32
      %sub3A_94 = vector.broadcast %sub3A_93 : i32 to vector<16xi32>
      %sub3A_95 = arith.subi %sub3A_92, %sub3A_94 : vector<16xi32>
      %parallel_loop3A_96 = arith.constant 0 : i32
      %parallel_loop3A_97 = arith.constant 2048 : i32
      %parallel_loop3A_98 = arith.constant 1 : i32
      %parallel_loop3A_99 = scf.for %parallel_loop3A_131 = %parallel_loop3A_96 to %parallel_loop3A_97 step %parallel_loop3A_98 iter_args(%parallel_loop3A_132 = %sub3A_95) -> (vector<16xi32>)  : i32 {
        %parallel_loop3A_133 = arith.constant 16 : i32
        %parallel_loop3A_134 = arith.muli %parallel_loop3A_131, %parallel_loop3A_133 : i32
        %parallel_loop3A_135 = arith.index_cast %parallel_loop3A_134 : i32 to index
        %parallel_loop3A_136 = tpu.vector_load %arg5[%parallel_loop3A_135] {strides = array<i32>} : memref<32768xi32, #tpu.memory_space<vmem>>, vector<16xi32>,
        %parallel_loop3A_137 = arith.constant 20 : i32
        %parallel_loop3A_138 = vector.broadcast %parallel_loop3A_137 : i32 to vector<16xi32>
        %parallel_loop3A_139 = arith.shrui %parallel_loop3A_136, %parallel_loop3A_138 : vector<16xi32>
        %parallel_loop3A_140 = arith.constant 15 : i32
        %parallel_loop3A_141 = vector.broadcast %parallel_loop3A_140 : i32 to vector<16xi32>
        %parallel_loop3A_142 = arith.andi %parallel_loop3A_139, %parallel_loop3A_141 : vector<16xi32>
        %parallel_loop3A_143 = arith.constant 16 : i32
        %parallel_loop3A_144 = arith.muli %parallel_loop3A_131, %parallel_loop3A_143 : i32
        %parallel_loop3A_145 = arith.index_cast %parallel_loop3A_144 : i32 to index
        %parallel_loop3A_146 = tpu.vector_load %arg6[%parallel_loop3A_145] {strides = array<i32>} : memref<32768xi32, #tpu.memory_space<vmem>>, vector<16xi32>,
        %parallel_loop3A_147 = arith.constant true
        %parallel_loop3A_148 = vector.broadcast %parallel_loop3A_147 : i1 to vector<16xi1>
        %parallel_loop3A_149, %parallel_loop3A_150 = tpu.scan_count mask(%parallel_loop3A_148 : vector<16xi1>) value(%parallel_loop3A_142 : vector<16xi32>) : vector<16xi1>, vector<16xi32>
        %parallel_loop3A_151 = vector.shape_cast %parallel_loop3A_142 : vector<16xi32> to vector<16x1xi32>
        %parallel_loop3A_152 = vector.shape_cast %parallel_loop3A_151 : vector<16x1xi32> to vector<16xi32>
        %parallel_loop3A_153 = tpu.dynamic_gather %parallel_loop3A_132[%parallel_loop3A_152] in [0] : vector<16xi32>, vector<16xi32> -> vector<16xi32>
        %parallel_loop3A_154 = arith.addi %parallel_loop3A_153, %parallel_loop3A_150 : vector<16xi32>
        tpu.vector_store_idx %arg4[%parallel_loop3A_154], %parallel_loop3A_136 : memref<32768xi32, #tpu.memory_space<vmem>>[vector<16xi32>], vector<16xi32>,
        %parallel_loop3A_155 = arith.addi %parallel_loop3A_132, %parallel_loop3A_146 : vector<16xi32>
        scf.yield %parallel_loop3A_155 : vector<16xi32>
      } {sc.loop_unroll_factor = 16 : i64, sc.parallel_access}
      %parallel_loop3A_100 = arith.constant 0 : i32
      %parallel_loop3A_101 = arith.constant 2048 : i32
      %parallel_loop3A_102 = arith.constant 1 : i32
      %parallel_loop3A_103 = scf.for %parallel_loop3A_131 = %parallel_loop3A_100 to %parallel_loop3A_101 step %parallel_loop3A_102 iter_args(%parallel_loop3A_132 = %broadcast_in_dim3A_1) -> (vector<16xi32>)  : i32 {
        %parallel_loop3A_133 = arith.constant 16 : i32
        %parallel_loop3A_134 = arith.muli %parallel_loop3A_131, %parallel_loop3A_133 : i32
        %parallel_loop3A_135 = arith.index_cast %parallel_loop3A_134 : i32 to index
        %parallel_loop3A_136 = tpu.vector_load %arg4[%parallel_loop3A_135] {strides = array<i32>} : memref<32768xi32, #tpu.memory_space<vmem>>, vector<16xi32>,
        %parallel_loop3A_137 = arith.constant 24 : i32
        %parallel_loop3A_138 = vector.broadcast %parallel_loop3A_137 : i32 to vector<16xi32>
        %parallel_loop3A_139 = arith.shrui %parallel_loop3A_136, %parallel_loop3A_138 : vector<16xi32>
        %parallel_loop3A_140 = arith.constant 15 : i32
        %parallel_loop3A_141 = vector.broadcast %parallel_loop3A_140 : i32 to vector<16xi32>
        %parallel_loop3A_142 = arith.andi %parallel_loop3A_139, %parallel_loop3A_141 : vector<16xi32>
        %parallel_loop3A_143 = arith.constant true
        %parallel_loop3A_144 = vector.broadcast %parallel_loop3A_143 : i1 to vector<16xi1>
        %parallel_loop3A_145, %parallel_loop3A_146 = tpu.scan_count mask(%parallel_loop3A_144 : vector<16xi1>) value(%parallel_loop3A_142 : vector<16xi32>) : vector<16xi1>, vector<16xi32>
        %parallel_loop3A_147 = arith.constant 16 : i32
        %parallel_loop3A_148 = arith.muli %parallel_loop3A_131, %parallel_loop3A_147 : i32
        %parallel_loop3A_149 = arith.index_cast %parallel_loop3A_148 : i32 to index
        %parallel_loop3A_150 = tpu.vector_load %arg6[%parallel_loop3A_149] {strides = array<i32>} : memref<32768xi32, #tpu.memory_space<vmem>>, vector<16xi32>,
        tpu.vector_store %arg6[%parallel_loop3A_149], %broadcast_in_dim3A_1 {strides = array<i32>} : memref<32768xi32, #tpu.memory_space<vmem>>, vector<16xi32>,
        %parallel_loop3A_151 = arith.constant 16 : i32
        %parallel_loop3A_152 = arith.muli %parallel_loop3A_131, %parallel_loop3A_151 : i32
        %parallel_loop3A_153 = vector.broadcast %parallel_loop3A_152 : i32 to vector<16xi32>
        %parallel_loop3A_154 = arith.addi %parallel_loop3A_153, %parallel_loop3A_142 : vector<16xi32>
        tpu.vector_store_idx %arg6[%parallel_loop3A_154], %parallel_loop3A_146 masked %parallel_loop3A_145 : memref<32768xi32, #tpu.memory_space<vmem>>[vector<16xi32>], vector<16xi32>, vector<16xi1>
        %parallel_loop3A_155 = arith.constant 16 : i32
        %parallel_loop3A_156 = arith.muli %parallel_loop3A_131, %parallel_loop3A_155 : i32
        %parallel_loop3A_157 = arith.index_cast %parallel_loop3A_156 : i32 to index
        %parallel_loop3A_158 = tpu.vector_load %arg6[%parallel_loop3A_157] {strides = array<i32>} : memref<32768xi32, #tpu.memory_space<vmem>>, vector<16xi32>,
        %parallel_loop3A_159 = arith.addi %parallel_loop3A_132, %parallel_loop3A_158 : vector<16xi32>
        scf.yield %parallel_loop3A_159 : vector<16xi32>
      } {sc.loop_unroll_factor = 16 : i64, sc.parallel_access}
      %broadcast_in_dim3A_104 = arith.constant true
      %broadcast_in_dim3A_105 = vector.broadcast %broadcast_in_dim3A_104 : i1 to vector<16xi1>
      %masked_cumsum3A_106 = tpu.scan <sum>, %parallel_loop3A_103 masked %broadcast_in_dim3A_105 : vector<16xi32>, vector<16xi1> -> vector<16xi32>
      %sub3A_107 = arith.subi %masked_cumsum3A_106, %parallel_loop3A_103 : vector<16xi32>
      %sub3A_108 = arith.constant 1 : i32
      %sub3A_109 = vector.broadcast %sub3A_108 : i32 to vector<16xi32>
      %sub3A_110 = arith.subi %sub3A_107, %sub3A_109 : vector<16xi32>
      %parallel_loop3A_111 = arith.constant 0 : i32
      %parallel_loop3A_112 = arith.constant 2048 : i32
      %parallel_loop3A_113 = arith.constant 1 : i32
      %parallel_loop3A_114 = scf.for %parallel_loop3A_131 = %parallel_loop3A_111 to %parallel_loop3A_112 step %parallel_loop3A_113 iter_args(%parallel_loop3A_132 = %sub3A_110) -> (vector<16xi32>)  : i32 {
        %parallel_loop3A_133 = arith.constant 16 : i32
        %parallel_loop3A_134 = arith.muli %parallel_loop3A_131, %parallel_loop3A_133 : i32
        %parallel_loop3A_135 = arith.index_cast %parallel_loop3A_134 : i32 to index
        %parallel_loop3A_136 = tpu.vector_load %arg4[%parallel_loop3A_135] {strides = array<i32>} : memref<32768xi32, #tpu.memory_space<vmem>>, vector<16xi32>,
        %parallel_loop3A_137 = arith.constant 24 : i32
        %parallel_loop3A_138 = vector.broadcast %parallel_loop3A_137 : i32 to vector<16xi32>
        %parallel_loop3A_139 = arith.shrui %parallel_loop3A_136, %parallel_loop3A_138 : vector<16xi32>
        %parallel_loop3A_140 = arith.constant 15 : i32
        %parallel_loop3A_141 = vector.broadcast %parallel_loop3A_140 : i32 to vector<16xi32>
        %parallel_loop3A_142 = arith.andi %parallel_loop3A_139, %parallel_loop3A_141 : vector<16xi32>
        %parallel_loop3A_143 = arith.constant 16 : i32
        %parallel_loop3A_144 = arith.muli %parallel_loop3A_131, %parallel_loop3A_143 : i32
        %parallel_loop3A_145 = arith.index_cast %parallel_loop3A_144 : i32 to index
        %parallel_loop3A_146 = tpu.vector_load %arg6[%parallel_loop3A_145] {strides = array<i32>} : memref<32768xi32, #tpu.memory_space<vmem>>, vector<16xi32>,
        %parallel_loop3A_147 = arith.constant true
        %parallel_loop3A_148 = vector.broadcast %parallel_loop3A_147 : i1 to vector<16xi1>
        %parallel_loop3A_149, %parallel_loop3A_150 = tpu.scan_count mask(%parallel_loop3A_148 : vector<16xi1>) value(%parallel_loop3A_142 : vector<16xi32>) : vector<16xi1>, vector<16xi32>
        %parallel_loop3A_151 = vector.shape_cast %parallel_loop3A_142 : vector<16xi32> to vector<16x1xi32>
        %parallel_loop3A_152 = vector.shape_cast %parallel_loop3A_151 : vector<16x1xi32> to vector<16xi32>
        %parallel_loop3A_153 = tpu.dynamic_gather %parallel_loop3A_132[%parallel_loop3A_152] in [0] : vector<16xi32>, vector<16xi32> -> vector<16xi32>
        %parallel_loop3A_154 = arith.addi %parallel_loop3A_153, %parallel_loop3A_150 : vector<16xi32>
        tpu.vector_store_idx %arg5[%parallel_loop3A_154], %parallel_loop3A_136 : memref<32768xi32, #tpu.memory_space<vmem>>[vector<16xi32>], vector<16xi32>,
        %parallel_loop3A_155 = arith.addi %parallel_loop3A_132, %parallel_loop3A_146 : vector<16xi32>
        scf.yield %parallel_loop3A_155 : vector<16xi32>
      } {sc.loop_unroll_factor = 16 : i64, sc.parallel_access}
      %parallel_loop3A_115 = arith.constant 0 : i32
      %parallel_loop3A_116 = arith.constant 2048 : i32
      %parallel_loop3A_117 = arith.constant 1 : i32
      %parallel_loop3A_118 = scf.for %parallel_loop3A_131 = %parallel_loop3A_115 to %parallel_loop3A_116 step %parallel_loop3A_117 iter_args(%parallel_loop3A_132 = %broadcast_in_dim3A_1) -> (vector<16xi32>)  : i32 {
        %parallel_loop3A_133 = arith.constant 16 : i32
        %parallel_loop3A_134 = arith.muli %parallel_loop3A_131, %parallel_loop3A_133 : i32
        %parallel_loop3A_135 = arith.index_cast %parallel_loop3A_134 : i32 to index
        %parallel_loop3A_136 = tpu.vector_load %arg5[%parallel_loop3A_135] {strides = array<i32>} : memref<32768xi32, #tpu.memory_space<vmem>>, vector<16xi32>,
        %parallel_loop3A_137 = arith.constant 28 : i32
        %parallel_loop3A_138 = vector.broadcast %parallel_loop3A_137 : i32 to vector<16xi32>
        %parallel_loop3A_139 = arith.shrui %parallel_loop3A_136, %parallel_loop3A_138 : vector<16xi32>
        %parallel_loop3A_140 = arith.constant true
        %parallel_loop3A_141 = vector.broadcast %parallel_loop3A_140 : i1 to vector<16xi1>
        %parallel_loop3A_142, %parallel_loop3A_143 = tpu.scan_count mask(%parallel_loop3A_141 : vector<16xi1>) value(%parallel_loop3A_139 : vector<16xi32>) : vector<16xi1>, vector<16xi32>
        %parallel_loop3A_144 = arith.constant 16 : i32
        %parallel_loop3A_145 = arith.muli %parallel_loop3A_131, %parallel_loop3A_144 : i32
        %parallel_loop3A_146 = arith.index_cast %parallel_loop3A_145 : i32 to index
        %parallel_loop3A_147 = tpu.vector_load %arg6[%parallel_loop3A_146] {strides = array<i32>} : memref<32768xi32, #tpu.memory_space<vmem>>, vector<16xi32>,
        tpu.vector_store %arg6[%parallel_loop3A_146], %broadcast_in_dim3A_1 {strides = array<i32>} : memref<32768xi32, #tpu.memory_space<vmem>>, vector<16xi32>,
        %parallel_loop3A_148 = arith.constant 16 : i32
        %parallel_loop3A_149 = arith.muli %parallel_loop3A_131, %parallel_loop3A_148 : i32
        %parallel_loop3A_150 = vector.broadcast %parallel_loop3A_149 : i32 to vector<16xi32>
        %parallel_loop3A_151 = arith.addi %parallel_loop3A_150, %parallel_loop3A_139 : vector<16xi32>
        tpu.vector_store_idx %arg6[%parallel_loop3A_151], %parallel_loop3A_143 masked %parallel_loop3A_142 : memref<32768xi32, #tpu.memory_space<vmem>>[vector<16xi32>], vector<16xi32>, vector<16xi1>
        %parallel_loop3A_152 = arith.constant 16 : i32
        %parallel_loop3A_153 = arith.muli %parallel_loop3A_131, %parallel_loop3A_152 : i32
        %parallel_loop3A_154 = arith.index_cast %parallel_loop3A_153 : i32 to index
        %parallel_loop3A_155 = tpu.vector_load %arg6[%parallel_loop3A_154] {strides = array<i32>} : memref<32768xi32, #tpu.memory_space<vmem>>, vector<16xi32>,
        %parallel_loop3A_156 = arith.addi %parallel_loop3A_132, %parallel_loop3A_155 : vector<16xi32>
        scf.yield %parallel_loop3A_156 : vector<16xi32>
      } {sc.loop_unroll_factor = 16 : i64, sc.parallel_access}
      %broadcast_in_dim3A_119 = arith.constant true
      %broadcast_in_dim3A_120 = vector.broadcast %broadcast_in_dim3A_119 : i1 to vector<16xi1>
      %masked_cumsum3A_121 = tpu.scan <sum>, %parallel_loop3A_118 masked %broadcast_in_dim3A_120 : vector<16xi32>, vector<16xi1> -> vector<16xi32>
      %sub3A_122 = arith.subi %masked_cumsum3A_121, %parallel_loop3A_118 : vector<16xi32>
      %sub3A_123 = arith.constant 1 : i32
      %sub3A_124 = vector.broadcast %sub3A_123 : i32 to vector<16xi32>
      %sub3A_125 = arith.subi %sub3A_122, %sub3A_124 : vector<16xi32>
      %parallel_loop3A_126 = arith.constant 0 : i32
      %parallel_loop3A_127 = arith.constant 2048 : i32
      %parallel_loop3A_128 = arith.constant 1 : i32
      %parallel_loop3A_129 = scf.for %parallel_loop3A_131 = %parallel_loop3A_126 to %parallel_loop3A_127 step %parallel_loop3A_128 iter_args(%parallel_loop3A_132 = %sub3A_125) -> (vector<16xi32>)  : i32 {
        %parallel_loop3A_133 = arith.constant 16 : i32
        %parallel_loop3A_134 = arith.muli %parallel_loop3A_131, %parallel_loop3A_133 : i32
        %parallel_loop3A_135 = arith.index_cast %parallel_loop3A_134 : i32 to index
        %parallel_loop3A_136 = tpu.vector_load %arg5[%parallel_loop3A_135] {strides = array<i32>} : memref<32768xi32, #tpu.memory_space<vmem>>, vector<16xi32>,
        %parallel_loop3A_137 = arith.constant 28 : i32
        %parallel_loop3A_138 = vector.broadcast %parallel_loop3A_137 : i32 to vector<16xi32>
        %parallel_loop3A_139 = arith.shrui %parallel_loop3A_136, %parallel_loop3A_138 : vector<16xi32>
        %parallel_loop3A_140 = arith.constant 16 : i32
        %parallel_loop3A_141 = arith.muli %parallel_loop3A_131, %parallel_loop3A_140 : i32
        %parallel_loop3A_142 = arith.index_cast %parallel_loop3A_141 : i32 to index
        %parallel_loop3A_143 = tpu.vector_load %arg6[%parallel_loop3A_142] {strides = array<i32>} : memref<32768xi32, #tpu.memory_space<vmem>>, vector<16xi32>,
        %parallel_loop3A_144 = arith.constant true
        %parallel_loop3A_145 = vector.broadcast %parallel_loop3A_144 : i1 to vector<16xi1>
        %parallel_loop3A_146, %parallel_loop3A_147 = tpu.scan_count mask(%parallel_loop3A_145 : vector<16xi1>) value(%parallel_loop3A_139 : vector<16xi32>) : vector<16xi1>, vector<16xi32>
        %parallel_loop3A_148 = vector.shape_cast %parallel_loop3A_139 : vector<16xi32> to vector<16x1xi32>
        %parallel_loop3A_149 = vector.shape_cast %parallel_loop3A_148 : vector<16x1xi32> to vector<16xi32>
        %parallel_loop3A_150 = tpu.dynamic_gather %parallel_loop3A_132[%parallel_loop3A_149] in [0] : vector<16xi32>, vector<16xi32> -> vector<16xi32>
        %parallel_loop3A_151 = arith.addi %parallel_loop3A_150, %parallel_loop3A_147 : vector<16xi32>
        %parallel_loop3A_152 = arith.constant 0 : i32
        %parallel_loop3A_153 = vector.broadcast %parallel_loop3A_152 : i32 to vector<16xi32>
        %parallel_loop3A_154 = arith.cmpi slt, %parallel_loop3A_136, %parallel_loop3A_153 : vector<16xi32>
        %parallel_loop3A_155 = arith.constant 2147483647 : i32
        %parallel_loop3A_156 = vector.broadcast %parallel_loop3A_155 : i32 to vector<16xi32>
        %parallel_loop3A_157 = arith.xori %parallel_loop3A_136, %parallel_loop3A_156 : vector<16xi32>
        %parallel_loop3A_158 = arith.select %parallel_loop3A_154, %parallel_loop3A_136, %parallel_loop3A_157 : vector<16xi1>, vector<16xi32>
        tpu.vector_store_idx %arg4[%parallel_loop3A_151], %parallel_loop3A_158 : memref<32768xi32, #tpu.memory_space<vmem>>[vector<16xi32>], vector<16xi32>,
        %parallel_loop3A_159 = arith.addi %parallel_loop3A_132, %parallel_loop3A_143 : vector<16xi32>
        scf.yield %parallel_loop3A_159 : vector<16xi32>
      } {sc.loop_unroll_factor = 16 : i64, sc.parallel_access}
      "tpu.region"() ({
        %run_scoped3A = tpu.sem_alloc : memref<!tpu.dma_semaphore, #tpu.memory_space<semaphore_mem>>
        %dma_start3A = arith.constant 0 : i32
        %dma_start3A_131 = tpu.memref_slice %arg3[%add3A_12, %dma_start3A] : memref<128x32768xi32, #tpu.memory_space<hbm>> -> memref<1x32768xi32, #tpu.memory_space<hbm>>
        %dma_start3A_132 = tpu.memref_squeeze %dma_start3A_131 : memref<1x32768xi32, #tpu.memory_space<hbm>> -> memref<32768xi32, #tpu.memory_space<hbm>>
        %dma_start3A_133 = arith.constant 0 : i32
        %dma_start3A_134 = tpu.memref_slice %arg3[%add3A_12, %dma_start3A_133] : memref<128x32768xi32, #tpu.memory_space<hbm>> -> memref<1x32768xi32, #tpu.memory_space<hbm>>
        %dma_start3A_135 = tpu.memref_squeeze %dma_start3A_134 : memref<1x32768xi32, #tpu.memory_space<hbm>> -> memref<32768xi32, #tpu.memory_space<hbm>>
        tpu.enqueue_dma source(%arg4 : memref<32768xi32, #tpu.memory_space<vmem>>) target(%dma_start3A_135 : memref<32768xi32, #tpu.memory_space<hbm>>) target_semaphore(%run_scoped3A : memref<!tpu.dma_semaphore, #tpu.memory_space<semaphore_mem>>)
        %dma_wait3A = arith.constant 0 : i32
        %dma_wait3A_136 = tpu.memref_slice %arg3[%add3A_12, %dma_wait3A] : memref<128x32768xi32, #tpu.memory_space<hbm>> -> memref<1x32768xi32, #tpu.memory_space<hbm>>
        %dma_wait3A_137 = tpu.memref_squeeze %dma_wait3A_136 : memref<1x32768xi32, #tpu.memory_space<hbm>> -> memref<32768xi32, #tpu.memory_space<hbm>>
        %dma_wait3A_138 = arith.constant 0 : i32
        %dma_wait3A_139 = tpu.memref_slice %arg3[%add3A_12, %dma_wait3A_138] : memref<128x32768xi32, #tpu.memory_space<hbm>> -> memref<1x32768xi32, #tpu.memory_space<hbm>>
        %dma_wait3A_140 = tpu.memref_squeeze %dma_wait3A_139 : memref<1x32768xi32, #tpu.memory_space<hbm>> -> memref<32768xi32, #tpu.memory_space<hbm>>
        tpu.wait_dma2 semaphore(%run_scoped3A : memref<!tpu.dma_semaphore, #tpu.memory_space<semaphore_mem>>) src(%arg4 : memref<32768xi32, #tpu.memory_space<vmem>>) dst(%dma_wait3A_140 : memref<32768xi32, #tpu.memory_space<hbm>>)
        tpu.yield
      }) : () -> ()
      %scan3A_130 = arith.constant 0 : i32
      scf.yield %scan3A_130 : i32
    }
    %scan3A_7 = arith.constant 4 : i32
    return
  }
}

</mosaic_0001>

<sc_bundles>
// kernel: kernel.3.cloned.1.call-start
scs
__scs_entry_jumppad:
0x0: {  	(pc) =	sbr.rel $0x88, $3  }
0x1: {  	(tag) =	ssettag $0x0;
	lr =	simm.s32 $0x1  }
0x2: {  	[smem:$0x3FA0] =	sst lr;
	_ =	strace $0xD0000000  }
0x3: {  	_ = 	snop  }
0x4: {  	_ = 	snop  }
0x5: {  	_ = 	snop  }
0x6: {  	_ = 	snop  }
0x7: {  	_ = 	snop  }
__scs_overlays_trampoline_lowered:
0x8: {  	[smem:$0x3FAF] =	sst s0  }
0x9: {  	[smem:$0x3FB0] =	sst s1  }
0xa: {  	[smem:$0x3FB1] =	sst s2  }
0xb: {  	[smem:$0x3FB2] =	sst s3  }
0xc: {  	[smem:$0x3FB3] =	sst s4  }
0xd: {  	[smem:$0x3FB4] =	sst s5  }
0xe: {  	[smem:$0x3FB5] =	sst s6  }
0xf: {  	[smem:$0x3FB6] =	sst s7  }
0x10: {  	[smem:$0x3FB7] =	sst s8  }
0x11: {  	[smem:$0x3FB8] =	sst s9;
	s0 =	simm.s32 @!p0 $0x0  }
0x12: {  	s1 =	sld [smem:$0x3F9E];
	s0 =	simm.s32 @p0 $0x1  }
0x13: {  	[smem:$0x3FB9] =	sst s0;
	s0 =	simm.s32 @!p1 $0x0  }
0x14: {  	s2 =	sld [smem:$0x3F9D];
	s0 =	simm.s32 @p1 $0x1  }
0x15: {  	[smem:$0x3FBA] =	sst s0;
	s0 =	simm.s32 @!p2 $0x0  }
0x16: {  	s3 =	sld [smem:$0x3FDB];
	s0 =	simm.s32 @p2 $0x1  }
0x17: {  	s4 =	simm.s32 $0x1BF5;
	[smem:$0x3FBC] =	sst s0  }
0x18: {  	s0 =	sld [smem:$0x3F9F];
	_ =	swait.ge [sflag:s4], $0x0  }
0x19: {  	s7 =	sld [smem:$0x3FA0]  }
0x1a: {  	s8 =	sadd.s32 $0xFFFFE003, lr  }
0x1b: {  	s9 =	sadd.s32 $0xFFFFFEF7, lr;
	s5 =	simm.s32 $0xFFFFFFFF;
	p2 =	slt.u32 s8, $0xFFFFF086  }
0x1c: {  	p1 =	slt.u32 s9, $0xF7A;
	s5 =	simm.s32 @!p2 $0x0  }
0x1d: {  	s5 =	simm.s32 @p1 $0x1;
	p0 =	seq.s32 s7, s2  }
0x1e: {  	s7 =	smul.u32 @!p0 $0xF7A, s2;
	p2 =	seq.s32 @!p0 s5, $0x0  }
0x1f: {  	s9 =	smul.u32 $0xF7A, s1;
	s8 =	simm.s32 @!p0 $0x1BF5;
	p2 =	por !p2, p0  }
0x20: {  	[sflag:s8] =	ssyncset.s32 @!p0 $0xFFFFF086;
	s6 =	sadd.s32 @!p0 s3, s7;
	s7 =	simm.s32 @!p0 $0x108  }
0x21: {  	s3 =	sadd.s32 s3, s9;
	s6 =	sadd.s32 @!p0 $0x88, s6;
	s7 =	simm.s32 @p2 $0x1082  }
0x22: {  	[simem:s7], [sflag:s8] =	dma.local @!p0 [hbm:s6], $0xF7A  }
0x23: {  	s9 =	sor.u32 $0xD0000000, s2;
	s6 =	simm.s32 $0x108;
	_ =	swait.ge @!p0 [sflag:s8], $0x0  }
0x24: {  	s3 =	sadd.s32 $0x88, s3;
	s6 =	simm.s32 @!p1 $0x1082;
	[sflag:s4] =	ssyncset.s32 $0xFFFFF086  }
0x25: {  	[simem:s6], [sflag:s4] =	dma.local [hbm:s3], $0xF7A  }
0x26: {  	[smem:$0x3FA0] =	sst s1;
	(tag) =	ssettag s2;
	_ =	strace s9  }
0x27: {  	s1 =	sld [smem:$0x3FB0]  }
0x28: {  	s2 =	sld [smem:$0x3FB1]  }
0x29: {  	s4 =	sld [smem:$0x3FB3]  }
0x2a: {  	p0 =	seq.s32 s5, $0x0;
	s5 =	sld [smem:$0x3FB4]  }
0x2b: {  	s6 =	sld [smem:$0x3FB5]  }
0x2c: {  	s7 =	sld [smem:$0x3FB6]  }
0x2d: {  	s3 =	simm.s32 $0x108;
	s8 =	sld [smem:$0x3FB7]  }
0x2e: {  	s3 =	simm.s32 @!p0 $0x1082;
	s9 =	sld [smem:$0x3FB8]  }
0x2f: {  	lr =	sadd.s32 s0, s3;
	s0 =	sld [smem:$0x3FAF]  }
0x30: {  	s3 =	sld [smem:$0x3FB2]  }
0x31: {  	[smem:$0x3FBB] =	sst s10  }
0x32: {  	s10 =	sld [smem:$0x3FB9];
	_ =	sdelay $0x3  }
0x33: {  	p0 =	seq.s32 s10, $0x1;
	s10 =	sld [smem:$0x3FBB];
	_ =	sdelay $0x3  }
0x34: {  	[smem:$0x3FBB] =	sst s10  }
0x35: {  	s10 =	sld [smem:$0x3FBA];
	_ =	sdelay $0x3  }
0x36: {  	p1 =	seq.s32 s10, $0x1;
	s10 =	sld [smem:$0x3FBB];
	_ =	sdelay $0x3  }
0x37: {  	[smem:$0x3FBB] =	sst s10  }
0x38: {  	s10 =	sld [smem:$0x3FBC]  }
0x39: {  	_ = 	snop;
	(pc) =	sbr.ind lr, $3  }
0x3a: {  	_ = 	snop  }
0x3b: {  	_ = 	snop  }
0x3c: {  	p2 =	seq.s32 s10, $0x1;
	s10 =	sld [smem:$0x3FBB]  }
0x3d: {  	_ =	shalt  }
0x3e: {  	_ =	shalt  }
0x3f: {  	_ =	shalt  }
0x40: {  	_ =	shalt  }
0x41: {  	_ =	shalt  }
0x42: {  	_ =	shalt  }
0x43: {  	_ =	shalt  }
0x44: {  	_ =	shalt  }
0x45: {  	_ =	shalt  }
0x46: {  	_ =	shalt  }
0x47: {  	_ =	shalt  }
0x48: {  	_ =	shalt  }
0x49: {  	_ =	shalt  }
0x4a: {  	_ =	shalt  }
0x4b: {  	_ =	shalt  }
0x4c: {  	_ =	shalt  }
0x4d: {  	_ =	shalt  }
0x4e: {  	_ =	shalt  }
0x4f: {  	_ =	shalt  }
0x50: {  	_ =	shalt  }
0x51: {  	_ =	shalt  }
0x52: {  	_ =	shalt  }
0x53: {  	_ =	shalt  }
0x54: {  	_ =	shalt  }
0x55: {  	_ =	shalt  }
0x56: {  	_ =	shalt  }
0x57: {  	_ =	shalt  }
0x58: {  	_ =	shalt  }
0x59: {  	_ =	shalt  }
0x5a: {  	_ =	shalt  }
0x5b: {  	_ =	shalt  }
0x5c: {  	_ =	shalt  }
0x5d: {  	_ =	shalt  }
0x5e: {  	_ =	shalt  }
0x5f: {  	_ =	shalt  }
0x60: {  	_ =	shalt  }
0x61: {  	_ =	shalt  }
0x62: {  	_ =	shalt  }
0x63: {  	_ =	shalt  }
0x64: {  	_ =	shalt  }
0x65: {  	_ =	shalt  }
0x66: {  	_ =	shalt  }
0x67: {  	_ =	shalt  }
0x68: {  	_ =	shalt  }
0x69: {  	_ =	shalt  }
0x6a: {  	_ =	shalt  }
0x6b: {  	_ =	shalt  }
0x6c: {  	_ =	shalt  }
0x6d: {  	_ =	shalt  }
0x6e: {  	_ =	shalt  }
0x6f: {  	_ =	shalt  }
0x70: {  	_ =	shalt  }
0x71: {  	_ =	shalt  }
0x72: {  	_ =	shalt  }
0x73: {  	_ =	shalt  }
0x74: {  	_ =	shalt  }
0x75: {  	_ =	shalt  }
0x76: {  	_ =	shalt  }
0x77: {  	_ =	shalt  }
0x78: {  	_ =	shalt  }
0x79: {  	_ =	shalt  }
0x7a: {  	_ =	shalt  }
0x7b: {  	_ =	shalt  }
0x7c: {  	_ =	shalt  }
0x7d: {  	_ =	shalt  }
0x7e: {  	_ =	shalt  }
0x7f: {  	_ =	shalt  }
0x80: {  	_ =	shalt  }
0x81: {  	_ =	shalt  }
0x82: {  	_ =	shalt  }
0x83: {  	_ =	shalt  }
0x84: {  	_ =	shalt  }
0x85: {  	_ =	shalt  }
0x86: {  	_ =	shalt  }
0x87: {  	_ =	shalt  }
.Lfunc_end0:
.L_simem_size_0:
called_computation_lowered:
.L_overlay_start_0:
0x88: {  	s2 =	sld [smem:$0x3FD9]  }
0x89: {  	s3 =	sld [smem:$0x3FFE];
	_ =	sdelay $0x1  }
0x8a: {  	s1 =	srdreg.scid  }
0x8b: {  	s0 =	sand.u32 $0x1, s1  }
0x8c: {  	s17 =	sshll.u32 s0, $0xA;
	s2 =	sadd.s32 s3, s2  }
0x8d: {  	s2 =	sadd.s32 s2, s17  }
0x8e: {  	[smem:$0x3FC7] =	sst s2  }
0x8f: {  	_ = 	snop  }
0x90: {  	s2 =	sld [smem:$0x3FD0];
	(tm) =	ssettm $0x1  }
0x91: {  	s18 =	sld [smem:$0x3FFB];
	_ =	sdelay $0x3  }
0x92: {  	_ =	strace s18  }
0x93: {  	s3 =	sld [smem:$0x3FFC];
	_ =	sdelay $0x3  }
0x94: {  	_ =	strace s3  }
0x95: {  	s3 =	sld [smem:$0x3FFD];
	_ =	sdelay $0x3  }
0x96: {  	_ =	strace s3  }
0x97: {  	_ =	strace $0x8FFFFFFF  }
0x98: {  	s19 =	sld [smem:$0x3FDB];
	_ =	sdelay $0x1  }
0x99: {  	s4 =	simm.s32 $_scs_section_size  }
0x9a: {  	s5 =	simm.s32 $_size__tile_overlayer_lowered;
	s6 =	simm.s32 $_tile_overlayer_lowered  }
0x9b: {  	s22 =	simm.s32 $0x1BFF;
	s21 =	sshll.u32 s6, $0x1;
	s3 =	sadd.s32 s4, s19  }
0x9c: {  	s7 =	simm.s32 $0x0;
	s20 =	sshll.u32 s5, $0x1;
	s5 =	sadd.s32 s21, s3  }
0x9d: {  	[timem:s7], [sflag:s22] =	dma.local [hbm:s5], s20  }
0x9e: {  	_ =	swait.ge [sflag:s22], s20  }
0x9f: {  	s4 =	ssub.s32 $0x0, s20;
	[sflag:s22] =	ssyncset.done $0x0  }
0xa0: {  	[sflag:s22] =	ssyncadd.s32 s4;
	_ =	sdelay $0x1  }
0xa1: {  	s23 =	simm.s32 $0x1B8B  }
0xa2: {  	_ =	swait.ge [sflag:s23], $0x1  }
0xa3: {  	[sflag:s23] =	ssyncset.done $0x0  }
0xa4: {  	s25 =	simm.s32 $0x1B8E;
	s24 =	sld [smem:$0x3FFE];
	[sflag:s23] =	ssyncadd.s32 $0xFFFFFFFF  }
0xa5: {  	s26 =	simm.s32 $execute0_lowered;
	[smem:$0x3FD2] =	sst s25  }
0xa6: {  	s5 =	sshll.u32 s26, $0x1;
	_ =	strace $0x80000046;
	[dreg:$0x1] =	wrdreg $0xFFFFFFFF  }
0xa7: {  	s28 =	simm.s32 $_size_execute0_lowered;
	s3 =	sadd.s32 s3, s5;
	[dreg:$0x0] =	wrdreg $0x0  }
0xa8: {  	s5 =	sshll.u32 s28, $0x1;
	[dreg:$0x2] =	wrdreg s3  }
0xa9: {  	[dreg:$0x3] =	wrdreg s5  }
0xaa: {  	[dreg:$0x4] =	wrdreg $0xC0  }
0xab: {  	_ =	task [dreg:s7], $0x5FFFF  }
0xac: {  	[dreg:$0x1] =	wrdreg $0xFFFFFFFF  }
0xad: {  	[dreg:$0x0] =	wrdreg $0x60  }
0xae: {  	[dreg:$0x2] =	wrdreg s2  }
0xaf: {  	[dreg:$0x3] =	wrdreg s24  }
0xb0: {  	[dreg:$0x4] =	wrdreg $0x9  }
0xb1: {  	_ =	task.clear_ibuf [dreg:s7], $0x5FFFF;
	_ =	strace $0x90000046  }
0xb2: {  	s29 =	simm.s32 $0x9;
	_ =	strace $0x80000048  }
0xb3: {  	_ =	swait.ge [sflag:s29], $0x1  }
0xb4: {  	[sflag:s29] =	ssyncadd.s32 $0xFFFFFFFF  }
0xb5: {  	_ =	strace $0x90000048  }
0xb6: {  	_ =	sfence  }
0xb7: {  	s30 =	sld [smem:$0x0];
	_ =	sdelay $0x2  }
0xb8: {  	s31 =	sshll.u32 s1, $0xD;
	s1 =	sshrl.u32 s1, $0x2  }
0xb9: {  	s3 =	sand.u32 $0x4000, s31;
	s1 =	sadd.s32 s1, s30  }
0xba: {  	s0 =	sor.u32 s3, s0;
	s1 =	sshll.u32 s1, $0x11  }
0xbb: {  	s0 =	sor.u32 s1, s0  }
0xbc: {  	s0 =	sadd.s32 $0x8F2B, s0  }
0xbd: {  	[sflag:s0] =	ssyncadd.remote.s32 $0x1  }
0xbe: {  	_ =	sfence.sel $0xFFFF  }
0xbf: {  	[dreg:$0x0] =	wrdreg $0xFFFFFFFF;
	(pc) =	sbr.abs _section_cstart, $3  }
0xc0: {  	[dreg:$0x1] =	wrdreg $0xFFFFFFFF  }
0xc1: {  	_ =	task.clear_ibuf [dreg:s7], $0x2FFFF;
	_ =	strace $0x9FFFFFFF  }
0xc2: {  	(tm) =	ssettm $0x7FFFFFFF  }
0xc3: {  	_ =	shalt  }
tec
execute0_lowered:
.L_overlay_start_1:
0x0: {  	(tag) =	ssettag $0x1  }
0x1: {  	s1 =	rddreg [dreg:$0x0]  }
0x2: {  	s4 =	rddreg [dreg:$0x1]  }
0x3: {  	s3 =	srdreg.scid;
	s0 =	rddreg [dreg:$0x2];
	s2 =	simm.s32 $0x0  }
0x4: {  	s8 =	simm.s32 $0x1;
	s9 =	simm.s32 $0x10000;
	s10 =	simm.s32 $0x8000  }
0x5: {  	s11 =	simm.s32 $0x80;
	s12 =	simm.s32 $0x0;
	s5 =	sand.u32 $0x1, s3  }
0x6: {  	[smem:$0x7FF] =	sst s2;
	s3 =	stileid.u32;
	s6 =	ssub.s32 $0x2, s5  }
0x7: {  	s4 =	sadd.s32 $0x400, s4;
	_ =	strace $0x80000047;
	s7 =	sshrl.u32 s6, $0x1  }
0x8: {  	v0 =	vimm.s32 $0x0;
	vm0 =	vcmask $0x300;
	s31 =	sshll.u32 s3, $0xF;
	s5 =	sshll.u32 s5, $0x6;
	s6 =	ssub.s32 s6, s7  }
0x9: {  	v1 =	vsel vm0, $0x7, v0;
	s5 =	sor.u32 s31, s5;
	s7 =	simm.s32 $0x400;
	s6 =	smax.u32 s6, $0x1  }
.LBB2_1:
0xa: {  	s13 =	simm.s32 $0x0  }
.LBB2_2:
0xb: {  	s14 =	sshll.u32 s13, $0x4  }
0xc: {  	s14 =	sadd.s32 s5, s14  }
0xd: {  	s17 =	simm.s32 $0x80;
	s15 =	sadd.s32 s1, s14  }
0xe: {  	[tilespmem:s2], [sflag:$0x1] =	stream.strided.gather [hbm4b:s15+s17], $0x8000, s7, s17, $0x38;
	[tilespmem:$0x18000] =	vst v63  }
0xf: {  	s16 =	simm.s32 $0xF0;
	_ =	swait.ge [sflag:s8], $0x8000  }
0x10: {  	s31 =	simm.s32 $0xD0;
	s18 =	simm.s32 $0xE0;
	[sflag:s8] =	ssyncset.done $0x0  }
0x11: {  	v2 =	vimm.s32 $0x0;
	s19 =	simm.s32 $0xB0;
	s20 =	simm.s32 $0xC0;
	v3 =	vmov s16;
	v4 =	vmov s31;
	[sflag:s8] =	ssyncadd.s32 $0xFFFF8000  }
0x12: {  	s21 =	simm.s32 $0xA0;
	s22 =	simm.s32 $0x70;
	s23 =	simm.s32 $0x90;
	v5 =	vmov s18;
	v6 =	vmov s19;
	v7 =	vmov s20;
	v13 =	vld [tilespmem:s17+$0xFFFFFFF0]  }
0x13: {  	s24 =	simm.s32 $0x50;
	s25 =	simm.s32 $0x60;
	s26 =	simm.s32 $0x30;
	v9 =	vmov s21;
	v10 =	vmov s22;
	v14 =	vmov s23;
	v12 =	vld [tilespmem:s17+$0x60]  }
0x14: {  	s28 =	simm.s32 $0x40;
	s29 =	simm.s32 $0x0;
	s30 =	simm.s32 $0x20;
	v15 =	vmov s24;
	v16 =	vmov s25;
	v17 =	vmov s26;
	v24 =	vld [tilespmem:s17+$0x50]  }
0x15: {  	s18 =	simm.s32 $0x80;
	v18 =	vmov s28;
	v19 =	vmov s29;
	v20 =	vmov s30;
	v25 =	vld [tilespmem:s17+$0x40]  }
0x16: {  	v3 =	vshrl.u32 v3, $0x7;
	v8 =	vmov s18;
	v22 =	vshrl.u32 v7, $0x7;
	v27 =	vld [tilespmem:s17+$0x30]  }
0x17: {  	s31 =	simm.s32 $0x10;
	v7 =	vshrl.u32 v9, $0x7;
	v9 =	vshrl.u32 v10, $0x7;
	v10 =	vshrl.u32 v14, $0x7;
	v14 =	vld [tilespmem:s17+$0x20]  }
0x18: {  	v21 =	vmov s31;
	v4 =	vshrl.u32 v4, $0x7;
	v5 =	vshrl.u32 v5, $0x7;
	v28 =	vld [tilespmem:s17+$0x10]  }
0x19: {  	v6 =	vshrl.u32 v6, $0x7;
	v16 =	vshrl.u32 v16, $0x7;
	v17 =	vshrl.u32 v17, $0x7;
	v29 =	vld [tilespmem:s17+$0x0]  }
0x1a: {  	v18 =	vshrl.u32 v18, $0x7;
	v15 =	vshrl.u32 v15, $0x7;
	v19 =	vshrl.u32 v19, $0x7;
	v30 =	vld [tilespmem:s17+$0xFFFFFFE0]  }
0x1b: {  	v20 =	vshrl.u32 v20, $0x7;
	v26 =	vshrl.u32 v8, $0x7;
	v21 =	vshrl.u32 v21, $0x7;
	v31 =	vld [tilespmem:s17+$0xFFFFFFD0]  }
0x1c: {  	v8 =	vshll.u32 v5, v1;
	v5 =	vshll.u32 v22, v1;
	v23 =	vshll.u32 v9, v1;
	v22 =	vld [tilespmem:s17+$0xFFFFFFC0]  }
0x1d: {  	v34 =	vshll.u32 v18, v1;
	v35 =	vshll.u32 v15, v1;
	v9 =	vshll.u32 v26, v1;
	v26 =	vld [tilespmem:s17+$0xFFFFFFB0]  }
0x1e: {  	v36 =	vshll.u32 v16, v1;
	v16 =	vshll.u32 v19, v1;
	v32 =	vshll.u32 v20, v1;
	v15 =	vld [tilespmem:s17+$0xFFFFFF80]  }
0x1f: {  	s15 =	simm.s32 $0x10080;
	v37 =	vshll.u32 v17, v1;
	v33 =	vbroadcast v16, $0x0;
	v38 =	vshll.u32 v21, v1;
	v16 =	vld [tilespmem:s17+$0xFFFFFF90]  }
0x20: {  	[tilespmem:s15+$0xFFFFFFF0] =	vst v0;
	v17 =	vld [tilespmem:s17+$0xFFFFFFA0];
	vm3 =	vgt.s32 v25, $0xFFFFFFFF;
	vm2 =	vgt.s32 v24, $0xFFFFFFFF;
	vm1 =	vgt.s32 v12, $0xFFFFFFFF  }
0x21: {  	v11 =	vld [tilespmem:s17+$0x70];
	[tilespmem:s15+$0x70] =	vst v0;
	vm6 =	vgt.s32 v28, $0xFFFFFFFF;
	vm5 =	vgt.s32 v14, $0xFFFFFFFF;
	vm4 =	vgt.s32 v27, $0xFFFFFFFF  }
0x22: {  	[tilespmem:s15+$0x60] =	vst v0;
	vm9 =	vgt.s32 v30, $0xFFFFFFFF;
	vm8 =	vgt.s32 v13, $0xFFFFFFFF;
	vm7 =	vgt.s32 v29, $0xFFFFFFFF  }
0x23: {  	[tilespmem:s15+$0x50] =	vst v0;
	vm10 =	vgt.s32 v15, $0xFFFFFFFF;
	vm11 =	vgt.s32 v22, $0xFFFFFFFF;
	vm12 =	vgt.s32 v31, $0xFFFFFFFF  }
0x24: {  	[tilespmem:s15+$0x40] =	vst v0;
	vm13 =	vgt.s32 v26, $0xFFFFFFFF;
	v18 =	vsel vm10, $0xFFFFFFFF, v0;
	vm10 =	vgt.s32 v16, $0xFFFFFFFF  }
0x25: {  	[tilespmem:s15+$0x30] =	vst v0;
	vm15 =	vgt.s32 v17, $0xFFFFFFFF;
	v15 =	vxor.u32 v18, v15;
	v18 =	vsel vm10, $0xFFFFFFFF, v0  }
0x26: {  	[tilespmem:s15+$0x20] =	vst v0;
	v39 =	vand.u32 $0xF, v15;
	v15 =	vxor.u32 v18, v16;
	v16 =	vsel vm15, $0xFFFFFFFF, v0  }
0x27: {  	v40 =	vand.u32 $0xF, v15;
	v15 =	vxor.u32 v16, v17;
	v16 =	vsel vm13, $0xFFFFFFFF, v0;
	(xrf1) =	vunique.msk.u32 $0xffff, v39  }
0x28: {  	v41 =	vand.u32 $0xF, v15;
	v15 =	vxor.u32 v16, v26;
	v16 =	vsel vm11, $0xFFFFFFFF, v0;
	(xrf1) =	vunique.msk.u32 $0xffff, v40  }
0x29: {  	v26 =	vand.u32 $0xF, v15;
	v15 =	vxor.u32 v16, v22;
	v16 =	vsel vm12, $0xFFFFFFFF, v0;
	(xrf1) =	vunique.msk.u32 $0xffff, v41  }
0x2a: {  	[tilespmem:s15+$0x10] =	vst v0;
	v42 =	vand.u32 $0xF, v15;
	v15 =	vxor.u32 v16, v31;
	v16 =	vsel vm9, $0xFFFFFFFF, v0  }
0x2b: {  	[tilespmem:s15+$0x0] =	vst v0;
	v22 =	vand.u32 $0xF, v15;
	v15 =	vxor.u32 v16, v30;
	v16 =	vsel vm8, $0xFFFFFFFF, v0  }
0x2c: {  	[tilespmem:s15+$0xFFFFFFE0] =	vst v0;
	v21 =	vand.u32 $0xF, v15;
	v13 =	vxor.u32 v16, v13;
	v15 =	vsel vm7, $0xFFFFFFFF, v0  }
0x2d: {  	(xrf1) =	vunique.msk.u32 $0xffff, v26;
	v20 =	vand.u32 $0xF, v13;
	v13 =	vxor.u32 v15, v29;
	v15 =	vsel vm6, $0xFFFFFFFF, v0  }
0x2e: {  	(xrf1) =	vunique.msk.u32 $0xffff, v42;
	v19 =	vand.u32 $0xF, v13;
	v13 =	vxor.u32 v15, v28;
	v15 =	vsel vm5, $0xFFFFFFFF, v0  }
0x2f: {  	(xrf1) =	vunique.msk.u32 $0xffff, v22;
	v18 =	vand.u32 $0xF, v13;
	v13 =	vxor.u32 v15, v14;
	v14 =	vsel vm4, $0xFFFFFFFF, v0  }
0x30: {  	(xrf1) =	vunique.msk.u32 $0xffff, v21;
	v17 =	vand.u32 $0xF, v13;
	v13 =	vxor.u32 v14, v27;
	v14 =	vsel vm3, $0xFFFFFFFF, v0  }
0x31: {  	(xrf1) =	vunique.msk.u32 $0xffff, v20;
	v16 =	vand.u32 $0xF, v13;
	v13 =	vxor.u32 v14, v25;
	v14 =	vsel vm2, $0xFFFFFFFF, v0  }
0x32: {  	(xrf1) =	vunique.msk.u32 $0xffff, v19;
	v15 =	vand.u32 $0xF, v13;
	v13 =	vxor.u32 v14, v24;
	v24 =	vsel vm1, $0xFFFFFFFF, v0  }
0x33: {  	vm0 =	vgt.s32 v11, $0xFFFFFFFF;
	(xrf1) =	vunique.msk.u32 $0xffff, v18;
	v25 =	vor.u32 $0x10, v38;
	v12 =	vxor.u32 v24, v12  }
0x34: {  	(xrf1) =	vunique.msk.u32 $0xffff, v17;
	v14 =	vand.u32 $0xF, v13;
	v24 =	vsel vm0, $0xFFFFFFFF, v0;
	v13 =	vand.u32 $0xF, v12  }
0x35: {  	(xrf1) =	vunique.msk.u32 $0xffff, v16;
	v11 =	vxor.u32 v24, v11;
	v24 =	vbroadcast v25, $0x0;
	v25 =	vor.u32 $0x20, v32;
	_, v30, vm5 =	vpop (xrf1)  }
0x36: {  	(xrf1) =	vunique.msk.u32 $0xffff, v15;
	v12 =	vand.u32 $0xF, v11;
	v11 =	vbroadcast v25, $0x0;
	v25 =	vor.u32 $0x30, v37;
	_, v29, vm4 =	vpop (xrf1)  }
0x37: {  	v32 =	vor.u32 v24, v40;
	v24 =	vbroadcast v25, $0x0;
	v25 =	vor.u32 $0x40, v34;
	_, v27, vm3 =	vpop (xrf1);
	(xrf1) =	vunique.msk.u32 $0xffff, v14  }
0x38: {  	v3 =	vshll.u32 v3, v1;
	v4 =	vshll.u32 v4, v1;
	[tilespmem:s15+$0xFFFFFFD0] =	vst v0;
	(xrf1) =	vunique.msk.u32 $0xffff, v13  }
0x39: {  	v7 =	vshll.u32 v7, v1;
	[tilespmem:s15+$0xFFFFFFC0] =	vst v0;
	v33 =	vor.u32 v33, v39;
	(xrf1) =	vunique.msk.u32 $0xffff, v12  }
0x3a: {  	v6 =	vshll.u32 v6, v1;
	v10 =	vshll.u32 v10, v1;
	v3 =	vor.u32 $0x70, v3;
	[tilespmem:s15+$0xFFFFFFB0] =	vst v0  }
0x3b: {  	v62 =	vor.u32 $0x50, v35;
	[tilespmem:s15+$0xFFFFFF80] =	vst v0;
	v31 =	vor.u32 v11, v41;
	v11 =	vbroadcast v25, $0x0;
	_, v25, vm2 =	vpop (xrf1)  }
0x3c: {  	v63 =	vor.u32 $0x60, v36;
	v35 =	vbroadcast v62, $0x0;
	[tilespmem:s15+$0xFFFFFF90] =	vst v0;
	v28 =	vor.u32 v24, v26;
	_, v24, vm0 =	vpop (xrf1)  }
0x3d: {  	s19 =	simm.s32 $0x180;
	s18 =	simm.s32 $0x0;
	v36 =	vor.u32 $0x70, v23;
	[tilespmem:s15+$0xFFFFFFA0] =	vst v0;
	s17 =	simm.s32 $0x10080;
	v34 =	vbroadcast v63, $0x0;
	v26 =	vor.u32 v11, v42;
	_, v23, vm1 =	vpop (xrf1)  }
.LBB2_3:
0x3e: {  	v11 =	vld [tilespmem:s19+$0xFFFFFFF0];
	[tilespmem:v33+s9+$0x0] =	vst.idx.msk vm5, v30;
	v22 =	vor.u32 v35, v22;
	v30 =	vbroadcast v36, $0x0;
	v8 =	vor.u32 $0x60, v8;
	_, v33, vm7 =	vpop (xrf1)  }
0x3f: {  	v9 =	vbroadcast v9, $0x0;
	v10 =	vor.u32 $0x10, v10;
	v35 =	vld [tilespmem:s15+$0xFFFFFF80];
	[tilespmem:v32+s9+$0x0] =	vst.idx.msk vm4, v29;
	v21 =	vor.u32 v34, v21;
	_, v29, vm8 =	vpop (xrf1)  }
0x40: {  	v7 =	vor.u32 $0x20, v7;
	v10 =	vbroadcast v10, $0x0;
	v32 =	vld [tilespmem:s15+$0xFFFFFF90];
	[tilespmem:v31+s9+$0x0] =	vst.idx.msk vm3, v27;
	v20 =	vor.u32 v30, v20;
	_, v27, vm9 =	vpop (xrf1)  }
0x41: {  	v6 =	vor.u32 $0x30, v6;
	v7 =	vbroadcast v7, $0x0;
	v9 =	vor.u32 v9, v19;
	v30 =	vld [tilespmem:s15+$0xFFFFFFA0];
	[tilespmem:v28+s9+$0x0] =	vst.idx.msk vm2, v25;
	_, v19, vm6 =	vpop (xrf1)  }
0x42: {  	v5 =	vor.u32 $0x40, v5;
	v6 =	vbroadcast v6, $0x0;
	v10 =	vor.u32 v10, v18;
	v25 =	vld [tilespmem:s15+$0xFFFFFFB0];
	[tilespmem:v26+s9+$0x0] =	vst.idx.msk vm0, v24;
	_, v18, vm5 =	vpop (xrf1)  }
0x43: {  	v4 =	vor.u32 $0x50, v4;
	v5 =	vbroadcast v5, $0x0;
	v7 =	vor.u32 v7, v17;
	v24 =	vld [tilespmem:s15+$0xFFFFFFC0];
	[tilespmem:v22+s9+$0x0] =	vst.idx.msk vm1, v23;
	_, v17, vm4 =	vpop (xrf1)  }
0x44: {  	v4 =	vbroadcast v4, $0x0;
	v6 =	vor.u32 v6, v16;
	v2 =	vadd.s32 v2, v35;
	v22 =	vld [tilespmem:s15+$0xFFFFFFD0];
	[tilespmem:v21+s9+$0x0] =	vst.idx.msk vm7, v33;
	_, v16, vm3 =	vpop (xrf1)  }
0x45: {  	v8 =	vbroadcast v8, $0x0;
	v5 =	vor.u32 v5, v15;
	v2 =	vadd.s32 v32, v2;
	v21 =	vld [tilespmem:s15+$0xFFFFFFE0];
	[tilespmem:v20+s9+$0x0] =	vst.idx.msk vm8, v29;
	_, v15, vm1 =	vpop (xrf1)  }
0x46: {  	v3 =	vbroadcast v3, $0x0;
	s16 =	sadd.s32 $0x100, s16;
	v4 =	vor.u32 v4, v14;
	v2 =	vadd.s32 v30, v2;
	v20 =	vld [tilespmem:s15+$0xFFFFFFF0];
	[tilespmem:v9+s9+$0x0] =	vst.idx.msk vm9, v27;
	_, v9, vm2 =	vpop (xrf1)  }
0x47: {  	v14 =	vmov s16;
	v8 =	vor.u32 v8, v13;
	v2 =	vadd.s32 v25, v2;
	v23 =	vld [tilespmem:s15+$0x0];
	[tilespmem:v10+s9+$0x0] =	vst.idx.msk vm6, v19;
	_, v10, vm0 =	vpop (xrf1)  }
0x48: {  	s20 =	sadd.s32 $0xFFFFFFE0, s16;
	s21 =	sadd.s32 $0xFFFFFFF0, s16;
	v3 =	vor.u32 v3, v12;
	v14 =	vshrl.u32 v14, $0x7;
	v2 =	vadd.s32 v24, v2;
	v13 =	vld [tilespmem:s15+$0x10];
	[tilespmem:v7+s9+$0x0] =	vst.idx.msk vm5, v18  }
0x49: {  	s22 =	sadd.s32 $0xFFFFFFC0, s16;
	s23 =	sadd.s32 $0xFFFFFFD0, s16;
	v7 =	vmov s20;
	v18 =	vmov s21;
	v2 =	vadd.s32 v22, v2;
	v12 =	vld [tilespmem:s15+$0x20];
	[tilespmem:v6+s9+$0x0] =	vst.idx.msk vm4, v17  }
0x4a: {  	s20 =	sadd.s32 $0xFFFFFF90, s16;
	s21 =	sadd.s32 $0xFFFFFFB0, s16;
	v6 =	vmov s22;
	v17 =	vmov s23;
	v2 =	vadd.s32 v21, v2;
	v19 =	vld [tilespmem:s15+$0x30];
	[tilespmem:v5+s9+$0x0] =	vst.idx.msk vm3, v16  }
0x4b: {  	s22 =	sadd.s32 $0xFFFFFF80, s16;
	v5 =	vmov s20;
	s20 =	sadd.s32 $0xFFFFFFA0, s16;
	v16 =	vmov s21;
	v2 =	vadd.s32 v20, v2;
	v20 =	vld [tilespmem:s15+$0x40];
	[tilespmem:v4+s9+$0x0] =	vst.idx.msk vm1, v15  }
0x4c: {  	s23 =	sadd.s32 $0xFFFFFF70, s16;
	s21 =	sadd.s32 $0xFFFFFF60, s16;
	v4 =	vmov s22;
	v21 =	vmov s20;
	v2 =	vadd.s32 v23, v2;
	v15 =	vld [tilespmem:s15+$0x50];
	[tilespmem:v8+s9+$0x0] =	vst.idx.msk vm2, v9  }
0x4d: {  	s20 =	sadd.s32 $0xFFFFFF40, s16;
	s22 =	sadd.s32 $0xFFFFFF50, s16;
	v8 =	vmov s21;
	v9 =	vmov s23;
	s15 =	sadd.s32 $0x100, s15;
	v2 =	vadd.s32 v13, v2;
	v22 =	vld [tilespmem:s17+$0x60];
	[tilespmem:v3+s9+$0x0] =	vst.idx.msk vm0, v10  }
0x4e: {  	s21 =	sadd.s32 $0xFFFFFF10, s16;
	s23 =	sadd.s32 $0xFFFFFF30, s16;
	v3 =	vmov s20;
	v10 =	vmov s22;
	[tilespmem:s15+$0xFFFFFFF0] =	vst v0;
	v2 =	vadd.s32 v12, v2;
	v23 =	vld [tilespmem:s17+$0x70];
	s17 =	smov.u32 s15  }
0x4f: {  	v24 =	vmov s21;
	s20 =	sadd.s32 $0xFFFFFF20, s16;
	v25 =	vmov s23;
	v12 =	vld [tilespmem:s19+$0x70];
	[tilespmem:s15+$0x70] =	vst v0;
	v2 =	vadd.s32 v19, v2  }
0x50: {  	v26 =	vshll.u32 v14, v1;
	v19 =	vmov s20;
	v13 =	vld [tilespmem:s19+$0x60];
	[tilespmem:s15+$0x60] =	vst v0;
	v2 =	vadd.s32 v20, v2  }
0x51: {  	v7 =	vshrl.u32 v7, $0x7;
	v18 =	vshrl.u32 v18, $0x7;
	v14 =	vld [tilespmem:s19+$0x50];
	[tilespmem:s15+$0x50] =	vst v0;
	v2 =	vadd.s32 v15, v2  }
0x52: {  	v6 =	vshrl.u32 v6, $0x7;
	v17 =	vshrl.u32 v17, $0x7;
	v15 =	vld [tilespmem:s19+$0x40];
	[tilespmem:s15+$0x40] =	vst v0;
	v2 =	vadd.s32 v22, v2  }
0x53: {  	v20 =	vshrl.u32 v5, $0x7;
	v5 =	vshrl.u32 v16, $0x7;
	v16 =	vld [tilespmem:s19+$0x30];
	[tilespmem:s15+$0x30] =	vst v0;
	v2 =	vadd.s32 v23, v2  }
0x54: {  	v21 =	vshrl.u32 v21, $0x7;
	v22 =	vshrl.u32 v9, $0x7;
	v9 =	vshrl.u32 v4, $0x7;
	v27 =	vld [tilespmem:s19+$0x20];
	[tilespmem:s15+$0x20] =	vst v0  }
0x55: {  	v30 =	vshrl.u32 v8, $0x7;
	v28 =	vshrl.u32 v3, $0x7;
	v29 =	vshrl.u32 v10, $0x7;
	v31 =	vld [tilespmem:s19+$0x10];
	[tilespmem:s15+$0x10] =	vst v0  }
0x56: {  	v32 =	vshrl.u32 v24, $0x7;
	v33 =	vshrl.u32 v25, $0x7;
	v19 =	vshrl.u32 v19, $0x7;
	v34 =	vld [tilespmem:s19+$0x0];
	[tilespmem:s15+$0x0] =	vst v0  }
0x57: {  	v8 =	vshll.u32 v18, v1;
	v3 =	vor.u32 $0x70, v26;
	v4 =	vshll.u32 v7, v1;
	v35 =	vld [tilespmem:s19+$0xFFFFFFE0];
	[tilespmem:s15+$0xFFFFFFE0] =	vst v0  }
0x58: {  	v6 =	vshll.u32 v6, v1;
	v7 =	vshll.u32 v5, v1;
	v5 =	vshll.u32 v17, v1;
	v18 =	vld [tilespmem:s19+$0xFFFFFFD0];
	[tilespmem:s15+$0xFFFFFFD0] =	vst v0  }
0x59: {  	v10 =	vshll.u32 v21, v1;
	v23 =	vshll.u32 v9, v1;
	v9 =	vshll.u32 v20, v1;
	v17 =	vld [tilespmem:s19+$0xFFFFFFC0];
	[tilespmem:s15+$0xFFFFFFC0] =	vst v0  }
0x5a: {  	v25 =	vshll.u32 v30, v1;
	v26 =	vshll.u32 v29, v1;
	v24 =	vshll.u32 v22, v1;
	v20 =	vld [tilespmem:s19+$0xFFFFFFB0];
	[tilespmem:s15+$0xFFFFFFB0] =	vst v0  }
0x5b: {  	s18 =	sadd.s32 $0x10, s18;
	v29 =	vshll.u32 v33, v1;
	v28 =	vshll.u32 v28, v1;
	v22 =	vshll.u32 v32, v1;
	v21 =	vld [tilespmem:s19+$0xFFFFFF80];
	[tilespmem:s15+$0xFFFFFF80] =	vst v0  }
0x5c: {  	p0 =	slt.u32 s18, $0x7F0;
	v30 =	vshll.u32 v19, v1;
	v32 =	vbroadcast v22, $0x0;
	vm0 =	vgt.s32 v12, $0xFFFFFFFF;
	v22 =	vld [tilespmem:s19+$0xFFFFFF90];
	[tilespmem:s15+$0xFFFFFF90] =	vst v0  }
0x5d: {  	vm1 =	vgt.s32 v13, $0xFFFFFFFF;
	vm2 =	vgt.s32 v14, $0xFFFFFFFF;
	vm3 =	vgt.s32 v15, $0xFFFFFFFF;
	v19 =	vld [tilespmem:s19+$0xFFFFFFA0];
	[tilespmem:s15+$0xFFFFFFA0] =	vst v0  }
0x5e: {  	vm4 =	vgt.s32 v16, $0xFFFFFFFF;
	vm5 =	vgt.s32 v27, $0xFFFFFFFF;
	vm6 =	vgt.s32 v31, $0xFFFFFFFF  }
0x5f: {  	vm8 =	vgt.s32 v11, $0xFFFFFFFF;
	vm7 =	vgt.s32 v34, $0xFFFFFFFF;
	vm9 =	vgt.s32 v35, $0xFFFFFFFF  }
0x60: {  	vm12 =	vgt.s32 v18, $0xFFFFFFFF;
	vm11 =	vgt.s32 v17, $0xFFFFFFFF;
	vm10 =	vgt.s32 v21, $0xFFFFFFFF  }
0x61: {  	vm13 =	vgt.s32 v20, $0xFFFFFFFF;
	v33 =	vsel vm10, $0xFFFFFFFF, v0;
	vm10 =	vgt.s32 v22, $0xFFFFFFFF  }
0x62: {  	v21 =	vxor.u32 v33, v21;
	v33 =	vsel vm10, $0xFFFFFFFF, v0;
	vm10 =	vgt.s32 v19, $0xFFFFFFFF  }
0x63: {  	v36 =	vand.u32 $0xF, v21;
	v21 =	vxor.u32 v33, v22;
	v22 =	vsel vm10, $0xFFFFFFFF, v0  }
0x64: {  	v37 =	vand.u32 $0xF, v21;
	v19 =	vxor.u32 v22, v19;
	v21 =	vsel vm13, $0xFFFFFFFF, v0;
	(xrf1) =	vunique.msk.u32 $0xffff, v36  }
0x65: {  	v38 =	vand.u32 $0xF, v19;
	v19 =	vxor.u32 v21, v20;
	v20 =	vsel vm11, $0xFFFFFFFF, v0;
	(xrf1) =	vunique.msk.u32 $0xffff, v37  }
0x66: {  	v39 =	vand.u32 $0xF, v19;
	v17 =	vxor.u32 v20, v17;
	v19 =	vsel vm12, $0xFFFFFFFF, v0;
	(xrf1) =	vunique.msk.u32 $0xffff, v38  }
0x67: {  	v40 =	vand.u32 $0xF, v17;
	v17 =	vxor.u32 v19, v18;
	v18 =	vsel vm9, $0xFFFFFFFF, v0;
	(xrf1) =	vunique.msk.u32 $0xffff, v39  }
0x68: {  	v22 =	vand.u32 $0xF, v17;
	v17 =	vxor.u32 v18, v35;
	v18 =	vsel vm8, $0xFFFFFFFF, v0;
	(xrf1) =	vunique.msk.u32 $0xffff, v40  }
0x69: {  	v21 =	vand.u32 $0xF, v17;
	v11 =	vxor.u32 v18, v11;
	v17 =	vsel vm7, $0xFFFFFFFF, v0;
	(xrf1) =	vunique.msk.u32 $0xffff, v22  }
0x6a: {  	v20 =	vand.u32 $0xF, v11;
	v11 =	vxor.u32 v17, v34;
	v17 =	vsel vm6, $0xFFFFFFFF, v0;
	(xrf1) =	vunique.msk.u32 $0xffff, v21  }
0x6b: {  	v19 =	vand.u32 $0xF, v11;
	v11 =	vxor.u32 v17, v31;
	v17 =	vsel vm5, $0xFFFFFFFF, v0;
	(xrf1) =	vunique.msk.u32 $0xffff, v20  }
0x6c: {  	v18 =	vand.u32 $0xF, v11;
	v11 =	vxor.u32 v17, v27;
	v27 =	vsel vm4, $0xFFFFFFFF, v0;
	(xrf1) =	vunique.msk.u32 $0xffff, v19  }
0x6d: {  	v17 =	vand.u32 $0xF, v11;
	v11 =	vxor.u32 v27, v16;
	v27 =	vsel vm3, $0xFFFFFFFF, v0;
	(xrf1) =	vunique.msk.u32 $0xffff, v18  }
0x6e: {  	v16 =	vand.u32 $0xF, v11;
	v11 =	vxor.u32 v27, v15;
	v27 =	vsel vm2, $0xFFFFFFFF, v0;
	(xrf1) =	vunique.msk.u32 $0xffff, v17  }
0x6f: {  	v15 =	vand.u32 $0xF, v11;
	v11 =	vxor.u32 v27, v14;
	v27 =	vsel vm1, $0xFFFFFFFF, v0;
	(xrf1) =	vunique.msk.u32 $0xffff, v16  }
0x70: {  	v14 =	vand.u32 $0xF, v11;
	v11 =	vxor.u32 v27, v13;
	v27 =	vsel vm0, $0xFFFFFFFF, v0;
	(xrf1) =	vunique.msk.u32 $0xffff, v15  }
0x71: {  	v31 =	vor.u32 $0x10, v30;
	v13 =	vand.u32 $0xF, v11;
	v11 =	vxor.u32 v27, v12;
	(xrf1) =	vunique.msk.u32 $0xffff, v14  }
0x72: {  	v34 =	vbroadcast v31, $0x0;
	v31 =	vor.u32 $0x20, v29;
	v12 =	vand.u32 $0xF, v11;
	_, v30, vm5 =	vpop (xrf1);
	(xrf1) =	vunique.msk.u32 $0xffff, v13  }
.Ltmp0:
0x73: {  	v28 =	vor.u32 $0x30, v28;
	v33 =	vor.u32 v32, v36;
	v11 =	vbroadcast v31, $0x0;
	_, v29, vm4 =	vpop (xrf1);
	(xrf1) =	vunique.msk.u32 $0xffff, v12;
	(pc) =	sbr.rel @p0 .LBB2_3-.Ltmp0, $4  }
0x74: {  	v26 =	vor.u32 $0x40, v26;
	v28 =	vbroadcast v28, $0x0;
	v32 =	vor.u32 v34, v37;
	_, v27, vm3 =	vpop (xrf1)  }
0x75: {  	v31 =	vor.u32 v11, v38;
	v11 =	vbroadcast v26, $0x0;
	v26 =	vor.u32 $0x50, v25;
	_, v25, vm2 =	vpop (xrf1)  }
0x76: {  	v28 =	vor.u32 v28, v39;
	v34 =	vor.u32 $0x60, v24;
	v35 =	vbroadcast v26, $0x0;
	_, v24, vm0 =	vpop (xrf1)  }
0x77: {  	s19 =	sadd.s32 $0x100, s19;
	v36 =	vor.u32 $0x70, v23;
	v34 =	vbroadcast v34, $0x0;
	v26 =	vor.u32 v11, v40;
	_, v23, vm1 =	vpop (xrf1)  }
0x78: {  	_ =	sdelay $0x1  }
0x79: {  	v11 =	vor.u32 v35, v22;
	v22 =	vbroadcast v36, $0x0;
	_ =	sdelay $0x2  }
0x7a: {  	[tilespmem:v33+s9+$0x0] =	vst.idx.msk vm5, v30;
	_, v30, vm5 =	vpop (xrf1)  }
0x7b: {  	[tilespmem:v32+s9+$0x0] =	vst.idx.msk vm4, v29;
	v9 =	vbroadcast v9, $0x0;
	v10 =	vor.u32 $0x10, v10;
	v33 =	vld [tilespmem:s15+$0xFFFFFF80];
	v21 =	vor.u32 v34, v21;
	_, v29, vm4 =	vpop (xrf1)  }
0x7c: {  	[tilespmem:v31+s9+$0x0] =	vst.idx.msk vm3, v27;
	v7 =	vor.u32 $0x20, v7;
	v32 =	vld [tilespmem:s15+$0xFFFFFF90];
	v10 =	vbroadcast v10, $0x0;
	v20 =	vor.u32 v22, v20;
	_, v22, vm3 =	vpop (xrf1)  }
0x7d: {  	[tilespmem:v28+s9+$0x0] =	vst.idx.msk vm2, v25;
	v6 =	vor.u32 $0x30, v6;
	v27 =	vld [tilespmem:s15+$0xFFFFFFA0];
	v7 =	vbroadcast v7, $0x0;
	v9 =	vor.u32 v9, v19;
	_, v19, vm2 =	vpop (xrf1)  }
0x7e: {  	[tilespmem:v26+s9+$0x0] =	vst.idx.msk vm0, v24;
	v5 =	vor.u32 $0x40, v5;
	v25 =	vld [tilespmem:s15+$0xFFFFFFB0];
	v6 =	vbroadcast v6, $0x0;
	v10 =	vor.u32 v10, v18;
	_, v18, vm0 =	vpop (xrf1)  }
0x7f: {  	v4 =	vor.u32 $0x50, v4;
	v24 =	vld [tilespmem:s15+$0xFFFFFFC0];
	v5 =	vbroadcast v5, $0x0;
	v7 =	vor.u32 v7, v17;
	[tilespmem:v11+s9+$0x0] =	vst.idx.msk vm1, v23;
	_, v11, vm1 =	vpop (xrf1)  }
0x80: {  	v8 =	vor.u32 $0x60, v8;
	v4 =	vbroadcast v4, $0x0;
	v6 =	vor.u32 v6, v16;
	v17 =	vld [tilespmem:s15+$0xFFFFFFD0];
	[tilespmem:v21+s9+$0x0] =	vst.idx.msk vm5, v30;
	_, v16, vm11 =	vpop (xrf1)  }
0x81: {  	v8 =	vbroadcast v8, $0x0;
	v5 =	vor.u32 v5, v15;
	v21 =	vld [tilespmem:s15+$0xFFFFFFE0];
	[tilespmem:v20+s9+$0x0] =	vst.idx.msk vm4, v29;
	_, v15, vm12 =	vpop (xrf1)  }
0x82: {  	v3 =	vbroadcast v3, $0x0;
	v4 =	vor.u32 v4, v14;
	v20 =	vld [tilespmem:s15+$0xFFFFFFF0];
	[tilespmem:v9+s9+$0x0] =	vst.idx.msk vm3, v22;
	_, v9, vm3 =	vpop (xrf1)  }
0x83: {  	v8 =	vor.u32 v8, v13;
	v14 =	vld [tilespmem:s15+$0x0];
	[tilespmem:v10+s9+$0x0] =	vst.idx.msk vm2, v19;
	_, v10, vm2 =	vpop (xrf1)  }
0x84: {  	v3 =	vor.u32 v3, v12;
	v13 =	vld [tilespmem:s15+$0x10];
	[tilespmem:v7+s9+$0x0] =	vst.idx.msk vm0, v18  }
0x85: {  	v2 =	vadd.s32 v2, v33;
	v7 =	vld [tilespmem:s15+$0x20];
	[tilespmem:v6+s9+$0x0] =	vst.idx.msk vm1, v11  }
0x86: {  	v2 =	vadd.s32 v32, v2;
	v6 =	vld [tilespmem:s15+$0x30];
	[tilespmem:v5+s9+$0x0] =	vst.idx.msk vm11, v16  }
0x87: {  	v2 =	vadd.s32 v27, v2;
	v5 =	vld [tilespmem:s15+$0x40];
	[tilespmem:v4+s9+$0x0] =	vst.idx.msk vm12, v15  }
0x88: {  	v2 =	vadd.s32 v25, v2;
	v4 =	vld [tilespmem:s15+$0x50];
	[tilespmem:v8+s9+$0x0] =	vst.idx.msk vm3, v9  }
0x89: {  	v2 =	vadd.s32 v24, v2;
	v8 =	vld [tilespmem:s17+$0x60];
	[tilespmem:v3+s9+$0x0] =	vst.idx.msk vm2, v10  }
0x8a: {  	s16 =	simm.s32 $0x80;
	v2 =	vadd.s32 v17, v2;
	v3 =	vld [tilespmem:s17+$0x70]  }
0x8b: {  	v2 =	vadd.s32 v21, v2;
	v9 =	vld [tilespmem:s16+$0xFFFFFFF0]  }
0x8c: {  	v2 =	vadd.s32 v20, v2;
	v10 =	vld [tilespmem:s16+$0xFFFFFF80]  }
0x8d: {  	v2 =	vadd.s32 v14, v2;
	v11 =	vld [tilespmem:s16+$0x30]  }
0x8e: {  	v2 =	vadd.s32 v13, v2;
	v21 =	vld [tilespmem:s16+$0x10]  }
0x8f: {  	v2 =	vadd.s32 v7, v2;
	v24 =	vld [tilespmem:s16+$0xFFFFFF90]  }
0x90: {  	v20 =	vld [tilespmem:s16+$0xFFFFFFE0];
	v2 =	vadd.s32 v6, v2  }
0x91: {  	v28 =	vld [tilespmem:s16+$0xFFFFFFB0];
	v2 =	vadd.s32 v5, v2  }
0x92: {  	v2 =	vadd.s32 v4, v2;
	v4 =	vld [tilespmem:s16+$0x60]  }
0x93: {  	v5 =	vld [tilespmem:s16+$0x50];
	v2 =	vadd.s32 v8, v2  }
0x94: {  	v8 =	vld [tilespmem:s16+$0x20];
	v2 =	vadd.s32 v3, v2;
	vm2 =	vlt.s32 v9, $0x0  }
0x95: {  	v14 =	vxor.u32 $0x7FFFFFFF, v10;
	v15 =	vxor.u32 $0x7FFFFFFF, v9;
	v16 =	vxor.u32 $0x7FFFFFFF, v11  }
0x96: {  	v58 =	vxor.u32 $0x7FFFFFFF, v21;
	vm14 =	vlt.s32 v20, $0x0;
	v29 =	vxor.u32 $0x7FFFFFFF, v24  }
0x97: {  	v7 =	vld [tilespmem:s16+$0x40];
	vm15 =	vlt.s32 v28, $0x0;
	(xrf0) =	vadd.scan.msk.s32 $0xffff, v2;
	vm0 =	vlt.s32 v4, $0x0;
	v6 =	vxor.u32 $0x7FFFFFFF, v4  }
0x98: {  	v13 =	vld [tilespmem:s16+$0x0];
	v2 =	vxor.u32 $0xFFFFFFFF, v2;
	vm1 =	vlt.s32 v5, $0x0;
	v6 =	vsel vm0, v4, v6  }
0x99: {  	s15 =	simm.s32 $0x10080;
	v12 =	vxor.u32 $0x7FFFFFFF, v8;
	v4 =	vxor.u32 $0x7FFFFFFF, v5;
	vm3 =	vlt.s32 v8, $0x0  }
0x9a: {  	v17 =	vld [tilespmem:s15+$0xFFFFFF80];
	vm0 =	vlt.s32 v10, $0x0;
	v4 =	vsel vm1, v5, v4;
	vm1 =	vlt.s32 v11, $0x0  }
0x9b: {  	v19 =	vld [tilespmem:s15+$0xFFFFFF90];
	v5 =	vsel vm2, v9, v15;
	v8 =	vsel vm3, v8, v12;
	v9 =	vsel vm1, v11, v16  }
0x9c: {  	v22 =	vld [tilespmem:s15+$0xFFFFFFA0];
	v12 =	vxor.u32 $0x7FFFFFFF, v7;
	vm1 =	vlt.s32 v7, $0x0;
	v31 =	vand.u32 $0xF, v9  }
0x9d: {  	vm2 =	vlt.s32 v13, $0x0;
	v42 =	vand.u32 $0xF, v6;
	v11 =	vld [tilespmem:s16+$0xFFFFFFD0];
	v3, _, _ =	vpop (xrf0);
	v12 =	vsel vm1, v7, v12;
	(xrf1) =	vunique.msk.u32 $0xffff, v31  }
0x9e: {  	v16 =	vand.u32 $0xF, v8;
	v3 =	vadd.s32 v2, v3;
	v2 =	vld [tilespmem:s16+$0xFFFFFFC0];
	v39 =	vand.u32 $0xF, v12  }
0x9f: {  	v23 =	vld [tilespmem:s16+$0xFFFFFFA0];
	v44 =	vand.u32 $0xF, v4;
	v43 =	vand.u32 $0xF, v5;
	v7 =	vxor.u32 $0x7FFFFFFF, v13;
	(xrf1) =	vunique.msk.u32 $0xffff, v39  }
0xa0: {  	v25 =	vld [tilespmem:s15+$0xFFFFFFB0];
	vm1 =	vlt.s32 v21, $0x0;
	v13 =	vsel vm2, v13, v7;
	v18 =	vadd.s32 v3, v17;
	(xrf1) =	vunique.msk.u32 $0xffff, v42  }
0xa1: {  	v30 =	vld [tilespmem:s15+$0xFFFFFFC0];
	vm2 =	vlt.s32 v24, $0x0;
	v21 =	vsel vm1, v21, v58;
	v19 =	vadd.s32 v18, v19  }
0xa2: {  	v17 =	vld [tilespmem:s16+$0x70];
	vm13 =	vlt.s32 v11, $0x0;
	v7 =	vxor.u32 $0x7FFFFFFF, v11;
	(xrf1) =	vunique.msk.u32 $0xffff, v16;
	v22 =	vadd.s32 v19, v22  }
0xa3: {  	v60 =	vld [tilespmem:s15+$0xFFFFFFD0];
	v15 =	vsel vm13, v11, v7;
	vm3 =	vlt.s32 v2, $0x0;
	v26 =	vxor.u32 $0x7FFFFFFF, v2  }
0xa4: {  	v7 =	vsel vm0, v10, v14;
	v59 =	vand.u32 $0xF, v15;
	v14 =	vsel vm3, v2, v26;
	v2 =	vld [tilespmem:s15+$0xFFFFFFE0]  }
0xa5: {  	v62 =	vld [tilespmem:s15+$0xFFFFFFF0];
	v61 =	vand.u32 $0xF, v13;
	v11 =	vxor.u32 $0x7FFFFFFF, v20;
	v37 =	vadd.s32 v22, v25;
	(xrf1) =	vunique.msk.u32 $0xffff, v59  }
0xa6: {  	v10 =	vxor.u32 $0x7FFFFFFF, v23;
	v25 =	vld [tilespmem:s15+$0x0];
	v20 =	vsel vm14, v20, v11;
	v40 =	vadd.s32 v37, v30;
	(xrf1) =	vunique.msk.u32 $0xffff, v61  }
0xa7: {  	v41 =	vld [tilespmem:s15+$0x10];
	vm0 =	vlt.s32 v17, $0x0;
	vm3 =	vlt.s32 v23, $0x0;
	v38 =	vand.u32 $0xF, v14  }
0xa8: {  	v45 =	vld [tilespmem:s15+$0x20];
	v63 =	vand.u32 $0xF, v20;
	v11 =	vsel vm3, v23, v10;
	v10 =	vadd.s32 v40, v60;
	(xrf1) =	vunique.msk.u32 $0xffff, v38  }
0xa9: {  	v47 =	vld [tilespmem:s15+$0x30];
	v46 =	vand.u32 $0xF, v11;
	v26 =	vperm.xlane v10, v63;
	(xrf1) =	vunique.msk.u32 $0xffff, v44;
	v2 =	vadd.s32 v10, v2  }
0xaa: {  	v48 =	vld [tilespmem:s15+$0x40];
	v23 =	vperm.xlane v19, v46;
	(xrf1) =	vunique.msk.u32 $0xffff, v63;
	v10 =	vxor.u32 $0x7FFFFFFF, v28;
	v19 =	vadd.s32 v2, v62  }
0xab: {  	v49 =	vld [tilespmem:s15+$0x50];
	v10 =	vsel vm15, v28, v10;
	v28 =	vperm.xlane v2, v43;
	v25 =	vadd.s32 v19, v25;
	_, v36, _ =	vpop (xrf1);
	(xrf1) =	vunique.msk.u32 $0xffff, v46  }
0xac: {  	v50 =	vld [tilespmem:s15+$0x60];
	v30 =	vperm.xlane v19, v61;
	v19 =	vsel vm2, v24, v29;
	v33 =	vadd.s32 v25, v41  }
0xad: {  	v29 =	vperm.xlane v37, v38;
	v32 =	vand.u32 $0xF, v19;
	v2 =	vadd.s32 v33, v45;
	_, v38, _ =	vpop (xrf1);
	(xrf1) =	vunique.msk.u32 $0xffff, v43  }
0xae: {  	v37 =	vperm.xlane v40, v59;
	v41 =	vperm.xlane v2, v31;
	v2 =	vadd.s32 v2, v47;
	_, v40, _ =	vpop (xrf1);
	(xrf1) =	vunique.msk.u32 $0xffff, v32  }
0xaf: {  	v35 =	vand.u32 $0xF, v10;
	v43 =	vperm.xlane v2, v39;
	v2 =	vadd.s32 v2, v48  }
0xb0: {  	v27 =	vxor.u32 $0x7FFFFFFF, v17;
	_, v39, _ =	vpop (xrf1);
	(xrf1) =	vunique.msk.u32 $0xffff, v35;
	v24 =	vperm.xlane v2, v44;
	v2 =	vadd.s32 v2, v49  }
0xb1: {  	s18 =	simm.s32 $0x10180;
	s19 =	simm.s32 $0x180;
	s17 =	simm.s32 $0x0;
	v31 =	vand.u32 $0xF, v21;
	v44 =	vperm.xlane v2, v42;
	v34 =	vadd.s32 v2, v50;
	v42 =	vld [tilespmem:s15+$0x70]  }
.LBB2_5:
0xb2: {  	v2 =	vld [tilespmem:s19+$0x60];
	s17 =	sadd.s32 $0x10, s17;
	v22 =	vperm.xlane v22, v35;
	v35 =	vadd.s32 v41, v36;
	v36 =	vadd.s32 v43, v38;
	s16 =	simm.s32 $0x8080  }
0xb3: {  	v41 =	vand.u32 $0xF, v7;
	v18 =	vperm.xlane v18, v32;
	v38 =	vld [tilespmem:s19+$0x40];
	p0 =	slt.u32 s17, $0x7F0;
	v32 =	vadd.s32 v44, v40;
	_, v40, _ =	vpop (xrf1)  }
0xb4: {  	v16 =	vperm.xlane v33, v16;
	v27 =	vsel vm0, v17, v27;
	v43 =	vld [tilespmem:s19+$0x30];
	v37 =	vadd.s32 v37, v40;
	(xrf1) =	vunique.msk.u32 $0xffff, v41;
	_, v17, _ =	vpop (xrf1)  }
0xb5: {  	v33 =	vld [tilespmem:s19+$0x50];
	v17 =	vadd.s32 v30, v17;
	v30 =	vand.u32 $0xF, v27;
	(xrf1) =	vunique.msk.u32 $0xffff, v31  }
0xb6: {  	v16 =	vadd.s32 v16, v39;
	v40 =	vld [tilespmem:s19+$0x20];
	v39 =	vperm.xlane v34, v30;
	_, v44, _ =	vpop (xrf1);
	(xrf1) =	vunique.msk.u32 $0xffff, v30  }
0xb7: {  	v41 =	vperm.xlane v3, v41;
	v30 =	vld [tilespmem:s19+$0xFFFFFFF0];
	vm0 =	vlt.s32 v2, $0x0;
	v44 =	vadd.s32 v29, v44;
	[tilespmem:v36+s10+$0x0] =	vst.idx.msk $0xffff, v12;
	_, v12, _ =	vpop (xrf1)  }
0xb8: {  	v3 =	vadd.s32 v34, v42;
	v36 =	vld [tilespmem:s19+$0xFFFFFF80];
	[tilespmem:v32+s10+$0x0] =	vst.idx.msk $0xffff, v6;
	_, v6, _ =	vpop (xrf1)  }
0xb9: {  	v29 =	vxor.u32 $0x7FFFFFFF, v2;
	v12 =	vadd.s32 v24, v12;
	v32 =	vld [tilespmem:s19+$0xFFFFFFC0];
	v26 =	vadd.s32 v26, v6;
	[tilespmem:v35+s10+$0x0] =	vst.idx.msk $0xffff, v9;
	_, v9, _ =	vpop (xrf1)  }
0xba: {  	v25 =	vperm.xlane v25, v31;
	v6 =	vsel vm0, v2, v29;
	v24 =	vld [tilespmem:s19+$0x10];
	vm1 =	vlt.s32 v33, $0x0;
	[tilespmem:v17+s10+$0x0] =	vst.idx.msk $0xffff, v13  }
0xbb: {  	v2 =	vimm.s32 $0x0;
	v17 =	vxor.u32 $0x7FFFFFFF, v33;
	v13 =	vld [tilespmem:s19+$0x0];
	v31 =	vxor.u32 $0x7FFFFFFF, v40;
	[tilespmem:v16+s10+$0x0] =	vst.idx.msk $0xffff, v8;
	_, v8, _ =	vpop (xrf1)  }
0xbc: {  	vm3 =	vlt.s32 v40, $0x0;
	v29 =	vld [tilespmem:s19+$0xFFFFFF90];
	vm2 =	vlt.s32 v30, $0x0;
	[tilespmem:v37+s10+$0x0] =	vst.idx.msk $0xffff, v15;
	v15 =	vadd.s32 v28, v8;
	_, v8, _ =	vpop (xrf1)  }
0xbd: {  	v23 =	vadd.s32 v23, v9;
	v16 =	vxor.u32 $0x7FFFFFFF, v30;
	v28 =	vxor.u32 $0x7FFFFFFF, v36;
	v34 =	vld [tilespmem:s19+$0xFFFFFFA0]  }
0xbe: {  	v33 =	vsel vm1, v33, v17;
	vm0 =	vlt.s32 v36, $0x0;
	v35 =	vadd.s32 v18, v8;
	v17 =	vld [tilespmem:s19+$0x70];
	[tilespmem:v26+s10+$0x0] =	vst.idx.msk $0xffff, v20;
	_, v20, _ =	vpop (xrf1)  }
0xbf: {  	v9 =	vxor.u32 $0x7FFFFFFF, v43;
	vm1 =	vlt.s32 v43, $0x0;
	v26 =	vsel vm2, v30, v16;
	v18 =	vld [tilespmem:s18+$0xFFFFFF80];
	[tilespmem:v44+s10+$0x0] =	vst.idx.msk $0xffff, v14  }
0xc0: {  	v9 =	vsel vm1, v43, v9;
	vm1 =	vlt.s32 v38, $0x0;
	v8 =	vsel vm3, v40, v31;
	v14 =	vld [tilespmem:s18+$0xFFFFFF90];
	[tilespmem:v12+s10+$0x0] =	vst.idx.msk $0xffff, v4  }
0xc1: {  	v31 =	vand.u32 $0xF, v9;
	v16 =	vand.u32 $0xF, v8;
	v12 =	vxor.u32 $0x7FFFFFFF, v38;
	v4 =	vmovc v33;
	v30 =	vld [tilespmem:s19+$0xFFFFFFD0]  }
0xc2: {  	vm3 =	vlt.s32 v32, $0x0;
	v42 =	vxor.u32 $0x7FFFFFFF, v24;
	v12 =	vsel vm1, v38, v12;
	[tilespmem:v15+s10+$0x0] =	vst.idx.msk $0xffff, v5;
	_, v5, _ =	vpop (xrf1)  }
0xc3: {  	vm2 =	vlt.s32 v13, $0x0;
	v43 =	vand.u32 $0xF, v12;
	v33 =	vld [tilespmem:s19+$0xFFFFFFE0];
	(xrf1) =	vunique.msk.u32 $0xffff, v31;
	v37 =	vadd.s32 v41, v5;
	_, v5, _ =	vpop (xrf1)  }
0xc4: {  	vm1 =	vlt.s32 v24, $0x0;
	v15 =	vxor.u32 $0x7FFFFFFF, v13;
	v18 =	vadd.s32 v3, v18;
	(xrf1) =	vunique.msk.u32 $0xffff, v43;
	_, v38, _ =	vpop (xrf1)  }
0xc5: {  	v44 =	vand.u32 $0xF, v6;
	v40 =	vadd.s32 v18, v14;
	v14 =	vld [tilespmem:s18+$0xFFFFFFA0];
	[tilespmem:v23+s10+$0x0] =	vst.idx.msk $0xffff, v11;
	v11 =	vadd.s32 v39, v38  }
0xc6: {  	v13 =	vsel vm2, v13, v15;
	v23 =	vadd.s32 v25, v5;
	v5 =	vmovc v26;
	vm4 =	vlt.s32 v30, $0x0;
	(xrf1) =	vunique.msk.u32 $0xffff, v44  }
0xc7: {  	v45 =	vand.u32 $0xF, v4;
	v26 =	vxor.u32 $0x7FFFFFFF, v32;
	v15 =	vxor.u32 $0x7FFFFFFF, v30;
	v25 =	vld [tilespmem:s18+$0xFFFFFFB0];
	[tilespmem:v35+s10+$0x0] =	vst.idx.msk $0xffff, v19  }
0xc8: {  	vm2 =	vlt.s32 v29, $0x0;
	v15 =	vsel vm4, v30, v15;
	v19 =	vld [tilespmem:s19+$0xFFFFFFB0];
	vm4 =	vlt.s32 v33, $0x0;
	(xrf1) =	vunique.msk.u32 $0xffff, v16  }
0xc9: {  	v35 =	vxor.u32 $0x7FFFFFFF, v29;
	v39 =	vand.u32 $0xF, v15;
	v30 =	vld [tilespmem:s18+$0xFFFFFFC0];
	[tilespmem:v37+s10+$0x0] =	vst.idx.msk $0xffff, v7;
	v37 =	vadd.s32 v22, v20  }
0xca: {  	v7 =	vsel vm0, v36, v28;
	v28 =	vxor.u32 $0x7FFFFFFF, v34;
	v22 =	vadd.s32 v40, v14;
	v36 =	vld [tilespmem:s18+$0xFFFFFFD0];
	[tilespmem:v11+s10+$0x0] =	vst.idx.msk $0xffff, v27  }
0xcb: {  	v38 =	vand.u32 $0xF, v13;
	vm0 =	vlt.s32 v17, $0x0;
	v14 =	vsel vm3, v32, v26;
	v32 =	vld [tilespmem:s18+$0xFFFFFFE0];
	[tilespmem:v23+s10+$0x0] =	vst.idx.msk $0xffff, v21  }
0xcc: {  	vm3 =	vlt.s32 v34, $0x0;
	v11 =	vxor.u32 $0x7FFFFFFF, v33;
	v27 =	vxor.u32 $0x7FFFFFFF, v17;
	v21 =	vld [tilespmem:s18+$0xFFFFFFF0];
	(xrf1) =	vunique.msk.u32 $0xffff, v39  }
0xcd: {  	v20 =	vsel vm4, v33, v11;
	v41 =	vadd.s32 v22, v25;
	vm5 =	vlt.s32 v19, $0x0;
	v25 =	vld [tilespmem:s18+$0x0];
	(xrf1) =	vunique.msk.u32 $0xffff, v38  }
0xce: {  	v11 =	vsel vm3, v34, v28;
	v28 =	vand.u32 $0xF, v14;
	v34 =	vadd.s32 v41, v30;
	v33 =	vld [tilespmem:s18+$0x10];
	[tilespmem:v37+s10+$0x0] =	vst.idx.msk $0xffff, v10  }
0xcf: {  	v30 =	vand.u32 $0xF, v20;
	v37 =	vand.u32 $0xF, v5;
	v10 =	vadd.s32 v34, v36;
	v46 =	vld [tilespmem:s18+$0x20];
	(xrf1) =	vunique.msk.u32 $0xffff, v28  }
0xd0: {  	v47 =	vand.u32 $0xF, v11;
	v26 =	vperm.xlane v10, v30;
	v48 =	vadd.s32 v10, v32;
	v49 =	vld [tilespmem:s18+$0x30];
	(xrf1) =	vunique.msk.u32 $0xffff, v45  }
0xd1: {  	v23 =	vperm.xlane v40, v47;
	v10 =	vxor.u32 $0x7FFFFFFF, v19;
	v21 =	vadd.s32 v48, v21;
	v50 =	vld [tilespmem:s18+$0x40];
	(xrf1) =	vunique.msk.u32 $0xffff, v30;
	_, v36, _ =	vpop (xrf1)  }
0xd2: {  	v10 =	vsel vm5, v19, v10;
	v30 =	vperm.xlane v21, v38;
	v25 =	vadd.s32 v21, v25;
	v51 =	vld [tilespmem:s18+$0x50];
	(xrf1) =	vunique.msk.u32 $0xffff, v47;
	_, v38, _ =	vpop (xrf1)  }
0xd3: {  	v19 =	vsel vm2, v29, v35;
	v29 =	vperm.xlane v41, v28;
	v33 =	vadd.s32 v25, v33;
	v47 =	vld [tilespmem:s18+$0x60]  }
.Ltmp1:
0xd4: {  	v28 =	vperm.xlane v48, v37;
	v32 =	vand.u32 $0xF, v19;
	v21 =	vadd.s32 v33, v46;
	(xrf1) =	vunique.msk.u32 $0xffff, v37;
	_, v40, _ =	vpop (xrf1);
	(pc) =	sbr.rel @p0 .LBB2_5-.Ltmp1, $4  }
0xd5: {  	v37 =	vperm.xlane v34, v39;
	v41 =	vperm.xlane v21, v31;
	v21 =	vadd.s32 v21, v49;
	(xrf1) =	vunique.msk.u32 $0xffff, v32  }
0xd6: {  	v35 =	vand.u32 $0xF, v10;
	v43 =	vperm.xlane v21, v43;
	v31 =	vadd.s32 v21, v50;
	_, v39, _ =	vpop (xrf1)  }
0xd7: {  	v21 =	vsel vm1, v24, v42;
	v24 =	vperm.xlane v31, v45;
	v34 =	vadd.s32 v31, v51;
	(xrf1) =	vunique.msk.u32 $0xffff, v35  }
0xd8: {  	s19 =	sadd.s32 $0x100, s19;
	v31 =	vand.u32 $0xF, v21;
	v44 =	vperm.xlane v34, v44;
	v34 =	vadd.s32 v34, v47;
	v42 =	vld [tilespmem:s18+$0x70];
	s18 =	sadd.s32 $0x100, s18  }
0xd9: {  	v42 =	vand.u32 $0xF, v7  }
0xda: {  	v17 =	vsel vm0, v17, v27;
	(xrf1) =	vunique.msk.u32 $0xffff, v42  }
0xdb: {  	v27 =	vand.u32 $0xF, v17;
	(xrf1) =	vunique.msk.u32 $0xffff, v31  }
0xdc: {  	(xrf1) =	vunique.msk.u32 $0xffff, v27  }
0xdd: {  	v38 =	vadd.s32 v43, v38  }
0xde: {  	v16 =	vperm.xlane v33, v16;
	_, v60, _ =	vpop (xrf1);
	v40 =	vadd.s32 v44, v40  }
0xdf: {  	v36 =	vadd.s32 v41, v36;
	_, v61, _ =	vpop (xrf1)  }
0xe0: {  	v16 =	vadd.s32 v16, v39;
	_, v62, _ =	vpop (xrf1)  }
0xe1: {  	v30 =	vadd.s32 v30, v61;
	_, v63, _ =	vpop (xrf1)  }
0xe2: {  	v37 =	vadd.s32 v37, v60;
	[tilespmem:v38+s10+$0x0] =	vst.idx.msk $0xffff, v12;
	_, v12, _ =	vpop (xrf1)  }
0xe3: {  	[tilespmem:v40+s10+$0x0] =	vst.idx.msk $0xffff, v6;
	v6 =	vadd.s32 v26, v12;
	_, v12, _ =	vpop (xrf1)  }
0xe4: {  	[tilespmem:v36+s10+$0x0] =	vst.idx.msk $0xffff, v9;
	v26 =	vadd.s32 v29, v62;
	_, v9, _ =	vpop (xrf1)  }
0xe5: {  	[tilespmem:v16+s10+$0x0] =	vst.idx.msk $0xffff, v8;
	v8 =	vadd.s32 v28, v9  }
0xe6: {  	v18 =	vperm.xlane v18, v32;
	v24 =	vadd.s32 v24, v63;
	[tilespmem:v30+s10+$0x0] =	vst.idx.msk $0xffff, v13;
	_, v13, _ =	vpop (xrf1)  }
0xe7: {  	v3 =	vperm.xlane v3, v42;
	[tilespmem:v37+s10+$0x0] =	vst.idx.msk $0xffff, v15;
	v12 =	vadd.s32 v23, v12;
	_, v9, _ =	vpop (xrf1)  }
0xe8: {  	v13 =	vadd.s32 v18, v13;
	v18 =	vperm.xlane v25, v31;
	[tilespmem:v6+s10+$0x0] =	vst.idx.msk $0xffff, v20;
	_, v15, _ =	vpop (xrf1)  }
0xe9: {  	s25 =	simm.s32 $0x80;
	v16 =	vperm.xlane v34, v27;
	[tilespmem:v26+s10+$0x0] =	vst.idx.msk $0xffff, v14;
	_, v6, _ =	vpop (xrf1);
	v3 =	vadd.s32 v3, v15  }
0xea: {  	v46 =	vmov s25;
	s25 =	simm.s32 $0x1E0;
	[tilespmem:v8+s10+$0x0] =	vst.idx.msk $0xffff, v5;
	v15 =	vperm.xlane v22, v35;
	_, v14, _ =	vpop (xrf1);
	v5 =	vadd.s32 v18, v6  }
0xeb: {  	s21 =	simm.s32 $0xE0;
	s23 =	simm.s32 $0x90;
	v54 =	vmov s25;
	[tilespmem:v24+s10+$0x0] =	vst.idx.msk $0xffff, v4;
	v4 =	vadd.s32 v16, v14  }
0xec: {  	s26 =	simm.s32 $0x10;
	s24 =	simm.s32 $0xB0;
	v23 =	vmov s23;
	v20 =	vmov s21;
	[tilespmem:v12+s10+$0x0] =	vst.idx.msk $0xffff, v11;
	v6 =	vadd.s32 v15, v9  }
0xed: {  	s28 =	simm.s32 $0x50;
	v30 =	vmov s24;
	v11 =	vmov s26;
	v20 =	vshrl.u32 v20, $0x7;
	[tilespmem:v13+s10+$0x0] =	vst.idx.msk $0xffff, v19  }
0xee: {  	s19 =	simm.s32 $0x40;
	v12 =	vmov s28;
	v11 =	vshrl.u32 v11, $0x7;
	v20 =	vshll.u32 v20, v1;
	[tilespmem:v3+s10+$0x0] =	vst.idx.msk $0xffff, v7  }
0xef: {  	v8 =	vmov s19;
	v11 =	vshll.u32 v11, v1;
	v20 =	vor.u32 $0x60, v20;
	[tilespmem:v5+s10+$0x0] =	vst.idx.msk $0xffff, v21  }
0xf0: {  	s19 =	simm.s32 $0x110;
	v8 =	vshrl.u32 v8, $0x7;
	v11 =	vor.u32 $0x10, v11;
	v35 =	vshrl.u32 v46, $0x7;
	[tilespmem:v4+s10+$0x0] =	vst.idx.msk $0xffff, v17  }
0xf1: {  	s29 =	simm.s32 $0xD0;
	s31 =	simm.s32 $0x30;
	v51 =	vmov s19;
	v58 =	vbroadcast v20, $0x0;
	v8 =	vshll.u32 v8, v1;
	[tilespmem:v6+s10+$0x0] =	vst.idx.msk $0xffff, v10  }
0xf2: {  	v35 =	vshll.u32 v35, v1;
	v14 =	vmov s29;
	v16 =	vmov s31;
	v3 =	vld [tilespmem:s16+$0xFFFFFF90]  }
0xf3: {  	v8 =	vor.u32 $0x40, v8;
	v16 =	vshrl.u32 v16, $0x7;
	v14 =	vshrl.u32 v14, $0x7;
	v4 =	vld [tilespmem:s16+$0xFFFFFFD0]  }
0xf4: {  	s17 =	simm.s32 $0xF0;
	s20 =	simm.s32 $0x70;
	v8 =	vbroadcast v8, $0x0;
	v16 =	vshll.u32 v16, v1;
	v14 =	vshll.u32 v14, v1;
	v9 =	vld [tilespmem:s16+$0x10]  }
0xf5: {  	s22 =	simm.s32 $0x60;
	v7 =	vmov s20;
	v16 =	vor.u32 $0x30, v16;
	v5 =	vmov s17;
	v10 =	vld [tilespmem:s16+$0xFFFFFFB0]  }
0xf6: {  	s18 =	simm.s32 $0x0;
	v7 =	vshrl.u32 v7, $0x7;
	v21 =	vmov s22;
	v16 =	vbroadcast v16, $0x0;
	v13 =	vld [tilespmem:s16+$0xFFFFFF80]  }
0xf7: {  	v6 =	vmov s18;
	v21 =	vshrl.u32 v21, $0x7;
	v29 =	vshrl.u32 v5, $0x7;
	v17 =	vld [tilespmem:s16+$0xFFFFFFF0]  }
0xf8: {  	v7 =	vshll.u32 v7, v1;
	v6 =	vshrl.u32 v6, $0x7;
	v24 =	vld [tilespmem:s16+$0xFFFFFFE0];
	v21 =	vshll.u32 v21, v1;
	[tilespmem:s15+$0xFFFFFFE0] =	vst v0  }
0xf9: {  	v22 =	vld [tilespmem:s16+$0xFFFFFFC0];
	v31 =	vor.u32 $0x70, v7;
	v7 =	vbroadcast v11, $0x0;
	[tilespmem:s15+$0xFFFFFF90] =	vst v0;
	v3 =	vshrl.u32 v3, $0x4  }
0xfa: {  	v19 =	vld [tilespmem:s16+$0xFFFFFFA0];
	v11 =	vshrl.u32 v30, $0x7;
	[tilespmem:s15+$0xFFFFFFD0] =	vst v0;
	v15 =	vand.u32 $0xF, v3;
	v3 =	vshrl.u32 v12, $0x7  }
0xfb: {  	v43 =	vld [tilespmem:s16+$0x50];
	[tilespmem:s15+$0xFFFFFFF0] =	vst v0;
	v18 =	vshrl.u32 v4, $0x4;
	v25 =	vshll.u32 v3, v1;
	v3 =	vshrl.u32 v23, $0x7  }
0xfc: {  	v6 =	vshll.u32 v6, v1;
	v18 =	vand.u32 $0xF, v18;
	(xrf1) =	vunique.msk.u32 $0xffff, v15;
	v23 =	vld [tilespmem:s16+$0x20];
	v3 =	vshll.u32 v3, v1  }
0xfd: {  	v45 =	vld [tilespmem:s16+$0x60];
	v11 =	vshll.u32 v11, v1;
	(xrf1) =	vunique.msk.u32 $0xffff, v18;
	v26 =	vor.u32 $0x10, v3;
	v3 =	vshrl.u32 v17, $0x4  }
0xfe: {  	s17 =	simm.s32 $0x8180;
	[tilespmem:s15+$0xFFFFFF80] =	vst v0;
	v21 =	vor.u32 $0x60, v21;
	v17 =	vld [tilespmem:s16+$0x30];
	v27 =	vand.u32 $0xF, v3;
	v3 =	vshrl.u32 v22, $0x4  }
0xff: {  	v55 =	vld [tilespmem:s17+$0xFFFFFFA0];
	v6 =	vbroadcast v6, $0x0;
	(xrf1) =	vunique.msk.u32 $0xffff, v27;
	v28 =	vand.u32 $0xF, v3;
	v3 =	vshrl.u32 v24, $0x4  }
0x100: {  	v59 =	vld [tilespmem:s17+$0x0];
	v11 =	vor.u32 $0x30, v11;
	v10 =	vshrl.u32 v10, $0x4;
	v3 =	vand.u32 $0xF, v3;
	(xrf1) =	vunique.msk.u32 $0xffff, v28  }
0x101: {  	s20 =	simm.s32 $0xC0;
	v21 =	vbroadcast v21, $0x0;
	v10 =	vand.u32 $0xF, v10;
	v22 =	vld [tilespmem:s16+$0x0];
	v23 =	vshrl.u32 v23, $0x4;
	(xrf1) =	vunique.msk.u32 $0xffff, v3  }
0x102: {  	v11 =	vbroadcast v11, $0x0;
	v4 =	vmov s20;
	v23 =	vand.u32 $0xF, v23;
	(xrf1) =	vunique.msk.u32 $0xffff, v10  }
0x103: {  	v9 =	vshrl.u32 v9, $0x4;
	v13 =	vshrl.u32 v13, $0x4;
	v17 =	vshrl.u32 v17, $0x4;
	(xrf1) =	vunique.msk.u32 $0xffff, v23  }
0x104: {  	[tilespmem:s15+$0xFFFFFFA0] =	vst v0;
	v19 =	vshrl.u32 v19, $0x4;
	v32 =	vshrl.u32 v43, $0x4;
	v17 =	vand.u32 $0xF, v17  }
0x105: {  	s30 =	simm.s32 $0x20;
	v34 =	vshrl.u32 v45, $0x4;
	v20 =	vshrl.u32 v55, $0x4;
	v60 =	vshrl.u32 v59, $0x4;
	(xrf1) =	vunique.msk.u32 $0xffff, v17  }
0x106: {  	[tilespmem:s15+$0xFFFFFFC0] =	vst v0;
	v12 =	vmov s30;
	v19 =	vand.u32 $0xF, v19;
	v22 =	vshrl.u32 v22, $0x4  }
0x107: {  	v5 =	vld [tilespmem:s16+$0x40];
	v9 =	vand.u32 $0xF, v9;
	v13 =	vand.u32 $0xF, v13;
	v22 =	vand.u32 $0xF, v22;
	(xrf1) =	vunique.msk.u32 $0xffff, v19  }
0x108: {  	s26 =	simm.s32 $0xA0;
	v32 =	vand.u32 $0xF, v32;
	v4 =	vshrl.u32 v4, $0x7;
	v20 =	vand.u32 $0xF, v20;
	v24 =	vld [tilespmem:s16+$0x70];
	(xrf1) =	vunique.msk.u32 $0xffff, v22  }
0x109: {  	v25 =	vor.u32 $0x50, v25;
	(xrf1) =	vunique.msk.u32 $0xffff, v13;
	v13 =	vor.u32 v6, v13;
	v6 =	vmov s26  }
0x10a: {  	[tilespmem:s15+$0xFFFFFFB0] =	vst v0;
	v12 =	vshrl.u32 v12, $0x7;
	v25 =	vbroadcast v25, $0x0;
	v6 =	vshrl.u32 v6, $0x7;
	_, v30, vm2 =	vpop (xrf1)  }
0x10b: {  	v15 =	vor.u32 v7, v15;
	v12 =	vshll.u32 v12, v1;
	(xrf1) =	vunique.msk.u32 $0xffff, v9;
	v6 =	vshll.u32 v6, v1;
	_, v44, vm5 =	vpop (xrf1)  }
0x10c: {  	[tilespmem:s15+$0x40] =	vst v0;
	v18 =	vor.u32 v25, v18;
	v25 =	vshrl.u32 v5, $0x4;
	v6 =	vor.u32 $0x20, v6  }
0x10d: {  	v24 =	vshrl.u32 v24, $0x4;
	v48 =	vbroadcast v6, $0x0;
	v6 =	vand.u32 $0xF, v34;
	_, v5, vm0 =	vpop (xrf1);
	(xrf1) =	vunique.msk.u32 $0xffff, v32  }
0x10e: {  	v28 =	vor.u32 v8, v28;
	v8 =	vor.u32 v11, v17;
	v11 =	vand.u32 $0xF, v24;
	_, v47, vm3 =	vpop (xrf1);
	(xrf1) =	vunique.msk.u32 $0xffff, v6  }
0x10f: {  	v4 =	vshll.u32 v4, v1;
	v12 =	vor.u32 $0x20, v12;
	v26 =	vbroadcast v26, $0x0;
	_, v7, vm1 =	vpop (xrf1);
	(xrf1) =	vunique.msk.u32 $0xffff, v11  }
0x110: {  	[tilespmem:s15+$0x10] =	vst v0;
	v12 =	vbroadcast v12, $0x0;
	v3 =	vor.u32 v21, v3;
	v17 =	vbroadcast v31, $0x0;
	_, v49, vm4 =	vpop (xrf1)  }
0x111: {  	v24 =	vshll.u32 v29, v1;
	v29 =	vbroadcast v35, $0x0;
	v23 =	vor.u32 v48, v23;
	v48 =	vld [tilespmem:s17+$0x60];
	[tilespmem:v18+s9+$0x0] =	vst.idx.msk vm5, v44;
	_, v18, vm5 =	vpop (xrf1)  }
0x112: {  	v37 =	vand.u32 $0xF, v60;
	v12 =	vor.u32 v12, v19;
	v10 =	vor.u32 v16, v10;
	[tilespmem:v15+s9+$0x0] =	vst.idx.msk vm2, v30;
	v30 =	vld [tilespmem:s17+$0xFFFFFFB0]  }
0x113: {  	s31 =	simm.s32 $0x170;
	[tilespmem:s15+$0x20] =	vst v0;
	v19 =	vor.u32 $0x50, v14;
	v27 =	vor.u32 v17, v27;
	v17 =	vor.u32 v29, v22;
	_, v50, vm6 =	vpop (xrf1)  }
0x114: {  	[tilespmem:s15+$0x30] =	vst v0;
	v22 =	vand.u32 $0xF, v25;
	v25 =	vor.u32 $0x40, v4;
	v4 =	vmov s31  }
0x115: {  	s22 =	simm.s32 $0x120;
	s20 =	simm.s32 $0x1D0;
	[tilespmem:s15+$0x0] =	vst v0;
	v19 =	vbroadcast v19, $0x0;
	v9 =	vor.u32 v26, v9;
	v29 =	vshrl.u32 v4, $0x7;
	_, v26, vm8 =	vpop (xrf1)  }
0x116: {  	v4 =	vmov s20;
	v6 =	vor.u32 v58, v6;
	v15 =	vmov s22;
	_, v31, vm7 =	vpop (xrf1);
	[tilespmem:v3+s9+$0x0] =	vst.idx.msk vm1, v7  }
0x117: {  	v35 =	vshrl.u32 v48, $0x4;
	v30 =	vshrl.u32 v30, $0x4;
	v7 =	vor.u32 v19, v32;
	[tilespmem:v23+s9+$0x0] =	vst.idx.msk vm5, v18;
	_, v14, vm5 =	vpop (xrf1)  }
0x118: {  	s28 =	simm.s32 $0x1F0;
	s29 =	simm.s32 $0x100;
	[tilespmem:v27+s9+$0x0] =	vst.idx.msk vm0, v5;
	v3 =	vshrl.u32 v15, $0x7;
	v27 =	vand.u32 $0xF, v30;
	v18 =	vor.u32 $0x70, v24  }
0x119: {  	v23 =	vmov s28;
	v24 =	vmov s29;
	[tilespmem:v8+s9+$0x0] =	vst.idx.msk vm6, v50;
	v8 =	vld [tilespmem:s17+$0xFFFFFF90];
	v18 =	vbroadcast v18, $0x0;
	_, v16, vm6 =	vpop (xrf1)  }
0x11a: {  	s21 =	simm.s32 $0x150;
	s30 =	simm.s32 $0x140;
	[tilespmem:v10+s9+$0x0] =	vst.idx.msk vm4, v49;
	v3 =	vshll.u32 v3, v1;
	v24 =	vshrl.u32 v24, $0x7;
	v30 =	vshrl.u32 v23, $0x7  }
0x11b: {  	s23 =	simm.s32 $0x130;
	[tilespmem:v12+s9+$0x0] =	vst.idx.msk vm8, v26;
	v12 =	vmov s30;
	v26 =	vld [tilespmem:s17+$0xFFFFFFD0];
	v10 =	vor.u32 v18, v11;
	v11 =	vmov s21;
	_, v52, vm4 =	vpop (xrf1)  }
0x11c: {  	[tilespmem:v17+s9+$0x0] =	vst.idx.msk vm7, v31;
	v12 =	vshrl.u32 v12, $0x7;
	v31 =	vld [tilespmem:s17+$0x10];
	v18 =	vmov s23;
	v11 =	vshrl.u32 v11, $0x7;
	_, v53, vm2 =	vpop (xrf1)  }
0x11d: {  	v12 =	vshll.u32 v12, v1;
	v18 =	vshrl.u32 v18, $0x7;
	v11 =	vshll.u32 v11, v1;
	[tilespmem:v13+s9+$0x0] =	vst.idx.msk vm5, v14;
	_, v21, vm5 =	vpop (xrf1)  }
0x11e: {  	s26 =	simm.s32 $0x160;
	(xrf1) =	vunique.msk.u32 $0xffff, v22;
	v23 =	vshll.u32 v18, v1;
	v8 =	vshrl.u32 v8, $0x4;
	v13 =	vshll.u32 v24, v1;
	v24 =	vld [tilespmem:s17+$0xFFFFFFF0]  }
0x11f: {  	v56 =	vld [tilespmem:s17+$0xFFFFFFC0];
	v14 =	vmov s26;
	v8 =	vand.u32 $0xF, v8;
	[tilespmem:v9+s9+$0x0] =	vst.idx.msk vm6, v16;
	v9 =	vshrl.u32 v51, $0x7  }
0x120: {  	v57 =	vld [tilespmem:s17+$0xFFFFFFE0];
	[tilespmem:v28+s9+$0x0] =	vst.idx.msk vm3, v47;
	v16 =	vshrl.u32 v26, $0x4;
	v28 =	vshrl.u32 v14, $0x7;
	v13 =	vbroadcast v13, $0x0  }
0x121: {  	s28 =	simm.s32 $0x190;
	v26 =	vld [tilespmem:s17+$0xFFFFFF80];
	(xrf1) =	vunique.msk.u32 $0xffff, v8;
	v16 =	vand.u32 $0xF, v16;
	v31 =	vshrl.u32 v31, $0x4;
	v9 =	vshll.u32 v9, v1  }
0x122: {  	[tilespmem:s15+$0x70] =	vst v0;
	v5 =	vld [tilespmem:s15+$0xFFFFFF80];
	v28 =	vshll.u32 v28, v1;
	v14 =	vand.u32 $0xF, v31;
	v31 =	vmov s28  }
0x123: {  	(xrf1) =	vunique.msk.u32 $0xffff, v16;
	v15 =	vshrl.u32 v24, $0x4;
	v24 =	vld [tilespmem:s17+$0x20];
	[tilespmem:v10+s9+$0x0] =	vst.idx.msk vm5, v21;
	v10 =	vor.u32 $0x40, v12  }
0x124: {  	[tilespmem:s15+$0x60] =	vst v0;
	v19 =	vand.u32 $0xF, v15;
	v15 =	vbroadcast v25, $0x0;
	v25 =	vbroadcast v10, $0x0;
	v10 =	vld [tilespmem:s17+$0x30]  }
0x125: {  	[tilespmem:s15+$0x50] =	vst v0;
	v31 =	vshrl.u32 v31, $0x7;
	v12 =	vor.u32 $0x20, v3;
	v3 =	vshrl.u32 v56, $0x4  }
0x126: {  	[tilespmem:v7+s9+$0x0] =	vst.idx.msk vm4, v52;
	(xrf1) =	vunique.msk.u32 $0xffff, v19;
	v21 =	vand.u32 $0xF, v3;
	v3 =	vshrl.u32 v57, $0x4  }
0x127: {  	v31 =	vshll.u32 v31, v1;
	[tilespmem:v6+s9+$0x0] =	vst.idx.msk vm2, v53;
	v3 =	vand.u32 $0xF, v3;
	(xrf1) =	vunique.msk.u32 $0xffff, v21  }
0x128: {  	v26 =	vshrl.u32 v26, $0x4;
	v2 =	vadd.s32 v2, v5;
	(xrf1) =	vunique.msk.u32 $0xffff, v3;
	v24 =	vshrl.u32 v24, $0x4  }
0x129: {  	v6 =	vand.u32 $0xF, v26;
	(xrf1) =	vunique.msk.u32 $0xffff, v27;
	v24 =	vand.u32 $0xF, v24;
	v7 =	vshrl.u32 v10, $0x4  }
0x12a: {  	s29 =	simm.s32 $0x1B0;
	v5 =	vld [tilespmem:s15+$0xFFFFFF90];
	v22 =	vor.u32 v15, v22;
	(xrf1) =	vunique.msk.u32 $0xffff, v24;
	v61 =	vand.u32 $0xF, v7;
	v7 =	vshll.u32 v29, v1  }
0x12b: {  	s16 =	simm.s32 $0x10180;
	v15 =	vld [tilespmem:s17+$0x70];
	v10 =	vor.u32 $0x50, v11;
	(xrf1) =	vunique.msk.u32 $0xffff, v61;
	v26 =	vor.u32 $0x70, v7;
	v7 =	vmov s29  }
0x12c: {  	[tilespmem:s16+$0xFFFFFFE0] =	vst v0;
	v9 =	vor.u32 $0x10, v9;
	v31 =	vor.u32 $0x10, v31;
	v10 =	vbroadcast v10, $0x0  }
0x12d: {  	v50 =	vld [tilespmem:s17+$0x50];
	v9 =	vbroadcast v9, $0x0;
	v56 =	vshrl.u32 v4, $0x7;
	v31 =	vbroadcast v31, $0x0;
	(xrf1) =	vunique.msk.u32 $0xffff, v20  }
0x12e: {  	s30 =	simm.s32 $0x1A0;
	v18 =	vld [tilespmem:s15+$0xFFFFFFA0];
	_, v33, vm2 =	vpop (xrf1);
	v63 =	vbroadcast v12, $0x0;
	v12 =	vshrl.u32 v7, $0x7;
	v16 =	vor.u32 v10, v16;
	(xrf1) =	vunique.msk.u32 $0xffff, v37  }
0x12f: {  	v11 =	vld [tilespmem:s17+$0x40];
	v10 =	vshll.u32 v12, v1;
	v12 =	vor.u32 v13, v6;
	_, v7, vm1 =	vpop (xrf1);
	(xrf1) =	vunique.msk.u32 $0xffff, v6;
	v6 =	vmov s30  }
0x130: {  	[tilespmem:s16+$0xFFFFFFA0] =	vst v0;
	s31 =	simm.s32 $0x180;
	v2 =	vadd.s32 v5, v2;
	v62 =	vshrl.u32 v15, $0x4;
	v29 =	vld [tilespmem:s15+$0xFFFFFFB0];
	v6 =	vshrl.u32 v6, $0x7  }
0x131: {  	[tilespmem:s16+$0xFFFFFFC0] =	vst v0;
	v5 =	vld [tilespmem:s15+$0xFFFFFFC0];
	v15 =	vshrl.u32 v54, $0x7;
	v51 =	vor.u32 $0x30, v10;
	v10 =	vmov s31;
	_, v49, vm4 =	vpop (xrf1)  }
0x132: {  	v53 =	vld [tilespmem:s15+$0xFFFFFFD0];
	v57 =	vor.u32 $0x30, v23;
	v21 =	vor.u32 v25, v21;
	v10 =	vshrl.u32 v10, $0x7;
	(xrf1) =	vunique.msk.u32 $0xffff, v14  }
0x133: {  	[tilespmem:s16+$0xFFFFFFB0] =	vst v0;
	v2 =	vadd.s32 v18, v2;
	v18 =	vor.u32 v9, v8;
	v9 =	vshrl.u32 v50, $0x4;
	v54 =	vld [tilespmem:s15+$0xFFFFFFE0]  }
0x134: {  	v45 =	vld [tilespmem:s15+$0xFFFFFFF0];
	[tilespmem:v22+s9+$0x0] =	vst.idx.msk vm2, v33;
	v25 =	vbroadcast v26, $0x0;
	v52 =	vshrl.u32 v11, $0x4;
	v13 =	vshll.u32 v6, v1;
	_, v6, vm0 =	vpop (xrf1)  }
0x135: {  	[tilespmem:s16+$0xFFFFFF90] =	vst v0;
	v22 =	vld [tilespmem:s15+$0x0];
	v11 =	vshll.u32 v15, v1;
	v2 =	vadd.s32 v29, v2;
	v55 =	vshll.u32 v10, v1;
	_, v15, vm3 =	vpop (xrf1)  }
0x136: {  	[tilespmem:s16+$0xFFFFFFD0] =	vst v0;
	v2 =	vadd.s32 v5, v2;
	v8 =	vor.u32 $0x20, v13;
	v13 =	vand.u32 $0xF, v9;
	_, v10, vm2 =	vpop (xrf1)  }
0x137: {  	v4 =	vld [tilespmem:s15+$0x20];
	v2 =	vadd.s32 v53, v2;
	v8 =	vbroadcast v8, $0x0;
	(xrf1) =	vunique.msk.u32 $0xffff, v13;
	[tilespmem:v16+s9+$0x0] =	vst.idx.msk vm4, v49;
	_, v23, vm4 =	vpop (xrf1)  }
0x138: {  	[tilespmem:s16+$0xFFFFFFF0] =	vst v0;
	v58 =	vbroadcast v51, $0x0;
	v5 =	vld [tilespmem:s15+$0x30];
	v9 =	vand.u32 $0xF, v35;
	v2 =	vadd.s32 v54, v2;
	_, v59, vm5 =	vpop (xrf1)  }
0x139: {  	v29 =	vor.u32 v31, v14;
	v14 =	vld [tilespmem:s15+$0x50];
	v2 =	vadd.s32 v45, v2;
	(xrf1) =	vunique.msk.u32 $0xffff, v9;
	v26 =	vor.u32 v8, v24;
	_, v60, vm6 =	vpop (xrf1)  }
0x13a: {  	s24 =	simm.s32 $0x1C0;
	[tilespmem:s16+$0xFFFFFF80] =	vst v0;
	v31 =	vor.u32 v58, v61;
	v61 =	vshll.u32 v30, v1;
	v30 =	vadd.s32 v22, v2;
	v22 =	vld [tilespmem:s15+$0x40]  }
0x13b: {  	v17 =	vmov s24;
	v28 =	vor.u32 $0x60, v28;
	[tilespmem:s16+$0x20] =	vst v0;
	v32 =	vand.u32 $0xF, v62;
	v8 =	vld [tilespmem:s15+$0x70]  }
0x13c: {  	[tilespmem:s16+$0x30] =	vst v0;
	v34 =	vor.u32 $0x70, v61;
	v24 =	vbroadcast v28, $0x0;
	v28 =	vbroadcast v55, $0x0;
	v16 =	vld [tilespmem:s15+$0x10];
	_, v35, vm7 =	vpop (xrf1)  }
0x13d: {  	v38 =	vor.u32 v63, v20;
	[tilespmem:s16+$0x40] =	vst v0;
	v62 =	vshrl.u32 v17, $0x7;
	(xrf1) =	vunique.msk.u32 $0xffff, v32;
	v2 =	vld [tilespmem:s16+$0xFFFFFFD0];
	_, v36, vm8 =	vpop (xrf1)  }
0x13e: {  	v63 =	vbroadcast v57, $0x0;
	v40 =	vshll.u32 v62, v1;
	v39 =	vor.u32 v28, v37;
	[tilespmem:v26+s9+$0x0] =	vst.idx.msk vm5, v59;
	v26 =	vld [tilespmem:s15+$0x60]  }
0x13f: {  	s19 =	simm.s32 $0x8280;
	v17 =	vor.u32 v25, v19;
	v19 =	vshll.u32 v56, v1;
	v20 =	vand.u32 $0xF, v52;
	_, v33, vm5 =	vpop (xrf1);
	v25 =	vld [tilespmem:s16+$0x20];
	[tilespmem:v31+s9+$0x0] =	vst.idx.msk vm6, v60  }
0x140: {  	s18 =	simm.s32 $0x10280;
	s17 =	simm.s32 $0x2F0;
	v28 =	vor.u32 $0x50, v19;
	v37 =	vbroadcast v34, $0x0;
	(xrf1) =	vunique.msk.u32 $0xffff, v20;
	s15 =	simm.s32 $0x10;
	_, v34, vm6 =	vpop (xrf1);
	v31 =	vor.u32 v63, v27;
	v19 =	vld [tilespmem:s16+$0x30]  }
.LBB2_7:
0x141: {  	s20 =	sadd.s32 $0xFFFFFF10, s17;
	v41 =	vld [tilespmem:s19+$0xFFFFFF90];
	s22 =	sadd.s32 $0xFFFFFF50, s17;
	s21 =	sadd.s32 $0xFFFFFF80, s17;
	v27 =	vmov s17;
	[tilespmem:s16+$0x0] =	vst v0;
	v40 =	vor.u32 $0x40, v40;
	v16 =	vadd.s32 v16, v30  }
0x142: {  	s23 =	sadd.s32 $0xFFFFFFF0, s17;
	v30 =	vmov s20;
	v42 =	vld [tilespmem:s19+$0xFFFFFFB0];
	v43 =	vmov s21;
	s20 =	sadd.s32 $0xFFFFFF90, s17;
	s21 =	sadd.s32 $0xFFFFFFB0, s17;
	[tilespmem:v38+s9+$0x0] =	vst.idx.msk vm7, v35;
	v45 =	vadd.s32 v4, v16  }
0x143: {  	s24 =	sadd.s32 $0xFFFFFF20, s17;
	s25 =	sadd.s32 $0xFFFFFFE0, s17;
	v16 =	vshrl.u32 v30, $0x7;
	v30 =	vmov s22;
	v35 =	vld [tilespmem:s19+$0xFFFFFFD0];
	s22 =	sadd.s32 $0xFFFFFFD0, s17;
	[tilespmem:v39+s9+$0x0] =	vst.idx.msk vm8, v36;
	v39 =	vadd.s32 v5, v45  }
0x144: {  	s26 =	sadd.s32 $0xFFFFFF30, s17;
	s15 =	sadd.s32 $0x10, s15;
	v36 =	vld [tilespmem:s19+$0xFFFFFF80];
	v38 =	vshrl.u32 v30, $0x7;
	v30 =	vshrl.u32 v43, $0x7;
	[tilespmem:s16+$0x10] =	vst v0;
	v44 =	vadd.s32 v22, v39;
	v4 =	vmovc v25  }
0x145: {  	s28 =	sadd.s32 $0xFFFFFF60, s17;
	p0 =	slt.u32 s15, $0x7F0;
	v39 =	vmov s24;
	s24 =	sadd.s32 $0xFFFFFF40, s17;
	v22 =	vmov s25;
	v43 =	vld [tilespmem:s19+$0x10];
	[tilespmem:v31+s9+$0x0] =	vst.idx.msk vm4, v23;
	v31 =	vor.u32 v37, v32;
	_, v37, vm7 =	vpop (xrf1)  }
0x146: {  	v32 =	vmov s28;
	v5 =	vmovc v19;
	v23 =	vshrl.u32 v41, $0x4;
	[tilespmem:v18+s9+$0x0] =	vst.idx.msk vm1, v7;
	v25 =	vld [tilespmem:s16+$0xFFFFFFA0];
	v7 =	vadd.s32 v14, v44  }
0x147: {  	v14 =	vshrl.u32 v32, $0x7;
	v18 =	vand.u32 $0xF, v23;
	v23 =	vld [tilespmem:s16+$0xFFFFFFB0];
	[tilespmem:v29+s9+$0x0] =	vst.idx.msk vm6, v34;
	_, v34, vm6 =	vpop (xrf1);
	v7 =	vadd.s32 v26, v7  }
0x148: {  	v19 =	vmov s22;
	v32 =	vmov s26;
	v41 =	vmov s24;
	v44 =	vld [tilespmem:s19+$0xFFFFFFF0]  }
0x149: {  	s22 =	sadd.s32 $0xFFFFFF70, s17;
	v26 =	vshrl.u32 v39, $0x7;
	v35 =	vshrl.u32 v35, $0x4;
	v39 =	vadd.s32 v8, v7;
	(xrf1) =	vunique.msk.u32 $0xffff, v18;
	v29 =	vld [tilespmem:s16+$0xFFFFFF90]  }
0x14a: {  	v35 =	vand.u32 $0xF, v35;
	v7 =	vld [tilespmem:s19+$0xFFFFFFA0];
	v8 =	vshrl.u32 v43, $0x4;
	v43 =	vmov s23;
	[tilespmem:v12+s9+$0x0] =	vst.idx.msk vm5, v33  }
0x14b: {  	v3 =	vor.u32 v24, v3;
	v12 =	vshll.u32 v16, v1;
	v16 =	vmov s22;
	s22 =	sadd.s32 $0xFFFFFFA0, s17;
	[tilespmem:v21+s9+$0x0] =	vst.idx.msk vm3, v15;
	_, v15, vm1 =	vpop (xrf1)  }
0x14c: {  	v33 =	vshrl.u32 v16, $0x7;
	v24 =	vand.u32 $0xF, v8;
	v8 =	vmov s22;
	(xrf1) =	vunique.msk.u32 $0xffff, v35;
	v45 =	vld [tilespmem:s16+$0xFFFFFF80]  }
0x14d: {  	v46 =	vshll.u32 v14, v1;
	v16 =	vbroadcast v28, $0x0;
	v8 =	vshrl.u32 v8, $0x7;
	v14 =	vld [tilespmem:s19+$0xFFFFFFE0]  }
0x14e: {  	v11 =	vor.u32 $0x60, v11;
	v47 =	vshll.u32 v26, v1;
	v8 =	vshll.u32 v8, v1;
	v48 =	vld [tilespmem:s19+$0xFFFFFFC0];
	[tilespmem:s16+$0x70] =	vst v0;
	_, v21, vm4 =	vpop (xrf1)  }
0x14f: {  	v42 =	vshrl.u32 v42, $0x4;
	v49 =	vor.u32 $0x10, v8;
	v8 =	vbroadcast v11, $0x0;
	v26 =	vld [tilespmem:s16+$0x0];
	[tilespmem:s16+$0x60] =	vst v0  }
0x150: {  	v11 =	vshrl.u32 v36, $0x4;
	v7 =	vshrl.u32 v7, $0x4;
	v36 =	vld [tilespmem:s19+$0x0];
	[tilespmem:v3+s9+$0x0] =	vst.idx.msk vm2, v10;
	v10 =	vor.u32 v16, v13  }
0x151: {  	v3 =	vshrl.u32 v32, $0x7;
	v13 =	vshll.u32 v38, v1;
	v16 =	vshrl.u32 v44, $0x4;
	v38 =	vld [tilespmem:s19+$0x20];
	[tilespmem:v31+s9+$0x0] =	vst.idx.msk vm1, v15  }
0x152: {  	v3 =	vshll.u32 v3, v1;
	v13 =	vor.u32 $0x40, v13;
	v28 =	vand.u32 $0xF, v16;
	v32 =	vld [tilespmem:s16+$0xFFFFFFE0];
	[tilespmem:v17+s9+$0x0] =	vst.idx.msk vm0, v6  }
0x153: {  	v16 =	vbroadcast v40, $0x0;
	v6 =	vor.u32 $0x20, v3;
	v3 =	vshrl.u32 v48, $0x4;
	v15 =	vld [tilespmem:s19+$0x70];
	(xrf1) =	vunique.msk.u32 $0xffff, v28  }
0x154: {  	v44 =	vbroadcast v13, $0x0;
	v40 =	vand.u32 $0xF, v3;
	v3 =	vshrl.u32 v14, $0x4;
	v13 =	vld [tilespmem:s19+$0x30];
	[tilespmem:s16+$0x50] =	vst v0  }
0x155: {  	v17 =	vand.u32 $0xF, v7;
	v20 =	vor.u32 v16, v20;
	v3 =	vand.u32 $0xF, v3;
	(xrf1) =	vunique.msk.u32 $0xffff, v40;
	v48 =	vld [tilespmem:s16+$0xFFFFFFC0]  }
0x156: {  	v9 =	vor.u32 v8, v9;
	v14 =	vshrl.u32 v36, $0x4;
	v31 =	vshrl.u32 v38, $0x4;
	(xrf1) =	vunique.msk.u32 $0xffff, v3;
	v16 =	vld [tilespmem:s16+$0x10]  }
0x157: {  	v33 =	vshll.u32 v33, v1;
	v36 =	vor.u32 $0x10, v47;
	[tilespmem:s18+$0xFFFFFFE0] =	vst v0;
	v38 =	vand.u32 $0xF, v31;
	_, v7, vm1 =	vpop (xrf1);
	v8 =	vld [tilespmem:s16+$0x70]  }
0x158: {  	v41 =	vshrl.u32 v41, $0x7;
	v31 =	vand.u32 $0xF, v42;
	v42 =	vand.u32 $0xF, v14;
	v47 =	vld [tilespmem:s19+$0x40];
	[tilespmem:v10+s9+$0x0] =	vst.idx.msk vm7, v37  }
0x159: {  	v27 =	vshrl.u32 v27, $0x7;
	v10 =	vshrl.u32 v13, $0x4;
	(xrf1) =	vunique.msk.u32 $0xffff, v31;
	v13 =	vadd.s32 v39, v45;
	v14 =	vld [tilespmem:s16+$0x50]  }
0x15a: {  	v37 =	vor.u32 $0x50, v46;
	v39 =	vbroadcast v49, $0x0;
	v45 =	vand.u32 $0xF, v10;
	_, v46, vm5 =	vpop (xrf1);
	(xrf1) =	vunique.msk.u32 $0xffff, v38  }
0x15b: {  	v41 =	vshll.u32 v41, v1;
	v49 =	vshrl.u32 v15, $0x4;
	(xrf1) =	vunique.msk.u32 $0xffff, v45;
	[tilespmem:v9+s9+$0x0] =	vst.idx.msk vm6, v34  }
0x15c: {  	s22 =	sadd.s32 $0xFFFFFFC0, s17;
	v10 =	vshll.u32 v30, v1;
	v9 =	vand.u32 $0xF, v11;
	v11 =	vshrl.u32 v43, $0x7;
	[tilespmem:s18+$0xFFFFFF90] =	vst v0  }
0x15d: {  	v15 =	vbroadcast v37, $0x0;
	v30 =	vor.u32 $0x70, v10;
	v10 =	vmov s22;
	(xrf1) =	vunique.msk.u32 $0xffff, v17  }
0x15e: {  	v37 =	vbroadcast v6, $0x0;
	v34 =	vbroadcast v36, $0x0;
	v52 =	vshrl.u32 v10, $0x7;
	v36 =	vld [tilespmem:s19+$0x60];
	(xrf1) =	vunique.msk.u32 $0xffff, v42  }
0x15f: {  	v35 =	vor.u32 v15, v35;
	v10 =	vbroadcast v12, $0x0;
	v15 =	vshll.u32 v52, v1;
	[tilespmem:s18+$0xFFFFFFD0] =	vst v0;
	v43 =	vld [tilespmem:s19+$0x50]  }
0x160: {  	v13 =	vadd.s32 v29, v13;
	v47 =	vshrl.u32 v47, $0x4;
	v50 =	vor.u32 $0x30, v15;
	(xrf1) =	vunique.msk.u32 $0xffff, v9;
	v51 =	vld [tilespmem:s16+$0xFFFFFFF0]  }
0x161: {  	v33 =	vor.u32 $0x60, v33;
	v12 =	vor.u32 v10, v9;
	v9 =	vmov s21;
	_, v6, vm0 =	vpop (xrf1);
	(xrf1) =	vunique.msk.u32 $0xffff, v24  }
0x162: {  	v13 =	vadd.s32 v25, v13;
	v52 =	vmov s20;
	v9 =	vshrl.u32 v9, $0x7;
	[tilespmem:s18+$0xFFFFFFF0] =	vst v0  }
0x163: {  	v11 =	vshll.u32 v11, v1;
	v29 =	vshrl.u32 v52, $0x7;
	v9 =	vshll.u32 v9, v1;
	[tilespmem:s18+$0xFFFFFF80] =	vst v0;
	_, v15, vm3 =	vpop (xrf1)  }
0x164: {  	v18 =	vor.u32 v34, v18;
	v25 =	vshll.u32 v29, v1;
	v9 =	vor.u32 $0x20, v9;
	[tilespmem:s18+$0xFFFFFFA0] =	vst v0;
	_, v10, vm2 =	vpop (xrf1)  }
0x165: {  	v29 =	vshrl.u32 v43, $0x4;
	v43 =	vshrl.u32 v36, $0x4;
	v36 =	vadd.s32 v23, v13;
	[tilespmem:v20+s9+$0x0] =	vst.idx.msk vm4, v21  }
0x166: {  	v13 =	vand.u32 $0xF, v29;
	v20 =	vshrl.u32 v22, $0x7;
	v21 =	vadd.s32 v48, v36;
	[tilespmem:v35+s9+$0x0] =	vst.idx.msk vm5, v46;
	v22 =	vld [tilespmem:s16+$0x40]  }
0x167: {  	v41 =	vor.u32 $0x30, v41;
	v29 =	vbroadcast v9, $0x0;
	v21 =	vadd.s32 v2, v21;
	_, v23, vm4 =	vpop (xrf1);
	(xrf1) =	vunique.msk.u32 $0xffff, v13;
	v2 =	vld [tilespmem:s18+$0xFFFFFFD0]  }
0x168: {  	v48 =	vbroadcast v50, $0x0;
	v9 =	vand.u32 $0xF, v43;
	v32 =	vadd.s32 v32, v21;
	[tilespmem:s18+$0x20] =	vst v0;
	_, v34, vm5 =	vpop (xrf1)  }
0x169: {  	v21 =	vor.u32 v44, v40;
	v40 =	vbroadcast v30, $0x0;
	v43 =	vor.u32 v29, v38;
	_, v44, vm6 =	vpop (xrf1);
	(xrf1) =	vunique.msk.u32 $0xffff, v9  }
0x16a: {  	v29 =	vor.u32 v39, v24;
	v45 =	vor.u32 v48, v45;
	v24 =	vadd.s32 v51, v32;
	[tilespmem:s18+$0xFFFFFFC0] =	vst v0  }
0x16b: {  	v27 =	vshll.u32 v27, v1;
	v32 =	vand.u32 $0xF, v49;
	v30 =	vadd.s32 v26, v24;
	[tilespmem:s18+$0xFFFFFFB0] =	vst v0;
	_, v35, vm7 =	vpop (xrf1)  }
.Ltmp2:
0x16c: {  	v25 =	vbroadcast v25, $0x0;
	v46 =	vshrl.u32 v19, $0x7;
	v24 =	vbroadcast v33, $0x0;
	[tilespmem:s18+$0x30] =	vst v0;
	_, v36, vm8 =	vpop (xrf1);
	(pc) =	sbr.rel @p0 .LBB2_7-.Ltmp2, $4  }
0x16d: {  	v19 =	vshll.u32 v20, v1;
	v38 =	vor.u32 v37, v17;
	v17 =	vor.u32 v40, v28;
	(xrf1) =	vunique.msk.u32 $0xffff, v32  }
0x16e: {  	v27 =	vor.u32 $0x70, v27;
	v39 =	vor.u32 v25, v42;
	v40 =	vbroadcast v41, $0x0;
	[tilespmem:v43+s9+$0x0] =	vst.idx.msk vm5, v34;
	_, v33, vm5 =	vpop (xrf1);
	v26 =	vld [tilespmem:s16+$0x60];
	s16 =	smov.u32 s18  }
0x16f: {  	v20 =	vand.u32 $0xF, v47;
	v37 =	vbroadcast v27, $0x0;
	v28 =	vor.u32 $0x50, v19;
	v25 =	vld [tilespmem:s18+$0x20];
	[tilespmem:v45+s9+$0x0] =	vst.idx.msk vm6, v44;
	_, v34, vm6 =	vpop (xrf1)  }
0x170: {  	s17 =	sadd.s32 $0x100, s17;
	s19 =	sadd.s32 $0x100, s19;
	v31 =	vor.u32 v40, v31;
	v40 =	vshll.u32 v46, v1;
	s18 =	sadd.s32 $0x100, s18;
	v19 =	vld [tilespmem:s16+$0x30];
	[tilespmem:s16+$0x40] =	vst v0;
	(xrf1) =	vunique.msk.u32 $0xffff, v20  }
0x171: {  	_ =	sdelay $0x3  }
0x172: {  	[tilespmem:s16+$0x0] =	vst v0  }
0x173: {  	[tilespmem:v38+s9+$0x0] =	vst.idx.msk vm7, v35  }
0x174: {  	[tilespmem:s16+$0x10] =	vst v0  }
0x175: {  	[tilespmem:v31+s9+$0x0] =	vst.idx.msk vm4, v23  }
0x176: {  	[tilespmem:v18+s9+$0x0] =	vst.idx.msk vm1, v7  }
0x177: {  	v3 =	vor.u32 v24, v3;
	[tilespmem:v12+s9+$0x0] =	vst.idx.msk vm5, v33  }
0x178: {  	[tilespmem:v21+s9+$0x0] =	vst.idx.msk vm3, v15;
	v18 =	vld [tilespmem:s16+$0xFFFFFFA0]  }
0x179: {  	v12 =	vbroadcast v28, $0x0;
	v16 =	vadd.s32 v16, v30;
	v11 =	vor.u32 $0x60, v11;
	[tilespmem:v29+s9+$0x0] =	vst.idx.msk vm6, v34;
	v29 =	vld [tilespmem:s16+$0xFFFFFFB0]  }
0x17a: {  	[tilespmem:s16+$0x70] =	vst v0;
	v30 =	vld [tilespmem:s16+$0xFFFFFF90];
	v11 =	vbroadcast v11, $0x0;
	_, v23, vm4 =	vpop (xrf1)  }
0x17b: {  	v28 =	vor.u32 $0x40, v40;
	[tilespmem:v39+s9+$0x0] =	vst.idx.msk vm8, v36;
	v15 =	vld [tilespmem:s16+$0xFFFFFF80];
	v4 =	vadd.s32 v4, v16;
	v12 =	vor.u32 v12, v13;
	_, v7, vm1 =	vpop (xrf1)  }
0x17c: {  	v13 =	vbroadcast v28, $0x0;
	v21 =	vld [tilespmem:s16+$0x0];
	v9 =	vor.u32 v11, v9;
	[tilespmem:v3+s9+$0x0] =	vst.idx.msk vm2, v10;
	v3 =	vadd.s32 v5, v4;
	_, v24, vm14 =	vpop (xrf1)  }
0x17d: {  	v27 =	vor.u32 v37, v32;
	[tilespmem:s16+$0x60] =	vst v0;
	v11 =	vld [tilespmem:s16+$0x10];
	v3 =	vadd.s32 v22, v3;
	_, v16, vm15 =	vpop (xrf1)  }
0x17e: {  	[tilespmem:s16+$0x50] =	vst v0;
	v5 =	vor.u32 v13, v20;
	v13 =	vld [tilespmem:s16+$0xFFFFFFC0];
	v3 =	vadd.s32 v14, v3  }
0x17f: {  	[tilespmem:v17+s9+$0x0] =	vst.idx.msk vm0, v6;
	v4 =	vld [tilespmem:s16+$0xFFFFFFE0];
	v3 =	vadd.s32 v26, v3  }
0x180: {  	v3 =	vadd.s32 v8, v3;
	v8 =	vld [tilespmem:s16+$0xFFFFFFF0];
	[tilespmem:v12+s9+$0x0] =	vst.idx.msk vm4, v23  }
0x181: {  	v6 =	vld [tilespmem:s16+$0x50];
	[tilespmem:v9+s9+$0x0] =	vst.idx.msk vm1, v7  }
0x182: {  	v3 =	vadd.s32 v3, v15;
	v9 =	vld [tilespmem:s16+$0x60];
	[tilespmem:v27+s9+$0x0] =	vst.idx.msk vm14, v24  }
0x183: {  	v3 =	vadd.s32 v30, v3;
	v14 =	vld [tilespmem:s16+$0x70];
	[tilespmem:v5+s9+$0x0] =	vst.idx.msk vm15, v16  }
0x184: {  	s31 =	simm.s32 $0x8080;
	v3 =	vadd.s32 v18, v3;
	v7 =	vld [tilespmem:s16+$0x40]  }
0x185: {  	s15 =	simm.s32 $0x10080;
	v3 =	vadd.s32 v29, v3;
	v10 =	vld [tilespmem:s31+$0xFFFFFFD0]  }
0x186: {  	v3 =	vadd.s32 v13, v3;
	v23 =	vld [tilespmem:s15+$0xFFFFFFC0]  }
0x187: {  	v2 =	vadd.s32 v2, v3;
	v24 =	vld [tilespmem:s15+$0xFFFFFFB0]  }
0x188: {  	v2 =	vadd.s32 v4, v2;
	v27 =	vld [tilespmem:s15+$0xFFFFFFA0]  }
0x189: {  	v2 =	vadd.s32 v8, v2;
	v26 =	vld [tilespmem:s15+$0xFFFFFF90]  }
0x18a: {  	v2 =	vadd.s32 v21, v2;
	v5 =	vld [tilespmem:s31+$0xFFFFFF80]  }
0x18b: {  	v2 =	vadd.s32 v11, v2;
	v3 =	vld [tilespmem:s31+$0x30]  }
0x18c: {  	v2 =	vadd.s32 v25, v2;
	v8 =	vld [tilespmem:s31+$0x40]  }
0x18d: {  	v15 =	vld [tilespmem:s31+$0xFFFFFFE0];
	v4 =	vadd.s32 v19, v2  }
0x18e: {  	v17 =	vld [tilespmem:s31+$0x0];
	v4 =	vadd.s32 v7, v4  }
0x18f: {  	v6 =	vadd.s32 v6, v4;
	v4 =	vld [tilespmem:s31+$0xFFFFFFC0]  }
0x190: {  	v13 =	vld [tilespmem:s31+$0xFFFFFFA0];
	v7 =	vadd.s32 v9, v6  }
0x191: {  	v12 =	vld [tilespmem:s31+$0xFFFFFFB0];
	v16 =	vadd.s32 v14, v7  }
0x192: {  	v25 =	vld [tilespmem:s15+$0xFFFFFF80];
	(xrf0) =	vadd.scan.msk.s32 $0xffff, v16  }
0x193: {  	v6 =	vld [tilespmem:s31+$0xFFFFFFF0];
	v9 =	vshrl.u32 v10, $0x4  }
0x194: {  	v7 =	vld [tilespmem:s31+$0x10];
	v29 =	vand.u32 $0xF, v9;
	v11 =	vshrl.u32 v4, $0x4  }
0x195: {  	v34 =	vld [tilespmem:s15+$0xFFFFFFE0];
	(xrf1) =	vunique.msk.u32 $0xffff, v29;
	v21 =	vand.u32 $0xF, v11  }
0x196: {  	v37 =	vld [tilespmem:s15+$0xFFFFFFF0];
	(xrf1) =	vunique.msk.u32 $0xffff, v21  }
0x197: {  	v38 =	vld [tilespmem:s15+$0x0];
	v18 =	vshrl.u32 v13, $0x4  }
0x198: {  	v2 =	vld [tilespmem:s31+$0x70];
	v48 =	vand.u32 $0xF, v18;
	v20 =	vxor.u32 $0xFFFFFFFF, v16;
	v22 =	vshrl.u32 v6, $0x4;
	v19, _, _ =	vpop (xrf0)  }
0x199: {  	v9 =	vld [tilespmem:s31+$0x20];
	v18 =	vand.u32 $0xF, v22;
	(xrf1) =	vunique.msk.u32 $0xffff, v48;
	v20 =	vadd.s32 v20, v19;
	v19 =	vshrl.u32 v7, $0x4  }
0x19a: {  	v28 =	vshrl.u32 v8, $0x4;
	v14 =	vld [tilespmem:s31+$0x60];
	v22 =	vshrl.u32 v15, $0x4;
	(xrf1) =	vunique.msk.u32 $0xffff, v18;
	v19 =	vand.u32 $0xF, v19  }
0x19b: {  	v30 =	vshrl.u32 v3, $0x4;
	v61 =	vshrl.u32 v17, $0x4;
	v11 =	vld [tilespmem:s31+$0x50];
	v36 =	vand.u32 $0xF, v22;
	(xrf1) =	vunique.msk.u32 $0xffff, v19  }
0x19c: {  	v62 =	vshrl.u32 v5, $0x4;
	v63 =	vshrl.u32 v12, $0x4;
	v16 =	vld [tilespmem:s31+$0xFFFFFF90];
	v22 =	vand.u32 $0xF, v30;
	(xrf1) =	vunique.msk.u32 $0xffff, v36  }
0x19d: {  	v39 =	vld [tilespmem:s15+$0x10];
	v31 =	vshrl.u32 v2, $0x4;
	v41 =	vand.u32 $0xF, v61;
	v25 =	vadd.s32 v20, v25;
	(xrf1) =	vunique.msk.u32 $0xffff, v22  }
0x19e: {  	v51 =	vld [tilespmem:s15+$0xFFFFFFD0];
	v33 =	vand.u32 $0xF, v28;
	v30 =	vshrl.u32 v9, $0x4;
	v50 =	vadd.s32 v25, v26;
	(xrf1) =	vunique.msk.u32 $0xffff, v41  }
0x19f: {  	v47 =	vld [tilespmem:s15+$0x30];
	v40 =	vand.u32 $0xF, v30;
	v26 =	vand.u32 $0xF, v31;
	v31 =	vadd.s32 v50, v27;
	(xrf1) =	vunique.msk.u32 $0xffff, v33  }
0x1a0: {  	v44 =	vand.u32 $0xF, v62;
	v28 =	vld [tilespmem:s15+$0x60];
	v42 =	vshrl.u32 v11, $0x4;
	v24 =	vadd.s32 v31, v24;
	(xrf1) =	vunique.msk.u32 $0xffff, v40  }
0x1a1: {  	v43 =	vshrl.u32 v14, $0x4;
	v45 =	vshrl.u32 v16, $0x4;
	v30 =	vld [tilespmem:s15+$0x70];
	v32 =	vand.u32 $0xF, v42;
	(xrf1) =	vunique.msk.u32 $0xffff, v44  }
0x1a2: {  	v35 =	vand.u32 $0xF, v63;
	v43 =	vand.u32 $0xF, v43;
	v49 =	vand.u32 $0xF, v45;
	v45 =	vld [tilespmem:s15+$0x40];
	(xrf1) =	vunique.msk.u32 $0xffff, v32  }
0x1a3: {  	v42 =	vld [tilespmem:s15+$0x50];
	v25 =	vperm.xlane v25, v49;
	v50 =	vperm.xlane v50, v48;
	v23 =	vadd.s32 v24, v23;
	_, v46, _ =	vpop (xrf1);
	(xrf1) =	vunique.msk.u32 $0xffff, v43  }
0x1a4: {  	s17 =	simm.s32 $0x8180;
	s18 =	simm.s32 $0x10080;
	s16 =	simm.s32 $0x0;
	v48 =	vld [tilespmem:s15+$0x20];
	v21 =	vperm.xlane v24, v21;
	v27 =	vperm.xlane v23, v29;
	v29 =	vadd.s32 v23, v51;
	_, v24, _ =	vpop (xrf1);
	(xrf1) =	vunique.msk.u32 $0xffff, v26  }
.LBB2_9:
0x1a5: {  	v51 =	vld [tilespmem:s17+$0xFFFFFFD0];
	s16 =	sadd.s32 $0x10, s16;
	v52 =	vperm.xlane v31, v35;
	s18 =	sadd.s32 $0x100, s18;
	(xrf1) =	vunique.msk.u32 $0xffff, v35  }
0x1a6: {  	v23 =	vld [tilespmem:s18+$0xFFFFFFC0];
	p0 =	slt.u32 s16, $0x7F0;
	v46 =	vadd.s32 v27, v46;
	(xrf1) =	vunique.msk.u32 $0xffff, v49  }
0x1a7: {  	v27 =	vld [tilespmem:s18+$0xFFFFFFB0];
	_, v35, _ =	vpop (xrf1)  }
0x1a8: {  	v36 =	vperm.xlane v29, v36;
	v29 =	vadd.s32 v29, v34;
	v31 =	vld [tilespmem:s18+$0xFFFFFFA0];
	v49 =	vadd.s32 v50, v35;
	_, v34, _ =	vpop (xrf1)  }
0x1a9: {  	v20 =	vperm.xlane v20, v44;
	v44 =	vperm.xlane v29, v18;
	v56 =	vadd.s32 v29, v37;
	v35 =	vld [tilespmem:s18+$0xFFFFFF90];
	_, v37, _ =	vpop (xrf1)  }
0x1aa: {  	v55 =	vperm.xlane v56, v41;
	v54 =	vadd.s32 v56, v38;
	v50 =	vld [tilespmem:s17+$0xFFFFFF80];
	v29 =	vshrl.u32 v51, $0x4;
	_, v38, _ =	vpop (xrf1)  }
0x1ab: {  	v19 =	vperm.xlane v54, v19;
	v29 =	vand.u32 $0xF, v29;
	v53 =	vld [tilespmem:s17+$0x30];
	[tilespmem:v46+s2+$0x0] =	vst.idx.msk $0xffff, v10;
	v10 =	vadd.s32 v54, v39;
	_, v18, _ =	vpop (xrf1)  }
0x1ac: {  	v36 =	vadd.s32 v36, v38;
	v39 =	vld [tilespmem:s17+$0x40];
	(xrf1) =	vunique.msk.u32 $0xffff, v29;
	v38 =	vperm.xlane v10, v40;
	v54 =	vadd.s32 v10, v48;
	_, v40, _ =	vpop (xrf1)  }
0x1ad: {  	v48 =	vld [tilespmem:s17+$0x70];
	v40 =	vadd.s32 v55, v40;
	v22 =	vperm.xlane v54, v22;
	v47 =	vadd.s32 v54, v47;
	_, v41, _ =	vpop (xrf1)  }
0x1ae: {  	v46 =	vld [tilespmem:s17+$0xFFFFFFE0];
	[tilespmem:v49+s2+$0x0] =	vst.idx.msk $0xffff, v13;
	v13 =	vperm.xlane v47, v33;
	v54 =	vadd.s32 v47, v45;
	_, v45, _ =	vpop (xrf1);
	v10 =	vmov v51  }
0x1af: {  	v47 =	vld [tilespmem:s17+$0xFFFFFFC0];
	v38 =	vadd.s32 v38, v45;
	v32 =	vperm.xlane v54, v32;
	v49 =	vadd.s32 v54, v42;
	_, v42, _ =	vpop (xrf1)  }
0x1b0: {  	v45 =	vld [tilespmem:s17+$0xFFFFFFF0];
	v41 =	vadd.s32 v13, v41;
	v43 =	vperm.xlane v49, v43;
	v28 =	vadd.s32 v49, v28;
	_, v33, _ =	vpop (xrf1)  }
0x1b1: {  	v42 =	vadd.s32 v20, v42;
	v49 =	vld [tilespmem:s17+$0x0];
	v51 =	vshrl.u32 v39, $0x4;
	[tilespmem:v36+s2+$0x0] =	vst.idx.msk $0xffff, v15;
	v36 =	vperm.xlane v28, v26;
	_, v20, _ =	vpop (xrf1)  }
0x1b2: {  	v26 =	vshrl.u32 v53, $0x4;
	v13 =	vld [tilespmem:s17+$0xFFFFFFA0];
	v54 =	vshrl.u32 v48, $0x4;
	[tilespmem:v40+s2+$0x0] =	vst.idx.msk $0xffff, v17;
	v17 =	vadd.s32 v43, v20;
	_, v20, _ =	vpop (xrf1)  }
0x1b3: {  	v22 =	vadd.s32 v22, v18;
	v32 =	vadd.s32 v32, v33;
	v55 =	vld [tilespmem:s17+$0x10];
	v33 =	vadd.s32 v36, v20;
	_, v15, _ =	vpop (xrf1)  }
0x1b4: {  	v20 =	vadd.s32 v28, v30;
	v18 =	vshrl.u32 v47, $0x4;
	v36 =	vadd.s32 v52, v15;
	[tilespmem:v38+s2+$0x0] =	vst.idx.msk $0xffff, v9;
	v9 =	vld [tilespmem:s17+$0x20];
	_, v15, _ =	vpop (xrf1)  }
0x1b5: {  	v52 =	vand.u32 $0xF, v18;
	v18 =	vshrl.u32 v45, $0x4;
	v28 =	vld [tilespmem:s17+$0x60];
	v25 =	vadd.s32 v25, v15;
	[tilespmem:v41+s2+$0x0] =	vst.idx.msk $0xffff, v8;
	v8 =	vmovc v39  }
0x1b6: {  	v39 =	vadd.s32 v44, v34;
	v30 =	vld [tilespmem:s17+$0xFFFFFFB0];
	v18 =	vand.u32 $0xF, v18;
	(xrf1) =	vunique.msk.u32 $0xffff, v52;
	[tilespmem:v42+s2+$0x0] =	vst.idx.msk $0xffff, v5;
	v5 =	vmovc v50  }
0x1b7: {  	v15 =	vmovc v46;
	v40 =	vshrl.u32 v49, $0x4;
	v50 =	vadd.s32 v19, v37;
	v34 =	vshrl.u32 v13, $0x4;
	v42 =	vld [tilespmem:s17+$0x50];
	[tilespmem:v17+s2+$0x0] =	vst.idx.msk $0xffff, v14  }
0x1b8: {  	v21 =	vadd.s32 v21, v24;
	v43 =	vld [tilespmem:s17+$0xFFFFFF90];
	v56 =	vand.u32 $0xF, v34;
	v14 =	vshrl.u32 v55, $0x4;
	[tilespmem:v22+s2+$0x0] =	vst.idx.msk $0xffff, v3;
	v3 =	vmovc v53  }
0x1b9: {  	v17 =	vmovc v49;
	v22 =	vshrl.u32 v15, $0x4;
	v24 =	vld [tilespmem:s18+$0xFFFFFF80];
	v19 =	vand.u32 $0xF, v14;
	(xrf1) =	vunique.msk.u32 $0xffff, v56;
	[tilespmem:v36+s2+$0x0] =	vst.idx.msk $0xffff, v12  }
0x1ba: {  	v44 =	vshrl.u32 v5, $0x4;
	v34 =	vld [tilespmem:s18+$0xFFFFFFE0];
	v53 =	vshrl.u32 v28, $0x4;
	_, v46, _ =	vpop (xrf1);
	(xrf1) =	vunique.msk.u32 $0xffff, v18;
	[tilespmem:v25+s2+$0x0] =	vst.idx.msk $0xffff, v16  }
0x1bb: {  	v36 =	vand.u32 $0xF, v22;
	v12 =	vshrl.u32 v9, $0x4;
	v37 =	vld [tilespmem:s18+$0xFFFFFFF0];
	(xrf1) =	vunique.msk.u32 $0xffff, v19;
	[tilespmem:v33+s2+$0x0] =	vst.idx.msk $0xffff, v2;
	v2 =	vmovc v48  }
0x1bc: {  	v22 =	vand.u32 $0xF, v26;
	v16 =	vshrl.u32 v30, $0x4;
	v38 =	vld [tilespmem:s18+$0x0];
	(xrf1) =	vunique.msk.u32 $0xffff, v36;
	[tilespmem:v39+s2+$0x0] =	vst.idx.msk $0xffff, v6;
	v6 =	vmovc v45  }
0x1bd: {  	v41 =	vand.u32 $0xF, v40;
	v14 =	vmovc v28;
	v25 =	vshrl.u32 v43, $0x4;
	v39 =	vld [tilespmem:s18+$0x10];
	(xrf1) =	vunique.msk.u32 $0xffff, v22;
	[tilespmem:v32+s2+$0x0] =	vst.idx.msk $0xffff, v11  }
0x1be: {  	v40 =	vand.u32 $0xF, v12;
	v33 =	vand.u32 $0xF, v51;
	v12 =	vmovc v30;
	v24 =	vadd.s32 v20, v24;
	v48 =	vld [tilespmem:s18+$0xFFFFFFD0];
	(xrf1) =	vunique.msk.u32 $0xffff, v41  }
0x1bf: {  	v44 =	vand.u32 $0xF, v44;
	v32 =	vshrl.u32 v42, $0x4;
	v30 =	vld [tilespmem:s18+$0x70];
	(xrf1) =	vunique.msk.u32 $0xffff, v33;
	[tilespmem:v21+s2+$0x0] =	vst.idx.msk $0xffff, v4;
	v4 =	vmovc v47  }
.Ltmp3:
0x1c0: {  	v26 =	vand.u32 $0xF, v54;
	v11 =	vmovc v42;
	v51 =	vadd.s32 v24, v35;
	v35 =	vand.u32 $0xF, v16;
	v28 =	vld [tilespmem:s18+$0x60];
	(xrf1) =	vunique.msk.u32 $0xffff, v40;
	(pc) =	sbr.rel @p0 .LBB2_9-.Ltmp3, $4  }
0x1c1: {  	v49 =	vand.u32 $0xF, v25;
	v32 =	vand.u32 $0xF, v32;
	v16 =	vmovc v43;
	v31 =	vadd.s32 v51, v31;
	v42 =	vld [tilespmem:s18+$0x50];
	(xrf1) =	vunique.msk.u32 $0xffff, v44  }
0x1c2: {  	v43 =	vand.u32 $0xF, v53;
	v27 =	vadd.s32 v31, v27;
	v45 =	vld [tilespmem:s18+$0x40];
	(xrf1) =	vunique.msk.u32 $0xffff, v32;
	[tilespmem:v50+s2+$0x0] =	vst.idx.msk $0xffff, v7;
	v7 =	vmovc v55  }
0x1c3: {  	v25 =	vperm.xlane v24, v49;
	v21 =	vperm.xlane v27, v52;
	v23 =	vadd.s32 v27, v23;
	v47 =	vld [tilespmem:s18+$0x30];
	(xrf1) =	vunique.msk.u32 $0xffff, v43  }
0x1c4: {  	s19 =	simm.s32 $0x80;
	s17 =	sadd.s32 $0x100, s17;
	v50 =	vperm.xlane v51, v56;
	v27 =	vperm.xlane v23, v29;
	v29 =	vadd.s32 v23, v48;
	v48 =	vld [tilespmem:s18+$0x20];
	_, v24, _ =	vpop (xrf1);
	(xrf1) =	vunique.msk.u32 $0xffff, v26  }
0x1c5: {  	(xrf1) =	vunique.msk.u32 $0xffff, v35  }
0x1c6: {  	(xrf1) =	vunique.msk.u32 $0xffff, v49  }
0x1c7: {  	_, v23, _ =	vpop (xrf1)  }
0x1c8: {  	v30 =	vadd.s32 v29, v34;
	_, v34, _ =	vpop (xrf1)  }
0x1c9: {  	v37 =	vadd.s32 v30, v37;
	_, v54, _ =	vpop (xrf1)  }
0x1ca: {  	v29 =	vperm.xlane v29, v36;
	v20 =	vperm.xlane v20, v44;
	v38 =	vadd.s32 v37, v38;
	_, v51, _ =	vpop (xrf1)  }
0x1cb: {  	v27 =	vadd.s32 v27, v46;
	v37 =	vperm.xlane v37, v41;
	v55 =	vadd.s32 v38, v39;
	_, v56, _ =	vpop (xrf1)  }
0x1cc: {  	v23 =	vadd.s32 v50, v23;
	v57 =	vadd.s32 v55, v48;
	v36 =	vperm.xlane v55, v40;
	_, v58, _ =	vpop (xrf1)  }
0x1cd: {  	v59 =	vadd.s32 v57, v47;
	v22 =	vperm.xlane v57, v22;
	v29 =	vadd.s32 v29, v51;
	_, v60, _ =	vpop (xrf1)  }
0x1ce: {  	v33 =	vperm.xlane v59, v33;
	v40 =	vadd.s32 v59, v45;
	v37 =	vadd.s32 v37, v58;
	_, v61, _ =	vpop (xrf1)  }
0x1cf: {  	v42 =	vadd.s32 v40, v42;
	v36 =	vadd.s32 v36, v61;
	_, v62, _ =	vpop (xrf1)  }
0x1d0: {  	[tilespmem:v27+s2+$0x0] =	vst.idx.msk $0xffff, v10;
	v27 =	vperm.xlane v42, v43;
	v10 =	vadd.s32 v33, v60;
	_, v63, _ =	vpop (xrf1)  }
0x1d1: {  	[tilespmem:v23+s2+$0x0] =	vst.idx.msk $0xffff, v13;
	v13 =	vadd.s32 v20, v62;
	_, v20, _ =	vpop (xrf1)  }
0x1d2: {  	v23 =	vperm.xlane v31, v35;
	[tilespmem:v29+s2+$0x0] =	vst.idx.msk $0xffff, v15;
	v15 =	vadd.s32 v27, v20;
	_, v20, _ =	vpop (xrf1)  }
0x1d3: {  	v27 =	vadd.s32 v42, v28;
	[tilespmem:v37+s2+$0x0] =	vst.idx.msk $0xffff, v17;
	v17 =	vadd.s32 v22, v56;
	_, v22, _ =	vpop (xrf1)  }
0x1d4: {  	v26 =	vperm.xlane v27, v26;
	v22 =	vadd.s32 v23, v22;
	[tilespmem:v36+s2+$0x0] =	vst.idx.msk $0xffff, v9;
	_, v9, _ =	vpop (xrf1)  }
0x1d5: {  	v18 =	vperm.xlane v30, v18;
	[tilespmem:v10+s2+$0x0] =	vst.idx.msk $0xffff, v8;
	v9 =	vadd.s32 v25, v9  }
0x1d6: {  	v8 =	vperm.xlane v40, v32;
	v10 =	vadd.s32 v26, v20;
	[tilespmem:v13+s2+$0x0] =	vst.idx.msk $0xffff, v5  }
0x1d7: {  	s25 =	simm.s32 $0x80;
	v5 =	vadd.s32 v18, v34;
	[tilespmem:v15+s2+$0x0] =	vst.idx.msk $0xffff, v14  }
0x1d8: {  	s24 =	simm.s32 $0xB0;
	v46 =	vmov s25;
	v13 =	vperm.xlane v38, v19;
	v8 =	vadd.s32 v8, v63;
	[tilespmem:v17+s2+$0x0] =	vst.idx.msk $0xffff, v3  }
0x1d9: {  	s21 =	simm.s32 $0xE0;
	v30 =	vmov s24;
	v35 =	vshrl.u32 v46, $0x7;
	v3 =	vadd.s32 v21, v24;
	[tilespmem:v22+s2+$0x0] =	vst.idx.msk $0xffff, v12  }
0x1da: {  	s22 =	simm.s32 $0x60;
	s23 =	simm.s32 $0x90;
	v35 =	vshll.u32 v35, v1;
	v20 =	vmov s21;
	v12 =	vadd.s32 v13, v54;
	[tilespmem:v9+s2+$0x0] =	vst.idx.msk $0xffff, v16  }
0x1db: {  	s29 =	simm.s32 $0xD0;
	v23 =	vmov s23;
	v20 =	vshrl.u32 v20, $0x7;
	v21 =	vmov s22;
	[tilespmem:v10+s2+$0x0] =	vst.idx.msk $0xffff, v2  }
0x1dc: {  	v14 =	vmov s29;
	v20 =	vshll.u32 v20, v1;
	v21 =	vshrl.u32 v21, $0x7;
	[tilespmem:v5+s2+$0x0] =	vst.idx.msk $0xffff, v6  }
0x1dd: {  	s25 =	simm.s32 $0x1E0;
	v14 =	vshrl.u32 v14, $0x7;
	v20 =	vor.u32 $0x60, v20;
	v21 =	vshll.u32 v21, v1;
	[tilespmem:v8+s2+$0x0] =	vst.idx.msk $0xffff, v11  }
0x1de: {  	s16 =	simm.s32 $0xF0;
	s17 =	simm.s32 $0x0;
	s18 =	simm.s32 $0x40;
	v14 =	vshll.u32 v14, v1;
	v54 =	vmov s25;
	v58 =	vbroadcast v20, $0x0;
	[tilespmem:v3+s2+$0x0] =	vst.idx.msk $0xffff, v4  }
0x1df: {  	s26 =	simm.s32 $0x10;
	s31 =	simm.s32 $0x30;
	v5 =	vmov s16;
	v6 =	vmov s17;
	v8 =	vmov s18;
	[tilespmem:v12+s2+$0x0] =	vst.idx.msk $0xffff, v7  }
0x1e0: {  	v11 =	vmov s26;
	v16 =	vmov s31;
	v21 =	vor.u32 $0x60, v21;
	v2 =	vld [tilespmem:s19+$0xFFFFFF90]  }
0x1e1: {  	v6 =	vshrl.u32 v6, $0x7;
	v8 =	vshrl.u32 v8, $0x7;
	v11 =	vshrl.u32 v11, $0x7;
	v4 =	vld [tilespmem:s19+$0xFFFFFFD0]  }
0x1e2: {  	v16 =	vshrl.u32 v16, $0x7;
	v29 =	vshrl.u32 v5, $0x7;
	v21 =	vbroadcast v21, $0x0;
	v9 =	vld [tilespmem:s19+$0x10]  }
0x1e3: {  	v3 =	vimm.s32 $0x0;
	v6 =	vshll.u32 v6, v1;
	v8 =	vshll.u32 v8, v1;
	v10 =	vld [tilespmem:s19+$0xFFFFFFB0]  }
0x1e4: {  	v11 =	vshll.u32 v11, v1;
	v16 =	vshll.u32 v16, v1;
	v8 =	vor.u32 $0x40, v8;
	v13 =	vld [tilespmem:s19+$0xFFFFFF80]  }
0x1e5: {  	s20 =	simm.s32 $0x70;
	s28 =	simm.s32 $0x50;
	v11 =	vor.u32 $0x10, v11;
	v6 =	vbroadcast v6, $0x0;
	v16 =	vor.u32 $0x30, v16;
	v17 =	vld [tilespmem:s19+$0xFFFFFFF0]  }
0x1e6: {  	v7 =	vmov s20;
	v12 =	vmov s28;
	v8 =	vbroadcast v8, $0x0;
	v24 =	vld [tilespmem:s19+$0xFFFFFFE0];
	[tilespmem:s15+$0xFFFFFFE0] =	vst v0  }
0x1e7: {  	v16 =	vbroadcast v16, $0x0;
	v7 =	vshrl.u32 v7, $0x7;
	v22 =	vld [tilespmem:s19+$0xFFFFFFC0];
	[tilespmem:s15+$0xFFFFFF90] =	vst v0;
	v2 =	vshrl.u32 v2, $0x8  }
0x1e8: {  	v19 =	vld [tilespmem:s19+$0xFFFFFFA0];
	[tilespmem:s15+$0xFFFFFFD0] =	vst v0;
	v7 =	vshll.u32 v7, v1;
	v15 =	vand.u32 $0xF, v2;
	v2 =	vshrl.u32 v12, $0x7  }
0x1e9: {  	v43 =	vld [tilespmem:s19+$0x50];
	[tilespmem:s15+$0xFFFFFFF0] =	vst v0;
	v18 =	vshrl.u32 v4, $0x8;
	v25 =	vshll.u32 v2, v1;
	v2 =	vshrl.u32 v23, $0x7  }
0x1ea: {  	v31 =	vor.u32 $0x70, v7;
	v18 =	vand.u32 $0xF, v18;
	(xrf1) =	vunique.msk.u32 $0xffff, v15;
	v23 =	vld [tilespmem:s19+$0x20];
	v2 =	vshll.u32 v2, v1  }
0x1eb: {  	v45 =	vld [tilespmem:s19+$0x60];
	v7 =	vbroadcast v11, $0x0;
	(xrf1) =	vunique.msk.u32 $0xffff, v18;
	v26 =	vor.u32 $0x10, v2;
	v2 =	vshrl.u32 v17, $0x8  }
0x1ec: {  	s17 =	simm.s32 $0x180;
	[tilespmem:s15+$0xFFFFFF80] =	vst v0;
	v11 =	vshrl.u32 v30, $0x7;
	v17 =	vld [tilespmem:s19+$0x30];
	v27 =	vand.u32 $0xF, v2;
	v2 =	vshrl.u32 v22, $0x8  }
0x1ed: {  	v55 =	vld [tilespmem:s17+$0xFFFFFFA0];
	v11 =	vshll.u32 v11, v1;
	(xrf1) =	vunique.msk.u32 $0xffff, v27;
	v28 =	vand.u32 $0xF, v2;
	v2 =	vshrl.u32 v24, $0x8  }
0x1ee: {  	s20 =	simm.s32 $0xC0;
	v59 =	vld [tilespmem:s17+$0x0];
	v11 =	vor.u32 $0x30, v11;
	v10 =	vshrl.u32 v10, $0x8;
	v2 =	vand.u32 $0xF, v2;
	(xrf1) =	vunique.msk.u32 $0xffff, v28  }
0x1ef: {  	v4 =	vmov s20;
	v10 =	vand.u32 $0xF, v10;
	v22 =	vld [tilespmem:s19+$0x0];
	v23 =	vshrl.u32 v23, $0x8;
	(xrf1) =	vunique.msk.u32 $0xffff, v2  }
0x1f0: {  	v9 =	vshrl.u32 v9, $0x8;
	v13 =	vshrl.u32 v13, $0x8;
	v23 =	vand.u32 $0xF, v23;
	(xrf1) =	vunique.msk.u32 $0xffff, v10  }
0x1f1: {  	v19 =	vshrl.u32 v19, $0x8;
	v32 =	vshrl.u32 v43, $0x8;
	v17 =	vshrl.u32 v17, $0x8;
	(xrf1) =	vunique.msk.u32 $0xffff, v23  }
0x1f2: {  	s30 =	simm.s32 $0x20;
	[tilespmem:s15+$0xFFFFFFA0] =	vst v0;
	v34 =	vshrl.u32 v45, $0x8;
	v11 =	vbroadcast v11, $0x0;
	v17 =	vand.u32 $0xF, v17  }
0x1f3: {  	v20 =	vshrl.u32 v55, $0x8;
	v60 =	vshrl.u32 v59, $0x8;
	v12 =	vmov s30;
	(xrf1) =	vunique.msk.u32 $0xffff, v17  }
0x1f4: {  	[tilespmem:s15+$0xFFFFFFC0] =	vst v0;
	v9 =	vand.u32 $0xF, v9;
	v19 =	vand.u32 $0xF, v19;
	v22 =	vshrl.u32 v22, $0x8  }
0x1f5: {  	v5 =	vld [tilespmem:s19+$0x40];
	v13 =	vand.u32 $0xF, v13;
	v12 =	vshrl.u32 v12, $0x7;
	v22 =	vand.u32 $0xF, v22;
	(xrf1) =	vunique.msk.u32 $0xffff, v19  }
0x1f6: {  	s26 =	simm.s32 $0xA0;
	v32 =	vand.u32 $0xF, v32;
	v4 =	vshrl.u32 v4, $0x7;
	v12 =	vshll.u32 v12, v1;
	v24 =	vld [tilespmem:s19+$0x70];
	(xrf1) =	vunique.msk.u32 $0xffff, v22  }
0x1f7: {  	v25 =	vor.u32 $0x50, v25;
	(xrf1) =	vunique.msk.u32 $0xffff, v13;
	v13 =	vor.u32 v6, v13;
	v6 =	vmov s26  }
0x1f8: {  	[tilespmem:s15+$0xFFFFFFB0] =	vst v0;
	v12 =	vor.u32 $0x20, v12;
	v25 =	vbroadcast v25, $0x0;
	v6 =	vshrl.u32 v6, $0x7;
	_, v30, vm2 =	vpop (xrf1)  }
0x1f9: {  	v15 =	vor.u32 v7, v15;
	v12 =	vbroadcast v12, $0x0;
	(xrf1) =	vunique.msk.u32 $0xffff, v9;
	v6 =	vshll.u32 v6, v1;
	_, v44, vm5 =	vpop (xrf1)  }
0x1fa: {  	[tilespmem:s15+$0x40] =	vst v0;
	v18 =	vor.u32 v25, v18;
	v25 =	vshrl.u32 v5, $0x8;
	v6 =	vor.u32 $0x20, v6  }
0x1fb: {  	v24 =	vshrl.u32 v24, $0x8;
	v48 =	vbroadcast v6, $0x0;
	v6 =	vand.u32 $0xF, v34;
	_, v5, vm0 =	vpop (xrf1);
	(xrf1) =	vunique.msk.u32 $0xffff, v32  }
0x1fc: {  	v63 =	vld [tilespmem:s17+$0x60];
	v28 =	vor.u32 v8, v28;
	v8 =	vor.u32 v11, v17;
	v11 =	vand.u32 $0xF, v24;
	_, v47, vm3 =	vpop (xrf1);
	(xrf1) =	vunique.msk.u32 $0xffff, v6  }
0x1fd: {  	v20 =	vand.u32 $0xF, v20;
	v37 =	vand.u32 $0xF, v60;
	v4 =	vshll.u32 v4, v1;
	s19 =	simm.s32 $0x110;
	_, v7, vm1 =	vpop (xrf1);
	(xrf1) =	vunique.msk.u32 $0xffff, v11  }
0x1fe: {  	[tilespmem:s15+$0x10] =	vst v0;
	v26 =	vbroadcast v26, $0x0;
	v12 =	vor.u32 v12, v19;
	v51 =	vmov s19;
	_, v49, vm4 =	vpop (xrf1)  }
0x1ff: {  	v2 =	vor.u32 v21, v2;
	v10 =	vor.u32 v16, v10;
	v17 =	vbroadcast v31, $0x0;
	[tilespmem:v18+s9+$0x0] =	vst.idx.msk vm5, v44;
	_, v18, vm5 =	vpop (xrf1)  }
0x200: {  	v24 =	vshll.u32 v29, v1;
	v29 =	vbroadcast v35, $0x0;
	v23 =	vor.u32 v48, v23;
	[tilespmem:v15+s9+$0x0] =	vst.idx.msk vm2, v30;
	v30 =	vld [tilespmem:s17+$0xFFFFFFB0]  }
0x201: {  	[tilespmem:s15+$0x20] =	vst v0;
	v19 =	vor.u32 $0x50, v14;
	v35 =	vshrl.u32 v63, $0x8;
	v27 =	vor.u32 v17, v27;
	_, v50, vm6 =	vpop (xrf1)  }
0x202: {  	s31 =	simm.s32 $0x170;
	[tilespmem:s15+$0x30] =	vst v0;
	v19 =	vbroadcast v19, $0x0;
	v17 =	vor.u32 v29, v22;
	v22 =	vand.u32 $0xF, v25  }
0x203: {  	s20 =	simm.s32 $0x1D0;
	[tilespmem:s15+$0x0] =	vst v0;
	v25 =	vor.u32 $0x40, v4;
	v4 =	vmov s31;
	v9 =	vor.u32 v26, v9;
	_, v26, vm8 =	vpop (xrf1)  }
0x204: {  	s22 =	simm.s32 $0x120;
	v29 =	vshrl.u32 v4, $0x7;
	v4 =	vmov s20;
	v6 =	vor.u32 v58, v6;
	_, v31, vm7 =	vpop (xrf1);
	[tilespmem:v2+s9+$0x0] =	vst.idx.msk vm1, v7  }
0x205: {  	v15 =	vmov s22;
	v30 =	vshrl.u32 v30, $0x8;
	v7 =	vor.u32 v19, v32;
	[tilespmem:v23+s9+$0x0] =	vst.idx.msk vm5, v18;
	_, v14, vm5 =	vpop (xrf1)  }
0x206: {  	s29 =	simm.s32 $0x100;
	s28 =	simm.s32 $0x1F0;
	[tilespmem:v27+s9+$0x0] =	vst.idx.msk vm0, v5;
	v2 =	vshrl.u32 v15, $0x7;
	v27 =	vand.u32 $0xF, v30;
	v18 =	vor.u32 $0x70, v24  }
0x207: {  	v23 =	vmov s28;
	v24 =	vmov s29;
	[tilespmem:v8+s9+$0x0] =	vst.idx.msk vm6, v50;
	v8 =	vld [tilespmem:s17+$0xFFFFFF90];
	v18 =	vbroadcast v18, $0x0;
	_, v16, vm6 =	vpop (xrf1)  }
0x208: {  	s21 =	simm.s32 $0x150;
	s30 =	simm.s32 $0x140;
	[tilespmem:v10+s9+$0x0] =	vst.idx.msk vm4, v49;
	v2 =	vshll.u32 v2, v1;
	v24 =	vshrl.u32 v24, $0x7;
	v30 =	vshrl.u32 v23, $0x7  }
0x209: {  	s23 =	simm.s32 $0x130;
	[tilespmem:v12+s9+$0x0] =	vst.idx.msk vm8, v26;
	v12 =	vmov s30;
	v26 =	vld [tilespmem:s17+$0xFFFFFFD0];
	v10 =	vor.u32 v18, v11;
	v11 =	vmov s21;
	_, v52, vm4 =	vpop (xrf1)  }
0x20a: {  	[tilespmem:v17+s9+$0x0] =	vst.idx.msk vm7, v31;
	v12 =	vshrl.u32 v12, $0x7;
	v31 =	vld [tilespmem:s17+$0x10];
	v18 =	vmov s23;
	v11 =	vshrl.u32 v11, $0x7;
	_, v53, vm2 =	vpop (xrf1)  }
0x20b: {  	v12 =	vshll.u32 v12, v1;
	v18 =	vshrl.u32 v18, $0x7;
	v11 =	vshll.u32 v11, v1;
	[tilespmem:v13+s9+$0x0] =	vst.idx.msk vm5, v14;
	_, v21, vm5 =	vpop (xrf1)  }
0x20c: {  	s26 =	simm.s32 $0x160;
	(xrf1) =	vunique.msk.u32 $0xffff, v22;
	v23 =	vshll.u32 v18, v1;
	v8 =	vshrl.u32 v8, $0x8;
	v13 =	vshll.u32 v24, v1;
	v24 =	vld [tilespmem:s17+$0xFFFFFFF0]  }
0x20d: {  	v56 =	vld [tilespmem:s17+$0xFFFFFFC0];
	v14 =	vmov s26;
	v8 =	vand.u32 $0xF, v8;
	[tilespmem:v9+s9+$0x0] =	vst.idx.msk vm6, v16;
	v9 =	vshrl.u32 v51, $0x7  }
0x20e: {  	v57 =	vld [tilespmem:s17+$0xFFFFFFE0];
	[tilespmem:v28+s9+$0x0] =	vst.idx.msk vm3, v47;
	v16 =	vshrl.u32 v26, $0x8;
	v28 =	vshrl.u32 v14, $0x7;
	v13 =	vbroadcast v13, $0x0  }
0x20f: {  	s28 =	simm.s32 $0x190;
	v26 =	vld [tilespmem:s17+$0xFFFFFF80];
	(xrf1) =	vunique.msk.u32 $0xffff, v8;
	v16 =	vand.u32 $0xF, v16;
	v31 =	vshrl.u32 v31, $0x8;
	v9 =	vshll.u32 v9, v1  }
0x210: {  	[tilespmem:s15+$0x70] =	vst v0;
	v5 =	vld [tilespmem:s15+$0xFFFFFF80];
	v28 =	vshll.u32 v28, v1;
	v14 =	vand.u32 $0xF, v31;
	v31 =	vmov s28  }
0x211: {  	(xrf1) =	vunique.msk.u32 $0xffff, v16;
	v15 =	vshrl.u32 v24, $0x8;
	v24 =	vld [tilespmem:s17+$0x20];
	[tilespmem:v10+s9+$0x0] =	vst.idx.msk vm5, v21;
	v10 =	vor.u32 $0x40, v12  }
0x212: {  	[tilespmem:s15+$0x60] =	vst v0;
	v19 =	vand.u32 $0xF, v15;
	v15 =	vbroadcast v25, $0x0;
	v25 =	vbroadcast v10, $0x0;
	v10 =	vld [tilespmem:s17+$0x30]  }
0x213: {  	[tilespmem:s15+$0x50] =	vst v0;
	v31 =	vshrl.u32 v31, $0x7;
	v12 =	vor.u32 $0x20, v2;
	v2 =	vshrl.u32 v56, $0x8  }
0x214: {  	[tilespmem:v7+s9+$0x0] =	vst.idx.msk vm4, v52;
	(xrf1) =	vunique.msk.u32 $0xffff, v19;
	v21 =	vand.u32 $0xF, v2;
	v2 =	vshrl.u32 v57, $0x8  }
0x215: {  	v31 =	vshll.u32 v31, v1;
	[tilespmem:v6+s9+$0x0] =	vst.idx.msk vm2, v53;
	v2 =	vand.u32 $0xF, v2;
	(xrf1) =	vunique.msk.u32 $0xffff, v21  }
0x216: {  	v26 =	vshrl.u32 v26, $0x8;
	v3 =	vadd.s32 v3, v5;
	(xrf1) =	vunique.msk.u32 $0xffff, v2;
	v24 =	vshrl.u32 v24, $0x8  }
0x217: {  	v6 =	vand.u32 $0xF, v26;
	(xrf1) =	vunique.msk.u32 $0xffff, v27;
	v24 =	vand.u32 $0xF, v24;
	v7 =	vshrl.u32 v10, $0x8  }
0x218: {  	s29 =	simm.s32 $0x1B0;
	v5 =	vld [tilespmem:s15+$0xFFFFFF90];
	v22 =	vor.u32 v15, v22;
	(xrf1) =	vunique.msk.u32 $0xffff, v24;
	v61 =	vand.u32 $0xF, v7;
	v7 =	vshll.u32 v29, v1  }
0x219: {  	s16 =	simm.s32 $0x10180;
	v15 =	vld [tilespmem:s17+$0x70];
	v10 =	vor.u32 $0x50, v11;
	(xrf1) =	vunique.msk.u32 $0xffff, v61;
	v26 =	vor.u32 $0x70, v7;
	v7 =	vmov s29  }
0x21a: {  	[tilespmem:s16+$0xFFFFFFE0] =	vst v0;
	v9 =	vor.u32 $0x10, v9;
	v31 =	vor.u32 $0x10, v31;
	v10 =	vbroadcast v10, $0x0  }
0x21b: {  	v49 =	vld [tilespmem:s17+$0x50];
	v9 =	vbroadcast v9, $0x0;
	v56 =	vshrl.u32 v4, $0x7;
	v31 =	vbroadcast v31, $0x0;
	(xrf1) =	vunique.msk.u32 $0xffff, v20  }
0x21c: {  	s30 =	simm.s32 $0x1A0;
	v18 =	vld [tilespmem:s15+$0xFFFFFFA0];
	_, v33, vm2 =	vpop (xrf1);
	v36 =	vbroadcast v12, $0x0;
	v12 =	vshrl.u32 v7, $0x7;
	v16 =	vor.u32 v10, v16;
	(xrf1) =	vunique.msk.u32 $0xffff, v37  }
0x21d: {  	v11 =	vld [tilespmem:s17+$0x40];
	v10 =	vshll.u32 v12, v1;
	v12 =	vor.u32 v13, v6;
	_, v7, vm1 =	vpop (xrf1);
	(xrf1) =	vunique.msk.u32 $0xffff, v6;
	v6 =	vmov s30  }
0x21e: {  	[tilespmem:s16+$0xFFFFFFA0] =	vst v0;
	s31 =	simm.s32 $0x180;
	v3 =	vadd.s32 v5, v3;
	v62 =	vshrl.u32 v15, $0x8;
	v29 =	vld [tilespmem:s15+$0xFFFFFFB0];
	v6 =	vshrl.u32 v6, $0x7  }
0x21f: {  	[tilespmem:s16+$0xFFFFFFC0] =	vst v0;
	v5 =	vld [tilespmem:s15+$0xFFFFFFC0];
	v15 =	vshrl.u32 v54, $0x7;
	v50 =	vor.u32 $0x30, v10;
	v10 =	vmov s31;
	_, v48, vm4 =	vpop (xrf1)  }
0x220: {  	v52 =	vld [tilespmem:s15+$0xFFFFFFD0];
	v57 =	vor.u32 $0x30, v23;
	v21 =	vor.u32 v25, v21;
	v10 =	vshrl.u32 v10, $0x7;
	(xrf1) =	vunique.msk.u32 $0xffff, v14  }
0x221: {  	[tilespmem:s16+$0xFFFFFFB0] =	vst v0;
	v53 =	vld [tilespmem:s15+$0xFFFFFFE0];
	v3 =	vadd.s32 v18, v3;
	v18 =	vor.u32 v9, v8;
	v9 =	vshrl.u32 v49, $0x8  }
0x222: {  	v55 =	vld [tilespmem:s15+$0xFFFFFFF0];
	[tilespmem:v22+s9+$0x0] =	vst.idx.msk vm2, v33;
	v25 =	vbroadcast v26, $0x0;
	v51 =	vshrl.u32 v11, $0x8;
	v13 =	vshll.u32 v6, v1;
	_, v6, vm0 =	vpop (xrf1)  }
0x223: {  	[tilespmem:s16+$0xFFFFFF90] =	vst v0;
	v22 =	vld [tilespmem:s15+$0x0];
	v11 =	vshll.u32 v15, v1;
	v3 =	vadd.s32 v29, v3;
	v54 =	vshll.u32 v10, v1;
	_, v15, vm3 =	vpop (xrf1)  }
0x224: {  	[tilespmem:s16+$0xFFFFFFD0] =	vst v0;
	v3 =	vadd.s32 v5, v3;
	v8 =	vor.u32 $0x20, v13;
	v13 =	vand.u32 $0xF, v9;
	_, v10, vm2 =	vpop (xrf1)  }
0x225: {  	v4 =	vld [tilespmem:s15+$0x20];
	v3 =	vadd.s32 v52, v3;
	v8 =	vbroadcast v8, $0x0;
	(xrf1) =	vunique.msk.u32 $0xffff, v13;
	[tilespmem:v16+s9+$0x0] =	vst.idx.msk vm4, v48;
	_, v23, vm4 =	vpop (xrf1)  }
0x226: {  	[tilespmem:s16+$0xFFFFFFF0] =	vst v0;
	v58 =	vbroadcast v50, $0x0;
	v5 =	vld [tilespmem:s15+$0x30];
	v9 =	vand.u32 $0xF, v35;
	v3 =	vadd.s32 v53, v3;
	_, v59, vm5 =	vpop (xrf1)  }
0x227: {  	v29 =	vor.u32 v31, v14;
	v14 =	vld [tilespmem:s15+$0x50];
	v3 =	vadd.s32 v55, v3;
	(xrf1) =	vunique.msk.u32 $0xffff, v9;
	v26 =	vor.u32 v8, v24;
	_, v60, vm6 =	vpop (xrf1)  }
0x228: {  	s24 =	simm.s32 $0x1C0;
	[tilespmem:s16+$0xFFFFFF80] =	vst v0;
	v31 =	vor.u32 v58, v61;
	v61 =	vshll.u32 v30, v1;
	v30 =	vadd.s32 v22, v3;
	v22 =	vld [tilespmem:s15+$0x40]  }
0x229: {  	v17 =	vmov s24;
	v28 =	vor.u32 $0x60, v28;
	[tilespmem:s16+$0x20] =	vst v0;
	v32 =	vand.u32 $0xF, v62;
	v8 =	vld [tilespmem:s15+$0x70]  }
0x22a: {  	[tilespmem:s16+$0x30] =	vst v0;
	v34 =	vor.u32 $0x70, v61;
	v24 =	vbroadcast v28, $0x0;
	v28 =	vbroadcast v54, $0x0;
	v16 =	vld [tilespmem:s15+$0x10];
	_, v35, vm7 =	vpop (xrf1)  }
0x22b: {  	v38 =	vor.u32 v36, v20;
	[tilespmem:s16+$0x40] =	vst v0;
	v62 =	vshrl.u32 v17, $0x7;
	(xrf1) =	vunique.msk.u32 $0xffff, v32;
	v3 =	vld [tilespmem:s16+$0xFFFFFFD0];
	_, v36, vm8 =	vpop (xrf1)  }
0x22c: {  	v63 =	vbroadcast v57, $0x0;
	v40 =	vshll.u32 v62, v1;
	v39 =	vor.u32 v28, v37;
	[tilespmem:v26+s9+$0x0] =	vst.idx.msk vm5, v59;
	v26 =	vld [tilespmem:s15+$0x60]  }
0x22d: {  	s18 =	simm.s32 $0x10280;
	v17 =	vor.u32 v25, v19;
	v19 =	vshll.u32 v56, v1;
	v20 =	vand.u32 $0xF, v51;
	_, v33, vm5 =	vpop (xrf1);
	v25 =	vld [tilespmem:s16+$0x20];
	[tilespmem:v31+s9+$0x0] =	vst.idx.msk vm6, v60  }
0x22e: {  	s19 =	simm.s32 $0x280;
	s17 =	simm.s32 $0x2F0;
	v28 =	vor.u32 $0x50, v19;
	v37 =	vbroadcast v34, $0x0;
	(xrf1) =	vunique.msk.u32 $0xffff, v20;
	s15 =	simm.s32 $0x10;
	_, v34, vm6 =	vpop (xrf1);
	v31 =	vor.u32 v63, v27;
	v19 =	vld [tilespmem:s16+$0x30]  }
.LBB2_11:
0x22f: {  	s20 =	sadd.s32 $0xFFFFFF10, s17;
	v41 =	vld [tilespmem:s19+$0xFFFFFF90];
	s22 =	sadd.s32 $0xFFFFFF50, s17;
	s21 =	sadd.s32 $0xFFFFFF80, s17;
	v27 =	vmov s17;
	[tilespmem:s16+$0x0] =	vst v0;
	v40 =	vor.u32 $0x40, v40;
	v16 =	vadd.s32 v16, v30  }
0x230: {  	s23 =	sadd.s32 $0xFFFFFFF0, s17;
	v30 =	vmov s20;
	v42 =	vld [tilespmem:s19+$0xFFFFFFB0];
	v43 =	vmov s21;
	s20 =	sadd.s32 $0xFFFFFF90, s17;
	s21 =	sadd.s32 $0xFFFFFFB0, s17;
	[tilespmem:v38+s9+$0x0] =	vst.idx.msk vm7, v35;
	v45 =	vadd.s32 v4, v16  }
0x231: {  	s24 =	sadd.s32 $0xFFFFFF20, s17;
	s25 =	sadd.s32 $0xFFFFFFE0, s17;
	v16 =	vshrl.u32 v30, $0x7;
	v30 =	vmov s22;
	v35 =	vld [tilespmem:s19+$0xFFFFFFD0];
	s22 =	sadd.s32 $0xFFFFFFD0, s17;
	[tilespmem:v39+s9+$0x0] =	vst.idx.msk vm8, v36;
	v39 =	vadd.s32 v5, v45  }
0x232: {  	s26 =	sadd.s32 $0xFFFFFF30, s17;
	s15 =	sadd.s32 $0x10, s15;
	v36 =	vld [tilespmem:s19+$0xFFFFFF80];
	v38 =	vshrl.u32 v30, $0x7;
	v30 =	vshrl.u32 v43, $0x7;
	[tilespmem:s16+$0x10] =	vst v0;
	v44 =	vadd.s32 v22, v39;
	v4 =	vmovc v25  }
0x233: {  	s28 =	sadd.s32 $0xFFFFFF60, s17;
	p0 =	slt.u32 s15, $0x7F0;
	v39 =	vmov s24;
	s24 =	sadd.s32 $0xFFFFFF40, s17;
	v22 =	vmov s25;
	v43 =	vld [tilespmem:s19+$0x10];
	[tilespmem:v31+s9+$0x0] =	vst.idx.msk vm4, v23;
	v31 =	vor.u32 v37, v32;
	_, v37, vm7 =	vpop (xrf1)  }
0x234: {  	v32 =	vmov s28;
	v5 =	vmovc v19;
	v23 =	vshrl.u32 v41, $0x8;
	[tilespmem:v18+s9+$0x0] =	vst.idx.msk vm1, v7;
	v25 =	vld [tilespmem:s16+$0xFFFFFFA0];
	v7 =	vadd.s32 v14, v44  }
0x235: {  	v14 =	vshrl.u32 v32, $0x7;
	v18 =	vand.u32 $0xF, v23;
	v23 =	vld [tilespmem:s16+$0xFFFFFFB0];
	[tilespmem:v29+s9+$0x0] =	vst.idx.msk vm6, v34;
	_, v34, vm6 =	vpop (xrf1);
	v7 =	vadd.s32 v26, v7  }
0x236: {  	v19 =	vmov s22;
	v32 =	vmov s26;
	v41 =	vmov s24;
	v44 =	vld [tilespmem:s19+$0xFFFFFFF0]  }
0x237: {  	s22 =	sadd.s32 $0xFFFFFF70, s17;
	v26 =	vshrl.u32 v39, $0x7;
	v35 =	vshrl.u32 v35, $0x8;
	v39 =	vadd.s32 v8, v7;
	(xrf1) =	vunique.msk.u32 $0xffff, v18;
	v29 =	vld [tilespmem:s16+$0xFFFFFF90]  }
0x238: {  	v35 =	vand.u32 $0xF, v35;
	v7 =	vld [tilespmem:s19+$0xFFFFFFA0];
	v8 =	vshrl.u32 v43, $0x8;
	v43 =	vmov s23;
	[tilespmem:v12+s9+$0x0] =	vst.idx.msk vm5, v33  }
0x239: {  	v2 =	vor.u32 v24, v2;
	v12 =	vshll.u32 v16, v1;
	v16 =	vmov s22;
	s22 =	sadd.s32 $0xFFFFFFA0, s17;
	[tilespmem:v21+s9+$0x0] =	vst.idx.msk vm3, v15;
	_, v15, vm1 =	vpop (xrf1)  }
0x23a: {  	v33 =	vshrl.u32 v16, $0x7;
	v24 =	vand.u32 $0xF, v8;
	v8 =	vmov s22;
	(xrf1) =	vunique.msk.u32 $0xffff, v35;
	v45 =	vld [tilespmem:s16+$0xFFFFFF80]  }
0x23b: {  	v46 =	vshll.u32 v14, v1;
	v16 =	vbroadcast v28, $0x0;
	v8 =	vshrl.u32 v8, $0x7;
	v14 =	vld [tilespmem:s19+$0xFFFFFFE0]  }
0x23c: {  	v11 =	vor.u32 $0x60, v11;
	v47 =	vshll.u32 v26, v1;
	v8 =	vshll.u32 v8, v1;
	v48 =	vld [tilespmem:s19+$0xFFFFFFC0];
	[tilespmem:s16+$0x70] =	vst v0;
	_, v21, vm4 =	vpop (xrf1)  }
0x23d: {  	v42 =	vshrl.u32 v42, $0x8;
	v49 =	vor.u32 $0x10, v8;
	v8 =	vbroadcast v11, $0x0;
	v26 =	vld [tilespmem:s16+$0x0];
	[tilespmem:s16+$0x60] =	vst v0  }
0x23e: {  	v11 =	vshrl.u32 v36, $0x8;
	v7 =	vshrl.u32 v7, $0x8;
	v36 =	vld [tilespmem:s19+$0x0];
	[tilespmem:v2+s9+$0x0] =	vst.idx.msk vm2, v10;
	v10 =	vor.u32 v16, v13  }
0x23f: {  	v2 =	vshrl.u32 v32, $0x7;
	v13 =	vshll.u32 v38, v1;
	v16 =	vshrl.u32 v44, $0x8;
	v38 =	vld [tilespmem:s19+$0x20];
	[tilespmem:v31+s9+$0x0] =	vst.idx.msk vm1, v15  }
0x240: {  	v2 =	vshll.u32 v2, v1;
	v13 =	vor.u32 $0x40, v13;
	v28 =	vand.u32 $0xF, v16;
	v32 =	vld [tilespmem:s16+$0xFFFFFFE0];
	[tilespmem:v17+s9+$0x0] =	vst.idx.msk vm0, v6  }
0x241: {  	v16 =	vbroadcast v40, $0x0;
	v6 =	vor.u32 $0x20, v2;
	v2 =	vshrl.u32 v48, $0x8;
	v15 =	vld [tilespmem:s19+$0x70];
	(xrf1) =	vunique.msk.u32 $0xffff, v28  }
0x242: {  	v44 =	vbroadcast v13, $0x0;
	v40 =	vand.u32 $0xF, v2;
	v2 =	vshrl.u32 v14, $0x8;
	v13 =	vld [tilespmem:s19+$0x30];
	[tilespmem:s16+$0x50] =	vst v0  }
0x243: {  	v17 =	vand.u32 $0xF, v7;
	v20 =	vor.u32 v16, v20;
	v2 =	vand.u32 $0xF, v2;
	(xrf1) =	vunique.msk.u32 $0xffff, v40;
	v48 =	vld [tilespmem:s16+$0xFFFFFFC0]  }
0x244: {  	v9 =	vor.u32 v8, v9;
	v14 =	vshrl.u32 v36, $0x8;
	v31 =	vshrl.u32 v38, $0x8;
	(xrf1) =	vunique.msk.u32 $0xffff, v2;
	v16 =	vld [tilespmem:s16+$0x10]  }
0x245: {  	v33 =	vshll.u32 v33, v1;
	v36 =	vor.u32 $0x10, v47;
	[tilespmem:s18+$0xFFFFFFE0] =	vst v0;
	v38 =	vand.u32 $0xF, v31;
	_, v7, vm1 =	vpop (xrf1);
	v8 =	vld [tilespmem:s16+$0x70]  }
0x246: {  	v41 =	vshrl.u32 v41, $0x7;
	v31 =	vand.u32 $0xF, v42;
	v42 =	vand.u32 $0xF, v14;
	v47 =	vld [tilespmem:s19+$0x40];
	[tilespmem:v10+s9+$0x0] =	vst.idx.msk vm7, v37  }
0x247: {  	v27 =	vshrl.u32 v27, $0x7;
	v10 =	vshrl.u32 v13, $0x8;
	(xrf1) =	vunique.msk.u32 $0xffff, v31;
	v13 =	vadd.s32 v39, v45;
	v14 =	vld [tilespmem:s16+$0x50]  }
0x248: {  	v37 =	vor.u32 $0x50, v46;
	v39 =	vbroadcast v49, $0x0;
	v45 =	vand.u32 $0xF, v10;
	_, v46, vm5 =	vpop (xrf1);
	(xrf1) =	vunique.msk.u32 $0xffff, v38  }
0x249: {  	v41 =	vshll.u32 v41, v1;
	v49 =	vshrl.u32 v15, $0x8;
	(xrf1) =	vunique.msk.u32 $0xffff, v45;
	[tilespmem:v9+s9+$0x0] =	vst.idx.msk vm6, v34  }
0x24a: {  	s22 =	sadd.s32 $0xFFFFFFC0, s17;
	v10 =	vshll.u32 v30, v1;
	v9 =	vand.u32 $0xF, v11;
	v11 =	vshrl.u32 v43, $0x7;
	[tilespmem:s18+$0xFFFFFF90] =	vst v0  }
0x24b: {  	v15 =	vbroadcast v37, $0x0;
	v30 =	vor.u32 $0x70, v10;
	v10 =	vmov s22;
	(xrf1) =	vunique.msk.u32 $0xffff, v17  }
0x24c: {  	v37 =	vbroadcast v6, $0x0;
	v34 =	vbroadcast v36, $0x0;
	v52 =	vshrl.u32 v10, $0x7;
	v36 =	vld [tilespmem:s19+$0x60];
	(xrf1) =	vunique.msk.u32 $0xffff, v42  }
0x24d: {  	v35 =	vor.u32 v15, v35;
	v10 =	vbroadcast v12, $0x0;
	v15 =	vshll.u32 v52, v1;
	[tilespmem:s18+$0xFFFFFFD0] =	vst v0;
	v43 =	vld [tilespmem:s19+$0x50]  }
0x24e: {  	v13 =	vadd.s32 v29, v13;
	v47 =	vshrl.u32 v47, $0x8;
	v50 =	vor.u32 $0x30, v15;
	(xrf1) =	vunique.msk.u32 $0xffff, v9;
	v51 =	vld [tilespmem:s16+$0xFFFFFFF0]  }
0x24f: {  	v33 =	vor.u32 $0x60, v33;
	v12 =	vor.u32 v10, v9;
	v9 =	vmov s21;
	_, v6, vm0 =	vpop (xrf1);
	(xrf1) =	vunique.msk.u32 $0xffff, v24  }
0x250: {  	v13 =	vadd.s32 v25, v13;
	v52 =	vmov s20;
	v9 =	vshrl.u32 v9, $0x7;
	[tilespmem:s18+$0xFFFFFFF0] =	vst v0  }
0x251: {  	v11 =	vshll.u32 v11, v1;
	v29 =	vshrl.u32 v52, $0x7;
	v9 =	vshll.u32 v9, v1;
	[tilespmem:s18+$0xFFFFFF80] =	vst v0;
	_, v15, vm3 =	vpop (xrf1)  }
0x252: {  	v18 =	vor.u32 v34, v18;
	v25 =	vshll.u32 v29, v1;
	v9 =	vor.u32 $0x20, v9;
	[tilespmem:s18+$0xFFFFFFA0] =	vst v0;
	_, v10, vm2 =	vpop (xrf1)  }
0x253: {  	v29 =	vshrl.u32 v43, $0x8;
	v43 =	vshrl.u32 v36, $0x8;
	v36 =	vadd.s32 v23, v13;
	[tilespmem:v20+s9+$0x0] =	vst.idx.msk vm4, v21  }
0x254: {  	v13 =	vand.u32 $0xF, v29;
	v20 =	vshrl.u32 v22, $0x7;
	v21 =	vadd.s32 v48, v36;
	[tilespmem:v35+s9+$0x0] =	vst.idx.msk vm5, v46;
	v22 =	vld [tilespmem:s16+$0x40]  }
0x255: {  	v41 =	vor.u32 $0x30, v41;
	v29 =	vbroadcast v9, $0x0;
	v21 =	vadd.s32 v3, v21;
	_, v23, vm4 =	vpop (xrf1);
	(xrf1) =	vunique.msk.u32 $0xffff, v13;
	v3 =	vld [tilespmem:s18+$0xFFFFFFD0]  }
0x256: {  	v48 =	vbroadcast v50, $0x0;
	v9 =	vand.u32 $0xF, v43;
	v32 =	vadd.s32 v32, v21;
	[tilespmem:s18+$0x20] =	vst v0;
	_, v34, vm5 =	vpop (xrf1)  }
0x257: {  	v21 =	vor.u32 v44, v40;
	v40 =	vbroadcast v30, $0x0;
	v43 =	vor.u32 v29, v38;
	_, v44, vm6 =	vpop (xrf1);
	(xrf1) =	vunique.msk.u32 $0xffff, v9  }
0x258: {  	v29 =	vor.u32 v39, v24;
	v45 =	vor.u32 v48, v45;
	v24 =	vadd.s32 v51, v32;
	[tilespmem:s18+$0xFFFFFFC0] =	vst v0  }
0x259: {  	v27 =	vshll.u32 v27, v1;
	v32 =	vand.u32 $0xF, v49;
	v30 =	vadd.s32 v26, v24;
	[tilespmem:s18+$0xFFFFFFB0] =	vst v0;
	_, v35, vm7 =	vpop (xrf1)  }
.Ltmp4:
0x25a: {  	v25 =	vbroadcast v25, $0x0;
	v46 =	vshrl.u32 v19, $0x7;
	v24 =	vbroadcast v33, $0x0;
	[tilespmem:s18+$0x30] =	vst v0;
	_, v36, vm8 =	vpop (xrf1);
	(pc) =	sbr.rel @p0 .LBB2_11-.Ltmp4, $4  }
0x25b: {  	v19 =	vshll.u32 v20, v1;
	v38 =	vor.u32 v37, v17;
	v17 =	vor.u32 v40, v28;
	(xrf1) =	vunique.msk.u32 $0xffff, v32  }
0x25c: {  	v27 =	vor.u32 $0x70, v27;
	v39 =	vor.u32 v25, v42;
	v40 =	vbroadcast v41, $0x0;
	[tilespmem:v43+s9+$0x0] =	vst.idx.msk vm5, v34;
	_, v33, vm5 =	vpop (xrf1);
	v26 =	vld [tilespmem:s16+$0x60];
	s16 =	smov.u32 s18  }
0x25d: {  	v20 =	vand.u32 $0xF, v47;
	v37 =	vbroadcast v27, $0x0;
	v28 =	vor.u32 $0x50, v19;
	v25 =	vld [tilespmem:s18+$0x20];
	[tilespmem:v45+s9+$0x0] =	vst.idx.msk vm6, v44;
	_, v34, vm6 =	vpop (xrf1)  }
0x25e: {  	s17 =	sadd.s32 $0x100, s17;
	s19 =	sadd.s32 $0x100, s19;
	v31 =	vor.u32 v40, v31;
	v40 =	vshll.u32 v46, v1;
	s18 =	sadd.s32 $0x100, s18;
	v19 =	vld [tilespmem:s16+$0x30];
	[tilespmem:s16+$0x40] =	vst v0;
	(xrf1) =	vunique.msk.u32 $0xffff, v20  }
0x25f: {  	_ =	sdelay $0x3  }
0x260: {  	[tilespmem:s16+$0x0] =	vst v0  }
0x261: {  	[tilespmem:v38+s9+$0x0] =	vst.idx.msk vm7, v35  }
0x262: {  	[tilespmem:s16+$0x10] =	vst v0  }
0x263: {  	[tilespmem:v31+s9+$0x0] =	vst.idx.msk vm4, v23  }
0x264: {  	[tilespmem:v18+s9+$0x0] =	vst.idx.msk vm1, v7  }
0x265: {  	v2 =	vor.u32 v24, v2;
	[tilespmem:v12+s9+$0x0] =	vst.idx.msk vm5, v33  }
0x266: {  	[tilespmem:v21+s9+$0x0] =	vst.idx.msk vm3, v15;
	v18 =	vld [tilespmem:s16+$0xFFFFFFA0]  }
0x267: {  	v12 =	vbroadcast v28, $0x0;
	v16 =	vadd.s32 v16, v30;
	v11 =	vor.u32 $0x60, v11;
	[tilespmem:v29+s9+$0x0] =	vst.idx.msk vm6, v34;
	v29 =	vld [tilespmem:s16+$0xFFFFFFB0]  }
0x268: {  	[tilespmem:s16+$0x70] =	vst v0;
	v30 =	vld [tilespmem:s16+$0xFFFFFF90];
	v11 =	vbroadcast v11, $0x0;
	_, v23, vm4 =	vpop (xrf1)  }
0x269: {  	v28 =	vor.u32 $0x40, v40;
	[tilespmem:v39+s9+$0x0] =	vst.idx.msk vm8, v36;
	v15 =	vld [tilespmem:s16+$0xFFFFFF80];
	v4 =	vadd.s32 v4, v16;
	v12 =	vor.u32 v12, v13;
	_, v7, vm1 =	vpop (xrf1)  }
0x26a: {  	v13 =	vbroadcast v28, $0x0;
	v21 =	vld [tilespmem:s16+$0x0];
	v9 =	vor.u32 v11, v9;
	[tilespmem:v2+s9+$0x0] =	vst.idx.msk vm2, v10;
	v2 =	vadd.s32 v5, v4;
	_, v24, vm14 =	vpop (xrf1)  }
0x26b: {  	v27 =	vor.u32 v37, v32;
	[tilespmem:s16+$0x60] =	vst v0;
	v11 =	vld [tilespmem:s16+$0x10];
	v2 =	vadd.s32 v22, v2;
	_, v16, vm15 =	vpop (xrf1)  }
0x26c: {  	[tilespmem:s16+$0x50] =	vst v0;
	v5 =	vor.u32 v13, v20;
	v13 =	vld [tilespmem:s16+$0xFFFFFFC0];
	v2 =	vadd.s32 v14, v2  }
0x26d: {  	[tilespmem:v17+s9+$0x0] =	vst.idx.msk vm0, v6;
	v4 =	vld [tilespmem:s16+$0xFFFFFFE0];
	v2 =	vadd.s32 v26, v2  }
0x26e: {  	v2 =	vadd.s32 v8, v2;
	v8 =	vld [tilespmem:s16+$0xFFFFFFF0];
	[tilespmem:v12+s9+$0x0] =	vst.idx.msk vm4, v23  }
0x26f: {  	v6 =	vld [tilespmem:s16+$0x50];
	[tilespmem:v9+s9+$0x0] =	vst.idx.msk vm1, v7  }
0x270: {  	v2 =	vadd.s32 v2, v15;
	v9 =	vld [tilespmem:s16+$0x60];
	[tilespmem:v27+s9+$0x0] =	vst.idx.msk vm14, v24  }
0x271: {  	v2 =	vadd.s32 v30, v2;
	v14 =	vld [tilespmem:s16+$0x70];
	[tilespmem:v5+s9+$0x0] =	vst.idx.msk vm15, v16  }
0x272: {  	s31 =	simm.s32 $0x80;
	v2 =	vadd.s32 v18, v2;
	v7 =	vld [tilespmem:s16+$0x40]  }
0x273: {  	s15 =	simm.s32 $0x10080;
	v2 =	vadd.s32 v29, v2;
	v10 =	vld [tilespmem:s31+$0xFFFFFFD0]  }
0x274: {  	v2 =	vadd.s32 v13, v2;
	v23 =	vld [tilespmem:s15+$0xFFFFFFC0]  }
0x275: {  	v2 =	vadd.s32 v3, v2;
	v24 =	vld [tilespmem:s15+$0xFFFFFFB0]  }
0x276: {  	v2 =	vadd.s32 v4, v2;
	v27 =	vld [tilespmem:s15+$0xFFFFFFA0]  }
0x277: {  	v2 =	vadd.s32 v8, v2;
	v26 =	vld [tilespmem:s15+$0xFFFFFF90]  }
0x278: {  	v2 =	vadd.s32 v21, v2;
	v5 =	vld [tilespmem:s31+$0xFFFFFF80]  }
0x279: {  	v2 =	vadd.s32 v11, v2;
	v3 =	vld [tilespmem:s31+$0x30]  }
0x27a: {  	v2 =	vadd.s32 v25, v2;
	v8 =	vld [tilespmem:s31+$0x40]  }
0x27b: {  	v15 =	vld [tilespmem:s31+$0xFFFFFFE0];
	v4 =	vadd.s32 v19, v2  }
0x27c: {  	v17 =	vld [tilespmem:s31+$0x0];
	v4 =	vadd.s32 v7, v4  }
0x27d: {  	v6 =	vadd.s32 v6, v4;
	v4 =	vld [tilespmem:s31+$0xFFFFFFC0]  }
0x27e: {  	v13 =	vld [tilespmem:s31+$0xFFFFFFA0];
	v7 =	vadd.s32 v9, v6  }
0x27f: {  	v12 =	vld [tilespmem:s31+$0xFFFFFFB0];
	v16 =	vadd.s32 v14, v7  }
0x280: {  	v25 =	vld [tilespmem:s15+$0xFFFFFF80];
	(xrf0) =	vadd.scan.msk.s32 $0xffff, v16  }
0x281: {  	v6 =	vld [tilespmem:s31+$0xFFFFFFF0];
	v9 =	vshrl.u32 v10, $0x8  }
0x282: {  	v7 =	vld [tilespmem:s31+$0x10];
	v29 =	vand.u32 $0xF, v9;
	v11 =	vshrl.u32 v4, $0x8  }
0x283: {  	v34 =	vld [tilespmem:s15+$0xFFFFFFE0];
	(xrf1) =	vunique.msk.u32 $0xffff, v29;
	v21 =	vand.u32 $0xF, v11  }
0x284: {  	v37 =	vld [tilespmem:s15+$0xFFFFFFF0];
	(xrf1) =	vunique.msk.u32 $0xffff, v21  }
0x285: {  	v38 =	vld [tilespmem:s15+$0x0];
	v18 =	vshrl.u32 v13, $0x8  }
0x286: {  	v2 =	vld [tilespmem:s31+$0x70];
	v48 =	vand.u32 $0xF, v18;
	v20 =	vxor.u32 $0xFFFFFFFF, v16;
	v22 =	vshrl.u32 v6, $0x8;
	v19, _, _ =	vpop (xrf0)  }
0x287: {  	v9 =	vld [tilespmem:s31+$0x20];
	v18 =	vand.u32 $0xF, v22;
	(xrf1) =	vunique.msk.u32 $0xffff, v48;
	v20 =	vadd.s32 v20, v19;
	v19 =	vshrl.u32 v7, $0x8  }
0x288: {  	v28 =	vshrl.u32 v8, $0x8;
	v14 =	vld [tilespmem:s31+$0x60];
	v22 =	vshrl.u32 v15, $0x8;
	(xrf1) =	vunique.msk.u32 $0xffff, v18;
	v19 =	vand.u32 $0xF, v19  }
0x289: {  	v30 =	vshrl.u32 v3, $0x8;
	v61 =	vshrl.u32 v17, $0x8;
	v11 =	vld [tilespmem:s31+$0x50];
	v36 =	vand.u32 $0xF, v22;
	(xrf1) =	vunique.msk.u32 $0xffff, v19  }
0x28a: {  	v62 =	vshrl.u32 v5, $0x8;
	v63 =	vshrl.u32 v12, $0x8;
	v16 =	vld [tilespmem:s31+$0xFFFFFF90];
	v22 =	vand.u32 $0xF, v30;
	(xrf1) =	vunique.msk.u32 $0xffff, v36  }
0x28b: {  	v39 =	vld [tilespmem:s15+$0x10];
	v31 =	vshrl.u32 v2, $0x8;
	v41 =	vand.u32 $0xF, v61;
	v25 =	vadd.s32 v20, v25;
	(xrf1) =	vunique.msk.u32 $0xffff, v22  }
0x28c: {  	v51 =	vld [tilespmem:s15+$0xFFFFFFD0];
	v33 =	vand.u32 $0xF, v28;
	v30 =	vshrl.u32 v9, $0x8;
	v50 =	vadd.s32 v25, v26;
	(xrf1) =	vunique.msk.u32 $0xffff, v41  }
0x28d: {  	v47 =	vld [tilespmem:s15+$0x30];
	v40 =	vand.u32 $0xF, v30;
	v26 =	vand.u32 $0xF, v31;
	v31 =	vadd.s32 v50, v27;
	(xrf1) =	vunique.msk.u32 $0xffff, v33  }
0x28e: {  	v44 =	vand.u32 $0xF, v62;
	v28 =	vld [tilespmem:s15+$0x60];
	v42 =	vshrl.u32 v11, $0x8;
	v24 =	vadd.s32 v31, v24;
	(xrf1) =	vunique.msk.u32 $0xffff, v40  }
0x28f: {  	v43 =	vshrl.u32 v14, $0x8;
	v45 =	vshrl.u32 v16, $0x8;
	v30 =	vld [tilespmem:s15+$0x70];
	v32 =	vand.u32 $0xF, v42;
	(xrf1) =	vunique.msk.u32 $0xffff, v44  }
0x290: {  	v35 =	vand.u32 $0xF, v63;
	v43 =	vand.u32 $0xF, v43;
	v49 =	vand.u32 $0xF, v45;
	v45 =	vld [tilespmem:s15+$0x40];
	(xrf1) =	vunique.msk.u32 $0xffff, v32  }
0x291: {  	v42 =	vld [tilespmem:s15+$0x50];
	v25 =	vperm.xlane v25, v49;
	v50 =	vperm.xlane v50, v48;
	v23 =	vadd.s32 v24, v23;
	_, v46, _ =	vpop (xrf1);
	(xrf1) =	vunique.msk.u32 $0xffff, v43  }
0x292: {  	s17 =	simm.s32 $0x180;
	s18 =	simm.s32 $0x10080;
	s16 =	simm.s32 $0x0;
	v48 =	vld [tilespmem:s15+$0x20];
	v21 =	vperm.xlane v24, v21;
	v27 =	vperm.xlane v23, v29;
	v29 =	vadd.s32 v23, v51;
	_, v24, _ =	vpop (xrf1);
	(xrf1) =	vunique.msk.u32 $0xffff, v26  }
.LBB2_13:
0x293: {  	v51 =	vld [tilespmem:s17+$0xFFFFFFD0];
	s16 =	sadd.s32 $0x10, s16;
	v52 =	vperm.xlane v31, v35;
	s18 =	sadd.s32 $0x100, s18;
	(xrf1) =	vunique.msk.u32 $0xffff, v35  }
0x294: {  	v23 =	vld [tilespmem:s18+$0xFFFFFFC0];
	p0 =	slt.u32 s16, $0x7F0;
	v46 =	vadd.s32 v27, v46;
	(xrf1) =	vunique.msk.u32 $0xffff, v49  }
0x295: {  	v27 =	vld [tilespmem:s18+$0xFFFFFFB0];
	_, v35, _ =	vpop (xrf1)  }
0x296: {  	v36 =	vperm.xlane v29, v36;
	v29 =	vadd.s32 v29, v34;
	v31 =	vld [tilespmem:s18+$0xFFFFFFA0];
	v49 =	vadd.s32 v50, v35;
	_, v34, _ =	vpop (xrf1)  }
0x297: {  	v20 =	vperm.xlane v20, v44;
	v44 =	vperm.xlane v29, v18;
	v56 =	vadd.s32 v29, v37;
	v35 =	vld [tilespmem:s18+$0xFFFFFF90];
	_, v37, _ =	vpop (xrf1)  }
0x298: {  	v55 =	vperm.xlane v56, v41;
	v54 =	vadd.s32 v56, v38;
	v50 =	vld [tilespmem:s17+$0xFFFFFF80];
	v29 =	vshrl.u32 v51, $0x8;
	_, v38, _ =	vpop (xrf1)  }
0x299: {  	v19 =	vperm.xlane v54, v19;
	v29 =	vand.u32 $0xF, v29;
	v53 =	vld [tilespmem:s17+$0x30];
	[tilespmem:v46+s10+$0x0] =	vst.idx.msk $0xffff, v10;
	v10 =	vadd.s32 v54, v39;
	_, v18, _ =	vpop (xrf1)  }
0x29a: {  	v36 =	vadd.s32 v36, v38;
	v39 =	vld [tilespmem:s17+$0x40];
	(xrf1) =	vunique.msk.u32 $0xffff, v29;
	v38 =	vperm.xlane v10, v40;
	v54 =	vadd.s32 v10, v48;
	_, v40, _ =	vpop (xrf1)  }
0x29b: {  	v48 =	vld [tilespmem:s17+$0x70];
	v40 =	vadd.s32 v55, v40;
	v22 =	vperm.xlane v54, v22;
	v47 =	vadd.s32 v54, v47;
	_, v41, _ =	vpop (xrf1)  }
0x29c: {  	v46 =	vld [tilespmem:s17+$0xFFFFFFE0];
	[tilespmem:v49+s10+$0x0] =	vst.idx.msk $0xffff, v13;
	v13 =	vperm.xlane v47, v33;
	v54 =	vadd.s32 v47, v45;
	_, v45, _ =	vpop (xrf1);
	v10 =	vmov v51  }
0x29d: {  	v47 =	vld [tilespmem:s17+$0xFFFFFFC0];
	v38 =	vadd.s32 v38, v45;
	v32 =	vperm.xlane v54, v32;
	v49 =	vadd.s32 v54, v42;
	_, v42, _ =	vpop (xrf1)  }
0x29e: {  	v45 =	vld [tilespmem:s17+$0xFFFFFFF0];
	v41 =	vadd.s32 v13, v41;
	v43 =	vperm.xlane v49, v43;
	v28 =	vadd.s32 v49, v28;
	_, v33, _ =	vpop (xrf1)  }
0x29f: {  	v42 =	vadd.s32 v20, v42;
	v49 =	vld [tilespmem:s17+$0x0];
	v51 =	vshrl.u32 v39, $0x8;
	[tilespmem:v36+s10+$0x0] =	vst.idx.msk $0xffff, v15;
	v36 =	vperm.xlane v28, v26;
	_, v20, _ =	vpop (xrf1)  }
0x2a0: {  	v26 =	vshrl.u32 v53, $0x8;
	v13 =	vld [tilespmem:s17+$0xFFFFFFA0];
	v54 =	vshrl.u32 v48, $0x8;
	[tilespmem:v40+s10+$0x0] =	vst.idx.msk $0xffff, v17;
	v17 =	vadd.s32 v43, v20;
	_, v20, _ =	vpop (xrf1)  }
0x2a1: {  	v22 =	vadd.s32 v22, v18;
	v32 =	vadd.s32 v32, v33;
	v55 =	vld [tilespmem:s17+$0x10];
	v33 =	vadd.s32 v36, v20;
	_, v15, _ =	vpop (xrf1)  }
0x2a2: {  	v20 =	vadd.s32 v28, v30;
	v18 =	vshrl.u32 v47, $0x8;
	v36 =	vadd.s32 v52, v15;
	[tilespmem:v38+s10+$0x0] =	vst.idx.msk $0xffff, v9;
	v9 =	vld [tilespmem:s17+$0x20];
	_, v15, _ =	vpop (xrf1)  }
0x2a3: {  	v52 =	vand.u32 $0xF, v18;
	v18 =	vshrl.u32 v45, $0x8;
	v28 =	vld [tilespmem:s17+$0x60];
	v25 =	vadd.s32 v25, v15;
	[tilespmem:v41+s10+$0x0] =	vst.idx.msk $0xffff, v8;
	v8 =	vmovc v39  }
0x2a4: {  	v39 =	vadd.s32 v44, v34;
	v30 =	vld [tilespmem:s17+$0xFFFFFFB0];
	v18 =	vand.u32 $0xF, v18;
	(xrf1) =	vunique.msk.u32 $0xffff, v52;
	[tilespmem:v42+s10+$0x0] =	vst.idx.msk $0xffff, v5;
	v5 =	vmovc v50  }
0x2a5: {  	v15 =	vmovc v46;
	v40 =	vshrl.u32 v49, $0x8;
	v50 =	vadd.s32 v19, v37;
	v34 =	vshrl.u32 v13, $0x8;
	v42 =	vld [tilespmem:s17+$0x50];
	[tilespmem:v17+s10+$0x0] =	vst.idx.msk $0xffff, v14  }
0x2a6: {  	v21 =	vadd.s32 v21, v24;
	v43 =	vld [tilespmem:s17+$0xFFFFFF90];
	v56 =	vand.u32 $0xF, v34;
	v14 =	vshrl.u32 v55, $0x8;
	[tilespmem:v22+s10+$0x0] =	vst.idx.msk $0xffff, v3;
	v3 =	vmovc v53  }
0x2a7: {  	v17 =	vmovc v49;
	v22 =	vshrl.u32 v15, $0x8;
	v24 =	vld [tilespmem:s18+$0xFFFFFF80];
	v19 =	vand.u32 $0xF, v14;
	(xrf1) =	vunique.msk.u32 $0xffff, v56;
	[tilespmem:v36+s10+$0x0] =	vst.idx.msk $0xffff, v12  }
0x2a8: {  	v44 =	vshrl.u32 v5, $0x8;
	v34 =	vld [tilespmem:s18+$0xFFFFFFE0];
	v53 =	vshrl.u32 v28, $0x8;
	_, v46, _ =	vpop (xrf1);
	(xrf1) =	vunique.msk.u32 $0xffff, v18;
	[tilespmem:v25+s10+$0x0] =	vst.idx.msk $0xffff, v16  }
0x2a9: {  	v36 =	vand.u32 $0xF, v22;
	v12 =	vshrl.u32 v9, $0x8;
	v37 =	vld [tilespmem:s18+$0xFFFFFFF0];
	(xrf1) =	vunique.msk.u32 $0xffff, v19;
	[tilespmem:v33+s10+$0x0] =	vst.idx.msk $0xffff, v2;
	v2 =	vmovc v48  }
0x2aa: {  	v22 =	vand.u32 $0xF, v26;
	v16 =	vshrl.u32 v30, $0x8;
	v38 =	vld [tilespmem:s18+$0x0];
	(xrf1) =	vunique.msk.u32 $0xffff, v36;
	[tilespmem:v39+s10+$0x0] =	vst.idx.msk $0xffff, v6;
	v6 =	vmovc v45  }
0x2ab: {  	v41 =	vand.u32 $0xF, v40;
	v14 =	vmovc v28;
	v25 =	vshrl.u32 v43, $0x8;
	v39 =	vld [tilespmem:s18+$0x10];
	(xrf1) =	vunique.msk.u32 $0xffff, v22;
	[tilespmem:v32+s10+$0x0] =	vst.idx.msk $0xffff, v11  }
0x2ac: {  	v40 =	vand.u32 $0xF, v12;
	v33 =	vand.u32 $0xF, v51;
	v12 =	vmovc v30;
	v24 =	vadd.s32 v20, v24;
	v48 =	vld [tilespmem:s18+$0xFFFFFFD0];
	(xrf1) =	vunique.msk.u32 $0xffff, v41  }
0x2ad: {  	v44 =	vand.u32 $0xF, v44;
	v32 =	vshrl.u32 v42, $0x8;
	v30 =	vld [tilespmem:s18+$0x70];
	(xrf1) =	vunique.msk.u32 $0xffff, v33;
	[tilespmem:v21+s10+$0x0] =	vst.idx.msk $0xffff, v4;
	v4 =	vmovc v47  }
.Ltmp5:
0x2ae: {  	v26 =	vand.u32 $0xF, v54;
	v11 =	vmovc v42;
	v51 =	vadd.s32 v24, v35;
	v35 =	vand.u32 $0xF, v16;
	v28 =	vld [tilespmem:s18+$0x60];
	(xrf1) =	vunique.msk.u32 $0xffff, v40;
	(pc) =	sbr.rel @p0 .LBB2_13-.Ltmp5, $4  }
0x2af: {  	v49 =	vand.u32 $0xF, v25;
	v32 =	vand.u32 $0xF, v32;
	v16 =	vmovc v43;
	v31 =	vadd.s32 v51, v31;
	v42 =	vld [tilespmem:s18+$0x50];
	(xrf1) =	vunique.msk.u32 $0xffff, v44  }
0x2b0: {  	v43 =	vand.u32 $0xF, v53;
	v27 =	vadd.s32 v31, v27;
	v45 =	vld [tilespmem:s18+$0x40];
	(xrf1) =	vunique.msk.u32 $0xffff, v32;
	[tilespmem:v50+s10+$0x0] =	vst.idx.msk $0xffff, v7;
	v7 =	vmovc v55  }
0x2b1: {  	v25 =	vperm.xlane v24, v49;
	v21 =	vperm.xlane v27, v52;
	v23 =	vadd.s32 v27, v23;
	v47 =	vld [tilespmem:s18+$0x30];
	(xrf1) =	vunique.msk.u32 $0xffff, v43  }
0x2b2: {  	s19 =	simm.s32 $0x8080;
	s17 =	sadd.s32 $0x100, s17;
	v50 =	vperm.xlane v51, v56;
	v27 =	vperm.xlane v23, v29;
	v29 =	vadd.s32 v23, v48;
	v48 =	vld [tilespmem:s18+$0x20];
	_, v24, _ =	vpop (xrf1);
	(xrf1) =	vunique.msk.u32 $0xffff, v26  }
0x2b3: {  	(xrf1) =	vunique.msk.u32 $0xffff, v35  }
0x2b4: {  	(xrf1) =	vunique.msk.u32 $0xffff, v49  }
0x2b5: {  	_, v23, _ =	vpop (xrf1)  }
0x2b6: {  	v30 =	vadd.s32 v29, v34;
	_, v34, _ =	vpop (xrf1)  }
0x2b7: {  	v37 =	vadd.s32 v30, v37;
	_, v54, _ =	vpop (xrf1)  }
0x2b8: {  	v29 =	vperm.xlane v29, v36;
	v20 =	vperm.xlane v20, v44;
	v38 =	vadd.s32 v37, v38;
	_, v51, _ =	vpop (xrf1)  }
0x2b9: {  	v27 =	vadd.s32 v27, v46;
	v37 =	vperm.xlane v37, v41;
	v55 =	vadd.s32 v38, v39;
	_, v56, _ =	vpop (xrf1)  }
0x2ba: {  	v23 =	vadd.s32 v50, v23;
	v57 =	vadd.s32 v55, v48;
	v36 =	vperm.xlane v55, v40;
	_, v58, _ =	vpop (xrf1)  }
0x2bb: {  	v59 =	vadd.s32 v57, v47;
	v22 =	vperm.xlane v57, v22;
	v29 =	vadd.s32 v29, v51;
	_, v60, _ =	vpop (xrf1)  }
0x2bc: {  	v33 =	vperm.xlane v59, v33;
	v40 =	vadd.s32 v59, v45;
	v37 =	vadd.s32 v37, v58;
	_, v61, _ =	vpop (xrf1)  }
0x2bd: {  	v42 =	vadd.s32 v40, v42;
	v36 =	vadd.s32 v36, v61;
	_, v62, _ =	vpop (xrf1)  }
0x2be: {  	[tilespmem:v27+s10+$0x0] =	vst.idx.msk $0xffff, v10;
	v27 =	vperm.xlane v42, v43;
	v10 =	vadd.s32 v33, v60;
	_, v63, _ =	vpop (xrf1)  }
0x2bf: {  	[tilespmem:v23+s10+$0x0] =	vst.idx.msk $0xffff, v13;
	v13 =	vadd.s32 v20, v62;
	_, v20, _ =	vpop (xrf1)  }
0x2c0: {  	v23 =	vperm.xlane v31, v35;
	[tilespmem:v29+s10+$0x0] =	vst.idx.msk $0xffff, v15;
	v15 =	vadd.s32 v27, v20;
	_, v20, _ =	vpop (xrf1)  }
0x2c1: {  	v27 =	vadd.s32 v42, v28;
	[tilespmem:v37+s10+$0x0] =	vst.idx.msk $0xffff, v17;
	v17 =	vadd.s32 v22, v56;
	_, v22, _ =	vpop (xrf1)  }
0x2c2: {  	v26 =	vperm.xlane v27, v26;
	v22 =	vadd.s32 v23, v22;
	[tilespmem:v36+s10+$0x0] =	vst.idx.msk $0xffff, v9;
	_, v9, _ =	vpop (xrf1)  }
0x2c3: {  	v18 =	vperm.xlane v30, v18;
	[tilespmem:v10+s10+$0x0] =	vst.idx.msk $0xffff, v8;
	v9 =	vadd.s32 v25, v9  }
0x2c4: {  	v8 =	vperm.xlane v40, v32;
	v10 =	vadd.s32 v26, v20;
	[tilespmem:v13+s10+$0x0] =	vst.idx.msk $0xffff, v5  }
0x2c5: {  	s25 =	simm.s32 $0x80;
	v5 =	vadd.s32 v18, v34;
	[tilespmem:v15+s10+$0x0] =	vst.idx.msk $0xffff, v14  }
0x2c6: {  	s24 =	simm.s32 $0xB0;
	v46 =	vmov s25;
	v13 =	vperm.xlane v38, v19;
	v8 =	vadd.s32 v8, v63;
	[tilespmem:v17+s10+$0x0] =	vst.idx.msk $0xffff, v3  }
0x2c7: {  	s21 =	simm.s32 $0xE0;
	v30 =	vmov s24;
	v35 =	vshrl.u32 v46, $0x7;
	v3 =	vadd.s32 v21, v24;
	[tilespmem:v22+s10+$0x0] =	vst.idx.msk $0xffff, v12  }
0x2c8: {  	s22 =	simm.s32 $0x60;
	s23 =	simm.s32 $0x90;
	v35 =	vshll.u32 v35, v1;
	v20 =	vmov s21;
	v12 =	vadd.s32 v13, v54;
	[tilespmem:v9+s10+$0x0] =	vst.idx.msk $0xffff, v16  }
0x2c9: {  	s29 =	simm.s32 $0xD0;
	v23 =	vmov s23;
	v20 =	vshrl.u32 v20, $0x7;
	v21 =	vmov s22;
	[tilespmem:v10+s10+$0x0] =	vst.idx.msk $0xffff, v2  }
0x2ca: {  	v14 =	vmov s29;
	v20 =	vshll.u32 v20, v1;
	v21 =	vshrl.u32 v21, $0x7;
	[tilespmem:v5+s10+$0x0] =	vst.idx.msk $0xffff, v6  }
0x2cb: {  	s25 =	simm.s32 $0x1E0;
	v14 =	vshrl.u32 v14, $0x7;
	v20 =	vor.u32 $0x60, v20;
	v21 =	vshll.u32 v21, v1;
	[tilespmem:v8+s10+$0x0] =	vst.idx.msk $0xffff, v11  }
0x2cc: {  	s16 =	simm.s32 $0xF0;
	s17 =	simm.s32 $0x0;
	s18 =	simm.s32 $0x40;
	v14 =	vshll.u32 v14, v1;
	v54 =	vmov s25;
	v58 =	vbroadcast v20, $0x0;
	[tilespmem:v3+s10+$0x0] =	vst.idx.msk $0xffff, v4  }
0x2cd: {  	s26 =	simm.s32 $0x10;
	s31 =	simm.s32 $0x30;
	v5 =	vmov s16;
	v6 =	vmov s17;
	v8 =	vmov s18;
	[tilespmem:v12+s10+$0x0] =	vst.idx.msk $0xffff, v7  }
0x2ce: {  	v11 =	vmov s26;
	v16 =	vmov s31;
	v21 =	vor.u32 $0x60, v21;
	v2 =	vld [tilespmem:s19+$0xFFFFFF90]  }
0x2cf: {  	v6 =	vshrl.u32 v6, $0x7;
	v8 =	vshrl.u32 v8, $0x7;
	v11 =	vshrl.u32 v11, $0x7;
	v4 =	vld [tilespmem:s19+$0xFFFFFFD0]  }
0x2d0: {  	v16 =	vshrl.u32 v16, $0x7;
	v29 =	vshrl.u32 v5, $0x7;
	v21 =	vbroadcast v21, $0x0;
	v9 =	vld [tilespmem:s19+$0x10]  }
0x2d1: {  	v3 =	vimm.s32 $0x0;
	v6 =	vshll.u32 v6, v1;
	v8 =	vshll.u32 v8, v1;
	v10 =	vld [tilespmem:s19+$0xFFFFFFB0]  }
0x2d2: {  	v11 =	vshll.u32 v11, v1;
	v16 =	vshll.u32 v16, v1;
	v8 =	vor.u32 $0x40, v8;
	v13 =	vld [tilespmem:s19+$0xFFFFFF80]  }
0x2d3: {  	s20 =	simm.s32 $0x70;
	s28 =	simm.s32 $0x50;
	v11 =	vor.u32 $0x10, v11;
	v6 =	vbroadcast v6, $0x0;
	v16 =	vor.u32 $0x30, v16;
	v17 =	vld [tilespmem:s19+$0xFFFFFFF0]  }
0x2d4: {  	v7 =	vmov s20;
	v12 =	vmov s28;
	v8 =	vbroadcast v8, $0x0;
	v24 =	vld [tilespmem:s19+$0xFFFFFFE0];
	[tilespmem:s15+$0xFFFFFFE0] =	vst v0  }
0x2d5: {  	v16 =	vbroadcast v16, $0x0;
	v7 =	vshrl.u32 v7, $0x7;
	v22 =	vld [tilespmem:s19+$0xFFFFFFC0];
	[tilespmem:s15+$0xFFFFFF90] =	vst v0;
	v2 =	vshrl.u32 v2, $0xC  }
0x2d6: {  	v19 =	vld [tilespmem:s19+$0xFFFFFFA0];
	[tilespmem:s15+$0xFFFFFFD0] =	vst v0;
	v7 =	vshll.u32 v7, v1;
	v15 =	vand.u32 $0xF, v2;
	v2 =	vshrl.u32 v12, $0x7  }
0x2d7: {  	v43 =	vld [tilespmem:s19+$0x50];
	[tilespmem:s15+$0xFFFFFFF0] =	vst v0;
	v18 =	vshrl.u32 v4, $0xC;
	v25 =	vshll.u32 v2, v1;
	v2 =	vshrl.u32 v23, $0x7  }
0x2d8: {  	v31 =	vor.u32 $0x70, v7;
	v18 =	vand.u32 $0xF, v18;
	(xrf1) =	vunique.msk.u32 $0xffff, v15;
	v23 =	vld [tilespmem:s19+$0x20];
	v2 =	vshll.u32 v2, v1  }
0x2d9: {  	v45 =	vld [tilespmem:s19+$0x60];
	v7 =	vbroadcast v11, $0x0;
	(xrf1) =	vunique.msk.u32 $0xffff, v18;
	v26 =	vor.u32 $0x10, v2;
	v2 =	vshrl.u32 v17, $0xC  }
0x2da: {  	s17 =	simm.s32 $0x8180;
	[tilespmem:s15+$0xFFFFFF80] =	vst v0;
	v11 =	vshrl.u32 v30, $0x7;
	v17 =	vld [tilespmem:s19+$0x30];
	v27 =	vand.u32 $0xF, v2;
	v2 =	vshrl.u32 v22, $0xC  }
0x2db: {  	v55 =	vld [tilespmem:s17+$0xFFFFFFA0];
	v11 =	vshll.u32 v11, v1;
	(xrf1) =	vunique.msk.u32 $0xffff, v27;
	v28 =	vand.u32 $0xF, v2;
	v2 =	vshrl.u32 v24, $0xC  }
0x2dc: {  	s20 =	simm.s32 $0xC0;
	v59 =	vld [tilespmem:s17+$0x0];
	v11 =	vor.u32 $0x30, v11;
	v10 =	vshrl.u32 v10, $0xC;
	v2 =	vand.u32 $0xF, v2;
	(xrf1) =	vunique.msk.u32 $0xffff, v28  }
0x2dd: {  	v4 =	vmov s20;
	v10 =	vand.u32 $0xF, v10;
	v22 =	vld [tilespmem:s19+$0x0];
	v23 =	vshrl.u32 v23, $0xC;
	(xrf1) =	vunique.msk.u32 $0xffff, v2  }
0x2de: {  	v9 =	vshrl.u32 v9, $0xC;
	v13 =	vshrl.u32 v13, $0xC;
	v23 =	vand.u32 $0xF, v23;
	(xrf1) =	vunique.msk.u32 $0xffff, v10  }
0x2df: {  	v19 =	vshrl.u32 v19, $0xC;
	v32 =	vshrl.u32 v43, $0xC;
	v17 =	vshrl.u32 v17, $0xC;
	(xrf1) =	vunique.msk.u32 $0xffff, v23  }
0x2e0: {  	s30 =	simm.s32 $0x20;
	[tilespmem:s15+$0xFFFFFFA0] =	vst v0;
	v34 =	vshrl.u32 v45, $0xC;
	v11 =	vbroadcast v11, $0x0;
	v17 =	vand.u32 $0xF, v17  }
0x2e1: {  	v20 =	vshrl.u32 v55, $0xC;
	v60 =	vshrl.u32 v59, $0xC;
	v12 =	vmov s30;
	(xrf1) =	vunique.msk.u32 $0xffff, v17  }
0x2e2: {  	[tilespmem:s15+$0xFFFFFFC0] =	vst v0;
	v9 =	vand.u32 $0xF, v9;
	v19 =	vand.u32 $0xF, v19;
	v22 =	vshrl.u32 v22, $0xC  }
0x2e3: {  	v5 =	vld [tilespmem:s19+$0x40];
	v13 =	vand.u32 $0xF, v13;
	v12 =	vshrl.u32 v12, $0x7;
	v22 =	vand.u32 $0xF, v22;
	(xrf1) =	vunique.msk.u32 $0xffff, v19  }
0x2e4: {  	s26 =	simm.s32 $0xA0;
	v32 =	vand.u32 $0xF, v32;
	v4 =	vshrl.u32 v4, $0x7;
	v12 =	vshll.u32 v12, v1;
	v24 =	vld [tilespmem:s19+$0x70];
	(xrf1) =	vunique.msk.u32 $0xffff, v22  }
0x2e5: {  	v25 =	vor.u32 $0x50, v25;
	(xrf1) =	vunique.msk.u32 $0xffff, v13;
	v13 =	vor.u32 v6, v13;
	v6 =	vmov s26  }
0x2e6: {  	[tilespmem:s15+$0xFFFFFFB0] =	vst v0;
	v12 =	vor.u32 $0x20, v12;
	v25 =	vbroadcast v25, $0x0;
	v6 =	vshrl.u32 v6, $0x7;
	_, v30, vm2 =	vpop (xrf1)  }
0x2e7: {  	v15 =	vor.u32 v7, v15;
	v12 =	vbroadcast v12, $0x0;
	(xrf1) =	vunique.msk.u32 $0xffff, v9;
	v6 =	vshll.u32 v6, v1;
	_, v44, vm5 =	vpop (xrf1)  }
0x2e8: {  	[tilespmem:s15+$0x40] =	vst v0;
	v18 =	vor.u32 v25, v18;
	v25 =	vshrl.u32 v5, $0xC;
	v6 =	vor.u32 $0x20, v6  }
0x2e9: {  	v24 =	vshrl.u32 v24, $0xC;
	v48 =	vbroadcast v6, $0x0;
	v6 =	vand.u32 $0xF, v34;
	_, v5, vm0 =	vpop (xrf1);
	(xrf1) =	vunique.msk.u32 $0xffff, v32  }
0x2ea: {  	v63 =	vld [tilespmem:s17+$0x60];
	v28 =	vor.u32 v8, v28;
	v8 =	vor.u32 v11, v17;
	v11 =	vand.u32 $0xF, v24;
	_, v47, vm3 =	vpop (xrf1);
	(xrf1) =	vunique.msk.u32 $0xffff, v6  }
0x2eb: {  	v20 =	vand.u32 $0xF, v20;
	v37 =	vand.u32 $0xF, v60;
	v4 =	vshll.u32 v4, v1;
	s19 =	simm.s32 $0x110;
	_, v7, vm1 =	vpop (xrf1);
	(xrf1) =	vunique.msk.u32 $0xffff, v11  }
0x2ec: {  	[tilespmem:s15+$0x10] =	vst v0;
	v26 =	vbroadcast v26, $0x0;
	v12 =	vor.u32 v12, v19;
	v51 =	vmov s19;
	_, v49, vm4 =	vpop (xrf1)  }
0x2ed: {  	v2 =	vor.u32 v21, v2;
	v10 =	vor.u32 v16, v10;
	v17 =	vbroadcast v31, $0x0;
	[tilespmem:v18+s9+$0x0] =	vst.idx.msk vm5, v44;
	_, v18, vm5 =	vpop (xrf1)  }
0x2ee: {  	v24 =	vshll.u32 v29, v1;
	v29 =	vbroadcast v35, $0x0;
	v23 =	vor.u32 v48, v23;
	[tilespmem:v15+s9+$0x0] =	vst.idx.msk vm2, v30;
	v30 =	vld [tilespmem:s17+$0xFFFFFFB0]  }
0x2ef: {  	[tilespmem:s15+$0x20] =	vst v0;
	v19 =	vor.u32 $0x50, v14;
	v35 =	vshrl.u32 v63, $0xC;
	v27 =	vor.u32 v17, v27;
	_, v50, vm6 =	vpop (xrf1)  }
0x2f0: {  	s31 =	simm.s32 $0x170;
	[tilespmem:s15+$0x30] =	vst v0;
	v19 =	vbroadcast v19, $0x0;
	v17 =	vor.u32 v29, v22;
	v22 =	vand.u32 $0xF, v25  }
0x2f1: {  	s20 =	simm.s32 $0x1D0;
	[tilespmem:s15+$0x0] =	vst v0;
	v25 =	vor.u32 $0x40, v4;
	v4 =	vmov s31;
	v9 =	vor.u32 v26, v9;
	_, v26, vm8 =	vpop (xrf1)  }
0x2f2: {  	s22 =	simm.s32 $0x120;
	v29 =	vshrl.u32 v4, $0x7;
	v4 =	vmov s20;
	v6 =	vor.u32 v58, v6;
	_, v31, vm7 =	vpop (xrf1);
	[tilespmem:v2+s9+$0x0] =	vst.idx.msk vm1, v7  }
0x2f3: {  	v15 =	vmov s22;
	v30 =	vshrl.u32 v30, $0xC;
	v7 =	vor.u32 v19, v32;
	[tilespmem:v23+s9+$0x0] =	vst.idx.msk vm5, v18;
	_, v14, vm5 =	vpop (xrf1)  }
0x2f4: {  	s29 =	simm.s32 $0x100;
	s28 =	simm.s32 $0x1F0;
	[tilespmem:v27+s9+$0x0] =	vst.idx.msk vm0, v5;
	v2 =	vshrl.u32 v15, $0x7;
	v27 =	vand.u32 $0xF, v30;
	v18 =	vor.u32 $0x70, v24  }
0x2f5: {  	v23 =	vmov s28;
	v24 =	vmov s29;
	[tilespmem:v8+s9+$0x0] =	vst.idx.msk vm6, v50;
	v8 =	vld [tilespmem:s17+$0xFFFFFF90];
	v18 =	vbroadcast v18, $0x0;
	_, v16, vm6 =	vpop (xrf1)  }
0x2f6: {  	s21 =	simm.s32 $0x150;
	s30 =	simm.s32 $0x140;
	[tilespmem:v10+s9+$0x0] =	vst.idx.msk vm4, v49;
	v2 =	vshll.u32 v2, v1;
	v24 =	vshrl.u32 v24, $0x7;
	v30 =	vshrl.u32 v23, $0x7  }
0x2f7: {  	s23 =	simm.s32 $0x130;
	[tilespmem:v12+s9+$0x0] =	vst.idx.msk vm8, v26;
	v12 =	vmov s30;
	v26 =	vld [tilespmem:s17+$0xFFFFFFD0];
	v10 =	vor.u32 v18, v11;
	v11 =	vmov s21;
	_, v52, vm4 =	vpop (xrf1)  }
0x2f8: {  	[tilespmem:v17+s9+$0x0] =	vst.idx.msk vm7, v31;
	v12 =	vshrl.u32 v12, $0x7;
	v31 =	vld [tilespmem:s17+$0x10];
	v18 =	vmov s23;
	v11 =	vshrl.u32 v11, $0x7;
	_, v53, vm2 =	vpop (xrf1)  }
0x2f9: {  	v12 =	vshll.u32 v12, v1;
	v18 =	vshrl.u32 v18, $0x7;
	v11 =	vshll.u32 v11, v1;
	[tilespmem:v13+s9+$0x0] =	vst.idx.msk vm5, v14;
	_, v21, vm5 =	vpop (xrf1)  }
0x2fa: {  	s26 =	simm.s32 $0x160;
	(xrf1) =	vunique.msk.u32 $0xffff, v22;
	v23 =	vshll.u32 v18, v1;
	v8 =	vshrl.u32 v8, $0xC;
	v13 =	vshll.u32 v24, v1;
	v24 =	vld [tilespmem:s17+$0xFFFFFFF0]  }
0x2fb: {  	v56 =	vld [tilespmem:s17+$0xFFFFFFC0];
	v14 =	vmov s26;
	v8 =	vand.u32 $0xF, v8;
	[tilespmem:v9+s9+$0x0] =	vst.idx.msk vm6, v16;
	v9 =	vshrl.u32 v51, $0x7  }
0x2fc: {  	v57 =	vld [tilespmem:s17+$0xFFFFFFE0];
	[tilespmem:v28+s9+$0x0] =	vst.idx.msk vm3, v47;
	v16 =	vshrl.u32 v26, $0xC;
	v28 =	vshrl.u32 v14, $0x7;
	v13 =	vbroadcast v13, $0x0  }
0x2fd: {  	s28 =	simm.s32 $0x190;
	v26 =	vld [tilespmem:s17+$0xFFFFFF80];
	(xrf1) =	vunique.msk.u32 $0xffff, v8;
	v16 =	vand.u32 $0xF, v16;
	v31 =	vshrl.u32 v31, $0xC;
	v9 =	vshll.u32 v9, v1  }
0x2fe: {  	[tilespmem:s15+$0x70] =	vst v0;
	v5 =	vld [tilespmem:s15+$0xFFFFFF80];
	v28 =	vshll.u32 v28, v1;
	v14 =	vand.u32 $0xF, v31;
	v31 =	vmov s28  }
0x2ff: {  	(xrf1) =	vunique.msk.u32 $0xffff, v16;
	v15 =	vshrl.u32 v24, $0xC;
	v24 =	vld [tilespmem:s17+$0x20];
	[tilespmem:v10+s9+$0x0] =	vst.idx.msk vm5, v21;
	v10 =	vor.u32 $0x40, v12  }
0x300: {  	[tilespmem:s15+$0x60] =	vst v0;
	v19 =	vand.u32 $0xF, v15;
	v15 =	vbroadcast v25, $0x0;
	v25 =	vbroadcast v10, $0x0;
	v10 =	vld [tilespmem:s17+$0x30]  }
0x301: {  	[tilespmem:s15+$0x50] =	vst v0;
	v31 =	vshrl.u32 v31, $0x7;
	v12 =	vor.u32 $0x20, v2;
	v2 =	vshrl.u32 v56, $0xC  }
0x302: {  	[tilespmem:v7+s9+$0x0] =	vst.idx.msk vm4, v52;
	(xrf1) =	vunique.msk.u32 $0xffff, v19;
	v21 =	vand.u32 $0xF, v2;
	v2 =	vshrl.u32 v57, $0xC  }
0x303: {  	v31 =	vshll.u32 v31, v1;
	[tilespmem:v6+s9+$0x0] =	vst.idx.msk vm2, v53;
	v2 =	vand.u32 $0xF, v2;
	(xrf1) =	vunique.msk.u32 $0xffff, v21  }
0x304: {  	v26 =	vshrl.u32 v26, $0xC;
	v3 =	vadd.s32 v3, v5;
	(xrf1) =	vunique.msk.u32 $0xffff, v2;
	v24 =	vshrl.u32 v24, $0xC  }
0x305: {  	v6 =	vand.u32 $0xF, v26;
	(xrf1) =	vunique.msk.u32 $0xffff, v27;
	v24 =	vand.u32 $0xF, v24;
	v7 =	vshrl.u32 v10, $0xC  }
0x306: {  	s29 =	simm.s32 $0x1B0;
	v5 =	vld [tilespmem:s15+$0xFFFFFF90];
	v22 =	vor.u32 v15, v22;
	(xrf1) =	vunique.msk.u32 $0xffff, v24;
	v61 =	vand.u32 $0xF, v7;
	v7 =	vshll.u32 v29, v1  }
0x307: {  	s16 =	simm.s32 $0x10180;
	v15 =	vld [tilespmem:s17+$0x70];
	v10 =	vor.u32 $0x50, v11;
	(xrf1) =	vunique.msk.u32 $0xffff, v61;
	v26 =	vor.u32 $0x70, v7;
	v7 =	vmov s29  }
0x308: {  	[tilespmem:s16+$0xFFFFFFE0] =	vst v0;
	v9 =	vor.u32 $0x10, v9;
	v31 =	vor.u32 $0x10, v31;
	v10 =	vbroadcast v10, $0x0  }
0x309: {  	v49 =	vld [tilespmem:s17+$0x50];
	v9 =	vbroadcast v9, $0x0;
	v56 =	vshrl.u32 v4, $0x7;
	v31 =	vbroadcast v31, $0x0;
	(xrf1) =	vunique.msk.u32 $0xffff, v20  }
0x30a: {  	s30 =	simm.s32 $0x1A0;
	v18 =	vld [tilespmem:s15+$0xFFFFFFA0];
	_, v33, vm2 =	vpop (xrf1);
	v36 =	vbroadcast v12, $0x0;
	v12 =	vshrl.u32 v7, $0x7;
	v16 =	vor.u32 v10, v16;
	(xrf1) =	vunique.msk.u32 $0xffff, v37  }
0x30b: {  	v11 =	vld [tilespmem:s17+$0x40];
	v10 =	vshll.u32 v12, v1;
	v12 =	vor.u32 v13, v6;
	_, v7, vm1 =	vpop (xrf1);
	(xrf1) =	vunique.msk.u32 $0xffff, v6;
	v6 =	vmov s30  }
0x30c: {  	[tilespmem:s16+$0xFFFFFFA0] =	vst v0;
	s31 =	simm.s32 $0x180;
	v3 =	vadd.s32 v5, v3;
	v62 =	vshrl.u32 v15, $0xC;
	v29 =	vld [tilespmem:s15+$0xFFFFFFB0];
	v6 =	vshrl.u32 v6, $0x7  }
0x30d: {  	[tilespmem:s16+$0xFFFFFFC0] =	vst v0;
	v5 =	vld [tilespmem:s15+$0xFFFFFFC0];
	v15 =	vshrl.u32 v54, $0x7;
	v50 =	vor.u32 $0x30, v10;
	v10 =	vmov s31;
	_, v48, vm4 =	vpop (xrf1)  }
0x30e: {  	v52 =	vld [tilespmem:s15+$0xFFFFFFD0];
	v57 =	vor.u32 $0x30, v23;
	v21 =	vor.u32 v25, v21;
	v10 =	vshrl.u32 v10, $0x7;
	(xrf1) =	vunique.msk.u32 $0xffff, v14  }
0x30f: {  	[tilespmem:s16+$0xFFFFFFB0] =	vst v0;
	v53 =	vld [tilespmem:s15+$0xFFFFFFE0];
	v3 =	vadd.s32 v18, v3;
	v18 =	vor.u32 v9, v8;
	v9 =	vshrl.u32 v49, $0xC  }
0x310: {  	v55 =	vld [tilespmem:s15+$0xFFFFFFF0];
	[tilespmem:v22+s9+$0x0] =	vst.idx.msk vm2, v33;
	v25 =	vbroadcast v26, $0x0;
	v51 =	vshrl.u32 v11, $0xC;
	v13 =	vshll.u32 v6, v1;
	_, v6, vm0 =	vpop (xrf1)  }
0x311: {  	[tilespmem:s16+$0xFFFFFF90] =	vst v0;
	v22 =	vld [tilespmem:s15+$0x0];
	v11 =	vshll.u32 v15, v1;
	v3 =	vadd.s32 v29, v3;
	v54 =	vshll.u32 v10, v1;
	_, v15, vm3 =	vpop (xrf1)  }
0x312: {  	[tilespmem:s16+$0xFFFFFFD0] =	vst v0;
	v3 =	vadd.s32 v5, v3;
	v8 =	vor.u32 $0x20, v13;
	v13 =	vand.u32 $0xF, v9;
	_, v10, vm2 =	vpop (xrf1)  }
0x313: {  	v4 =	vld [tilespmem:s15+$0x20];
	v3 =	vadd.s32 v52, v3;
	v8 =	vbroadcast v8, $0x0;
	(xrf1) =	vunique.msk.u32 $0xffff, v13;
	[tilespmem:v16+s9+$0x0] =	vst.idx.msk vm4, v48;
	_, v23, vm4 =	vpop (xrf1)  }
0x314: {  	[tilespmem:s16+$0xFFFFFFF0] =	vst v0;
	v58 =	vbroadcast v50, $0x0;
	v5 =	vld [tilespmem:s15+$0x30];
	v9 =	vand.u32 $0xF, v35;
	v3 =	vadd.s32 v53, v3;
	_, v59, vm5 =	vpop (xrf1)  }
0x315: {  	v29 =	vor.u32 v31, v14;
	v14 =	vld [tilespmem:s15+$0x50];
	v3 =	vadd.s32 v55, v3;
	(xrf1) =	vunique.msk.u32 $0xffff, v9;
	v26 =	vor.u32 v8, v24;
	_, v60, vm6 =	vpop (xrf1)  }
0x316: {  	s24 =	simm.s32 $0x1C0;
	[tilespmem:s16+$0xFFFFFF80] =	vst v0;
	v31 =	vor.u32 v58, v61;
	v61 =	vshll.u32 v30, v1;
	v30 =	vadd.s32 v22, v3;
	v22 =	vld [tilespmem:s15+$0x40]  }
0x317: {  	v17 =	vmov s24;
	v28 =	vor.u32 $0x60, v28;
	[tilespmem:s16+$0x20] =	vst v0;
	v32 =	vand.u32 $0xF, v62;
	v8 =	vld [tilespmem:s15+$0x70]  }
0x318: {  	[tilespmem:s16+$0x30] =	vst v0;
	v34 =	vor.u32 $0x70, v61;
	v24 =	vbroadcast v28, $0x0;
	v28 =	vbroadcast v54, $0x0;
	v16 =	vld [tilespmem:s15+$0x10];
	_, v35, vm7 =	vpop (xrf1)  }
0x319: {  	v38 =	vor.u32 v36, v20;
	[tilespmem:s16+$0x40] =	vst v0;
	v62 =	vshrl.u32 v17, $0x7;
	(xrf1) =	vunique.msk.u32 $0xffff, v32;
	v3 =	vld [tilespmem:s16+$0xFFFFFFD0];
	_, v36, vm8 =	vpop (xrf1)  }
0x31a: {  	v63 =	vbroadcast v57, $0x0;
	v40 =	vshll.u32 v62, v1;
	v39 =	vor.u32 v28, v37;
	[tilespmem:v26+s9+$0x0] =	vst.idx.msk vm5, v59;
	v26 =	vld [tilespmem:s15+$0x60]  }
0x31b: {  	s18 =	simm.s32 $0x10280;
	v17 =	vor.u32 v25, v19;
	v19 =	vshll.u32 v56, v1;
	v20 =	vand.u32 $0xF, v51;
	_, v33, vm5 =	vpop (xrf1);
	v25 =	vld [tilespmem:s16+$0x20];
	[tilespmem:v31+s9+$0x0] =	vst.idx.msk vm6, v60  }
0x31c: {  	s19 =	simm.s32 $0x8280;
	s17 =	simm.s32 $0x2F0;
	v28 =	vor.u32 $0x50, v19;
	v37 =	vbroadcast v34, $0x0;
	(xrf1) =	vunique.msk.u32 $0xffff, v20;
	s15 =	simm.s32 $0x10;
	_, v34, vm6 =	vpop (xrf1);
	v31 =	vor.u32 v63, v27;
	v19 =	vld [tilespmem:s16+$0x30]  }
.LBB2_15:
0x31d: {  	s20 =	sadd.s32 $0xFFFFFF10, s17;
	v41 =	vld [tilespmem:s19+$0xFFFFFF90];
	s22 =	sadd.s32 $0xFFFFFF50, s17;
	s21 =	sadd.s32 $0xFFFFFF80, s17;
	v27 =	vmov s17;
	[tilespmem:s16+$0x0] =	vst v0;
	v40 =	vor.u32 $0x40, v40;
	v16 =	vadd.s32 v16, v30  }
0x31e: {  	s23 =	sadd.s32 $0xFFFFFFF0, s17;
	v30 =	vmov s20;
	v42 =	vld [tilespmem:s19+$0xFFFFFFB0];
	v43 =	vmov s21;
	s20 =	sadd.s32 $0xFFFFFF90, s17;
	s21 =	sadd.s32 $0xFFFFFFB0, s17;
	[tilespmem:v38+s9+$0x0] =	vst.idx.msk vm7, v35;
	v45 =	vadd.s32 v4, v16  }
0x31f: {  	s24 =	sadd.s32 $0xFFFFFF20, s17;
	s25 =	sadd.s32 $0xFFFFFFE0, s17;
	v16 =	vshrl.u32 v30, $0x7;
	v30 =	vmov s22;
	v35 =	vld [tilespmem:s19+$0xFFFFFFD0];
	s22 =	sadd.s32 $0xFFFFFFD0, s17;
	[tilespmem:v39+s9+$0x0] =	vst.idx.msk vm8, v36;
	v39 =	vadd.s32 v5, v45  }
0x320: {  	s26 =	sadd.s32 $0xFFFFFF30, s17;
	s15 =	sadd.s32 $0x10, s15;
	v36 =	vld [tilespmem:s19+$0xFFFFFF80];
	v38 =	vshrl.u32 v30, $0x7;
	v30 =	vshrl.u32 v43, $0x7;
	[tilespmem:s16+$0x10] =	vst v0;
	v44 =	vadd.s32 v22, v39;
	v4 =	vmovc v25  }
0x321: {  	s28 =	sadd.s32 $0xFFFFFF60, s17;
	p0 =	slt.u32 s15, $0x7F0;
	v39 =	vmov s24;
	s24 =	sadd.s32 $0xFFFFFF40, s17;
	v22 =	vmov s25;
	v43 =	vld [tilespmem:s19+$0x10];
	[tilespmem:v31+s9+$0x0] =	vst.idx.msk vm4, v23;
	v31 =	vor.u32 v37, v32;
	_, v37, vm7 =	vpop (xrf1)  }
0x322: {  	v32 =	vmov s28;
	v5 =	vmovc v19;
	v23 =	vshrl.u32 v41, $0xC;
	[tilespmem:v18+s9+$0x0] =	vst.idx.msk vm1, v7;
	v25 =	vld [tilespmem:s16+$0xFFFFFFA0];
	v7 =	vadd.s32 v14, v44  }
0x323: {  	v14 =	vshrl.u32 v32, $0x7;
	v18 =	vand.u32 $0xF, v23;
	v23 =	vld [tilespmem:s16+$0xFFFFFFB0];
	[tilespmem:v29+s9+$0x0] =	vst.idx.msk vm6, v34;
	_, v34, vm6 =	vpop (xrf1);
	v7 =	vadd.s32 v26, v7  }
0x324: {  	v19 =	vmov s22;
	v32 =	vmov s26;
	v41 =	vmov s24;
	v44 =	vld [tilespmem:s19+$0xFFFFFFF0]  }
0x325: {  	s22 =	sadd.s32 $0xFFFFFF70, s17;
	v26 =	vshrl.u32 v39, $0x7;
	v35 =	vshrl.u32 v35, $0xC;
	v39 =	vadd.s32 v8, v7;
	(xrf1) =	vunique.msk.u32 $0xffff, v18;
	v29 =	vld [tilespmem:s16+$0xFFFFFF90]  }
0x326: {  	v35 =	vand.u32 $0xF, v35;
	v7 =	vld [tilespmem:s19+$0xFFFFFFA0];
	v8 =	vshrl.u32 v43, $0xC;
	v43 =	vmov s23;
	[tilespmem:v12+s9+$0x0] =	vst.idx.msk vm5, v33  }
0x327: {  	v2 =	vor.u32 v24, v2;
	v12 =	vshll.u32 v16, v1;
	v16 =	vmov s22;
	s22 =	sadd.s32 $0xFFFFFFA0, s17;
	[tilespmem:v21+s9+$0x0] =	vst.idx.msk vm3, v15;
	_, v15, vm1 =	vpop (xrf1)  }
0x328: {  	v33 =	vshrl.u32 v16, $0x7;
	v24 =	vand.u32 $0xF, v8;
	v8 =	vmov s22;
	(xrf1) =	vunique.msk.u32 $0xffff, v35;
	v45 =	vld [tilespmem:s16+$0xFFFFFF80]  }
0x329: {  	v46 =	vshll.u32 v14, v1;
	v16 =	vbroadcast v28, $0x0;
	v8 =	vshrl.u32 v8, $0x7;
	v14 =	vld [tilespmem:s19+$0xFFFFFFE0]  }
0x32a: {  	v11 =	vor.u32 $0x60, v11;
	v47 =	vshll.u32 v26, v1;
	v8 =	vshll.u32 v8, v1;
	v48 =	vld [tilespmem:s19+$0xFFFFFFC0];
	[tilespmem:s16+$0x70] =	vst v0;
	_, v21, vm4 =	vpop (xrf1)  }
0x32b: {  	v42 =	vshrl.u32 v42, $0xC;
	v49 =	vor.u32 $0x10, v8;
	v8 =	vbroadcast v11, $0x0;
	v26 =	vld [tilespmem:s16+$0x0];
	[tilespmem:s16+$0x60] =	vst v0  }
0x32c: {  	v11 =	vshrl.u32 v36, $0xC;
	v7 =	vshrl.u32 v7, $0xC;
	v36 =	vld [tilespmem:s19+$0x0];
	[tilespmem:v2+s9+$0x0] =	vst.idx.msk vm2, v10;
	v10 =	vor.u32 v16, v13  }
0x32d: {  	v2 =	vshrl.u32 v32, $0x7;
	v13 =	vshll.u32 v38, v1;
	v16 =	vshrl.u32 v44, $0xC;
	v38 =	vld [tilespmem:s19+$0x20];
	[tilespmem:v31+s9+$0x0] =	vst.idx.msk vm1, v15  }
0x32e: {  	v2 =	vshll.u32 v2, v1;
	v13 =	vor.u32 $0x40, v13;
	v28 =	vand.u32 $0xF, v16;
	v32 =	vld [tilespmem:s16+$0xFFFFFFE0];
	[tilespmem:v17+s9+$0x0] =	vst.idx.msk vm0, v6  }
0x32f: {  	v16 =	vbroadcast v40, $0x0;
	v6 =	vor.u32 $0x20, v2;
	v2 =	vshrl.u32 v48, $0xC;
	v15 =	vld [tilespmem:s19+$0x70];
	(xrf1) =	vunique.msk.u32 $0xffff, v28  }
0x330: {  	v44 =	vbroadcast v13, $0x0;
	v40 =	vand.u32 $0xF, v2;
	v2 =	vshrl.u32 v14, $0xC;
	v13 =	vld [tilespmem:s19+$0x30];
	[tilespmem:s16+$0x50] =	vst v0  }
0x331: {  	v17 =	vand.u32 $0xF, v7;
	v20 =	vor.u32 v16, v20;
	v2 =	vand.u32 $0xF, v2;
	(xrf1) =	vunique.msk.u32 $0xffff, v40;
	v48 =	vld [tilespmem:s16+$0xFFFFFFC0]  }
0x332: {  	v9 =	vor.u32 v8, v9;
	v14 =	vshrl.u32 v36, $0xC;
	v31 =	vshrl.u32 v38, $0xC;
	(xrf1) =	vunique.msk.u32 $0xffff, v2;
	v16 =	vld [tilespmem:s16+$0x10]  }
0x333: {  	v33 =	vshll.u32 v33, v1;
	v36 =	vor.u32 $0x10, v47;
	[tilespmem:s18+$0xFFFFFFE0] =	vst v0;
	v38 =	vand.u32 $0xF, v31;
	_, v7, vm1 =	vpop (xrf1);
	v8 =	vld [tilespmem:s16+$0x70]  }
0x334: {  	v41 =	vshrl.u32 v41, $0x7;
	v31 =	vand.u32 $0xF, v42;
	v42 =	vand.u32 $0xF, v14;
	v47 =	vld [tilespmem:s19+$0x40];
	[tilespmem:v10+s9+$0x0] =	vst.idx.msk vm7, v37  }
0x335: {  	v27 =	vshrl.u32 v27, $0x7;
	v10 =	vshrl.u32 v13, $0xC;
	(xrf1) =	vunique.msk.u32 $0xffff, v31;
	v13 =	vadd.s32 v39, v45;
	v14 =	vld [tilespmem:s16+$0x50]  }
0x336: {  	v37 =	vor.u32 $0x50, v46;
	v39 =	vbroadcast v49, $0x0;
	v45 =	vand.u32 $0xF, v10;
	_, v46, vm5 =	vpop (xrf1);
	(xrf1) =	vunique.msk.u32 $0xffff, v38  }
0x337: {  	v41 =	vshll.u32 v41, v1;
	v49 =	vshrl.u32 v15, $0xC;
	(xrf1) =	vunique.msk.u32 $0xffff, v45;
	[tilespmem:v9+s9+$0x0] =	vst.idx.msk vm6, v34  }
0x338: {  	s22 =	sadd.s32 $0xFFFFFFC0, s17;
	v10 =	vshll.u32 v30, v1;
	v9 =	vand.u32 $0xF, v11;
	v11 =	vshrl.u32 v43, $0x7;
	[tilespmem:s18+$0xFFFFFF90] =	vst v0  }
0x339: {  	v15 =	vbroadcast v37, $0x0;
	v30 =	vor.u32 $0x70, v10;
	v10 =	vmov s22;
	(xrf1) =	vunique.msk.u32 $0xffff, v17  }
0x33a: {  	v37 =	vbroadcast v6, $0x0;
	v34 =	vbroadcast v36, $0x0;
	v52 =	vshrl.u32 v10, $0x7;
	v36 =	vld [tilespmem:s19+$0x60];
	(xrf1) =	vunique.msk.u32 $0xffff, v42  }
0x33b: {  	v35 =	vor.u32 v15, v35;
	v10 =	vbroadcast v12, $0x0;
	v15 =	vshll.u32 v52, v1;
	[tilespmem:s18+$0xFFFFFFD0] =	vst v0;
	v43 =	vld [tilespmem:s19+$0x50]  }
0x33c: {  	v13 =	vadd.s32 v29, v13;
	v47 =	vshrl.u32 v47, $0xC;
	v50 =	vor.u32 $0x30, v15;
	(xrf1) =	vunique.msk.u32 $0xffff, v9;
	v51 =	vld [tilespmem:s16+$0xFFFFFFF0]  }
0x33d: {  	v33 =	vor.u32 $0x60, v33;
	v12 =	vor.u32 v10, v9;
	v9 =	vmov s21;
	_, v6, vm0 =	vpop (xrf1);
	(xrf1) =	vunique.msk.u32 $0xffff, v24  }
0x33e: {  	v13 =	vadd.s32 v25, v13;
	v52 =	vmov s20;
	v9 =	vshrl.u32 v9, $0x7;
	[tilespmem:s18+$0xFFFFFFF0] =	vst v0  }
0x33f: {  	v11 =	vshll.u32 v11, v1;
	v29 =	vshrl.u32 v52, $0x7;
	v9 =	vshll.u32 v9, v1;
	[tilespmem:s18+$0xFFFFFF80] =	vst v0;
	_, v15, vm3 =	vpop (xrf1)  }
0x340: {  	v18 =	vor.u32 v34, v18;
	v25 =	vshll.u32 v29, v1;
	v9 =	vor.u32 $0x20, v9;
	[tilespmem:s18+$0xFFFFFFA0] =	vst v0;
	_, v10, vm2 =	vpop (xrf1)  }
0x341: {  	v29 =	vshrl.u32 v43, $0xC;
	v43 =	vshrl.u32 v36, $0xC;
	v36 =	vadd.s32 v23, v13;
	[tilespmem:v20+s9+$0x0] =	vst.idx.msk vm4, v21  }
0x342: {  	v13 =	vand.u32 $0xF, v29;
	v20 =	vshrl.u32 v22, $0x7;
	v21 =	vadd.s32 v48, v36;
	[tilespmem:v35+s9+$0x0] =	vst.idx.msk vm5, v46;
	v22 =	vld [tilespmem:s16+$0x40]  }
0x343: {  	v41 =	vor.u32 $0x30, v41;
	v29 =	vbroadcast v9, $0x0;
	v21 =	vadd.s32 v3, v21;
	_, v23, vm4 =	vpop (xrf1);
	(xrf1) =	vunique.msk.u32 $0xffff, v13;
	v3 =	vld [tilespmem:s18+$0xFFFFFFD0]  }
0x344: {  	v48 =	vbroadcast v50, $0x0;
	v9 =	vand.u32 $0xF, v43;
	v32 =	vadd.s32 v32, v21;
	[tilespmem:s18+$0x20] =	vst v0;
	_, v34, vm5 =	vpop (xrf1)  }
0x345: {  	v21 =	vor.u32 v44, v40;
	v40 =	vbroadcast v30, $0x0;
	v43 =	vor.u32 v29, v38;
	_, v44, vm6 =	vpop (xrf1);
	(xrf1) =	vunique.msk.u32 $0xffff, v9  }
0x346: {  	v29 =	vor.u32 v39, v24;
	v45 =	vor.u32 v48, v45;
	v24 =	vadd.s32 v51, v32;
	[tilespmem:s18+$0xFFFFFFC0] =	vst v0  }
0x347: {  	v27 =	vshll.u32 v27, v1;
	v32 =	vand.u32 $0xF, v49;
	v30 =	vadd.s32 v26, v24;
	[tilespmem:s18+$0xFFFFFFB0] =	vst v0;
	_, v35, vm7 =	vpop (xrf1)  }
.Ltmp6:
0x348: {  	v25 =	vbroadcast v25, $0x0;
	v46 =	vshrl.u32 v19, $0x7;
	v24 =	vbroadcast v33, $0x0;
	[tilespmem:s18+$0x30] =	vst v0;
	_, v36, vm8 =	vpop (xrf1);
	(pc) =	sbr.rel @p0 .LBB2_15-.Ltmp6, $4  }
0x349: {  	v19 =	vshll.u32 v20, v1;
	v38 =	vor.u32 v37, v17;
	v17 =	vor.u32 v40, v28;
	(xrf1) =	vunique.msk.u32 $0xffff, v32  }
0x34a: {  	v27 =	vor.u32 $0x70, v27;
	v39 =	vor.u32 v25, v42;
	v40 =	vbroadcast v41, $0x0;
	[tilespmem:v43+s9+$0x0] =	vst.idx.msk vm5, v34;
	_, v33, vm5 =	vpop (xrf1);
	v26 =	vld [tilespmem:s16+$0x60];
	s16 =	smov.u32 s18  }
0x34b: {  	v20 =	vand.u32 $0xF, v47;
	v37 =	vbroadcast v27, $0x0;
	v28 =	vor.u32 $0x50, v19;
	v25 =	vld [tilespmem:s18+$0x20];
	[tilespmem:v45+s9+$0x0] =	vst.idx.msk vm6, v44;
	_, v34, vm6 =	vpop (xrf1)  }
0x34c: {  	s17 =	sadd.s32 $0x100, s17;
	s19 =	sadd.s32 $0x100, s19;
	v31 =	vor.u32 v40, v31;
	v40 =	vshll.u32 v46, v1;
	s18 =	sadd.s32 $0x100, s18;
	v19 =	vld [tilespmem:s16+$0x30];
	[tilespmem:s16+$0x40] =	vst v0;
	(xrf1) =	vunique.msk.u32 $0xffff, v20  }
0x34d: {  	_ =	sdelay $0x3  }
0x34e: {  	[tilespmem:s16+$0x0] =	vst v0  }
0x34f: {  	[tilespmem:v38+s9+$0x0] =	vst.idx.msk vm7, v35  }
0x350: {  	[tilespmem:s16+$0x10] =	vst v0  }
0x351: {  	[tilespmem:v31+s9+$0x0] =	vst.idx.msk vm4, v23  }
0x352: {  	[tilespmem:v18+s9+$0x0] =	vst.idx.msk vm1, v7  }
0x353: {  	v2 =	vor.u32 v24, v2;
	[tilespmem:v12+s9+$0x0] =	vst.idx.msk vm5, v33  }
0x354: {  	[tilespmem:v21+s9+$0x0] =	vst.idx.msk vm3, v15;
	v18 =	vld [tilespmem:s16+$0xFFFFFFA0]  }
0x355: {  	v12 =	vbroadcast v28, $0x0;
	v16 =	vadd.s32 v16, v30;
	v11 =	vor.u32 $0x60, v11;
	[tilespmem:v29+s9+$0x0] =	vst.idx.msk vm6, v34;
	v29 =	vld [tilespmem:s16+$0xFFFFFFB0]  }
0x356: {  	[tilespmem:s16+$0x70] =	vst v0;
	v30 =	vld [tilespmem:s16+$0xFFFFFF90];
	v11 =	vbroadcast v11, $0x0;
	_, v23, vm4 =	vpop (xrf1)  }
0x357: {  	v28 =	vor.u32 $0x40, v40;
	[tilespmem:v39+s9+$0x0] =	vst.idx.msk vm8, v36;
	v15 =	vld [tilespmem:s16+$0xFFFFFF80];
	v4 =	vadd.s32 v4, v16;
	v12 =	vor.u32 v12, v13;
	_, v7, vm1 =	vpop (xrf1)  }
0x358: {  	v13 =	vbroadcast v28, $0x0;
	v21 =	vld [tilespmem:s16+$0x0];
	v9 =	vor.u32 v11, v9;
	[tilespmem:v2+s9+$0x0] =	vst.idx.msk vm2, v10;
	v2 =	vadd.s32 v5, v4;
	_, v24, vm14 =	vpop (xrf1)  }
0x359: {  	v27 =	vor.u32 v37, v32;
	[tilespmem:s16+$0x60] =	vst v0;
	v11 =	vld [tilespmem:s16+$0x10];
	v2 =	vadd.s32 v22, v2;
	_, v16, vm15 =	vpop (xrf1)  }
0x35a: {  	[tilespmem:s16+$0x50] =	vst v0;
	v5 =	vor.u32 v13, v20;
	v13 =	vld [tilespmem:s16+$0xFFFFFFC0];
	v2 =	vadd.s32 v14, v2  }
0x35b: {  	[tilespmem:v17+s9+$0x0] =	vst.idx.msk vm0, v6;
	v4 =	vld [tilespmem:s16+$0xFFFFFFE0];
	v2 =	vadd.s32 v26, v2  }
0x35c: {  	v2 =	vadd.s32 v8, v2;
	v8 =	vld [tilespmem:s16+$0xFFFFFFF0];
	[tilespmem:v12+s9+$0x0] =	vst.idx.msk vm4, v23  }
0x35d: {  	v6 =	vld [tilespmem:s16+$0x50];
	[tilespmem:v9+s9+$0x0] =	vst.idx.msk vm1, v7  }
0x35e: {  	v2 =	vadd.s32 v2, v15;
	v9 =	vld [tilespmem:s16+$0x60];
	[tilespmem:v27+s9+$0x0] =	vst.idx.msk vm14, v24  }
0x35f: {  	v2 =	vadd.s32 v30, v2;
	v14 =	vld [tilespmem:s16+$0x70];
	[tilespmem:v5+s9+$0x0] =	vst.idx.msk vm15, v16  }
0x360: {  	s31 =	simm.s32 $0x8080;
	v2 =	vadd.s32 v18, v2;
	v7 =	vld [tilespmem:s16+$0x40]  }
0x361: {  	s15 =	simm.s32 $0x10080;
	v2 =	vadd.s32 v29, v2;
	v10 =	vld [tilespmem:s31+$0xFFFFFFD0]  }
0x362: {  	v2 =	vadd.s32 v13, v2;
	v23 =	vld [tilespmem:s15+$0xFFFFFFC0]  }
0x363: {  	v2 =	vadd.s32 v3, v2;
	v24 =	vld [tilespmem:s15+$0xFFFFFFB0]  }
0x364: {  	v2 =	vadd.s32 v4, v2;
	v27 =	vld [tilespmem:s15+$0xFFFFFFA0]  }
0x365: {  	v2 =	vadd.s32 v8, v2;
	v26 =	vld [tilespmem:s15+$0xFFFFFF90]  }
0x366: {  	v2 =	vadd.s32 v21, v2;
	v5 =	vld [tilespmem:s31+$0xFFFFFF80]  }
0x367: {  	v2 =	vadd.s32 v11, v2;
	v3 =	vld [tilespmem:s31+$0x30]  }
0x368: {  	v2 =	vadd.s32 v25, v2;
	v8 =	vld [tilespmem:s31+$0x40]  }
0x369: {  	v15 =	vld [tilespmem:s31+$0xFFFFFFE0];
	v4 =	vadd.s32 v19, v2  }
0x36a: {  	v17 =	vld [tilespmem:s31+$0x0];
	v4 =	vadd.s32 v7, v4  }
0x36b: {  	v6 =	vadd.s32 v6, v4;
	v4 =	vld [tilespmem:s31+$0xFFFFFFC0]  }
0x36c: {  	v13 =	vld [tilespmem:s31+$0xFFFFFFA0];
	v7 =	vadd.s32 v9, v6  }
0x36d: {  	v12 =	vld [tilespmem:s31+$0xFFFFFFB0];
	v16 =	vadd.s32 v14, v7  }
0x36e: {  	v25 =	vld [tilespmem:s15+$0xFFFFFF80];
	(xrf0) =	vadd.scan.msk.s32 $0xffff, v16  }
0x36f: {  	v6 =	vld [tilespmem:s31+$0xFFFFFFF0];
	v9 =	vshrl.u32 v10, $0xC  }
0x370: {  	v7 =	vld [tilespmem:s31+$0x10];
	v29 =	vand.u32 $0xF, v9;
	v11 =	vshrl.u32 v4, $0xC  }
0x371: {  	v34 =	vld [tilespmem:s15+$0xFFFFFFE0];
	(xrf1) =	vunique.msk.u32 $0xffff, v29;
	v21 =	vand.u32 $0xF, v11  }
0x372: {  	v37 =	vld [tilespmem:s15+$0xFFFFFFF0];
	(xrf1) =	vunique.msk.u32 $0xffff, v21  }
0x373: {  	v38 =	vld [tilespmem:s15+$0x0];
	v18 =	vshrl.u32 v13, $0xC  }
0x374: {  	v2 =	vld [tilespmem:s31+$0x70];
	v48 =	vand.u32 $0xF, v18;
	v20 =	vxor.u32 $0xFFFFFFFF, v16;
	v22 =	vshrl.u32 v6, $0xC;
	v19, _, _ =	vpop (xrf0)  }
0x375: {  	v9 =	vld [tilespmem:s31+$0x20];
	v18 =	vand.u32 $0xF, v22;
	(xrf1) =	vunique.msk.u32 $0xffff, v48;
	v20 =	vadd.s32 v20, v19;
	v19 =	vshrl.u32 v7, $0xC  }
0x376: {  	v28 =	vshrl.u32 v8, $0xC;
	v14 =	vld [tilespmem:s31+$0x60];
	v22 =	vshrl.u32 v15, $0xC;
	(xrf1) =	vunique.msk.u32 $0xffff, v18;
	v19 =	vand.u32 $0xF, v19  }
0x377: {  	v30 =	vshrl.u32 v3, $0xC;
	v61 =	vshrl.u32 v17, $0xC;
	v11 =	vld [tilespmem:s31+$0x50];
	v36 =	vand.u32 $0xF, v22;
	(xrf1) =	vunique.msk.u32 $0xffff, v19  }
0x378: {  	v62 =	vshrl.u32 v5, $0xC;
	v63 =	vshrl.u32 v12, $0xC;
	v16 =	vld [tilespmem:s31+$0xFFFFFF90];
	v22 =	vand.u32 $0xF, v30;
	(xrf1) =	vunique.msk.u32 $0xffff, v36  }
0x379: {  	v39 =	vld [tilespmem:s15+$0x10];
	v31 =	vshrl.u32 v2, $0xC;
	v41 =	vand.u32 $0xF, v61;
	v25 =	vadd.s32 v20, v25;
	(xrf1) =	vunique.msk.u32 $0xffff, v22  }
0x37a: {  	v51 =	vld [tilespmem:s15+$0xFFFFFFD0];
	v33 =	vand.u32 $0xF, v28;
	v30 =	vshrl.u32 v9, $0xC;
	v50 =	vadd.s32 v25, v26;
	(xrf1) =	vunique.msk.u32 $0xffff, v41  }
0x37b: {  	v47 =	vld [tilespmem:s15+$0x30];
	v40 =	vand.u32 $0xF, v30;
	v26 =	vand.u32 $0xF, v31;
	v31 =	vadd.s32 v50, v27;
	(xrf1) =	vunique.msk.u32 $0xffff, v33  }
0x37c: {  	v44 =	vand.u32 $0xF, v62;
	v28 =	vld [tilespmem:s15+$0x60];
	v42 =	vshrl.u32 v11, $0xC;
	v24 =	vadd.s32 v31, v24;
	(xrf1) =	vunique.msk.u32 $0xffff, v40  }
0x37d: {  	v43 =	vshrl.u32 v14, $0xC;
	v45 =	vshrl.u32 v16, $0xC;
	v30 =	vld [tilespmem:s15+$0x70];
	v32 =	vand.u32 $0xF, v42;
	(xrf1) =	vunique.msk.u32 $0xffff, v44  }
0x37e: {  	v35 =	vand.u32 $0xF, v63;
	v43 =	vand.u32 $0xF, v43;
	v49 =	vand.u32 $0xF, v45;
	v45 =	vld [tilespmem:s15+$0x40];
	(xrf1) =	vunique.msk.u32 $0xffff, v32  }
0x37f: {  	v42 =	vld [tilespmem:s15+$0x50];
	v25 =	vperm.xlane v25, v49;
	v50 =	vperm.xlane v50, v48;
	v23 =	vadd.s32 v24, v23;
	_, v46, _ =	vpop (xrf1);
	(xrf1) =	vunique.msk.u32 $0xffff, v43  }
0x380: {  	s17 =	simm.s32 $0x8180;
	s18 =	simm.s32 $0x10080;
	s16 =	simm.s32 $0x0;
	v48 =	vld [tilespmem:s15+$0x20];
	v21 =	vperm.xlane v24, v21;
	v27 =	vperm.xlane v23, v29;
	v29 =	vadd.s32 v23, v51;
	_, v24, _ =	vpop (xrf1);
	(xrf1) =	vunique.msk.u32 $0xffff, v26  }
.LBB2_17:
0x381: {  	v51 =	vld [tilespmem:s17+$0xFFFFFFD0];
	s16 =	sadd.s32 $0x10, s16;
	v52 =	vperm.xlane v31, v35;
	s18 =	sadd.s32 $0x100, s18;
	(xrf1) =	vunique.msk.u32 $0xffff, v35  }
0x382: {  	v23 =	vld [tilespmem:s18+$0xFFFFFFC0];
	p0 =	slt.u32 s16, $0x7F0;
	v46 =	vadd.s32 v27, v46;
	(xrf1) =	vunique.msk.u32 $0xffff, v49  }
0x383: {  	v27 =	vld [tilespmem:s18+$0xFFFFFFB0];
	_, v35, _ =	vpop (xrf1)  }
0x384: {  	v36 =	vperm.xlane v29, v36;
	v29 =	vadd.s32 v29, v34;
	v31 =	vld [tilespmem:s18+$0xFFFFFFA0];
	v49 =	vadd.s32 v50, v35;
	_, v34, _ =	vpop (xrf1)  }
0x385: {  	v20 =	vperm.xlane v20, v44;
	v44 =	vperm.xlane v29, v18;
	v56 =	vadd.s32 v29, v37;
	v35 =	vld [tilespmem:s18+$0xFFFFFF90];
	_, v37, _ =	vpop (xrf1)  }
0x386: {  	v55 =	vperm.xlane v56, v41;
	v54 =	vadd.s32 v56, v38;
	v50 =	vld [tilespmem:s17+$0xFFFFFF80];
	v29 =	vshrl.u32 v51, $0xC;
	_, v38, _ =	vpop (xrf1)  }
0x387: {  	v19 =	vperm.xlane v54, v19;
	v29 =	vand.u32 $0xF, v29;
	v53 =	vld [tilespmem:s17+$0x30];
	[tilespmem:v46+s2+$0x0] =	vst.idx.msk $0xffff, v10;
	v10 =	vadd.s32 v54, v39;
	_, v18, _ =	vpop (xrf1)  }
0x388: {  	v36 =	vadd.s32 v36, v38;
	v39 =	vld [tilespmem:s17+$0x40];
	(xrf1) =	vunique.msk.u32 $0xffff, v29;
	v38 =	vperm.xlane v10, v40;
	v54 =	vadd.s32 v10, v48;
	_, v40, _ =	vpop (xrf1)  }
0x389: {  	v48 =	vld [tilespmem:s17+$0x70];
	v40 =	vadd.s32 v55, v40;
	v22 =	vperm.xlane v54, v22;
	v47 =	vadd.s32 v54, v47;
	_, v41, _ =	vpop (xrf1)  }
0x38a: {  	v46 =	vld [tilespmem:s17+$0xFFFFFFE0];
	[tilespmem:v49+s2+$0x0] =	vst.idx.msk $0xffff, v13;
	v13 =	vperm.xlane v47, v33;
	v54 =	vadd.s32 v47, v45;
	_, v45, _ =	vpop (xrf1);
	v10 =	vmov v51  }
0x38b: {  	v47 =	vld [tilespmem:s17+$0xFFFFFFC0];
	v38 =	vadd.s32 v38, v45;
	v32 =	vperm.xlane v54, v32;
	v49 =	vadd.s32 v54, v42;
	_, v42, _ =	vpop (xrf1)  }
0x38c: {  	v45 =	vld [tilespmem:s17+$0xFFFFFFF0];
	v41 =	vadd.s32 v13, v41;
	v43 =	vperm.xlane v49, v43;
	v28 =	vadd.s32 v49, v28;
	_, v33, _ =	vpop (xrf1)  }
0x38d: {  	v42 =	vadd.s32 v20, v42;
	v49 =	vld [tilespmem:s17+$0x0];
	v51 =	vshrl.u32 v39, $0xC;
	[tilespmem:v36+s2+$0x0] =	vst.idx.msk $0xffff, v15;
	v36 =	vperm.xlane v28, v26;
	_, v20, _ =	vpop (xrf1)  }
0x38e: {  	v26 =	vshrl.u32 v53, $0xC;
	v13 =	vld [tilespmem:s17+$0xFFFFFFA0];
	v54 =	vshrl.u32 v48, $0xC;
	[tilespmem:v40+s2+$0x0] =	vst.idx.msk $0xffff, v17;
	v17 =	vadd.s32 v43, v20;
	_, v20, _ =	vpop (xrf1)  }
0x38f: {  	v22 =	vadd.s32 v22, v18;
	v32 =	vadd.s32 v32, v33;
	v55 =	vld [tilespmem:s17+$0x10];
	v33 =	vadd.s32 v36, v20;
	_, v15, _ =	vpop (xrf1)  }
0x390: {  	v20 =	vadd.s32 v28, v30;
	v18 =	vshrl.u32 v47, $0xC;
	v36 =	vadd.s32 v52, v15;
	[tilespmem:v38+s2+$0x0] =	vst.idx.msk $0xffff, v9;
	v9 =	vld [tilespmem:s17+$0x20];
	_, v15, _ =	vpop (xrf1)  }
0x391: {  	v52 =	vand.u32 $0xF, v18;
	v18 =	vshrl.u32 v45, $0xC;
	v28 =	vld [tilespmem:s17+$0x60];
	v25 =	vadd.s32 v25, v15;
	[tilespmem:v41+s2+$0x0] =	vst.idx.msk $0xffff, v8;
	v8 =	vmovc v39  }
0x392: {  	v39 =	vadd.s32 v44, v34;
	v30 =	vld [tilespmem:s17+$0xFFFFFFB0];
	v18 =	vand.u32 $0xF, v18;
	(xrf1) =	vunique.msk.u32 $0xffff, v52;
	[tilespmem:v42+s2+$0x0] =	vst.idx.msk $0xffff, v5;
	v5 =	vmovc v50  }
0x393: {  	v15 =	vmovc v46;
	v40 =	vshrl.u32 v49, $0xC;
	v50 =	vadd.s32 v19, v37;
	v34 =	vshrl.u32 v13, $0xC;
	v42 =	vld [tilespmem:s17+$0x50];
	[tilespmem:v17+s2+$0x0] =	vst.idx.msk $0xffff, v14  }
0x394: {  	v21 =	vadd.s32 v21, v24;
	v43 =	vld [tilespmem:s17+$0xFFFFFF90];
	v56 =	vand.u32 $0xF, v34;
	v14 =	vshrl.u32 v55, $0xC;
	[tilespmem:v22+s2+$0x0] =	vst.idx.msk $0xffff, v3;
	v3 =	vmovc v53  }
0x395: {  	v17 =	vmovc v49;
	v22 =	vshrl.u32 v15, $0xC;
	v24 =	vld [tilespmem:s18+$0xFFFFFF80];
	v19 =	vand.u32 $0xF, v14;
	(xrf1) =	vunique.msk.u32 $0xffff, v56;
	[tilespmem:v36+s2+$0x0] =	vst.idx.msk $0xffff, v12  }
0x396: {  	v44 =	vshrl.u32 v5, $0xC;
	v34 =	vld [tilespmem:s18+$0xFFFFFFE0];
	v53 =	vshrl.u32 v28, $0xC;
	_, v46, _ =	vpop (xrf1);
	(xrf1) =	vunique.msk.u32 $0xffff, v18;
	[tilespmem:v25+s2+$0x0] =	vst.idx.msk $0xffff, v16  }
0x397: {  	v36 =	vand.u32 $0xF, v22;
	v12 =	vshrl.u32 v9, $0xC;
	v37 =	vld [tilespmem:s18+$0xFFFFFFF0];
	(xrf1) =	vunique.msk.u32 $0xffff, v19;
	[tilespmem:v33+s2+$0x0] =	vst.idx.msk $0xffff, v2;
	v2 =	vmovc v48  }
0x398: {  	v22 =	vand.u32 $0xF, v26;
	v16 =	vshrl.u32 v30, $0xC;
	v38 =	vld [tilespmem:s18+$0x0];
	(xrf1) =	vunique.msk.u32 $0xffff, v36;
	[tilespmem:v39+s2+$0x0] =	vst.idx.msk $0xffff, v6;
	v6 =	vmovc v45  }
0x399: {  	v41 =	vand.u32 $0xF, v40;
	v14 =	vmovc v28;
	v25 =	vshrl.u32 v43, $0xC;
	v39 =	vld [tilespmem:s18+$0x10];
	(xrf1) =	vunique.msk.u32 $0xffff, v22;
	[tilespmem:v32+s2+$0x0] =	vst.idx.msk $0xffff, v11  }
0x39a: {  	v40 =	vand.u32 $0xF, v12;
	v33 =	vand.u32 $0xF, v51;
	v12 =	vmovc v30;
	v24 =	vadd.s32 v20, v24;
	v48 =	vld [tilespmem:s18+$0xFFFFFFD0];
	(xrf1) =	vunique.msk.u32 $0xffff, v41  }
0x39b: {  	v44 =	vand.u32 $0xF, v44;
	v32 =	vshrl.u32 v42, $0xC;
	v30 =	vld [tilespmem:s18+$0x70];
	(xrf1) =	vunique.msk.u32 $0xffff, v33;
	[tilespmem:v21+s2+$0x0] =	vst.idx.msk $0xffff, v4;
	v4 =	vmovc v47  }
.Ltmp7:
0x39c: {  	v26 =	vand.u32 $0xF, v54;
	v11 =	vmovc v42;
	v51 =	vadd.s32 v24, v35;
	v35 =	vand.u32 $0xF, v16;
	v28 =	vld [tilespmem:s18+$0x60];
	(xrf1) =	vunique.msk.u32 $0xffff, v40;
	(pc) =	sbr.rel @p0 .LBB2_17-.Ltmp7, $4  }
0x39d: {  	v49 =	vand.u32 $0xF, v25;
	v32 =	vand.u32 $0xF, v32;
	v16 =	vmovc v43;
	v31 =	vadd.s32 v51, v31;
	v42 =	vld [tilespmem:s18+$0x50];
	(xrf1) =	vunique.msk.u32 $0xffff, v44  }
0x39e: {  	v43 =	vand.u32 $0xF, v53;
	v27 =	vadd.s32 v31, v27;
	v45 =	vld [tilespmem:s18+$0x40];
	(xrf1) =	vunique.msk.u32 $0xffff, v32;
	[tilespmem:v50+s2+$0x0] =	vst.idx.msk $0xffff, v7;
	v7 =	vmovc v55  }
0x39f: {  	v25 =	vperm.xlane v24, v49;
	v21 =	vperm.xlane v27, v52;
	v23 =	vadd.s32 v27, v23;
	v47 =	vld [tilespmem:s18+$0x30];
	(xrf1) =	vunique.msk.u32 $0xffff, v43  }
0x3a0: {  	s19 =	simm.s32 $0x80;
	s17 =	sadd.s32 $0x100, s17;
	v50 =	vperm.xlane v51, v56;
	v27 =	vperm.xlane v23, v29;
	v29 =	vadd.s32 v23, v48;
	v48 =	vld [tilespmem:s18+$0x20];
	_, v24, _ =	vpop (xrf1);
	(xrf1) =	vunique.msk.u32 $0xffff, v26  }
0x3a1: {  	(xrf1) =	vunique.msk.u32 $0xffff, v35  }
0x3a2: {  	(xrf1) =	vunique.msk.u32 $0xffff, v49  }
0x3a3: {  	_, v23, _ =	vpop (xrf1)  }
0x3a4: {  	v30 =	vadd.s32 v29, v34;
	_, v34, _ =	vpop (xrf1)  }
0x3a5: {  	v37 =	vadd.s32 v30, v37;
	_, v54, _ =	vpop (xrf1)  }
0x3a6: {  	v29 =	vperm.xlane v29, v36;
	v20 =	vperm.xlane v20, v44;
	v38 =	vadd.s32 v37, v38;
	_, v51, _ =	vpop (xrf1)  }
0x3a7: {  	v27 =	vadd.s32 v27, v46;
	v37 =	vperm.xlane v37, v41;
	v55 =	vadd.s32 v38, v39;
	_, v56, _ =	vpop (xrf1)  }
0x3a8: {  	v23 =	vadd.s32 v50, v23;
	v57 =	vadd.s32 v55, v48;
	v36 =	vperm.xlane v55, v40;
	_, v58, _ =	vpop (xrf1)  }
0x3a9: {  	v59 =	vadd.s32 v57, v47;
	v22 =	vperm.xlane v57, v22;
	v29 =	vadd.s32 v29, v51;
	_, v60, _ =	vpop (xrf1)  }
0x3aa: {  	v33 =	vperm.xlane v59, v33;
	v40 =	vadd.s32 v59, v45;
	v37 =	vadd.s32 v37, v58;
	_, v61, _ =	vpop (xrf1)  }
0x3ab: {  	v42 =	vadd.s32 v40, v42;
	v36 =	vadd.s32 v36, v61;
	_, v62, _ =	vpop (xrf1)  }
0x3ac: {  	[tilespmem:v27+s2+$0x0] =	vst.idx.msk $0xffff, v10;
	v27 =	vperm.xlane v42, v43;
	v10 =	vadd.s32 v33, v60;
	_, v63, _ =	vpop (xrf1)  }
0x3ad: {  	[tilespmem:v23+s2+$0x0] =	vst.idx.msk $0xffff, v13;
	v13 =	vadd.s32 v20, v62;
	_, v20, _ =	vpop (xrf1)  }
0x3ae: {  	v23 =	vperm.xlane v31, v35;
	[tilespmem:v29+s2+$0x0] =	vst.idx.msk $0xffff, v15;
	v15 =	vadd.s32 v27, v20;
	_, v20, _ =	vpop (xrf1)  }
0x3af: {  	v27 =	vadd.s32 v42, v28;
	[tilespmem:v37+s2+$0x0] =	vst.idx.msk $0xffff, v17;
	v17 =	vadd.s32 v22, v56;
	_, v22, _ =	vpop (xrf1)  }
0x3b0: {  	v26 =	vperm.xlane v27, v26;
	v22 =	vadd.s32 v23, v22;
	[tilespmem:v36+s2+$0x0] =	vst.idx.msk $0xffff, v9;
	_, v9, _ =	vpop (xrf1)  }
0x3b1: {  	v18 =	vperm.xlane v30, v18;
	[tilespmem:v10+s2+$0x0] =	vst.idx.msk $0xffff, v8;
	v9 =	vadd.s32 v25, v9  }
0x3b2: {  	v8 =	vperm.xlane v40, v32;
	v10 =	vadd.s32 v26, v20;
	[tilespmem:v13+s2+$0x0] =	vst.idx.msk $0xffff, v5  }
0x3b3: {  	s25 =	simm.s32 $0x80;
	v5 =	vadd.s32 v18, v34;
	[tilespmem:v15+s2+$0x0] =	vst.idx.msk $0xffff, v14  }
0x3b4: {  	s24 =	simm.s32 $0xB0;
	v46 =	vmov s25;
	v13 =	vperm.xlane v38, v19;
	v8 =	vadd.s32 v8, v63;
	[tilespmem:v17+s2+$0x0] =	vst.idx.msk $0xffff, v3  }
0x3b5: {  	s21 =	simm.s32 $0xE0;
	v30 =	vmov s24;
	v35 =	vshrl.u32 v46, $0x7;
	v3 =	vadd.s32 v21, v24;
	[tilespmem:v22+s2+$0x0] =	vst.idx.msk $0xffff, v12  }
0x3b6: {  	s22 =	simm.s32 $0x60;
	s23 =	simm.s32 $0x90;
	v35 =	vshll.u32 v35, v1;
	v20 =	vmov s21;
	v12 =	vadd.s32 v13, v54;
	[tilespmem:v9+s2+$0x0] =	vst.idx.msk $0xffff, v16  }
0x3b7: {  	s29 =	simm.s32 $0xD0;
	v23 =	vmov s23;
	v20 =	vshrl.u32 v20, $0x7;
	v21 =	vmov s22;
	[tilespmem:v10+s2+$0x0] =	vst.idx.msk $0xffff, v2  }
0x3b8: {  	v14 =	vmov s29;
	v20 =	vshll.u32 v20, v1;
	v21 =	vshrl.u32 v21, $0x7;
	[tilespmem:v5+s2+$0x0] =	vst.idx.msk $0xffff, v6  }
0x3b9: {  	s25 =	simm.s32 $0x1E0;
	v14 =	vshrl.u32 v14, $0x7;
	v20 =	vor.u32 $0x60, v20;
	v21 =	vshll.u32 v21, v1;
	[tilespmem:v8+s2+$0x0] =	vst.idx.msk $0xffff, v11  }
0x3ba: {  	s16 =	simm.s32 $0xF0;
	s17 =	simm.s32 $0x0;
	s18 =	simm.s32 $0x40;
	v14 =	vshll.u32 v14, v1;
	v54 =	vmov s25;
	v58 =	vbroadcast v20, $0x0;
	[tilespmem:v3+s2+$0x0] =	vst.idx.msk $0xffff, v4  }
0x3bb: {  	s26 =	simm.s32 $0x10;
	s31 =	simm.s32 $0x30;
	v5 =	vmov s16;
	v6 =	vmov s17;
	v8 =	vmov s18;
	[tilespmem:v12+s2+$0x0] =	vst.idx.msk $0xffff, v7  }
0x3bc: {  	v11 =	vmov s26;
	v16 =	vmov s31;
	v21 =	vor.u32 $0x60, v21;
	v2 =	vld [tilespmem:s19+$0xFFFFFF90]  }
0x3bd: {  	v6 =	vshrl.u32 v6, $0x7;
	v8 =	vshrl.u32 v8, $0x7;
	v11 =	vshrl.u32 v11, $0x7;
	v4 =	vld [tilespmem:s19+$0xFFFFFFD0]  }
0x3be: {  	v16 =	vshrl.u32 v16, $0x7;
	v29 =	vshrl.u32 v5, $0x7;
	v21 =	vbroadcast v21, $0x0;
	v9 =	vld [tilespmem:s19+$0x10]  }
0x3bf: {  	v3 =	vimm.s32 $0x0;
	v6 =	vshll.u32 v6, v1;
	v8 =	vshll.u32 v8, v1;
	v10 =	vld [tilespmem:s19+$0xFFFFFFB0]  }
0x3c0: {  	v11 =	vshll.u32 v11, v1;
	v16 =	vshll.u32 v16, v1;
	v8 =	vor.u32 $0x40, v8;
	v13 =	vld [tilespmem:s19+$0xFFFFFF80]  }
0x3c1: {  	s20 =	simm.s32 $0x70;
	s28 =	simm.s32 $0x50;
	v11 =	vor.u32 $0x10, v11;
	v6 =	vbroadcast v6, $0x0;
	v16 =	vor.u32 $0x30, v16;
	v17 =	vld [tilespmem:s19+$0xFFFFFFF0]  }
0x3c2: {  	v7 =	vmov s20;
	v12 =	vmov s28;
	v8 =	vbroadcast v8, $0x0;
	v24 =	vld [tilespmem:s19+$0xFFFFFFE0];
	[tilespmem:s15+$0xFFFFFFE0] =	vst v0  }
0x3c3: {  	v16 =	vbroadcast v16, $0x0;
	v7 =	vshrl.u32 v7, $0x7;
	v22 =	vld [tilespmem:s19+$0xFFFFFFC0];
	[tilespmem:s15+$0xFFFFFF90] =	vst v0;
	v2 =	vshrl.u32 v2, $0x10  }
0x3c4: {  	v19 =	vld [tilespmem:s19+$0xFFFFFFA0];
	[tilespmem:s15+$0xFFFFFFD0] =	vst v0;
	v7 =	vshll.u32 v7, v1;
	v15 =	vand.u32 $0xF, v2;
	v2 =	vshrl.u32 v12, $0x7  }
0x3c5: {  	v43 =	vld [tilespmem:s19+$0x50];
	[tilespmem:s15+$0xFFFFFFF0] =	vst v0;
	v18 =	vshrl.u32 v4, $0x10;
	v25 =	vshll.u32 v2, v1;
	v2 =	vshrl.u32 v23, $0x7  }
0x3c6: {  	v31 =	vor.u32 $0x70, v7;
	v18 =	vand.u32 $0xF, v18;
	(xrf1) =	vunique.msk.u32 $0xffff, v15;
	v23 =	vld [tilespmem:s19+$0x20];
	v2 =	vshll.u32 v2, v1  }
0x3c7: {  	v45 =	vld [tilespmem:s19+$0x60];
	v7 =	vbroadcast v11, $0x0;
	(xrf1) =	vunique.msk.u32 $0xffff, v18;
	v26 =	vor.u32 $0x10, v2;
	v2 =	vshrl.u32 v17, $0x10  }
0x3c8: {  	s17 =	simm.s32 $0x180;
	[tilespmem:s15+$0xFFFFFF80] =	vst v0;
	v11 =	vshrl.u32 v30, $0x7;
	v17 =	vld [tilespmem:s19+$0x30];
	v27 =	vand.u32 $0xF, v2;
	v2 =	vshrl.u32 v22, $0x10  }
0x3c9: {  	v55 =	vld [tilespmem:s17+$0xFFFFFFA0];
	v11 =	vshll.u32 v11, v1;
	(xrf1) =	vunique.msk.u32 $0xffff, v27;
	v28 =	vand.u32 $0xF, v2;
	v2 =	vshrl.u32 v24, $0x10  }
0x3ca: {  	s20 =	simm.s32 $0xC0;
	v59 =	vld [tilespmem:s17+$0x0];
	v11 =	vor.u32 $0x30, v11;
	v10 =	vshrl.u32 v10, $0x10;
	v2 =	vand.u32 $0xF, v2;
	(xrf1) =	vunique.msk.u32 $0xffff, v28  }
0x3cb: {  	v4 =	vmov s20;
	v10 =	vand.u32 $0xF, v10;
	v22 =	vld [tilespmem:s19+$0x0];
	v23 =	vshrl.u32 v23, $0x10;
	(xrf1) =	vunique.msk.u32 $0xffff, v2  }
0x3cc: {  	v9 =	vshrl.u32 v9, $0x10;
	v13 =	vshrl.u32 v13, $0x10;
	v23 =	vand.u32 $0xF, v23;
	(xrf1) =	vunique.msk.u32 $0xffff, v10  }
0x3cd: {  	v19 =	vshrl.u32 v19, $0x10;
	v32 =	vshrl.u32 v43, $0x10;
	v17 =	vshrl.u32 v17, $0x10;
	(xrf1) =	vunique.msk.u32 $0xffff, v23  }
0x3ce: {  	s30 =	simm.s32 $0x20;
	[tilespmem:s15+$0xFFFFFFA0] =	vst v0;
	v34 =	vshrl.u32 v45, $0x10;
	v11 =	vbroadcast v11, $0x0;
	v17 =	vand.u32 $0xF, v17  }
0x3cf: {  	v20 =	vshrl.u32 v55, $0x10;
	v60 =	vshrl.u32 v59, $0x10;
	v12 =	vmov s30;
	(xrf1) =	vunique.msk.u32 $0xffff, v17  }
0x3d0: {  	[tilespmem:s15+$0xFFFFFFC0] =	vst v0;
	v9 =	vand.u32 $0xF, v9;
	v19 =	vand.u32 $0xF, v19;
	v22 =	vshrl.u32 v22, $0x10  }
0x3d1: {  	v5 =	vld [tilespmem:s19+$0x40];
	v13 =	vand.u32 $0xF, v13;
	v12 =	vshrl.u32 v12, $0x7;
	v22 =	vand.u32 $0xF, v22;
	(xrf1) =	vunique.msk.u32 $0xffff, v19  }
0x3d2: {  	s26 =	simm.s32 $0xA0;
	v32 =	vand.u32 $0xF, v32;
	v4 =	vshrl.u32 v4, $0x7;
	v12 =	vshll.u32 v12, v1;
	v24 =	vld [tilespmem:s19+$0x70];
	(xrf1) =	vunique.msk.u32 $0xffff, v22  }
0x3d3: {  	v25 =	vor.u32 $0x50, v25;
	(xrf1) =	vunique.msk.u32 $0xffff, v13;
	v13 =	vor.u32 v6, v13;
	v6 =	vmov s26  }
0x3d4: {  	[tilespmem:s15+$0xFFFFFFB0] =	vst v0;
	v12 =	vor.u32 $0x20, v12;
	v25 =	vbroadcast v25, $0x0;
	v6 =	vshrl.u32 v6, $0x7;
	_, v30, vm2 =	vpop (xrf1)  }
0x3d5: {  	v15 =	vor.u32 v7, v15;
	v12 =	vbroadcast v12, $0x0;
	(xrf1) =	vunique.msk.u32 $0xffff, v9;
	v6 =	vshll.u32 v6, v1;
	_, v44, vm5 =	vpop (xrf1)  }
0x3d6: {  	[tilespmem:s15+$0x40] =	vst v0;
	v18 =	vor.u32 v25, v18;
	v25 =	vshrl.u32 v5, $0x10;
	v6 =	vor.u32 $0x20, v6  }
0x3d7: {  	v24 =	vshrl.u32 v24, $0x10;
	v48 =	vbroadcast v6, $0x0;
	v6 =	vand.u32 $0xF, v34;
	_, v5, vm0 =	vpop (xrf1);
	(xrf1) =	vunique.msk.u32 $0xffff, v32  }
0x3d8: {  	v63 =	vld [tilespmem:s17+$0x60];
	v28 =	vor.u32 v8, v28;
	v8 =	vor.u32 v11, v17;
	v11 =	vand.u32 $0xF, v24;
	_, v47, vm3 =	vpop (xrf1);
	(xrf1) =	vunique.msk.u32 $0xffff, v6  }
0x3d9: {  	v20 =	vand.u32 $0xF, v20;
	v37 =	vand.u32 $0xF, v60;
	v4 =	vshll.u32 v4, v1;
	s19 =	simm.s32 $0x110;
	_, v7, vm1 =	vpop (xrf1);
	(xrf1) =	vunique.msk.u32 $0xffff, v11  }
0x3da: {  	[tilespmem:s15+$0x10] =	vst v0;
	v26 =	vbroadcast v26, $0x0;
	v12 =	vor.u32 v12, v19;
	v51 =	vmov s19;
	_, v49, vm4 =	vpop (xrf1)  }
0x3db: {  	v2 =	vor.u32 v21, v2;
	v10 =	vor.u32 v16, v10;
	v17 =	vbroadcast v31, $0x0;
	[tilespmem:v18+s9+$0x0] =	vst.idx.msk vm5, v44;
	_, v18, vm5 =	vpop (xrf1)  }
0x3dc: {  	v24 =	vshll.u32 v29, v1;
	v29 =	vbroadcast v35, $0x0;
	v23 =	vor.u32 v48, v23;
	[tilespmem:v15+s9+$0x0] =	vst.idx.msk vm2, v30;
	v30 =	vld [tilespmem:s17+$0xFFFFFFB0]  }
0x3dd: {  	[tilespmem:s15+$0x20] =	vst v0;
	v19 =	vor.u32 $0x50, v14;
	v35 =	vshrl.u32 v63, $0x10;
	v27 =	vor.u32 v17, v27;
	_, v50, vm6 =	vpop (xrf1)  }
0x3de: {  	s31 =	simm.s32 $0x170;
	[tilespmem:s15+$0x30] =	vst v0;
	v19 =	vbroadcast v19, $0x0;
	v17 =	vor.u32 v29, v22;
	v22 =	vand.u32 $0xF, v25  }
0x3df: {  	s20 =	simm.s32 $0x1D0;
	[tilespmem:s15+$0x0] =	vst v0;
	v25 =	vor.u32 $0x40, v4;
	v4 =	vmov s31;
	v9 =	vor.u32 v26, v9;
	_, v26, vm8 =	vpop (xrf1)  }
0x3e0: {  	s22 =	simm.s32 $0x120;
	v29 =	vshrl.u32 v4, $0x7;
	v4 =	vmov s20;
	v6 =	vor.u32 v58, v6;
	_, v31, vm7 =	vpop (xrf1);
	[tilespmem:v2+s9+$0x0] =	vst.idx.msk vm1, v7  }
0x3e1: {  	v15 =	vmov s22;
	v30 =	vshrl.u32 v30, $0x10;
	v7 =	vor.u32 v19, v32;
	[tilespmem:v23+s9+$0x0] =	vst.idx.msk vm5, v18;
	_, v14, vm5 =	vpop (xrf1)  }
0x3e2: {  	s29 =	simm.s32 $0x100;
	s28 =	simm.s32 $0x1F0;
	[tilespmem:v27+s9+$0x0] =	vst.idx.msk vm0, v5;
	v2 =	vshrl.u32 v15, $0x7;
	v27 =	vand.u32 $0xF, v30;
	v18 =	vor.u32 $0x70, v24  }
0x3e3: {  	v23 =	vmov s28;
	v24 =	vmov s29;
	[tilespmem:v8+s9+$0x0] =	vst.idx.msk vm6, v50;
	v8 =	vld [tilespmem:s17+$0xFFFFFF90];
	v18 =	vbroadcast v18, $0x0;
	_, v16, vm6 =	vpop (xrf1)  }
0x3e4: {  	s21 =	simm.s32 $0x150;
	s30 =	simm.s32 $0x140;
	[tilespmem:v10+s9+$0x0] =	vst.idx.msk vm4, v49;
	v2 =	vshll.u32 v2, v1;
	v24 =	vshrl.u32 v24, $0x7;
	v30 =	vshrl.u32 v23, $0x7  }
0x3e5: {  	s23 =	simm.s32 $0x130;
	[tilespmem:v12+s9+$0x0] =	vst.idx.msk vm8, v26;
	v12 =	vmov s30;
	v26 =	vld [tilespmem:s17+$0xFFFFFFD0];
	v10 =	vor.u32 v18, v11;
	v11 =	vmov s21;
	_, v52, vm4 =	vpop (xrf1)  }
0x3e6: {  	[tilespmem:v17+s9+$0x0] =	vst.idx.msk vm7, v31;
	v12 =	vshrl.u32 v12, $0x7;
	v31 =	vld [tilespmem:s17+$0x10];
	v18 =	vmov s23;
	v11 =	vshrl.u32 v11, $0x7;
	_, v53, vm2 =	vpop (xrf1)  }
0x3e7: {  	v12 =	vshll.u32 v12, v1;
	v18 =	vshrl.u32 v18, $0x7;
	v11 =	vshll.u32 v11, v1;
	[tilespmem:v13+s9+$0x0] =	vst.idx.msk vm5, v14;
	_, v21, vm5 =	vpop (xrf1)  }
0x3e8: {  	s26 =	simm.s32 $0x160;
	(xrf1) =	vunique.msk.u32 $0xffff, v22;
	v23 =	vshll.u32 v18, v1;
	v8 =	vshrl.u32 v8, $0x10;
	v13 =	vshll.u32 v24, v1;
	v24 =	vld [tilespmem:s17+$0xFFFFFFF0]  }
0x3e9: {  	v56 =	vld [tilespmem:s17+$0xFFFFFFC0];
	v14 =	vmov s26;
	v8 =	vand.u32 $0xF, v8;
	[tilespmem:v9+s9+$0x0] =	vst.idx.msk vm6, v16;
	v9 =	vshrl.u32 v51, $0x7  }
0x3ea: {  	v57 =	vld [tilespmem:s17+$0xFFFFFFE0];
	[tilespmem:v28+s9+$0x0] =	vst.idx.msk vm3, v47;
	v16 =	vshrl.u32 v26, $0x10;
	v28 =	vshrl.u32 v14, $0x7;
	v13 =	vbroadcast v13, $0x0  }
0x3eb: {  	s28 =	simm.s32 $0x190;
	v26 =	vld [tilespmem:s17+$0xFFFFFF80];
	(xrf1) =	vunique.msk.u32 $0xffff, v8;
	v16 =	vand.u32 $0xF, v16;
	v31 =	vshrl.u32 v31, $0x10;
	v9 =	vshll.u32 v9, v1  }
0x3ec: {  	[tilespmem:s15+$0x70] =	vst v0;
	v5 =	vld [tilespmem:s15+$0xFFFFFF80];
	v28 =	vshll.u32 v28, v1;
	v14 =	vand.u32 $0xF, v31;
	v31 =	vmov s28  }
0x3ed: {  	(xrf1) =	vunique.msk.u32 $0xffff, v16;
	v15 =	vshrl.u32 v24, $0x10;
	v24 =	vld [tilespmem:s17+$0x20];
	[tilespmem:v10+s9+$0x0] =	vst.idx.msk vm5, v21;
	v10 =	vor.u32 $0x40, v12  }
0x3ee: {  	[tilespmem:s15+$0x60] =	vst v0;
	v19 =	vand.u32 $0xF, v15;
	v15 =	vbroadcast v25, $0x0;
	v25 =	vbroadcast v10, $0x0;
	v10 =	vld [tilespmem:s17+$0x30]  }
0x3ef: {  	[tilespmem:s15+$0x50] =	vst v0;
	v31 =	vshrl.u32 v31, $0x7;
	v12 =	vor.u32 $0x20, v2;
	v2 =	vshrl.u32 v56, $0x10  }
0x3f0: {  	[tilespmem:v7+s9+$0x0] =	vst.idx.msk vm4, v52;
	(xrf1) =	vunique.msk.u32 $0xffff, v19;
	v21 =	vand.u32 $0xF, v2;
	v2 =	vshrl.u32 v57, $0x10  }
0x3f1: {  	v31 =	vshll.u32 v31, v1;
	[tilespmem:v6+s9+$0x0] =	vst.idx.msk vm2, v53;
	v2 =	vand.u32 $0xF, v2;
	(xrf1) =	vunique.msk.u32 $0xffff, v21  }
0x3f2: {  	v26 =	vshrl.u32 v26, $0x10;
	v3 =	vadd.s32 v3, v5;
	(xrf1) =	vunique.msk.u32 $0xffff, v2;
	v24 =	vshrl.u32 v24, $0x10  }
0x3f3: {  	v6 =	vand.u32 $0xF, v26;
	(xrf1) =	vunique.msk.u32 $0xffff, v27;
	v24 =	vand.u32 $0xF, v24;
	v7 =	vshrl.u32 v10, $0x10  }
0x3f4: {  	s29 =	simm.s32 $0x1B0;
	v5 =	vld [tilespmem:s15+$0xFFFFFF90];
	v22 =	vor.u32 v15, v22;
	(xrf1) =	vunique.msk.u32 $0xffff, v24;
	v61 =	vand.u32 $0xF, v7;
	v7 =	vshll.u32 v29, v1  }
0x3f5: {  	s16 =	simm.s32 $0x10180;
	v15 =	vld [tilespmem:s17+$0x70];
	v10 =	vor.u32 $0x50, v11;
	(xrf1) =	vunique.msk.u32 $0xffff, v61;
	v26 =	vor.u32 $0x70, v7;
	v7 =	vmov s29  }
0x3f6: {  	[tilespmem:s16+$0xFFFFFFE0] =	vst v0;
	v9 =	vor.u32 $0x10, v9;
	v31 =	vor.u32 $0x10, v31;
	v10 =	vbroadcast v10, $0x0  }
0x3f7: {  	v49 =	vld [tilespmem:s17+$0x50];
	v9 =	vbroadcast v9, $0x0;
	v56 =	vshrl.u32 v4, $0x7;
	v31 =	vbroadcast v31, $0x0;
	(xrf1) =	vunique.msk.u32 $0xffff, v20  }
0x3f8: {  	s30 =	simm.s32 $0x1A0;
	v18 =	vld [tilespmem:s15+$0xFFFFFFA0];
	_, v33, vm2 =	vpop (xrf1);
	v36 =	vbroadcast v12, $0x0;
	v12 =	vshrl.u32 v7, $0x7;
	v16 =	vor.u32 v10, v16;
	(xrf1) =	vunique.msk.u32 $0xffff, v37  }
0x3f9: {  	v11 =	vld [tilespmem:s17+$0x40];
	v10 =	vshll.u32 v12, v1;
	v12 =	vor.u32 v13, v6;
	_, v7, vm1 =	vpop (xrf1);
	(xrf1) =	vunique.msk.u32 $0xffff, v6;
	v6 =	vmov s30  }
0x3fa: {  	[tilespmem:s16+$0xFFFFFFA0] =	vst v0;
	s31 =	simm.s32 $0x180;
	v3 =	vadd.s32 v5, v3;
	v62 =	vshrl.u32 v15, $0x10;
	v29 =	vld [tilespmem:s15+$0xFFFFFFB0];
	v6 =	vshrl.u32 v6, $0x7  }
0x3fb: {  	[tilespmem:s16+$0xFFFFFFC0] =	vst v0;
	v5 =	vld [tilespmem:s15+$0xFFFFFFC0];
	v15 =	vshrl.u32 v54, $0x7;
	v50 =	vor.u32 $0x30, v10;
	v10 =	vmov s31;
	_, v48, vm4 =	vpop (xrf1)  }
0x3fc: {  	v52 =	vld [tilespmem:s15+$0xFFFFFFD0];
	v57 =	vor.u32 $0x30, v23;
	v21 =	vor.u32 v25, v21;
	v10 =	vshrl.u32 v10, $0x7;
	(xrf1) =	vunique.msk.u32 $0xffff, v14  }
0x3fd: {  	[tilespmem:s16+$0xFFFFFFB0] =	vst v0;
	v53 =	vld [tilespmem:s15+$0xFFFFFFE0];
	v3 =	vadd.s32 v18, v3;
	v18 =	vor.u32 v9, v8;
	v9 =	vshrl.u32 v49, $0x10  }
0x3fe: {  	v55 =	vld [tilespmem:s15+$0xFFFFFFF0];
	[tilespmem:v22+s9+$0x0] =	vst.idx.msk vm2, v33;
	v25 =	vbroadcast v26, $0x0;
	v51 =	vshrl.u32 v11, $0x10;
	v13 =	vshll.u32 v6, v1;
	_, v6, vm0 =	vpop (xrf1)  }
0x3ff: {  	[tilespmem:s16+$0xFFFFFF90] =	vst v0;
	v22 =	vld [tilespmem:s15+$0x0];
	v11 =	vshll.u32 v15, v1;
	v3 =	vadd.s32 v29, v3;
	v54 =	vshll.u32 v10, v1;
	_, v15, vm3 =	vpop (xrf1)  }
0x400: {  	[tilespmem:s16+$0xFFFFFFD0] =	vst v0;
	v3 =	vadd.s32 v5, v3;
	v8 =	vor.u32 $0x20, v13;
	v13 =	vand.u32 $0xF, v9;
	_, v10, vm2 =	vpop (xrf1)  }
0x401: {  	v4 =	vld [tilespmem:s15+$0x20];
	v3 =	vadd.s32 v52, v3;
	v8 =	vbroadcast v8, $0x0;
	(xrf1) =	vunique.msk.u32 $0xffff, v13;
	[tilespmem:v16+s9+$0x0] =	vst.idx.msk vm4, v48;
	_, v23, vm4 =	vpop (xrf1)  }
0x402: {  	[tilespmem:s16+$0xFFFFFFF0] =	vst v0;
	v58 =	vbroadcast v50, $0x0;
	v5 =	vld [tilespmem:s15+$0x30];
	v9 =	vand.u32 $0xF, v35;
	v3 =	vadd.s32 v53, v3;
	_, v59, vm5 =	vpop (xrf1)  }
0x403: {  	v29 =	vor.u32 v31, v14;
	v14 =	vld [tilespmem:s15+$0x50];
	v3 =	vadd.s32 v55, v3;
	(xrf1) =	vunique.msk.u32 $0xffff, v9;
	v26 =	vor.u32 v8, v24;
	_, v60, vm6 =	vpop (xrf1)  }
0x404: {  	s24 =	simm.s32 $0x1C0;
	[tilespmem:s16+$0xFFFFFF80] =	vst v0;
	v31 =	vor.u32 v58, v61;
	v61 =	vshll.u32 v30, v1;
	v30 =	vadd.s32 v22, v3;
	v22 =	vld [tilespmem:s15+$0x40]  }
0x405: {  	v17 =	vmov s24;
	v28 =	vor.u32 $0x60, v28;
	[tilespmem:s16+$0x20] =	vst v0;
	v32 =	vand.u32 $0xF, v62;
	v8 =	vld [tilespmem:s15+$0x70]  }
0x406: {  	[tilespmem:s16+$0x30] =	vst v0;
	v34 =	vor.u32 $0x70, v61;
	v24 =	vbroadcast v28, $0x0;
	v28 =	vbroadcast v54, $0x0;
	v16 =	vld [tilespmem:s15+$0x10];
	_, v35, vm7 =	vpop (xrf1)  }
0x407: {  	v38 =	vor.u32 v36, v20;
	[tilespmem:s16+$0x40] =	vst v0;
	v62 =	vshrl.u32 v17, $0x7;
	(xrf1) =	vunique.msk.u32 $0xffff, v32;
	v3 =	vld [tilespmem:s16+$0xFFFFFFD0];
	_, v36, vm8 =	vpop (xrf1)  }
0x408: {  	v63 =	vbroadcast v57, $0x0;
	v40 =	vshll.u32 v62, v1;
	v39 =	vor.u32 v28, v37;
	[tilespmem:v26+s9+$0x0] =	vst.idx.msk vm5, v59;
	v26 =	vld [tilespmem:s15+$0x60]  }
0x409: {  	s18 =	simm.s32 $0x10280;
	v17 =	vor.u32 v25, v19;
	v19 =	vshll.u32 v56, v1;
	v20 =	vand.u32 $0xF, v51;
	_, v33, vm5 =	vpop (xrf1);
	v25 =	vld [tilespmem:s16+$0x20];
	[tilespmem:v31+s9+$0x0] =	vst.idx.msk vm6, v60  }
0x40a: {  	s19 =	simm.s32 $0x280;
	s17 =	simm.s32 $0x2F0;
	v28 =	vor.u32 $0x50, v19;
	v37 =	vbroadcast v34, $0x0;
	(xrf1) =	vunique.msk.u32 $0xffff, v20;
	s15 =	simm.s32 $0x10;
	_, v34, vm6 =	vpop (xrf1);
	v31 =	vor.u32 v63, v27;
	v19 =	vld [tilespmem:s16+$0x30]  }
.LBB2_19:
0x40b: {  	s20 =	sadd.s32 $0xFFFFFF10, s17;
	v41 =	vld [tilespmem:s19+$0xFFFFFF90];
	s22 =	sadd.s32 $0xFFFFFF50, s17;
	s21 =	sadd.s32 $0xFFFFFF80, s17;
	v27 =	vmov s17;
	[tilespmem:s16+$0x0] =	vst v0;
	v40 =	vor.u32 $0x40, v40;
	v16 =	vadd.s32 v16, v30  }
0x40c: {  	s23 =	sadd.s32 $0xFFFFFFF0, s17;
	v30 =	vmov s20;
	v42 =	vld [tilespmem:s19+$0xFFFFFFB0];
	v43 =	vmov s21;
	s20 =	sadd.s32 $0xFFFFFF90, s17;
	s21 =	sadd.s32 $0xFFFFFFB0, s17;
	[tilespmem:v38+s9+$0x0] =	vst.idx.msk vm7, v35;
	v45 =	vadd.s32 v4, v16  }
0x40d: {  	s24 =	sadd.s32 $0xFFFFFF20, s17;
	s25 =	sadd.s32 $0xFFFFFFE0, s17;
	v16 =	vshrl.u32 v30, $0x7;
	v30 =	vmov s22;
	v35 =	vld [tilespmem:s19+$0xFFFFFFD0];
	s22 =	sadd.s32 $0xFFFFFFD0, s17;
	[tilespmem:v39+s9+$0x0] =	vst.idx.msk vm8, v36;
	v39 =	vadd.s32 v5, v45  }
0x40e: {  	s26 =	sadd.s32 $0xFFFFFF30, s17;
	s15 =	sadd.s32 $0x10, s15;
	v36 =	vld [tilespmem:s19+$0xFFFFFF80];
	v38 =	vshrl.u32 v30, $0x7;
	v30 =	vshrl.u32 v43, $0x7;
	[tilespmem:s16+$0x10] =	vst v0;
	v44 =	vadd.s32 v22, v39;
	v4 =	vmovc v25  }
0x40f: {  	s28 =	sadd.s32 $0xFFFFFF60, s17;
	p0 =	slt.u32 s15, $0x7F0;
	v39 =	vmov s24;
	s24 =	sadd.s32 $0xFFFFFF40, s17;
	v22 =	vmov s25;
	v43 =	vld [tilespmem:s19+$0x10];
	[tilespmem:v31+s9+$0x0] =	vst.idx.msk vm4, v23;
	v31 =	vor.u32 v37, v32;
	_, v37, vm7 =	vpop (xrf1)  }
0x410: {  	v32 =	vmov s28;
	v5 =	vmovc v19;
	v23 =	vshrl.u32 v41, $0x10;
	[tilespmem:v18+s9+$0x0] =	vst.idx.msk vm1, v7;
	v25 =	vld [tilespmem:s16+$0xFFFFFFA0];
	v7 =	vadd.s32 v14, v44  }
0x411: {  	v14 =	vshrl.u32 v32, $0x7;
	v18 =	vand.u32 $0xF, v23;
	v23 =	vld [tilespmem:s16+$0xFFFFFFB0];
	[tilespmem:v29+s9+$0x0] =	vst.idx.msk vm6, v34;
	_, v34, vm6 =	vpop (xrf1);
	v7 =	vadd.s32 v26, v7  }
0x412: {  	v19 =	vmov s22;
	v32 =	vmov s26;
	v41 =	vmov s24;
	v44 =	vld [tilespmem:s19+$0xFFFFFFF0]  }
0x413: {  	s22 =	sadd.s32 $0xFFFFFF70, s17;
	v26 =	vshrl.u32 v39, $0x7;
	v35 =	vshrl.u32 v35, $0x10;
	v39 =	vadd.s32 v8, v7;
	(xrf1) =	vunique.msk.u32 $0xffff, v18;
	v29 =	vld [tilespmem:s16+$0xFFFFFF90]  }
0x414: {  	v35 =	vand.u32 $0xF, v35;
	v7 =	vld [tilespmem:s19+$0xFFFFFFA0];
	v8 =	vshrl.u32 v43, $0x10;
	v43 =	vmov s23;
	[tilespmem:v12+s9+$0x0] =	vst.idx.msk vm5, v33  }
0x415: {  	v2 =	vor.u32 v24, v2;
	v12 =	vshll.u32 v16, v1;
	v16 =	vmov s22;
	s22 =	sadd.s32 $0xFFFFFFA0, s17;
	[tilespmem:v21+s9+$0x0] =	vst.idx.msk vm3, v15;
	_, v15, vm1 =	vpop (xrf1)  }
0x416: {  	v33 =	vshrl.u32 v16, $0x7;
	v24 =	vand.u32 $0xF, v8;
	v8 =	vmov s22;
	(xrf1) =	vunique.msk.u32 $0xffff, v35;
	v45 =	vld [tilespmem:s16+$0xFFFFFF80]  }
0x417: {  	v46 =	vshll.u32 v14, v1;
	v16 =	vbroadcast v28, $0x0;
	v8 =	vshrl.u32 v8, $0x7;
	v14 =	vld [tilespmem:s19+$0xFFFFFFE0]  }
0x418: {  	v11 =	vor.u32 $0x60, v11;
	v47 =	vshll.u32 v26, v1;
	v8 =	vshll.u32 v8, v1;
	v48 =	vld [tilespmem:s19+$0xFFFFFFC0];
	[tilespmem:s16+$0x70] =	vst v0;
	_, v21, vm4 =	vpop (xrf1)  }
0x419: {  	v42 =	vshrl.u32 v42, $0x10;
	v49 =	vor.u32 $0x10, v8;
	v8 =	vbroadcast v11, $0x0;
	v26 =	vld [tilespmem:s16+$0x0];
	[tilespmem:s16+$0x60] =	vst v0  }
0x41a: {  	v11 =	vshrl.u32 v36, $0x10;
	v7 =	vshrl.u32 v7, $0x10;
	v36 =	vld [tilespmem:s19+$0x0];
	[tilespmem:v2+s9+$0x0] =	vst.idx.msk vm2, v10;
	v10 =	vor.u32 v16, v13  }
0x41b: {  	v2 =	vshrl.u32 v32, $0x7;
	v13 =	vshll.u32 v38, v1;
	v16 =	vshrl.u32 v44, $0x10;
	v38 =	vld [tilespmem:s19+$0x20];
	[tilespmem:v31+s9+$0x0] =	vst.idx.msk vm1, v15  }
0x41c: {  	v2 =	vshll.u32 v2, v1;
	v13 =	vor.u32 $0x40, v13;
	v28 =	vand.u32 $0xF, v16;
	v32 =	vld [tilespmem:s16+$0xFFFFFFE0];
	[tilespmem:v17+s9+$0x0] =	vst.idx.msk vm0, v6  }
0x41d: {  	v16 =	vbroadcast v40, $0x0;
	v6 =	vor.u32 $0x20, v2;
	v2 =	vshrl.u32 v48, $0x10;
	v15 =	vld [tilespmem:s19+$0x70];
	(xrf1) =	vunique.msk.u32 $0xffff, v28  }
0x41e: {  	v44 =	vbroadcast v13, $0x0;
	v40 =	vand.u32 $0xF, v2;
	v2 =	vshrl.u32 v14, $0x10;
	v13 =	vld [tilespmem:s19+$0x30];
	[tilespmem:s16+$0x50] =	vst v0  }
0x41f: {  	v17 =	vand.u32 $0xF, v7;
	v20 =	vor.u32 v16, v20;
	v2 =	vand.u32 $0xF, v2;
	(xrf1) =	vunique.msk.u32 $0xffff, v40;
	v48 =	vld [tilespmem:s16+$0xFFFFFFC0]  }
0x420: {  	v9 =	vor.u32 v8, v9;
	v14 =	vshrl.u32 v36, $0x10;
	v31 =	vshrl.u32 v38, $0x10;
	(xrf1) =	vunique.msk.u32 $0xffff, v2;
	v16 =	vld [tilespmem:s16+$0x10]  }
0x421: {  	v33 =	vshll.u32 v33, v1;
	v36 =	vor.u32 $0x10, v47;
	[tilespmem:s18+$0xFFFFFFE0] =	vst v0;
	v38 =	vand.u32 $0xF, v31;
	_, v7, vm1 =	vpop (xrf1);
	v8 =	vld [tilespmem:s16+$0x70]  }
0x422: {  	v41 =	vshrl.u32 v41, $0x7;
	v31 =	vand.u32 $0xF, v42;
	v42 =	vand.u32 $0xF, v14;
	v47 =	vld [tilespmem:s19+$0x40];
	[tilespmem:v10+s9+$0x0] =	vst.idx.msk vm7, v37  }
0x423: {  	v27 =	vshrl.u32 v27, $0x7;
	v10 =	vshrl.u32 v13, $0x10;
	(xrf1) =	vunique.msk.u32 $0xffff, v31;
	v13 =	vadd.s32 v39, v45;
	v14 =	vld [tilespmem:s16+$0x50]  }
0x424: {  	v37 =	vor.u32 $0x50, v46;
	v39 =	vbroadcast v49, $0x0;
	v45 =	vand.u32 $0xF, v10;
	_, v46, vm5 =	vpop (xrf1);
	(xrf1) =	vunique.msk.u32 $0xffff, v38  }
0x425: {  	v41 =	vshll.u32 v41, v1;
	v49 =	vshrl.u32 v15, $0x10;
	(xrf1) =	vunique.msk.u32 $0xffff, v45;
	[tilespmem:v9+s9+$0x0] =	vst.idx.msk vm6, v34  }
0x426: {  	s22 =	sadd.s32 $0xFFFFFFC0, s17;
	v10 =	vshll.u32 v30, v1;
	v9 =	vand.u32 $0xF, v11;
	v11 =	vshrl.u32 v43, $0x7;
	[tilespmem:s18+$0xFFFFFF90] =	vst v0  }
0x427: {  	v15 =	vbroadcast v37, $0x0;
	v30 =	vor.u32 $0x70, v10;
	v10 =	vmov s22;
	(xrf1) =	vunique.msk.u32 $0xffff, v17  }
0x428: {  	v37 =	vbroadcast v6, $0x0;
	v34 =	vbroadcast v36, $0x0;
	v52 =	vshrl.u32 v10, $0x7;
	v36 =	vld [tilespmem:s19+$0x60];
	(xrf1) =	vunique.msk.u32 $0xffff, v42  }
0x429: {  	v35 =	vor.u32 v15, v35;
	v10 =	vbroadcast v12, $0x0;
	v15 =	vshll.u32 v52, v1;
	[tilespmem:s18+$0xFFFFFFD0] =	vst v0;
	v43 =	vld [tilespmem:s19+$0x50]  }
0x42a: {  	v13 =	vadd.s32 v29, v13;
	v47 =	vshrl.u32 v47, $0x10;
	v50 =	vor.u32 $0x30, v15;
	(xrf1) =	vunique.msk.u32 $0xffff, v9;
	v51 =	vld [tilespmem:s16+$0xFFFFFFF0]  }
0x42b: {  	v33 =	vor.u32 $0x60, v33;
	v12 =	vor.u32 v10, v9;
	v9 =	vmov s21;
	_, v6, vm0 =	vpop (xrf1);
	(xrf1) =	vunique.msk.u32 $0xffff, v24  }
0x42c: {  	v13 =	vadd.s32 v25, v13;
	v52 =	vmov s20;
	v9 =	vshrl.u32 v9, $0x7;
	[tilespmem:s18+$0xFFFFFFF0] =	vst v0  }
0x42d: {  	v11 =	vshll.u32 v11, v1;
	v29 =	vshrl.u32 v52, $0x7;
	v9 =	vshll.u32 v9, v1;
	[tilespmem:s18+$0xFFFFFF80] =	vst v0;
	_, v15, vm3 =	vpop (xrf1)  }
0x42e: {  	v18 =	vor.u32 v34, v18;
	v25 =	vshll.u32 v29, v1;
	v9 =	vor.u32 $0x20, v9;
	[tilespmem:s18+$0xFFFFFFA0] =	vst v0;
	_, v10, vm2 =	vpop (xrf1)  }
0x42f: {  	v29 =	vshrl.u32 v43, $0x10;
	v43 =	vshrl.u32 v36, $0x10;
	v36 =	vadd.s32 v23, v13;
	[tilespmem:v20+s9+$0x0] =	vst.idx.msk vm4, v21  }
0x430: {  	v13 =	vand.u32 $0xF, v29;
	v20 =	vshrl.u32 v22, $0x7;
	v21 =	vadd.s32 v48, v36;
	[tilespmem:v35+s9+$0x0] =	vst.idx.msk vm5, v46;
	v22 =	vld [tilespmem:s16+$0x40]  }
0x431: {  	v41 =	vor.u32 $0x30, v41;
	v29 =	vbroadcast v9, $0x0;
	v21 =	vadd.s32 v3, v21;
	_, v23, vm4 =	vpop (xrf1);
	(xrf1) =	vunique.msk.u32 $0xffff, v13;
	v3 =	vld [tilespmem:s18+$0xFFFFFFD0]  }
0x432: {  	v48 =	vbroadcast v50, $0x0;
	v9 =	vand.u32 $0xF, v43;
	v32 =	vadd.s32 v32, v21;
	[tilespmem:s18+$0x20] =	vst v0;
	_, v34, vm5 =	vpop (xrf1)  }
0x433: {  	v21 =	vor.u32 v44, v40;
	v40 =	vbroadcast v30, $0x0;
	v43 =	vor.u32 v29, v38;
	_, v44, vm6 =	vpop (xrf1);
	(xrf1) =	vunique.msk.u32 $0xffff, v9  }
0x434: {  	v29 =	vor.u32 v39, v24;
	v45 =	vor.u32 v48, v45;
	v24 =	vadd.s32 v51, v32;
	[tilespmem:s18+$0xFFFFFFC0] =	vst v0  }
0x435: {  	v27 =	vshll.u32 v27, v1;
	v32 =	vand.u32 $0xF, v49;
	v30 =	vadd.s32 v26, v24;
	[tilespmem:s18+$0xFFFFFFB0] =	vst v0;
	_, v35, vm7 =	vpop (xrf1)  }
.Ltmp8:
0x436: {  	v25 =	vbroadcast v25, $0x0;
	v46 =	vshrl.u32 v19, $0x7;
	v24 =	vbroadcast v33, $0x0;
	[tilespmem:s18+$0x30] =	vst v0;
	_, v36, vm8 =	vpop (xrf1);
	(pc) =	sbr.rel @p0 .LBB2_19-.Ltmp8, $4  }
0x437: {  	v19 =	vshll.u32 v20, v1;
	v38 =	vor.u32 v37, v17;
	v17 =	vor.u32 v40, v28;
	(xrf1) =	vunique.msk.u32 $0xffff, v32  }
0x438: {  	v27 =	vor.u32 $0x70, v27;
	v39 =	vor.u32 v25, v42;
	v40 =	vbroadcast v41, $0x0;
	[tilespmem:v43+s9+$0x0] =	vst.idx.msk vm5, v34;
	_, v33, vm5 =	vpop (xrf1);
	v26 =	vld [tilespmem:s16+$0x60];
	s16 =	smov.u32 s18  }
0x439: {  	v20 =	vand.u32 $0xF, v47;
	v37 =	vbroadcast v27, $0x0;
	v28 =	vor.u32 $0x50, v19;
	v25 =	vld [tilespmem:s18+$0x20];
	[tilespmem:v45+s9+$0x0] =	vst.idx.msk vm6, v44;
	_, v34, vm6 =	vpop (xrf1)  }
0x43a: {  	s17 =	sadd.s32 $0x100, s17;
	s19 =	sadd.s32 $0x100, s19;
	v31 =	vor.u32 v40, v31;
	v40 =	vshll.u32 v46, v1;
	s18 =	sadd.s32 $0x100, s18;
	v19 =	vld [tilespmem:s16+$0x30];
	[tilespmem:s16+$0x40] =	vst v0;
	(xrf1) =	vunique.msk.u32 $0xffff, v20  }
0x43b: {  	_ =	sdelay $0x3  }
0x43c: {  	[tilespmem:s16+$0x0] =	vst v0  }
0x43d: {  	[tilespmem:v38+s9+$0x0] =	vst.idx.msk vm7, v35  }
0x43e: {  	[tilespmem:s16+$0x10] =	vst v0  }
0x43f: {  	[tilespmem:v31+s9+$0x0] =	vst.idx.msk vm4, v23  }
0x440: {  	[tilespmem:v18+s9+$0x0] =	vst.idx.msk vm1, v7  }
0x441: {  	v2 =	vor.u32 v24, v2;
	[tilespmem:v12+s9+$0x0] =	vst.idx.msk vm5, v33  }
0x442: {  	[tilespmem:v21+s9+$0x0] =	vst.idx.msk vm3, v15;
	v18 =	vld [tilespmem:s16+$0xFFFFFFA0]  }
0x443: {  	v12 =	vbroadcast v28, $0x0;
	v16 =	vadd.s32 v16, v30;
	v11 =	vor.u32 $0x60, v11;
	[tilespmem:v29+s9+$0x0] =	vst.idx.msk vm6, v34;
	v29 =	vld [tilespmem:s16+$0xFFFFFFB0]  }
0x444: {  	[tilespmem:s16+$0x70] =	vst v0;
	v30 =	vld [tilespmem:s16+$0xFFFFFF90];
	v11 =	vbroadcast v11, $0x0;
	_, v23, vm4 =	vpop (xrf1)  }
0x445: {  	v28 =	vor.u32 $0x40, v40;
	[tilespmem:v39+s9+$0x0] =	vst.idx.msk vm8, v36;
	v15 =	vld [tilespmem:s16+$0xFFFFFF80];
	v4 =	vadd.s32 v4, v16;
	v12 =	vor.u32 v12, v13;
	_, v7, vm1 =	vpop (xrf1)  }
0x446: {  	v13 =	vbroadcast v28, $0x0;
	v21 =	vld [tilespmem:s16+$0x0];
	v9 =	vor.u32 v11, v9;
	[tilespmem:v2+s9+$0x0] =	vst.idx.msk vm2, v10;
	v2 =	vadd.s32 v5, v4;
	_, v24, vm14 =	vpop (xrf1)  }
0x447: {  	v27 =	vor.u32 v37, v32;
	[tilespmem:s16+$0x60] =	vst v0;
	v11 =	vld [tilespmem:s16+$0x10];
	v2 =	vadd.s32 v22, v2;
	_, v16, vm15 =	vpop (xrf1)  }
0x448: {  	[tilespmem:s16+$0x50] =	vst v0;
	v5 =	vor.u32 v13, v20;
	v13 =	vld [tilespmem:s16+$0xFFFFFFC0];
	v2 =	vadd.s32 v14, v2  }
0x449: {  	[tilespmem:v17+s9+$0x0] =	vst.idx.msk vm0, v6;
	v4 =	vld [tilespmem:s16+$0xFFFFFFE0];
	v2 =	vadd.s32 v26, v2  }
0x44a: {  	v2 =	vadd.s32 v8, v2;
	v8 =	vld [tilespmem:s16+$0xFFFFFFF0];
	[tilespmem:v12+s9+$0x0] =	vst.idx.msk vm4, v23  }
0x44b: {  	v6 =	vld [tilespmem:s16+$0x50];
	[tilespmem:v9+s9+$0x0] =	vst.idx.msk vm1, v7  }
0x44c: {  	v2 =	vadd.s32 v2, v15;
	v9 =	vld [tilespmem:s16+$0x60];
	[tilespmem:v27+s9+$0x0] =	vst.idx.msk vm14, v24  }
0x44d: {  	v2 =	vadd.s32 v30, v2;
	v14 =	vld [tilespmem:s16+$0x70];
	[tilespmem:v5+s9+$0x0] =	vst.idx.msk vm15, v16  }
0x44e: {  	s31 =	simm.s32 $0x80;
	v2 =	vadd.s32 v18, v2;
	v7 =	vld [tilespmem:s16+$0x40]  }
0x44f: {  	s15 =	simm.s32 $0x10080;
	v2 =	vadd.s32 v29, v2;
	v10 =	vld [tilespmem:s31+$0xFFFFFFD0]  }
0x450: {  	v2 =	vadd.s32 v13, v2;
	v23 =	vld [tilespmem:s15+$0xFFFFFFC0]  }
0x451: {  	v2 =	vadd.s32 v3, v2;
	v24 =	vld [tilespmem:s15+$0xFFFFFFB0]  }
0x452: {  	v2 =	vadd.s32 v4, v2;
	v27 =	vld [tilespmem:s15+$0xFFFFFFA0]  }
0x453: {  	v2 =	vadd.s32 v8, v2;
	v26 =	vld [tilespmem:s15+$0xFFFFFF90]  }
0x454: {  	v2 =	vadd.s32 v21, v2;
	v5 =	vld [tilespmem:s31+$0xFFFFFF80]  }
0x455: {  	v2 =	vadd.s32 v11, v2;
	v3 =	vld [tilespmem:s31+$0x30]  }
0x456: {  	v2 =	vadd.s32 v25, v2;
	v8 =	vld [tilespmem:s31+$0x40]  }
0x457: {  	v15 =	vld [tilespmem:s31+$0xFFFFFFE0];
	v4 =	vadd.s32 v19, v2  }
0x458: {  	v17 =	vld [tilespmem:s31+$0x0];
	v4 =	vadd.s32 v7, v4  }
0x459: {  	v6 =	vadd.s32 v6, v4;
	v4 =	vld [tilespmem:s31+$0xFFFFFFC0]  }
0x45a: {  	v13 =	vld [tilespmem:s31+$0xFFFFFFA0];
	v7 =	vadd.s32 v9, v6  }
0x45b: {  	v12 =	vld [tilespmem:s31+$0xFFFFFFB0];
	v16 =	vadd.s32 v14, v7  }
0x45c: {  	v25 =	vld [tilespmem:s15+$0xFFFFFF80];
	(xrf0) =	vadd.scan.msk.s32 $0xffff, v16  }
0x45d: {  	v6 =	vld [tilespmem:s31+$0xFFFFFFF0];
	v9 =	vshrl.u32 v10, $0x10  }
0x45e: {  	v7 =	vld [tilespmem:s31+$0x10];
	v29 =	vand.u32 $0xF, v9;
	v11 =	vshrl.u32 v4, $0x10  }
0x45f: {  	v34 =	vld [tilespmem:s15+$0xFFFFFFE0];
	(xrf1) =	vunique.msk.u32 $0xffff, v29;
	v21 =	vand.u32 $0xF, v11  }
0x460: {  	v37 =	vld [tilespmem:s15+$0xFFFFFFF0];
	(xrf1) =	vunique.msk.u32 $0xffff, v21  }
0x461: {  	v38 =	vld [tilespmem:s15+$0x0];
	v18 =	vshrl.u32 v13, $0x10  }
0x462: {  	v2 =	vld [tilespmem:s31+$0x70];
	v48 =	vand.u32 $0xF, v18;
	v20 =	vxor.u32 $0xFFFFFFFF, v16;
	v22 =	vshrl.u32 v6, $0x10;
	v19, _, _ =	vpop (xrf0)  }
0x463: {  	v9 =	vld [tilespmem:s31+$0x20];
	v18 =	vand.u32 $0xF, v22;
	(xrf1) =	vunique.msk.u32 $0xffff, v48;
	v20 =	vadd.s32 v20, v19;
	v19 =	vshrl.u32 v7, $0x10  }
0x464: {  	v28 =	vshrl.u32 v8, $0x10;
	v14 =	vld [tilespmem:s31+$0x60];
	v22 =	vshrl.u32 v15, $0x10;
	(xrf1) =	vunique.msk.u32 $0xffff, v18;
	v19 =	vand.u32 $0xF, v19  }
0x465: {  	v30 =	vshrl.u32 v3, $0x10;
	v61 =	vshrl.u32 v17, $0x10;
	v11 =	vld [tilespmem:s31+$0x50];
	v36 =	vand.u32 $0xF, v22;
	(xrf1) =	vunique.msk.u32 $0xffff, v19  }
0x466: {  	v62 =	vshrl.u32 v5, $0x10;
	v63 =	vshrl.u32 v12, $0x10;
	v16 =	vld [tilespmem:s31+$0xFFFFFF90];
	v22 =	vand.u32 $0xF, v30;
	(xrf1) =	vunique.msk.u32 $0xffff, v36  }
0x467: {  	v39 =	vld [tilespmem:s15+$0x10];
	v31 =	vshrl.u32 v2, $0x10;
	v41 =	vand.u32 $0xF, v61;
	v25 =	vadd.s32 v20, v25;
	(xrf1) =	vunique.msk.u32 $0xffff, v22  }
0x468: {  	v51 =	vld [tilespmem:s15+$0xFFFFFFD0];
	v33 =	vand.u32 $0xF, v28;
	v30 =	vshrl.u32 v9, $0x10;
	v50 =	vadd.s32 v25, v26;
	(xrf1) =	vunique.msk.u32 $0xffff, v41  }
0x469: {  	v47 =	vld [tilespmem:s15+$0x30];
	v40 =	vand.u32 $0xF, v30;
	v26 =	vand.u32 $0xF, v31;
	v31 =	vadd.s32 v50, v27;
	(xrf1) =	vunique.msk.u32 $0xffff, v33  }
0x46a: {  	v44 =	vand.u32 $0xF, v62;
	v28 =	vld [tilespmem:s15+$0x60];
	v42 =	vshrl.u32 v11, $0x10;
	v24 =	vadd.s32 v31, v24;
	(xrf1) =	vunique.msk.u32 $0xffff, v40  }
0x46b: {  	v43 =	vshrl.u32 v14, $0x10;
	v45 =	vshrl.u32 v16, $0x10;
	v30 =	vld [tilespmem:s15+$0x70];
	v32 =	vand.u32 $0xF, v42;
	(xrf1) =	vunique.msk.u32 $0xffff, v44  }
0x46c: {  	v35 =	vand.u32 $0xF, v63;
	v43 =	vand.u32 $0xF, v43;
	v49 =	vand.u32 $0xF, v45;
	v45 =	vld [tilespmem:s15+$0x40];
	(xrf1) =	vunique.msk.u32 $0xffff, v32  }
0x46d: {  	v42 =	vld [tilespmem:s15+$0x50];
	v25 =	vperm.xlane v25, v49;
	v50 =	vperm.xlane v50, v48;
	v23 =	vadd.s32 v24, v23;
	_, v46, _ =	vpop (xrf1);
	(xrf1) =	vunique.msk.u32 $0xffff, v43  }
0x46e: {  	s17 =	simm.s32 $0x180;
	s18 =	simm.s32 $0x10080;
	s16 =	simm.s32 $0x0;
	v48 =	vld [tilespmem:s15+$0x20];
	v21 =	vperm.xlane v24, v21;
	v27 =	vperm.xlane v23, v29;
	v29 =	vadd.s32 v23, v51;
	_, v24, _ =	vpop (xrf1);
	(xrf1) =	vunique.msk.u32 $0xffff, v26  }
.LBB2_21:
0x46f: {  	v51 =	vld [tilespmem:s17+$0xFFFFFFD0];
	s16 =	sadd.s32 $0x10, s16;
	v52 =	vperm.xlane v31, v35;
	s18 =	sadd.s32 $0x100, s18;
	(xrf1) =	vunique.msk.u32 $0xffff, v35  }
0x470: {  	v23 =	vld [tilespmem:s18+$0xFFFFFFC0];
	p0 =	slt.u32 s16, $0x7F0;
	v46 =	vadd.s32 v27, v46;
	(xrf1) =	vunique.msk.u32 $0xffff, v49  }
0x471: {  	v27 =	vld [tilespmem:s18+$0xFFFFFFB0];
	_, v35, _ =	vpop (xrf1)  }
0x472: {  	v36 =	vperm.xlane v29, v36;
	v29 =	vadd.s32 v29, v34;
	v31 =	vld [tilespmem:s18+$0xFFFFFFA0];
	v49 =	vadd.s32 v50, v35;
	_, v34, _ =	vpop (xrf1)  }
0x473: {  	v20 =	vperm.xlane v20, v44;
	v44 =	vperm.xlane v29, v18;
	v56 =	vadd.s32 v29, v37;
	v35 =	vld [tilespmem:s18+$0xFFFFFF90];
	_, v37, _ =	vpop (xrf1)  }
0x474: {  	v55 =	vperm.xlane v56, v41;
	v54 =	vadd.s32 v56, v38;
	v50 =	vld [tilespmem:s17+$0xFFFFFF80];
	v29 =	vshrl.u32 v51, $0x10;
	_, v38, _ =	vpop (xrf1)  }
0x475: {  	v19 =	vperm.xlane v54, v19;
	v29 =	vand.u32 $0xF, v29;
	v53 =	vld [tilespmem:s17+$0x30];
	[tilespmem:v46+s10+$0x0] =	vst.idx.msk $0xffff, v10;
	v10 =	vadd.s32 v54, v39;
	_, v18, _ =	vpop (xrf1)  }
0x476: {  	v36 =	vadd.s32 v36, v38;
	v39 =	vld [tilespmem:s17+$0x40];
	(xrf1) =	vunique.msk.u32 $0xffff, v29;
	v38 =	vperm.xlane v10, v40;
	v54 =	vadd.s32 v10, v48;
	_, v40, _ =	vpop (xrf1)  }
0x477: {  	v48 =	vld [tilespmem:s17+$0x70];
	v40 =	vadd.s32 v55, v40;
	v22 =	vperm.xlane v54, v22;
	v47 =	vadd.s32 v54, v47;
	_, v41, _ =	vpop (xrf1)  }
0x478: {  	v46 =	vld [tilespmem:s17+$0xFFFFFFE0];
	[tilespmem:v49+s10+$0x0] =	vst.idx.msk $0xffff, v13;
	v13 =	vperm.xlane v47, v33;
	v54 =	vadd.s32 v47, v45;
	_, v45, _ =	vpop (xrf1);
	v10 =	vmov v51  }
0x479: {  	v47 =	vld [tilespmem:s17+$0xFFFFFFC0];
	v38 =	vadd.s32 v38, v45;
	v32 =	vperm.xlane v54, v32;
	v49 =	vadd.s32 v54, v42;
	_, v42, _ =	vpop (xrf1)  }
0x47a: {  	v45 =	vld [tilespmem:s17+$0xFFFFFFF0];
	v41 =	vadd.s32 v13, v41;
	v43 =	vperm.xlane v49, v43;
	v28 =	vadd.s32 v49, v28;
	_, v33, _ =	vpop (xrf1)  }
0x47b: {  	v42 =	vadd.s32 v20, v42;
	v49 =	vld [tilespmem:s17+$0x0];
	v51 =	vshrl.u32 v39, $0x10;
	[tilespmem:v36+s10+$0x0] =	vst.idx.msk $0xffff, v15;
	v36 =	vperm.xlane v28, v26;
	_, v20, _ =	vpop (xrf1)  }
0x47c: {  	v26 =	vshrl.u32 v53, $0x10;
	v13 =	vld [tilespmem:s17+$0xFFFFFFA0];
	v54 =	vshrl.u32 v48, $0x10;
	[tilespmem:v40+s10+$0x0] =	vst.idx.msk $0xffff, v17;
	v17 =	vadd.s32 v43, v20;
	_, v20, _ =	vpop (xrf1)  }
0x47d: {  	v22 =	vadd.s32 v22, v18;
	v32 =	vadd.s32 v32, v33;
	v55 =	vld [tilespmem:s17+$0x10];
	v33 =	vadd.s32 v36, v20;
	_, v15, _ =	vpop (xrf1)  }
0x47e: {  	v20 =	vadd.s32 v28, v30;
	v18 =	vshrl.u32 v47, $0x10;
	v36 =	vadd.s32 v52, v15;
	[tilespmem:v38+s10+$0x0] =	vst.idx.msk $0xffff, v9;
	v9 =	vld [tilespmem:s17+$0x20];
	_, v15, _ =	vpop (xrf1)  }
0x47f: {  	v52 =	vand.u32 $0xF, v18;
	v18 =	vshrl.u32 v45, $0x10;
	v28 =	vld [tilespmem:s17+$0x60];
	v25 =	vadd.s32 v25, v15;
	[tilespmem:v41+s10+$0x0] =	vst.idx.msk $0xffff, v8;
	v8 =	vmovc v39  }
0x480: {  	v39 =	vadd.s32 v44, v34;
	v30 =	vld [tilespmem:s17+$0xFFFFFFB0];
	v18 =	vand.u32 $0xF, v18;
	(xrf1) =	vunique.msk.u32 $0xffff, v52;
	[tilespmem:v42+s10+$0x0] =	vst.idx.msk $0xffff, v5;
	v5 =	vmovc v50  }
0x481: {  	v15 =	vmovc v46;
	v40 =	vshrl.u32 v49, $0x10;
	v50 =	vadd.s32 v19, v37;
	v34 =	vshrl.u32 v13, $0x10;
	v42 =	vld [tilespmem:s17+$0x50];
	[tilespmem:v17+s10+$0x0] =	vst.idx.msk $0xffff, v14  }
0x482: {  	v21 =	vadd.s32 v21, v24;
	v43 =	vld [tilespmem:s17+$0xFFFFFF90];
	v56 =	vand.u32 $0xF, v34;
	v14 =	vshrl.u32 v55, $0x10;
	[tilespmem:v22+s10+$0x0] =	vst.idx.msk $0xffff, v3;
	v3 =	vmovc v53  }
0x483: {  	v17 =	vmovc v49;
	v22 =	vshrl.u32 v15, $0x10;
	v24 =	vld [tilespmem:s18+$0xFFFFFF80];
	v19 =	vand.u32 $0xF, v14;
	(xrf1) =	vunique.msk.u32 $0xffff, v56;
	[tilespmem:v36+s10+$0x0] =	vst.idx.msk $0xffff, v12  }
0x484: {  	v44 =	vshrl.u32 v5, $0x10;
	v34 =	vld [tilespmem:s18+$0xFFFFFFE0];
	v53 =	vshrl.u32 v28, $0x10;
	_, v46, _ =	vpop (xrf1);
	(xrf1) =	vunique.msk.u32 $0xffff, v18;
	[tilespmem:v25+s10+$0x0] =	vst.idx.msk $0xffff, v16  }
0x485: {  	v36 =	vand.u32 $0xF, v22;
	v12 =	vshrl.u32 v9, $0x10;
	v37 =	vld [tilespmem:s18+$0xFFFFFFF0];
	(xrf1) =	vunique.msk.u32 $0xffff, v19;
	[tilespmem:v33+s10+$0x0] =	vst.idx.msk $0xffff, v2;
	v2 =	vmovc v48  }
0x486: {  	v22 =	vand.u32 $0xF, v26;
	v16 =	vshrl.u32 v30, $0x10;
	v38 =	vld [tilespmem:s18+$0x0];
	(xrf1) =	vunique.msk.u32 $0xffff, v36;
	[tilespmem:v39+s10+$0x0] =	vst.idx.msk $0xffff, v6;
	v6 =	vmovc v45  }
0x487: {  	v41 =	vand.u32 $0xF, v40;
	v14 =	vmovc v28;
	v25 =	vshrl.u32 v43, $0x10;
	v39 =	vld [tilespmem:s18+$0x10];
	(xrf1) =	vunique.msk.u32 $0xffff, v22;
	[tilespmem:v32+s10+$0x0] =	vst.idx.msk $0xffff, v11  }
0x488: {  	v40 =	vand.u32 $0xF, v12;
	v33 =	vand.u32 $0xF, v51;
	v12 =	vmovc v30;
	v24 =	vadd.s32 v20, v24;
	v48 =	vld [tilespmem:s18+$0xFFFFFFD0];
	(xrf1) =	vunique.msk.u32 $0xffff, v41  }
0x489: {  	v44 =	vand.u32 $0xF, v44;
	v32 =	vshrl.u32 v42, $0x10;
	v30 =	vld [tilespmem:s18+$0x70];
	(xrf1) =	vunique.msk.u32 $0xffff, v33;
	[tilespmem:v21+s10+$0x0] =	vst.idx.msk $0xffff, v4;
	v4 =	vmovc v47  }
.Ltmp9:
0x48a: {  	v26 =	vand.u32 $0xF, v54;
	v11 =	vmovc v42;
	v51 =	vadd.s32 v24, v35;
	v35 =	vand.u32 $0xF, v16;
	v28 =	vld [tilespmem:s18+$0x60];
	(xrf1) =	vunique.msk.u32 $0xffff, v40;
	(pc) =	sbr.rel @p0 .LBB2_21-.Ltmp9, $4  }
0x48b: {  	v49 =	vand.u32 $0xF, v25;
	v32 =	vand.u32 $0xF, v32;
	v16 =	vmovc v43;
	v31 =	vadd.s32 v51, v31;
	v42 =	vld [tilespmem:s18+$0x50];
	(xrf1) =	vunique.msk.u32 $0xffff, v44  }
0x48c: {  	v43 =	vand.u32 $0xF, v53;
	v27 =	vadd.s32 v31, v27;
	v45 =	vld [tilespmem:s18+$0x40];
	(xrf1) =	vunique.msk.u32 $0xffff, v32;
	[tilespmem:v50+s10+$0x0] =	vst.idx.msk $0xffff, v7;
	v7 =	vmovc v55  }
0x48d: {  	v25 =	vperm.xlane v24, v49;
	v21 =	vperm.xlane v27, v52;
	v23 =	vadd.s32 v27, v23;
	v47 =	vld [tilespmem:s18+$0x30];
	(xrf1) =	vunique.msk.u32 $0xffff, v43  }
0x48e: {  	s19 =	simm.s32 $0x8080;
	s17 =	sadd.s32 $0x100, s17;
	v50 =	vperm.xlane v51, v56;
	v27 =	vperm.xlane v23, v29;
	v29 =	vadd.s32 v23, v48;
	v48 =	vld [tilespmem:s18+$0x20];
	_, v24, _ =	vpop (xrf1);
	(xrf1) =	vunique.msk.u32 $0xffff, v26  }
0x48f: {  	(xrf1) =	vunique.msk.u32 $0xffff, v35  }
0x490: {  	(xrf1) =	vunique.msk.u32 $0xffff, v49  }
0x491: {  	_, v23, _ =	vpop (xrf1)  }
0x492: {  	v30 =	vadd.s32 v29, v34;
	_, v34, _ =	vpop (xrf1)  }
0x493: {  	v37 =	vadd.s32 v30, v37;
	_, v54, _ =	vpop (xrf1)  }
0x494: {  	v29 =	vperm.xlane v29, v36;
	v20 =	vperm.xlane v20, v44;
	v38 =	vadd.s32 v37, v38;
	_, v51, _ =	vpop (xrf1)  }
0x495: {  	v27 =	vadd.s32 v27, v46;
	v37 =	vperm.xlane v37, v41;
	v55 =	vadd.s32 v38, v39;
	_, v56, _ =	vpop (xrf1)  }
0x496: {  	v23 =	vadd.s32 v50, v23;
	v57 =	vadd.s32 v55, v48;
	v36 =	vperm.xlane v55, v40;
	_, v58, _ =	vpop (xrf1)  }
0x497: {  	v59 =	vadd.s32 v57, v47;
	v22 =	vperm.xlane v57, v22;
	v29 =	vadd.s32 v29, v51;
	_, v60, _ =	vpop (xrf1)  }
0x498: {  	v33 =	vperm.xlane v59, v33;
	v40 =	vadd.s32 v59, v45;
	v37 =	vadd.s32 v37, v58;
	_, v61, _ =	vpop (xrf1)  }
0x499: {  	v42 =	vadd.s32 v40, v42;
	v36 =	vadd.s32 v36, v61;
	_, v62, _ =	vpop (xrf1)  }
0x49a: {  	[tilespmem:v27+s10+$0x0] =	vst.idx.msk $0xffff, v10;
	v27 =	vperm.xlane v42, v43;
	v10 =	vadd.s32 v33, v60;
	_, v63, _ =	vpop (xrf1)  }
0x49b: {  	[tilespmem:v23+s10+$0x0] =	vst.idx.msk $0xffff, v13;
	v13 =	vadd.s32 v20, v62;
	_, v20, _ =	vpop (xrf1)  }
0x49c: {  	v23 =	vperm.xlane v31, v35;
	[tilespmem:v29+s10+$0x0] =	vst.idx.msk $0xffff, v15;
	v15 =	vadd.s32 v27, v20;
	_, v20, _ =	vpop (xrf1)  }
0x49d: {  	v27 =	vadd.s32 v42, v28;
	[tilespmem:v37+s10+$0x0] =	vst.idx.msk $0xffff, v17;
	v17 =	vadd.s32 v22, v56;
	_, v22, _ =	vpop (xrf1)  }
0x49e: {  	v26 =	vperm.xlane v27, v26;
	v22 =	vadd.s32 v23, v22;
	[tilespmem:v36+s10+$0x0] =	vst.idx.msk $0xffff, v9;
	_, v9, _ =	vpop (xrf1)  }
0x49f: {  	v18 =	vperm.xlane v30, v18;
	[tilespmem:v10+s10+$0x0] =	vst.idx.msk $0xffff, v8;
	v9 =	vadd.s32 v25, v9  }
0x4a0: {  	v8 =	vperm.xlane v40, v32;
	v10 =	vadd.s32 v26, v20;
	[tilespmem:v13+s10+$0x0] =	vst.idx.msk $0xffff, v5  }
0x4a1: {  	s25 =	simm.s32 $0x80;
	v5 =	vadd.s32 v18, v34;
	[tilespmem:v15+s10+$0x0] =	vst.idx.msk $0xffff, v14  }
0x4a2: {  	s24 =	simm.s32 $0xB0;
	v46 =	vmov s25;
	v13 =	vperm.xlane v38, v19;
	v8 =	vadd.s32 v8, v63;
	[tilespmem:v17+s10+$0x0] =	vst.idx.msk $0xffff, v3  }
0x4a3: {  	s21 =	simm.s32 $0xE0;
	v30 =	vmov s24;
	v35 =	vshrl.u32 v46, $0x7;
	v3 =	vadd.s32 v21, v24;
	[tilespmem:v22+s10+$0x0] =	vst.idx.msk $0xffff, v12  }
0x4a4: {  	s22 =	simm.s32 $0x60;
	s23 =	simm.s32 $0x90;
	v35 =	vshll.u32 v35, v1;
	v20 =	vmov s21;
	v12 =	vadd.s32 v13, v54;
	[tilespmem:v9+s10+$0x0] =	vst.idx.msk $0xffff, v16  }
0x4a5: {  	s29 =	simm.s32 $0xD0;
	v23 =	vmov s23;
	v20 =	vshrl.u32 v20, $0x7;
	v21 =	vmov s22;
	[tilespmem:v10+s10+$0x0] =	vst.idx.msk $0xffff, v2  }
0x4a6: {  	v14 =	vmov s29;
	v20 =	vshll.u32 v20, v1;
	v21 =	vshrl.u32 v21, $0x7;
	[tilespmem:v5+s10+$0x0] =	vst.idx.msk $0xffff, v6  }
0x4a7: {  	s25 =	simm.s32 $0x1E0;
	v14 =	vshrl.u32 v14, $0x7;
	v20 =	vor.u32 $0x60, v20;
	v21 =	vshll.u32 v21, v1;
	[tilespmem:v8+s10+$0x0] =	vst.idx.msk $0xffff, v11  }
0x4a8: {  	s16 =	simm.s32 $0xF0;
	s17 =	simm.s32 $0x0;
	s18 =	simm.s32 $0x40;
	v14 =	vshll.u32 v14, v1;
	v54 =	vmov s25;
	v58 =	vbroadcast v20, $0x0;
	[tilespmem:v3+s10+$0x0] =	vst.idx.msk $0xffff, v4  }
0x4a9: {  	s26 =	simm.s32 $0x10;
	s31 =	simm.s32 $0x30;
	v5 =	vmov s16;
	v6 =	vmov s17;
	v8 =	vmov s18;
	[tilespmem:v12+s10+$0x0] =	vst.idx.msk $0xffff, v7  }
0x4aa: {  	v11 =	vmov s26;
	v16 =	vmov s31;
	v21 =	vor.u32 $0x60, v21;
	v2 =	vld [tilespmem:s19+$0xFFFFFF90]  }
0x4ab: {  	v6 =	vshrl.u32 v6, $0x7;
	v8 =	vshrl.u32 v8, $0x7;
	v11 =	vshrl.u32 v11, $0x7;
	v4 =	vld [tilespmem:s19+$0xFFFFFFD0]  }
0x4ac: {  	v16 =	vshrl.u32 v16, $0x7;
	v29 =	vshrl.u32 v5, $0x7;
	v21 =	vbroadcast v21, $0x0;
	v9 =	vld [tilespmem:s19+$0x10]  }
0x4ad: {  	v3 =	vimm.s32 $0x0;
	v6 =	vshll.u32 v6, v1;
	v8 =	vshll.u32 v8, v1;
	v10 =	vld [tilespmem:s19+$0xFFFFFFB0]  }
0x4ae: {  	v11 =	vshll.u32 v11, v1;
	v16 =	vshll.u32 v16, v1;
	v8 =	vor.u32 $0x40, v8;
	v13 =	vld [tilespmem:s19+$0xFFFFFF80]  }
0x4af: {  	s20 =	simm.s32 $0x70;
	s28 =	simm.s32 $0x50;
	v11 =	vor.u32 $0x10, v11;
	v6 =	vbroadcast v6, $0x0;
	v16 =	vor.u32 $0x30, v16;
	v17 =	vld [tilespmem:s19+$0xFFFFFFF0]  }
0x4b0: {  	v7 =	vmov s20;
	v12 =	vmov s28;
	v8 =	vbroadcast v8, $0x0;
	v24 =	vld [tilespmem:s19+$0xFFFFFFE0];
	[tilespmem:s15+$0xFFFFFFE0] =	vst v0  }
0x4b1: {  	v16 =	vbroadcast v16, $0x0;
	v7 =	vshrl.u32 v7, $0x7;
	v22 =	vld [tilespmem:s19+$0xFFFFFFC0];
	[tilespmem:s15+$0xFFFFFF90] =	vst v0;
	v2 =	vshrl.u32 v2, $0x14  }
0x4b2: {  	v19 =	vld [tilespmem:s19+$0xFFFFFFA0];
	[tilespmem:s15+$0xFFFFFFD0] =	vst v0;
	v7 =	vshll.u32 v7, v1;
	v15 =	vand.u32 $0xF, v2;
	v2 =	vshrl.u32 v12, $0x7  }
0x4b3: {  	v43 =	vld [tilespmem:s19+$0x50];
	[tilespmem:s15+$0xFFFFFFF0] =	vst v0;
	v18 =	vshrl.u32 v4, $0x14;
	v25 =	vshll.u32 v2, v1;
	v2 =	vshrl.u32 v23, $0x7  }
0x4b4: {  	v31 =	vor.u32 $0x70, v7;
	v18 =	vand.u32 $0xF, v18;
	(xrf1) =	vunique.msk.u32 $0xffff, v15;
	v23 =	vld [tilespmem:s19+$0x20];
	v2 =	vshll.u32 v2, v1  }
0x4b5: {  	v45 =	vld [tilespmem:s19+$0x60];
	v7 =	vbroadcast v11, $0x0;
	(xrf1) =	vunique.msk.u32 $0xffff, v18;
	v26 =	vor.u32 $0x10, v2;
	v2 =	vshrl.u32 v17, $0x14  }
0x4b6: {  	s17 =	simm.s32 $0x8180;
	[tilespmem:s15+$0xFFFFFF80] =	vst v0;
	v11 =	vshrl.u32 v30, $0x7;
	v17 =	vld [tilespmem:s19+$0x30];
	v27 =	vand.u32 $0xF, v2;
	v2 =	vshrl.u32 v22, $0x14  }
0x4b7: {  	v55 =	vld [tilespmem:s17+$0xFFFFFFA0];
	v11 =	vshll.u32 v11, v1;
	(xrf1) =	vunique.msk.u32 $0xffff, v27;
	v28 =	vand.u32 $0xF, v2;
	v2 =	vshrl.u32 v24, $0x14  }
0x4b8: {  	s20 =	simm.s32 $0xC0;
	v59 =	vld [tilespmem:s17+$0x0];
	v11 =	vor.u32 $0x30, v11;
	v10 =	vshrl.u32 v10, $0x14;
	v2 =	vand.u32 $0xF, v2;
	(xrf1) =	vunique.msk.u32 $0xffff, v28  }
0x4b9: {  	v4 =	vmov s20;
	v10 =	vand.u32 $0xF, v10;
	v22 =	vld [tilespmem:s19+$0x0];
	v23 =	vshrl.u32 v23, $0x14;
	(xrf1) =	vunique.msk.u32 $0xffff, v2  }
0x4ba: {  	v9 =	vshrl.u32 v9, $0x14;
	v13 =	vshrl.u32 v13, $0x14;
	v23 =	vand.u32 $0xF, v23;
	(xrf1) =	vunique.msk.u32 $0xffff, v10  }
0x4bb: {  	v19 =	vshrl.u32 v19, $0x14;
	v32 =	vshrl.u32 v43, $0x14;
	v17 =	vshrl.u32 v17, $0x14;
	(xrf1) =	vunique.msk.u32 $0xffff, v23  }
0x4bc: {  	s30 =	simm.s32 $0x20;
	[tilespmem:s15+$0xFFFFFFA0] =	vst v0;
	v34 =	vshrl.u32 v45, $0x14;
	v11 =	vbroadcast v11, $0x0;
	v17 =	vand.u32 $0xF, v17  }
0x4bd: {  	v20 =	vshrl.u32 v55, $0x14;
	v60 =	vshrl.u32 v59, $0x14;
	v12 =	vmov s30;
	(xrf1) =	vunique.msk.u32 $0xffff, v17  }
0x4be: {  	[tilespmem:s15+$0xFFFFFFC0] =	vst v0;
	v9 =	vand.u32 $0xF, v9;
	v19 =	vand.u32 $0xF, v19;
	v22 =	vshrl.u32 v22, $0x14  }
0x4bf: {  	v5 =	vld [tilespmem:s19+$0x40];
	v13 =	vand.u32 $0xF, v13;
	v12 =	vshrl.u32 v12, $0x7;
	v22 =	vand.u32 $0xF, v22;
	(xrf1) =	vunique.msk.u32 $0xffff, v19  }
0x4c0: {  	s26 =	simm.s32 $0xA0;
	v32 =	vand.u32 $0xF, v32;
	v4 =	vshrl.u32 v4, $0x7;
	v12 =	vshll.u32 v12, v1;
	v24 =	vld [tilespmem:s19+$0x70];
	(xrf1) =	vunique.msk.u32 $0xffff, v22  }
0x4c1: {  	v25 =	vor.u32 $0x50, v25;
	(xrf1) =	vunique.msk.u32 $0xffff, v13;
	v13 =	vor.u32 v6, v13;
	v6 =	vmov s26  }
0x4c2: {  	[tilespmem:s15+$0xFFFFFFB0] =	vst v0;
	v12 =	vor.u32 $0x20, v12;
	v25 =	vbroadcast v25, $0x0;
	v6 =	vshrl.u32 v6, $0x7;
	_, v30, vm2 =	vpop (xrf1)  }
0x4c3: {  	v15 =	vor.u32 v7, v15;
	v12 =	vbroadcast v12, $0x0;
	(xrf1) =	vunique.msk.u32 $0xffff, v9;
	v6 =	vshll.u32 v6, v1;
	_, v44, vm5 =	vpop (xrf1)  }
0x4c4: {  	[tilespmem:s15+$0x40] =	vst v0;
	v18 =	vor.u32 v25, v18;
	v25 =	vshrl.u32 v5, $0x14;
	v6 =	vor.u32 $0x20, v6  }
0x4c5: {  	v24 =	vshrl.u32 v24, $0x14;
	v48 =	vbroadcast v6, $0x0;
	v6 =	vand.u32 $0xF, v34;
	_, v5, vm0 =	vpop (xrf1);
	(xrf1) =	vunique.msk.u32 $0xffff, v32  }
0x4c6: {  	v63 =	vld [tilespmem:s17+$0x60];
	v28 =	vor.u32 v8, v28;
	v8 =	vor.u32 v11, v17;
	v11 =	vand.u32 $0xF, v24;
	_, v47, vm3 =	vpop (xrf1);
	(xrf1) =	vunique.msk.u32 $0xffff, v6  }
0x4c7: {  	v20 =	vand.u32 $0xF, v20;
	v37 =	vand.u32 $0xF, v60;
	v4 =	vshll.u32 v4, v1;
	s19 =	simm.s32 $0x110;
	_, v7, vm1 =	vpop (xrf1);
	(xrf1) =	vunique.msk.u32 $0xffff, v11  }
0x4c8: {  	[tilespmem:s15+$0x10] =	vst v0;
	v26 =	vbroadcast v26, $0x0;
	v12 =	vor.u32 v12, v19;
	v51 =	vmov s19;
	_, v49, vm4 =	vpop (xrf1)  }
0x4c9: {  	v2 =	vor.u32 v21, v2;
	v10 =	vor.u32 v16, v10;
	v17 =	vbroadcast v31, $0x0;
	[tilespmem:v18+s9+$0x0] =	vst.idx.msk vm5, v44;
	_, v18, vm5 =	vpop (xrf1)  }
0x4ca: {  	v24 =	vshll.u32 v29, v1;
	v29 =	vbroadcast v35, $0x0;
	v23 =	vor.u32 v48, v23;
	[tilespmem:v15+s9+$0x0] =	vst.idx.msk vm2, v30;
	v30 =	vld [tilespmem:s17+$0xFFFFFFB0]  }
0x4cb: {  	[tilespmem:s15+$0x20] =	vst v0;
	v19 =	vor.u32 $0x50, v14;
	v35 =	vshrl.u32 v63, $0x14;
	v27 =	vor.u32 v17, v27;
	_, v50, vm6 =	vpop (xrf1)  }
0x4cc: {  	s31 =	simm.s32 $0x170;
	[tilespmem:s15+$0x30] =	vst v0;
	v19 =	vbroadcast v19, $0x0;
	v17 =	vor.u32 v29, v22;
	v22 =	vand.u32 $0xF, v25  }
0x4cd: {  	s20 =	simm.s32 $0x1D0;
	[tilespmem:s15+$0x0] =	vst v0;
	v25 =	vor.u32 $0x40, v4;
	v4 =	vmov s31;
	v9 =	vor.u32 v26, v9;
	_, v26, vm8 =	vpop (xrf1)  }
0x4ce: {  	s22 =	simm.s32 $0x120;
	v29 =	vshrl.u32 v4, $0x7;
	v4 =	vmov s20;
	v6 =	vor.u32 v58, v6;
	_, v31, vm7 =	vpop (xrf1);
	[tilespmem:v2+s9+$0x0] =	vst.idx.msk vm1, v7  }
0x4cf: {  	v15 =	vmov s22;
	v30 =	vshrl.u32 v30, $0x14;
	v7 =	vor.u32 v19, v32;
	[tilespmem:v23+s9+$0x0] =	vst.idx.msk vm5, v18;
	_, v14, vm5 =	vpop (xrf1)  }
0x4d0: {  	s29 =	simm.s32 $0x100;
	s28 =	simm.s32 $0x1F0;
	[tilespmem:v27+s9+$0x0] =	vst.idx.msk vm0, v5;
	v2 =	vshrl.u32 v15, $0x7;
	v27 =	vand.u32 $0xF, v30;
	v18 =	vor.u32 $0x70, v24  }
0x4d1: {  	v23 =	vmov s28;
	v24 =	vmov s29;
	[tilespmem:v8+s9+$0x0] =	vst.idx.msk vm6, v50;
	v8 =	vld [tilespmem:s17+$0xFFFFFF90];
	v18 =	vbroadcast v18, $0x0;
	_, v16, vm6 =	vpop (xrf1)  }
0x4d2: {  	s21 =	simm.s32 $0x150;
	s30 =	simm.s32 $0x140;
	[tilespmem:v10+s9+$0x0] =	vst.idx.msk vm4, v49;
	v2 =	vshll.u32 v2, v1;
	v24 =	vshrl.u32 v24, $0x7;
	v30 =	vshrl.u32 v23, $0x7  }
0x4d3: {  	s23 =	simm.s32 $0x130;
	[tilespmem:v12+s9+$0x0] =	vst.idx.msk vm8, v26;
	v12 =	vmov s30;
	v26 =	vld [tilespmem:s17+$0xFFFFFFD0];
	v10 =	vor.u32 v18, v11;
	v11 =	vmov s21;
	_, v52, vm4 =	vpop (xrf1)  }
0x4d4: {  	[tilespmem:v17+s9+$0x0] =	vst.idx.msk vm7, v31;
	v12 =	vshrl.u32 v12, $0x7;
	v31 =	vld [tilespmem:s17+$0x10];
	v18 =	vmov s23;
	v11 =	vshrl.u32 v11, $0x7;
	_, v53, vm2 =	vpop (xrf1)  }
0x4d5: {  	v12 =	vshll.u32 v12, v1;
	v18 =	vshrl.u32 v18, $0x7;
	v11 =	vshll.u32 v11, v1;
	[tilespmem:v13+s9+$0x0] =	vst.idx.msk vm5, v14;
	_, v21, vm5 =	vpop (xrf1)  }
0x4d6: {  	s26 =	simm.s32 $0x160;
	(xrf1) =	vunique.msk.u32 $0xffff, v22;
	v23 =	vshll.u32 v18, v1;
	v8 =	vshrl.u32 v8, $0x14;
	v13 =	vshll.u32 v24, v1;
	v24 =	vld [tilespmem:s17+$0xFFFFFFF0]  }
0x4d7: {  	v56 =	vld [tilespmem:s17+$0xFFFFFFC0];
	v14 =	vmov s26;
	v8 =	vand.u32 $0xF, v8;
	[tilespmem:v9+s9+$0x0] =	vst.idx.msk vm6, v16;
	v9 =	vshrl.u32 v51, $0x7  }
0x4d8: {  	v57 =	vld [tilespmem:s17+$0xFFFFFFE0];
	[tilespmem:v28+s9+$0x0] =	vst.idx.msk vm3, v47;
	v16 =	vshrl.u32 v26, $0x14;
	v28 =	vshrl.u32 v14, $0x7;
	v13 =	vbroadcast v13, $0x0  }
0x4d9: {  	s28 =	simm.s32 $0x190;
	v26 =	vld [tilespmem:s17+$0xFFFFFF80];
	(xrf1) =	vunique.msk.u32 $0xffff, v8;
	v16 =	vand.u32 $0xF, v16;
	v31 =	vshrl.u32 v31, $0x14;
	v9 =	vshll.u32 v9, v1  }
0x4da: {  	[tilespmem:s15+$0x70] =	vst v0;
	v5 =	vld [tilespmem:s15+$0xFFFFFF80];
	v28 =	vshll.u32 v28, v1;
	v14 =	vand.u32 $0xF, v31;
	v31 =	vmov s28  }
0x4db: {  	(xrf1) =	vunique.msk.u32 $0xffff, v16;
	v15 =	vshrl.u32 v24, $0x14;
	v24 =	vld [tilespmem:s17+$0x20];
	[tilespmem:v10+s9+$0x0] =	vst.idx.msk vm5, v21;
	v10 =	vor.u32 $0x40, v12  }
0x4dc: {  	[tilespmem:s15+$0x60] =	vst v0;
	v19 =	vand.u32 $0xF, v15;
	v15 =	vbroadcast v25, $0x0;
	v25 =	vbroadcast v10, $0x0;
	v10 =	vld [tilespmem:s17+$0x30]  }
0x4dd: {  	[tilespmem:s15+$0x50] =	vst v0;
	v31 =	vshrl.u32 v31, $0x7;
	v12 =	vor.u32 $0x20, v2;
	v2 =	vshrl.u32 v56, $0x14  }
0x4de: {  	[tilespmem:v7+s9+$0x0] =	vst.idx.msk vm4, v52;
	(xrf1) =	vunique.msk.u32 $0xffff, v19;
	v21 =	vand.u32 $0xF, v2;
	v2 =	vshrl.u32 v57, $0x14  }
0x4df: {  	v31 =	vshll.u32 v31, v1;
	[tilespmem:v6+s9+$0x0] =	vst.idx.msk vm2, v53;
	v2 =	vand.u32 $0xF, v2;
	(xrf1) =	vunique.msk.u32 $0xffff, v21  }
0x4e0: {  	v26 =	vshrl.u32 v26, $0x14;
	v3 =	vadd.s32 v3, v5;
	(xrf1) =	vunique.msk.u32 $0xffff, v2;
	v24 =	vshrl.u32 v24, $0x14  }
0x4e1: {  	v6 =	vand.u32 $0xF, v26;
	(xrf1) =	vunique.msk.u32 $0xffff, v27;
	v24 =	vand.u32 $0xF, v24;
	v7 =	vshrl.u32 v10, $0x14  }
0x4e2: {  	s29 =	simm.s32 $0x1B0;
	v5 =	vld [tilespmem:s15+$0xFFFFFF90];
	v22 =	vor.u32 v15, v22;
	(xrf1) =	vunique.msk.u32 $0xffff, v24;
	v61 =	vand.u32 $0xF, v7;
	v7 =	vshll.u32 v29, v1  }
0x4e3: {  	s16 =	simm.s32 $0x10180;
	v15 =	vld [tilespmem:s17+$0x70];
	v10 =	vor.u32 $0x50, v11;
	(xrf1) =	vunique.msk.u32 $0xffff, v61;
	v26 =	vor.u32 $0x70, v7;
	v7 =	vmov s29  }
0x4e4: {  	[tilespmem:s16+$0xFFFFFFE0] =	vst v0;
	v9 =	vor.u32 $0x10, v9;
	v31 =	vor.u32 $0x10, v31;
	v10 =	vbroadcast v10, $0x0  }
0x4e5: {  	v49 =	vld [tilespmem:s17+$0x50];
	v9 =	vbroadcast v9, $0x0;
	v56 =	vshrl.u32 v4, $0x7;
	v31 =	vbroadcast v31, $0x0;
	(xrf1) =	vunique.msk.u32 $0xffff, v20  }
0x4e6: {  	s30 =	simm.s32 $0x1A0;
	v18 =	vld [tilespmem:s15+$0xFFFFFFA0];
	_, v33, vm2 =	vpop (xrf1);
	v36 =	vbroadcast v12, $0x0;
	v12 =	vshrl.u32 v7, $0x7;
	v16 =	vor.u32 v10, v16;
	(xrf1) =	vunique.msk.u32 $0xffff, v37  }
0x4e7: {  	v11 =	vld [tilespmem:s17+$0x40];
	v10 =	vshll.u32 v12, v1;
	v12 =	vor.u32 v13, v6;
	_, v7, vm1 =	vpop (xrf1);
	(xrf1) =	vunique.msk.u32 $0xffff, v6;
	v6 =	vmov s30  }
0x4e8: {  	[tilespmem:s16+$0xFFFFFFA0] =	vst v0;
	s31 =	simm.s32 $0x180;
	v3 =	vadd.s32 v5, v3;
	v62 =	vshrl.u32 v15, $0x14;
	v29 =	vld [tilespmem:s15+$0xFFFFFFB0];
	v6 =	vshrl.u32 v6, $0x7  }
0x4e9: {  	[tilespmem:s16+$0xFFFFFFC0] =	vst v0;
	v5 =	vld [tilespmem:s15+$0xFFFFFFC0];
	v15 =	vshrl.u32 v54, $0x7;
	v50 =	vor.u32 $0x30, v10;
	v10 =	vmov s31;
	_, v48, vm4 =	vpop (xrf1)  }
0x4ea: {  	v52 =	vld [tilespmem:s15+$0xFFFFFFD0];
	v57 =	vor.u32 $0x30, v23;
	v21 =	vor.u32 v25, v21;
	v10 =	vshrl.u32 v10, $0x7;
	(xrf1) =	vunique.msk.u32 $0xffff, v14  }
0x4eb: {  	[tilespmem:s16+$0xFFFFFFB0] =	vst v0;
	v53 =	vld [tilespmem:s15+$0xFFFFFFE0];
	v3 =	vadd.s32 v18, v3;
	v18 =	vor.u32 v9, v8;
	v9 =	vshrl.u32 v49, $0x14  }
0x4ec: {  	v55 =	vld [tilespmem:s15+$0xFFFFFFF0];
	[tilespmem:v22+s9+$0x0] =	vst.idx.msk vm2, v33;
	v25 =	vbroadcast v26, $0x0;
	v51 =	vshrl.u32 v11, $0x14;
	v13 =	vshll.u32 v6, v1;
	_, v6, vm0 =	vpop (xrf1)  }
0x4ed: {  	[tilespmem:s16+$0xFFFFFF90] =	vst v0;
	v22 =	vld [tilespmem:s15+$0x0];
	v11 =	vshll.u32 v15, v1;
	v3 =	vadd.s32 v29, v3;
	v54 =	vshll.u32 v10, v1;
	_, v15, vm3 =	vpop (xrf1)  }
0x4ee: {  	[tilespmem:s16+$0xFFFFFFD0] =	vst v0;
	v3 =	vadd.s32 v5, v3;
	v8 =	vor.u32 $0x20, v13;
	v13 =	vand.u32 $0xF, v9;
	_, v10, vm2 =	vpop (xrf1)  }
0x4ef: {  	v4 =	vld [tilespmem:s15+$0x20];
	v3 =	vadd.s32 v52, v3;
	v8 =	vbroadcast v8, $0x0;
	(xrf1) =	vunique.msk.u32 $0xffff, v13;
	[tilespmem:v16+s9+$0x0] =	vst.idx.msk vm4, v48;
	_, v23, vm4 =	vpop (xrf1)  }
0x4f0: {  	[tilespmem:s16+$0xFFFFFFF0] =	vst v0;
	v58 =	vbroadcast v50, $0x0;
	v5 =	vld [tilespmem:s15+$0x30];
	v9 =	vand.u32 $0xF, v35;
	v3 =	vadd.s32 v53, v3;
	_, v59, vm5 =	vpop (xrf1)  }
0x4f1: {  	v29 =	vor.u32 v31, v14;
	v14 =	vld [tilespmem:s15+$0x50];
	v3 =	vadd.s32 v55, v3;
	(xrf1) =	vunique.msk.u32 $0xffff, v9;
	v26 =	vor.u32 v8, v24;
	_, v60, vm6 =	vpop (xrf1)  }
0x4f2: {  	s24 =	simm.s32 $0x1C0;
	[tilespmem:s16+$0xFFFFFF80] =	vst v0;
	v31 =	vor.u32 v58, v61;
	v61 =	vshll.u32 v30, v1;
	v30 =	vadd.s32 v22, v3;
	v22 =	vld [tilespmem:s15+$0x40]  }
0x4f3: {  	v17 =	vmov s24;
	v28 =	vor.u32 $0x60, v28;
	[tilespmem:s16+$0x20] =	vst v0;
	v32 =	vand.u32 $0xF, v62;
	v8 =	vld [tilespmem:s15+$0x70]  }
0x4f4: {  	[tilespmem:s16+$0x30] =	vst v0;
	v34 =	vor.u32 $0x70, v61;
	v24 =	vbroadcast v28, $0x0;
	v28 =	vbroadcast v54, $0x0;
	v16 =	vld [tilespmem:s15+$0x10];
	_, v35, vm7 =	vpop (xrf1)  }
0x4f5: {  	v38 =	vor.u32 v36, v20;
	[tilespmem:s16+$0x40] =	vst v0;
	v62 =	vshrl.u32 v17, $0x7;
	(xrf1) =	vunique.msk.u32 $0xffff, v32;
	v3 =	vld [tilespmem:s16+$0xFFFFFFD0];
	_, v36, vm8 =	vpop (xrf1)  }
0x4f6: {  	v63 =	vbroadcast v57, $0x0;
	v40 =	vshll.u32 v62, v1;
	v39 =	vor.u32 v28, v37;
	[tilespmem:v26+s9+$0x0] =	vst.idx.msk vm5, v59;
	v26 =	vld [tilespmem:s15+$0x60]  }
0x4f7: {  	s18 =	simm.s32 $0x10280;
	v17 =	vor.u32 v25, v19;
	v19 =	vshll.u32 v56, v1;
	v20 =	vand.u32 $0xF, v51;
	_, v33, vm5 =	vpop (xrf1);
	v25 =	vld [tilespmem:s16+$0x20];
	[tilespmem:v31+s9+$0x0] =	vst.idx.msk vm6, v60  }
0x4f8: {  	s19 =	simm.s32 $0x8280;
	s17 =	simm.s32 $0x2F0;
	v28 =	vor.u32 $0x50, v19;
	v37 =	vbroadcast v34, $0x0;
	(xrf1) =	vunique.msk.u32 $0xffff, v20;
	s15 =	simm.s32 $0x10;
	_, v34, vm6 =	vpop (xrf1);
	v31 =	vor.u32 v63, v27;
	v19 =	vld [tilespmem:s16+$0x30]  }
.LBB2_23:
0x4f9: {  	s20 =	sadd.s32 $0xFFFFFF10, s17;
	v41 =	vld [tilespmem:s19+$0xFFFFFF90];
	s22 =	sadd.s32 $0xFFFFFF50, s17;
	s21 =	sadd.s32 $0xFFFFFF80, s17;
	v27 =	vmov s17;
	[tilespmem:s16+$0x0] =	vst v0;
	v40 =	vor.u32 $0x40, v40;
	v16 =	vadd.s32 v16, v30  }
0x4fa: {  	s23 =	sadd.s32 $0xFFFFFFF0, s17;
	v30 =	vmov s20;
	v42 =	vld [tilespmem:s19+$0xFFFFFFB0];
	v43 =	vmov s21;
	s20 =	sadd.s32 $0xFFFFFF90, s17;
	s21 =	sadd.s32 $0xFFFFFFB0, s17;
	[tilespmem:v38+s9+$0x0] =	vst.idx.msk vm7, v35;
	v45 =	vadd.s32 v4, v16  }
0x4fb: {  	s24 =	sadd.s32 $0xFFFFFF20, s17;
	s25 =	sadd.s32 $0xFFFFFFE0, s17;
	v16 =	vshrl.u32 v30, $0x7;
	v30 =	vmov s22;
	v35 =	vld [tilespmem:s19+$0xFFFFFFD0];
	s22 =	sadd.s32 $0xFFFFFFD0, s17;
	[tilespmem:v39+s9+$0x0] =	vst.idx.msk vm8, v36;
	v39 =	vadd.s32 v5, v45  }
0x4fc: {  	s26 =	sadd.s32 $0xFFFFFF30, s17;
	s15 =	sadd.s32 $0x10, s15;
	v36 =	vld [tilespmem:s19+$0xFFFFFF80];
	v38 =	vshrl.u32 v30, $0x7;
	v30 =	vshrl.u32 v43, $0x7;
	[tilespmem:s16+$0x10] =	vst v0;
	v44 =	vadd.s32 v22, v39;
	v4 =	vmovc v25  }
0x4fd: {  	s28 =	sadd.s32 $0xFFFFFF60, s17;
	p0 =	slt.u32 s15, $0x7F0;
	v39 =	vmov s24;
	s24 =	sadd.s32 $0xFFFFFF40, s17;
	v22 =	vmov s25;
	v43 =	vld [tilespmem:s19+$0x10];
	[tilespmem:v31+s9+$0x0] =	vst.idx.msk vm4, v23;
	v31 =	vor.u32 v37, v32;
	_, v37, vm7 =	vpop (xrf1)  }
0x4fe: {  	v32 =	vmov s28;
	v5 =	vmovc v19;
	v23 =	vshrl.u32 v41, $0x14;
	[tilespmem:v18+s9+$0x0] =	vst.idx.msk vm1, v7;
	v25 =	vld [tilespmem:s16+$0xFFFFFFA0];
	v7 =	vadd.s32 v14, v44  }
0x4ff: {  	v14 =	vshrl.u32 v32, $0x7;
	v18 =	vand.u32 $0xF, v23;
	v23 =	vld [tilespmem:s16+$0xFFFFFFB0];
	[tilespmem:v29+s9+$0x0] =	vst.idx.msk vm6, v34;
	_, v34, vm6 =	vpop (xrf1);
	v7 =	vadd.s32 v26, v7  }
0x500: {  	v19 =	vmov s22;
	v32 =	vmov s26;
	v41 =	vmov s24;
	v44 =	vld [tilespmem:s19+$0xFFFFFFF0]  }
0x501: {  	s22 =	sadd.s32 $0xFFFFFF70, s17;
	v26 =	vshrl.u32 v39, $0x7;
	v35 =	vshrl.u32 v35, $0x14;
	v39 =	vadd.s32 v8, v7;
	(xrf1) =	vunique.msk.u32 $0xffff, v18;
	v29 =	vld [tilespmem:s16+$0xFFFFFF90]  }
0x502: {  	v35 =	vand.u32 $0xF, v35;
	v7 =	vld [tilespmem:s19+$0xFFFFFFA0];
	v8 =	vshrl.u32 v43, $0x14;
	v43 =	vmov s23;
	[tilespmem:v12+s9+$0x0] =	vst.idx.msk vm5, v33  }
0x503: {  	v2 =	vor.u32 v24, v2;
	v12 =	vshll.u32 v16, v1;
	v16 =	vmov s22;
	s22 =	sadd.s32 $0xFFFFFFA0, s17;
	[tilespmem:v21+s9+$0x0] =	vst.idx.msk vm3, v15;
	_, v15, vm1 =	vpop (xrf1)  }
0x504: {  	v33 =	vshrl.u32 v16, $0x7;
	v24 =	vand.u32 $0xF, v8;
	v8 =	vmov s22;
	(xrf1) =	vunique.msk.u32 $0xffff, v35;
	v45 =	vld [tilespmem:s16+$0xFFFFFF80]  }
0x505: {  	v46 =	vshll.u32 v14, v1;
	v16 =	vbroadcast v28, $0x0;
	v8 =	vshrl.u32 v8, $0x7;
	v14 =	vld [tilespmem:s19+$0xFFFFFFE0]  }
0x506: {  	v11 =	vor.u32 $0x60, v11;
	v47 =	vshll.u32 v26, v1;
	v8 =	vshll.u32 v8, v1;
	v48 =	vld [tilespmem:s19+$0xFFFFFFC0];
	[tilespmem:s16+$0x70] =	vst v0;
	_, v21, vm4 =	vpop (xrf1)  }
0x507: {  	v42 =	vshrl.u32 v42, $0x14;
	v49 =	vor.u32 $0x10, v8;
	v8 =	vbroadcast v11, $0x0;
	v26 =	vld [tilespmem:s16+$0x0];
	[tilespmem:s16+$0x60] =	vst v0  }
0x508: {  	v11 =	vshrl.u32 v36, $0x14;
	v7 =	vshrl.u32 v7, $0x14;
	v36 =	vld [tilespmem:s19+$0x0];
	[tilespmem:v2+s9+$0x0] =	vst.idx.msk vm2, v10;
	v10 =	vor.u32 v16, v13  }
0x509: {  	v2 =	vshrl.u32 v32, $0x7;
	v13 =	vshll.u32 v38, v1;
	v16 =	vshrl.u32 v44, $0x14;
	v38 =	vld [tilespmem:s19+$0x20];
	[tilespmem:v31+s9+$0x0] =	vst.idx.msk vm1, v15  }
0x50a: {  	v2 =	vshll.u32 v2, v1;
	v13 =	vor.u32 $0x40, v13;
	v28 =	vand.u32 $0xF, v16;
	v32 =	vld [tilespmem:s16+$0xFFFFFFE0];
	[tilespmem:v17+s9+$0x0] =	vst.idx.msk vm0, v6  }
0x50b: {  	v16 =	vbroadcast v40, $0x0;
	v6 =	vor.u32 $0x20, v2;
	v2 =	vshrl.u32 v48, $0x14;
	v15 =	vld [tilespmem:s19+$0x70];
	(xrf1) =	vunique.msk.u32 $0xffff, v28  }
0x50c: {  	v44 =	vbroadcast v13, $0x0;
	v40 =	vand.u32 $0xF, v2;
	v2 =	vshrl.u32 v14, $0x14;
	v13 =	vld [tilespmem:s19+$0x30];
	[tilespmem:s16+$0x50] =	vst v0  }
0x50d: {  	v17 =	vand.u32 $0xF, v7;
	v20 =	vor.u32 v16, v20;
	v2 =	vand.u32 $0xF, v2;
	(xrf1) =	vunique.msk.u32 $0xffff, v40;
	v48 =	vld [tilespmem:s16+$0xFFFFFFC0]  }
0x50e: {  	v9 =	vor.u32 v8, v9;
	v14 =	vshrl.u32 v36, $0x14;
	v31 =	vshrl.u32 v38, $0x14;
	(xrf1) =	vunique.msk.u32 $0xffff, v2;
	v16 =	vld [tilespmem:s16+$0x10]  }
0x50f: {  	v33 =	vshll.u32 v33, v1;
	v36 =	vor.u32 $0x10, v47;
	[tilespmem:s18+$0xFFFFFFE0] =	vst v0;
	v38 =	vand.u32 $0xF, v31;
	_, v7, vm1 =	vpop (xrf1);
	v8 =	vld [tilespmem:s16+$0x70]  }
0x510: {  	v41 =	vshrl.u32 v41, $0x7;
	v31 =	vand.u32 $0xF, v42;
	v42 =	vand.u32 $0xF, v14;
	v47 =	vld [tilespmem:s19+$0x40];
	[tilespmem:v10+s9+$0x0] =	vst.idx.msk vm7, v37  }
0x511: {  	v27 =	vshrl.u32 v27, $0x7;
	v10 =	vshrl.u32 v13, $0x14;
	(xrf1) =	vunique.msk.u32 $0xffff, v31;
	v13 =	vadd.s32 v39, v45;
	v14 =	vld [tilespmem:s16+$0x50]  }
0x512: {  	v37 =	vor.u32 $0x50, v46;
	v39 =	vbroadcast v49, $0x0;
	v45 =	vand.u32 $0xF, v10;
	_, v46, vm5 =	vpop (xrf1);
	(xrf1) =	vunique.msk.u32 $0xffff, v38  }
0x513: {  	v41 =	vshll.u32 v41, v1;
	v49 =	vshrl.u32 v15, $0x14;
	(xrf1) =	vunique.msk.u32 $0xffff, v45;
	[tilespmem:v9+s9+$0x0] =	vst.idx.msk vm6, v34  }
0x514: {  	s22 =	sadd.s32 $0xFFFFFFC0, s17;
	v10 =	vshll.u32 v30, v1;
	v9 =	vand.u32 $0xF, v11;
	v11 =	vshrl.u32 v43, $0x7;
	[tilespmem:s18+$0xFFFFFF90] =	vst v0  }
0x515: {  	v15 =	vbroadcast v37, $0x0;
	v30 =	vor.u32 $0x70, v10;
	v10 =	vmov s22;
	(xrf1) =	vunique.msk.u32 $0xffff, v17  }
0x516: {  	v37 =	vbroadcast v6, $0x0;
	v34 =	vbroadcast v36, $0x0;
	v52 =	vshrl.u32 v10, $0x7;
	v36 =	vld [tilespmem:s19+$0x60];
	(xrf1) =	vunique.msk.u32 $0xffff, v42  }
0x517: {  	v35 =	vor.u32 v15, v35;
	v10 =	vbroadcast v12, $0x0;
	v15 =	vshll.u32 v52, v1;
	[tilespmem:s18+$0xFFFFFFD0] =	vst v0;
	v43 =	vld [tilespmem:s19+$0x50]  }
0x518: {  	v13 =	vadd.s32 v29, v13;
	v47 =	vshrl.u32 v47, $0x14;
	v50 =	vor.u32 $0x30, v15;
	(xrf1) =	vunique.msk.u32 $0xffff, v9;
	v51 =	vld [tilespmem:s16+$0xFFFFFFF0]  }
0x519: {  	v33 =	vor.u32 $0x60, v33;
	v12 =	vor.u32 v10, v9;
	v9 =	vmov s21;
	_, v6, vm0 =	vpop (xrf1);
	(xrf1) =	vunique.msk.u32 $0xffff, v24  }
0x51a: {  	v13 =	vadd.s32 v25, v13;
	v52 =	vmov s20;
	v9 =	vshrl.u32 v9, $0x7;
	[tilespmem:s18+$0xFFFFFFF0] =	vst v0  }
0x51b: {  	v11 =	vshll.u32 v11, v1;
	v29 =	vshrl.u32 v52, $0x7;
	v9 =	vshll.u32 v9, v1;
	[tilespmem:s18+$0xFFFFFF80] =	vst v0;
	_, v15, vm3 =	vpop (xrf1)  }
0x51c: {  	v18 =	vor.u32 v34, v18;
	v25 =	vshll.u32 v29, v1;
	v9 =	vor.u32 $0x20, v9;
	[tilespmem:s18+$0xFFFFFFA0] =	vst v0;
	_, v10, vm2 =	vpop (xrf1)  }
0x51d: {  	v29 =	vshrl.u32 v43, $0x14;
	v43 =	vshrl.u32 v36, $0x14;
	v36 =	vadd.s32 v23, v13;
	[tilespmem:v20+s9+$0x0] =	vst.idx.msk vm4, v21  }
0x51e: {  	v13 =	vand.u32 $0xF, v29;
	v20 =	vshrl.u32 v22, $0x7;
	v21 =	vadd.s32 v48, v36;
	[tilespmem:v35+s9+$0x0] =	vst.idx.msk vm5, v46;
	v22 =	vld [tilespmem:s16+$0x40]  }
0x51f: {  	v41 =	vor.u32 $0x30, v41;
	v29 =	vbroadcast v9, $0x0;
	v21 =	vadd.s32 v3, v21;
	_, v23, vm4 =	vpop (xrf1);
	(xrf1) =	vunique.msk.u32 $0xffff, v13;
	v3 =	vld [tilespmem:s18+$0xFFFFFFD0]  }
0x520: {  	v48 =	vbroadcast v50, $0x0;
	v9 =	vand.u32 $0xF, v43;
	v32 =	vadd.s32 v32, v21;
	[tilespmem:s18+$0x20] =	vst v0;
	_, v34, vm5 =	vpop (xrf1)  }
0x521: {  	v21 =	vor.u32 v44, v40;
	v40 =	vbroadcast v30, $0x0;
	v43 =	vor.u32 v29, v38;
	_, v44, vm6 =	vpop (xrf1);
	(xrf1) =	vunique.msk.u32 $0xffff, v9  }
0x522: {  	v29 =	vor.u32 v39, v24;
	v45 =	vor.u32 v48, v45;
	v24 =	vadd.s32 v51, v32;
	[tilespmem:s18+$0xFFFFFFC0] =	vst v0  }
0x523: {  	v27 =	vshll.u32 v27, v1;
	v32 =	vand.u32 $0xF, v49;
	v30 =	vadd.s32 v26, v24;
	[tilespmem:s18+$0xFFFFFFB0] =	vst v0;
	_, v35, vm7 =	vpop (xrf1)  }
.Ltmp10:
0x524: {  	v25 =	vbroadcast v25, $0x0;
	v46 =	vshrl.u32 v19, $0x7;
	v24 =	vbroadcast v33, $0x0;
	[tilespmem:s18+$0x30] =	vst v0;
	_, v36, vm8 =	vpop (xrf1);
	(pc) =	sbr.rel @p0 .LBB2_23-.Ltmp10, $4  }
0x525: {  	v19 =	vshll.u32 v20, v1;
	v38 =	vor.u32 v37, v17;
	v17 =	vor.u32 v40, v28;
	(xrf1) =	vunique.msk.u32 $0xffff, v32  }
0x526: {  	v27 =	vor.u32 $0x70, v27;
	v39 =	vor.u32 v25, v42;
	v40 =	vbroadcast v41, $0x0;
	[tilespmem:v43+s9+$0x0] =	vst.idx.msk vm5, v34;
	_, v33, vm5 =	vpop (xrf1);
	v26 =	vld [tilespmem:s16+$0x60];
	s16 =	smov.u32 s18  }
0x527: {  	v20 =	vand.u32 $0xF, v47;
	v37 =	vbroadcast v27, $0x0;
	v28 =	vor.u32 $0x50, v19;
	v25 =	vld [tilespmem:s18+$0x20];
	[tilespmem:v45+s9+$0x0] =	vst.idx.msk vm6, v44;
	_, v34, vm6 =	vpop (xrf1)  }
0x528: {  	s17 =	sadd.s32 $0x100, s17;
	s19 =	sadd.s32 $0x100, s19;
	v31 =	vor.u32 v40, v31;
	v40 =	vshll.u32 v46, v1;
	s18 =	sadd.s32 $0x100, s18;
	v19 =	vld [tilespmem:s16+$0x30];
	[tilespmem:s16+$0x40] =	vst v0;
	(xrf1) =	vunique.msk.u32 $0xffff, v20  }
0x529: {  	_ =	sdelay $0x3  }
0x52a: {  	[tilespmem:s16+$0x0] =	vst v0  }
0x52b: {  	[tilespmem:v38+s9+$0x0] =	vst.idx.msk vm7, v35  }
0x52c: {  	[tilespmem:s16+$0x10] =	vst v0  }
0x52d: {  	[tilespmem:v31+s9+$0x0] =	vst.idx.msk vm4, v23  }
0x52e: {  	[tilespmem:v18+s9+$0x0] =	vst.idx.msk vm1, v7  }
0x52f: {  	v2 =	vor.u32 v24, v2;
	[tilespmem:v12+s9+$0x0] =	vst.idx.msk vm5, v33  }
0x530: {  	[tilespmem:v21+s9+$0x0] =	vst.idx.msk vm3, v15;
	v18 =	vld [tilespmem:s16+$0xFFFFFFA0]  }
0x531: {  	v12 =	vbroadcast v28, $0x0;
	v16 =	vadd.s32 v16, v30;
	v11 =	vor.u32 $0x60, v11;
	[tilespmem:v29+s9+$0x0] =	vst.idx.msk vm6, v34;
	v29 =	vld [tilespmem:s16+$0xFFFFFFB0]  }
0x532: {  	[tilespmem:s16+$0x70] =	vst v0;
	v30 =	vld [tilespmem:s16+$0xFFFFFF90];
	v11 =	vbroadcast v11, $0x0;
	_, v23, vm4 =	vpop (xrf1)  }
0x533: {  	v28 =	vor.u32 $0x40, v40;
	[tilespmem:v39+s9+$0x0] =	vst.idx.msk vm8, v36;
	v15 =	vld [tilespmem:s16+$0xFFFFFF80];
	v4 =	vadd.s32 v4, v16;
	v12 =	vor.u32 v12, v13;
	_, v7, vm1 =	vpop (xrf1)  }
0x534: {  	v13 =	vbroadcast v28, $0x0;
	v21 =	vld [tilespmem:s16+$0x0];
	v9 =	vor.u32 v11, v9;
	[tilespmem:v2+s9+$0x0] =	vst.idx.msk vm2, v10;
	v2 =	vadd.s32 v5, v4;
	_, v24, vm14 =	vpop (xrf1)  }
0x535: {  	v27 =	vor.u32 v37, v32;
	[tilespmem:s16+$0x60] =	vst v0;
	v11 =	vld [tilespmem:s16+$0x10];
	v2 =	vadd.s32 v22, v2;
	_, v16, vm15 =	vpop (xrf1)  }
0x536: {  	[tilespmem:s16+$0x50] =	vst v0;
	v5 =	vor.u32 v13, v20;
	v13 =	vld [tilespmem:s16+$0xFFFFFFC0];
	v2 =	vadd.s32 v14, v2  }
0x537: {  	[tilespmem:v17+s9+$0x0] =	vst.idx.msk vm0, v6;
	v4 =	vld [tilespmem:s16+$0xFFFFFFE0];
	v2 =	vadd.s32 v26, v2  }
0x538: {  	v2 =	vadd.s32 v8, v2;
	v8 =	vld [tilespmem:s16+$0xFFFFFFF0];
	[tilespmem:v12+s9+$0x0] =	vst.idx.msk vm4, v23  }
0x539: {  	v6 =	vld [tilespmem:s16+$0x50];
	[tilespmem:v9+s9+$0x0] =	vst.idx.msk vm1, v7  }
0x53a: {  	v2 =	vadd.s32 v2, v15;
	v9 =	vld [tilespmem:s16+$0x60];
	[tilespmem:v27+s9+$0x0] =	vst.idx.msk vm14, v24  }
0x53b: {  	v2 =	vadd.s32 v30, v2;
	v14 =	vld [tilespmem:s16+$0x70];
	[tilespmem:v5+s9+$0x0] =	vst.idx.msk vm15, v16  }
0x53c: {  	s31 =	simm.s32 $0x8080;
	v2 =	vadd.s32 v18, v2;
	v7 =	vld [tilespmem:s16+$0x40]  }
0x53d: {  	s15 =	simm.s32 $0x10080;
	v2 =	vadd.s32 v29, v2;
	v10 =	vld [tilespmem:s31+$0xFFFFFFD0]  }
0x53e: {  	v2 =	vadd.s32 v13, v2;
	v23 =	vld [tilespmem:s15+$0xFFFFFFC0]  }
0x53f: {  	v2 =	vadd.s32 v3, v2;
	v24 =	vld [tilespmem:s15+$0xFFFFFFB0]  }
0x540: {  	v2 =	vadd.s32 v4, v2;
	v27 =	vld [tilespmem:s15+$0xFFFFFFA0]  }
0x541: {  	v2 =	vadd.s32 v8, v2;
	v26 =	vld [tilespmem:s15+$0xFFFFFF90]  }
0x542: {  	v2 =	vadd.s32 v21, v2;
	v5 =	vld [tilespmem:s31+$0xFFFFFF80]  }
0x543: {  	v2 =	vadd.s32 v11, v2;
	v3 =	vld [tilespmem:s31+$0x30]  }
0x544: {  	v2 =	vadd.s32 v25, v2;
	v8 =	vld [tilespmem:s31+$0x40]  }
0x545: {  	v15 =	vld [tilespmem:s31+$0xFFFFFFE0];
	v4 =	vadd.s32 v19, v2  }
0x546: {  	v17 =	vld [tilespmem:s31+$0x0];
	v4 =	vadd.s32 v7, v4  }
0x547: {  	v6 =	vadd.s32 v6, v4;
	v4 =	vld [tilespmem:s31+$0xFFFFFFC0]  }
0x548: {  	v13 =	vld [tilespmem:s31+$0xFFFFFFA0];
	v7 =	vadd.s32 v9, v6  }
0x549: {  	v12 =	vld [tilespmem:s31+$0xFFFFFFB0];
	v16 =	vadd.s32 v14, v7  }
0x54a: {  	v25 =	vld [tilespmem:s15+$0xFFFFFF80];
	(xrf0) =	vadd.scan.msk.s32 $0xffff, v16  }
0x54b: {  	v6 =	vld [tilespmem:s31+$0xFFFFFFF0];
	v9 =	vshrl.u32 v10, $0x14  }
0x54c: {  	v7 =	vld [tilespmem:s31+$0x10];
	v29 =	vand.u32 $0xF, v9;
	v11 =	vshrl.u32 v4, $0x14  }
0x54d: {  	v34 =	vld [tilespmem:s15+$0xFFFFFFE0];
	(xrf1) =	vunique.msk.u32 $0xffff, v29;
	v21 =	vand.u32 $0xF, v11  }
0x54e: {  	v37 =	vld [tilespmem:s15+$0xFFFFFFF0];
	(xrf1) =	vunique.msk.u32 $0xffff, v21  }
0x54f: {  	v38 =	vld [tilespmem:s15+$0x0];
	v18 =	vshrl.u32 v13, $0x14  }
0x550: {  	v2 =	vld [tilespmem:s31+$0x70];
	v48 =	vand.u32 $0xF, v18;
	v20 =	vxor.u32 $0xFFFFFFFF, v16;
	v22 =	vshrl.u32 v6, $0x14;
	v19, _, _ =	vpop (xrf0)  }
0x551: {  	v9 =	vld [tilespmem:s31+$0x20];
	v18 =	vand.u32 $0xF, v22;
	(xrf1) =	vunique.msk.u32 $0xffff, v48;
	v20 =	vadd.s32 v20, v19;
	v19 =	vshrl.u32 v7, $0x14  }
0x552: {  	v28 =	vshrl.u32 v8, $0x14;
	v14 =	vld [tilespmem:s31+$0x60];
	v22 =	vshrl.u32 v15, $0x14;
	(xrf1) =	vunique.msk.u32 $0xffff, v18;
	v19 =	vand.u32 $0xF, v19  }
0x553: {  	v30 =	vshrl.u32 v3, $0x14;
	v61 =	vshrl.u32 v17, $0x14;
	v11 =	vld [tilespmem:s31+$0x50];
	v36 =	vand.u32 $0xF, v22;
	(xrf1) =	vunique.msk.u32 $0xffff, v19  }
0x554: {  	v62 =	vshrl.u32 v5, $0x14;
	v63 =	vshrl.u32 v12, $0x14;
	v16 =	vld [tilespmem:s31+$0xFFFFFF90];
	v22 =	vand.u32 $0xF, v30;
	(xrf1) =	vunique.msk.u32 $0xffff, v36  }
0x555: {  	v39 =	vld [tilespmem:s15+$0x10];
	v31 =	vshrl.u32 v2, $0x14;
	v41 =	vand.u32 $0xF, v61;
	v25 =	vadd.s32 v20, v25;
	(xrf1) =	vunique.msk.u32 $0xffff, v22  }
0x556: {  	v51 =	vld [tilespmem:s15+$0xFFFFFFD0];
	v33 =	vand.u32 $0xF, v28;
	v30 =	vshrl.u32 v9, $0x14;
	v50 =	vadd.s32 v25, v26;
	(xrf1) =	vunique.msk.u32 $0xffff, v41  }
0x557: {  	v47 =	vld [tilespmem:s15+$0x30];
	v40 =	vand.u32 $0xF, v30;
	v26 =	vand.u32 $0xF, v31;
	v31 =	vadd.s32 v50, v27;
	(xrf1) =	vunique.msk.u32 $0xffff, v33  }
0x558: {  	v44 =	vand.u32 $0xF, v62;
	v28 =	vld [tilespmem:s15+$0x60];
	v42 =	vshrl.u32 v11, $0x14;
	v24 =	vadd.s32 v31, v24;
	(xrf1) =	vunique.msk.u32 $0xffff, v40  }
0x559: {  	v43 =	vshrl.u32 v14, $0x14;
	v45 =	vshrl.u32 v16, $0x14;
	v30 =	vld [tilespmem:s15+$0x70];
	v32 =	vand.u32 $0xF, v42;
	(xrf1) =	vunique.msk.u32 $0xffff, v44  }
0x55a: {  	v35 =	vand.u32 $0xF, v63;
	v43 =	vand.u32 $0xF, v43;
	v49 =	vand.u32 $0xF, v45;
	v45 =	vld [tilespmem:s15+$0x40];
	(xrf1) =	vunique.msk.u32 $0xffff, v32  }
0x55b: {  	v42 =	vld [tilespmem:s15+$0x50];
	v25 =	vperm.xlane v25, v49;
	v50 =	vperm.xlane v50, v48;
	v23 =	vadd.s32 v24, v23;
	_, v46, _ =	vpop (xrf1);
	(xrf1) =	vunique.msk.u32 $0xffff, v43  }
0x55c: {  	s17 =	simm.s32 $0x8180;
	s18 =	simm.s32 $0x10080;
	s16 =	simm.s32 $0x0;
	v48 =	vld [tilespmem:s15+$0x20];
	v21 =	vperm.xlane v24, v21;
	v27 =	vperm.xlane v23, v29;
	v29 =	vadd.s32 v23, v51;
	_, v24, _ =	vpop (xrf1);
	(xrf1) =	vunique.msk.u32 $0xffff, v26  }
.LBB2_25:
0x55d: {  	v51 =	vld [tilespmem:s17+$0xFFFFFFD0];
	s16 =	sadd.s32 $0x10, s16;
	v52 =	vperm.xlane v31, v35;
	s18 =	sadd.s32 $0x100, s18;
	(xrf1) =	vunique.msk.u32 $0xffff, v35  }
0x55e: {  	v23 =	vld [tilespmem:s18+$0xFFFFFFC0];
	p0 =	slt.u32 s16, $0x7F0;
	v46 =	vadd.s32 v27, v46;
	(xrf1) =	vunique.msk.u32 $0xffff, v49  }
0x55f: {  	v27 =	vld [tilespmem:s18+$0xFFFFFFB0];
	_, v35, _ =	vpop (xrf1)  }
0x560: {  	v36 =	vperm.xlane v29, v36;
	v29 =	vadd.s32 v29, v34;
	v31 =	vld [tilespmem:s18+$0xFFFFFFA0];
	v49 =	vadd.s32 v50, v35;
	_, v34, _ =	vpop (xrf1)  }
0x561: {  	v20 =	vperm.xlane v20, v44;
	v44 =	vperm.xlane v29, v18;
	v56 =	vadd.s32 v29, v37;
	v35 =	vld [tilespmem:s18+$0xFFFFFF90];
	_, v37, _ =	vpop (xrf1)  }
0x562: {  	v55 =	vperm.xlane v56, v41;
	v54 =	vadd.s32 v56, v38;
	v50 =	vld [tilespmem:s17+$0xFFFFFF80];
	v29 =	vshrl.u32 v51, $0x14;
	_, v38, _ =	vpop (xrf1)  }
0x563: {  	v19 =	vperm.xlane v54, v19;
	v29 =	vand.u32 $0xF, v29;
	v53 =	vld [tilespmem:s17+$0x30];
	[tilespmem:v46+s2+$0x0] =	vst.idx.msk $0xffff, v10;
	v10 =	vadd.s32 v54, v39;
	_, v18, _ =	vpop (xrf1)  }
0x564: {  	v36 =	vadd.s32 v36, v38;
	v39 =	vld [tilespmem:s17+$0x40];
	(xrf1) =	vunique.msk.u32 $0xffff, v29;
	v38 =	vperm.xlane v10, v40;
	v54 =	vadd.s32 v10, v48;
	_, v40, _ =	vpop (xrf1)  }
0x565: {  	v48 =	vld [tilespmem:s17+$0x70];
	v40 =	vadd.s32 v55, v40;
	v22 =	vperm.xlane v54, v22;
	v47 =	vadd.s32 v54, v47;
	_, v41, _ =	vpop (xrf1)  }
0x566: {  	v46 =	vld [tilespmem:s17+$0xFFFFFFE0];
	[tilespmem:v49+s2+$0x0] =	vst.idx.msk $0xffff, v13;
	v13 =	vperm.xlane v47, v33;
	v54 =	vadd.s32 v47, v45;
	_, v45, _ =	vpop (xrf1);
	v10 =	vmov v51  }
0x567: {  	v47 =	vld [tilespmem:s17+$0xFFFFFFC0];
	v38 =	vadd.s32 v38, v45;
	v32 =	vperm.xlane v54, v32;
	v49 =	vadd.s32 v54, v42;
	_, v42, _ =	vpop (xrf1)  }
0x568: {  	v45 =	vld [tilespmem:s17+$0xFFFFFFF0];
	v41 =	vadd.s32 v13, v41;
	v43 =	vperm.xlane v49, v43;
	v28 =	vadd.s32 v49, v28;
	_, v33, _ =	vpop (xrf1)  }
0x569: {  	v42 =	vadd.s32 v20, v42;
	v49 =	vld [tilespmem:s17+$0x0];
	v51 =	vshrl.u32 v39, $0x14;
	[tilespmem:v36+s2+$0x0] =	vst.idx.msk $0xffff, v15;
	v36 =	vperm.xlane v28, v26;
	_, v20, _ =	vpop (xrf1)  }
0x56a: {  	v26 =	vshrl.u32 v53, $0x14;
	v13 =	vld [tilespmem:s17+$0xFFFFFFA0];
	v54 =	vshrl.u32 v48, $0x14;
	[tilespmem:v40+s2+$0x0] =	vst.idx.msk $0xffff, v17;
	v17 =	vadd.s32 v43, v20;
	_, v20, _ =	vpop (xrf1)  }
0x56b: {  	v22 =	vadd.s32 v22, v18;
	v32 =	vadd.s32 v32, v33;
	v55 =	vld [tilespmem:s17+$0x10];
	v33 =	vadd.s32 v36, v20;
	_, v15, _ =	vpop (xrf1)  }
0x56c: {  	v20 =	vadd.s32 v28, v30;
	v18 =	vshrl.u32 v47, $0x14;
	v36 =	vadd.s32 v52, v15;
	[tilespmem:v38+s2+$0x0] =	vst.idx.msk $0xffff, v9;
	v9 =	vld [tilespmem:s17+$0x20];
	_, v15, _ =	vpop (xrf1)  }
0x56d: {  	v52 =	vand.u32 $0xF, v18;
	v18 =	vshrl.u32 v45, $0x14;
	v28 =	vld [tilespmem:s17+$0x60];
	v25 =	vadd.s32 v25, v15;
	[tilespmem:v41+s2+$0x0] =	vst.idx.msk $0xffff, v8;
	v8 =	vmovc v39  }
0x56e: {  	v39 =	vadd.s32 v44, v34;
	v30 =	vld [tilespmem:s17+$0xFFFFFFB0];
	v18 =	vand.u32 $0xF, v18;
	(xrf1) =	vunique.msk.u32 $0xffff, v52;
	[tilespmem:v42+s2+$0x0] =	vst.idx.msk $0xffff, v5;
	v5 =	vmovc v50  }
0x56f: {  	v15 =	vmovc v46;
	v40 =	vshrl.u32 v49, $0x14;
	v50 =	vadd.s32 v19, v37;
	v34 =	vshrl.u32 v13, $0x14;
	v42 =	vld [tilespmem:s17+$0x50];
	[tilespmem:v17+s2+$0x0] =	vst.idx.msk $0xffff, v14  }
0x570: {  	v21 =	vadd.s32 v21, v24;
	v43 =	vld [tilespmem:s17+$0xFFFFFF90];
	v56 =	vand.u32 $0xF, v34;
	v14 =	vshrl.u32 v55, $0x14;
	[tilespmem:v22+s2+$0x0] =	vst.idx.msk $0xffff, v3;
	v3 =	vmovc v53  }
0x571: {  	v17 =	vmovc v49;
	v22 =	vshrl.u32 v15, $0x14;
	v24 =	vld [tilespmem:s18+$0xFFFFFF80];
	v19 =	vand.u32 $0xF, v14;
	(xrf1) =	vunique.msk.u32 $0xffff, v56;
	[tilespmem:v36+s2+$0x0] =	vst.idx.msk $0xffff, v12  }
0x572: {  	v44 =	vshrl.u32 v5, $0x14;
	v34 =	vld [tilespmem:s18+$0xFFFFFFE0];
	v53 =	vshrl.u32 v28, $0x14;
	_, v46, _ =	vpop (xrf1);
	(xrf1) =	vunique.msk.u32 $0xffff, v18;
	[tilespmem:v25+s2+$0x0] =	vst.idx.msk $0xffff, v16  }
0x573: {  	v36 =	vand.u32 $0xF, v22;
	v12 =	vshrl.u32 v9, $0x14;
	v37 =	vld [tilespmem:s18+$0xFFFFFFF0];
	(xrf1) =	vunique.msk.u32 $0xffff, v19;
	[tilespmem:v33+s2+$0x0] =	vst.idx.msk $0xffff, v2;
	v2 =	vmovc v48  }
0x574: {  	v22 =	vand.u32 $0xF, v26;
	v16 =	vshrl.u32 v30, $0x14;
	v38 =	vld [tilespmem:s18+$0x0];
	(xrf1) =	vunique.msk.u32 $0xffff, v36;
	[tilespmem:v39+s2+$0x0] =	vst.idx.msk $0xffff, v6;
	v6 =	vmovc v45  }
0x575: {  	v41 =	vand.u32 $0xF, v40;
	v14 =	vmovc v28;
	v25 =	vshrl.u32 v43, $0x14;
	v39 =	vld [tilespmem:s18+$0x10];
	(xrf1) =	vunique.msk.u32 $0xffff, v22;
	[tilespmem:v32+s2+$0x0] =	vst.idx.msk $0xffff, v11  }
0x576: {  	v40 =	vand.u32 $0xF, v12;
	v33 =	vand.u32 $0xF, v51;
	v12 =	vmovc v30;
	v24 =	vadd.s32 v20, v24;
	v48 =	vld [tilespmem:s18+$0xFFFFFFD0];
	(xrf1) =	vunique.msk.u32 $0xffff, v41  }
0x577: {  	v44 =	vand.u32 $0xF, v44;
	v32 =	vshrl.u32 v42, $0x14;
	v30 =	vld [tilespmem:s18+$0x70];
	(xrf1) =	vunique.msk.u32 $0xffff, v33;
	[tilespmem:v21+s2+$0x0] =	vst.idx.msk $0xffff, v4;
	v4 =	vmovc v47  }
.Ltmp11:
0x578: {  	v26 =	vand.u32 $0xF, v54;
	v11 =	vmovc v42;
	v51 =	vadd.s32 v24, v35;
	v35 =	vand.u32 $0xF, v16;
	v28 =	vld [tilespmem:s18+$0x60];
	(xrf1) =	vunique.msk.u32 $0xffff, v40;
	(pc) =	sbr.rel @p0 .LBB2_25-.Ltmp11, $4  }
0x579: {  	v49 =	vand.u32 $0xF, v25;
	v32 =	vand.u32 $0xF, v32;
	v16 =	vmovc v43;
	v31 =	vadd.s32 v51, v31;
	v42 =	vld [tilespmem:s18+$0x50];
	(xrf1) =	vunique.msk.u32 $0xffff, v44  }
0x57a: {  	v43 =	vand.u32 $0xF, v53;
	v27 =	vadd.s32 v31, v27;
	v45 =	vld [tilespmem:s18+$0x40];
	(xrf1) =	vunique.msk.u32 $0xffff, v32;
	[tilespmem:v50+s2+$0x0] =	vst.idx.msk $0xffff, v7;
	v7 =	vmovc v55  }
0x57b: {  	v25 =	vperm.xlane v24, v49;
	v21 =	vperm.xlane v27, v52;
	v23 =	vadd.s32 v27, v23;
	v47 =	vld [tilespmem:s18+$0x30];
	(xrf1) =	vunique.msk.u32 $0xffff, v43  }
0x57c: {  	s19 =	simm.s32 $0x80;
	s17 =	sadd.s32 $0x100, s17;
	v50 =	vperm.xlane v51, v56;
	v27 =	vperm.xlane v23, v29;
	v29 =	vadd.s32 v23, v48;
	v48 =	vld [tilespmem:s18+$0x20];
	_, v24, _ =	vpop (xrf1);
	(xrf1) =	vunique.msk.u32 $0xffff, v26  }
0x57d: {  	(xrf1) =	vunique.msk.u32 $0xffff, v35  }
0x57e: {  	(xrf1) =	vunique.msk.u32 $0xffff, v49  }
0x57f: {  	_, v23, _ =	vpop (xrf1)  }
0x580: {  	v30 =	vadd.s32 v29, v34;
	_, v34, _ =	vpop (xrf1)  }
0x581: {  	v37 =	vadd.s32 v30, v37;
	_, v54, _ =	vpop (xrf1)  }
0x582: {  	v29 =	vperm.xlane v29, v36;
	v20 =	vperm.xlane v20, v44;
	v38 =	vadd.s32 v37, v38;
	_, v51, _ =	vpop (xrf1)  }
0x583: {  	v27 =	vadd.s32 v27, v46;
	v37 =	vperm.xlane v37, v41;
	v55 =	vadd.s32 v38, v39;
	_, v56, _ =	vpop (xrf1)  }
0x584: {  	v23 =	vadd.s32 v50, v23;
	v57 =	vadd.s32 v55, v48;
	v36 =	vperm.xlane v55, v40;
	_, v58, _ =	vpop (xrf1)  }
0x585: {  	v59 =	vadd.s32 v57, v47;
	v22 =	vperm.xlane v57, v22;
	v29 =	vadd.s32 v29, v51;
	_, v60, _ =	vpop (xrf1)  }
0x586: {  	v33 =	vperm.xlane v59, v33;
	v40 =	vadd.s32 v59, v45;
	v37 =	vadd.s32 v37, v58;
	_, v61, _ =	vpop (xrf1)  }
0x587: {  	v42 =	vadd.s32 v40, v42;
	v36 =	vadd.s32 v36, v61;
	_, v62, _ =	vpop (xrf1)  }
0x588: {  	[tilespmem:v27+s2+$0x0] =	vst.idx.msk $0xffff, v10;
	v27 =	vperm.xlane v42, v43;
	v10 =	vadd.s32 v33, v60;
	_, v63, _ =	vpop (xrf1)  }
0x589: {  	[tilespmem:v23+s2+$0x0] =	vst.idx.msk $0xffff, v13;
	v13 =	vadd.s32 v20, v62;
	_, v20, _ =	vpop (xrf1)  }
0x58a: {  	v23 =	vperm.xlane v31, v35;
	[tilespmem:v29+s2+$0x0] =	vst.idx.msk $0xffff, v15;
	v15 =	vadd.s32 v27, v20;
	_, v20, _ =	vpop (xrf1)  }
0x58b: {  	v27 =	vadd.s32 v42, v28;
	[tilespmem:v37+s2+$0x0] =	vst.idx.msk $0xffff, v17;
	v17 =	vadd.s32 v22, v56;
	_, v22, _ =	vpop (xrf1)  }
0x58c: {  	v26 =	vperm.xlane v27, v26;
	v22 =	vadd.s32 v23, v22;
	[tilespmem:v36+s2+$0x0] =	vst.idx.msk $0xffff, v9;
	_, v9, _ =	vpop (xrf1)  }
0x58d: {  	v18 =	vperm.xlane v30, v18;
	[tilespmem:v10+s2+$0x0] =	vst.idx.msk $0xffff, v8;
	v9 =	vadd.s32 v25, v9  }
0x58e: {  	v8 =	vperm.xlane v40, v32;
	v10 =	vadd.s32 v26, v20;
	[tilespmem:v13+s2+$0x0] =	vst.idx.msk $0xffff, v5  }
0x58f: {  	s25 =	simm.s32 $0x80;
	v5 =	vadd.s32 v18, v34;
	[tilespmem:v15+s2+$0x0] =	vst.idx.msk $0xffff, v14  }
0x590: {  	s24 =	simm.s32 $0xB0;
	v46 =	vmov s25;
	v13 =	vperm.xlane v38, v19;
	v8 =	vadd.s32 v8, v63;
	[tilespmem:v17+s2+$0x0] =	vst.idx.msk $0xffff, v3  }
0x591: {  	s21 =	simm.s32 $0xE0;
	v30 =	vmov s24;
	v35 =	vshrl.u32 v46, $0x7;
	v3 =	vadd.s32 v21, v24;
	[tilespmem:v22+s2+$0x0] =	vst.idx.msk $0xffff, v12  }
0x592: {  	s22 =	simm.s32 $0x60;
	s23 =	simm.s32 $0x90;
	v35 =	vshll.u32 v35, v1;
	v20 =	vmov s21;
	v12 =	vadd.s32 v13, v54;
	[tilespmem:v9+s2+$0x0] =	vst.idx.msk $0xffff, v16  }
0x593: {  	s29 =	simm.s32 $0xD0;
	v23 =	vmov s23;
	v20 =	vshrl.u32 v20, $0x7;
	v21 =	vmov s22;
	[tilespmem:v10+s2+$0x0] =	vst.idx.msk $0xffff, v2  }
0x594: {  	v14 =	vmov s29;
	v20 =	vshll.u32 v20, v1;
	v21 =	vshrl.u32 v21, $0x7;
	[tilespmem:v5+s2+$0x0] =	vst.idx.msk $0xffff, v6  }
0x595: {  	s25 =	simm.s32 $0x1E0;
	v14 =	vshrl.u32 v14, $0x7;
	v20 =	vor.u32 $0x60, v20;
	v21 =	vshll.u32 v21, v1;
	[tilespmem:v8+s2+$0x0] =	vst.idx.msk $0xffff, v11  }
0x596: {  	s16 =	simm.s32 $0xF0;
	s17 =	simm.s32 $0x0;
	s18 =	simm.s32 $0x40;
	v14 =	vshll.u32 v14, v1;
	v54 =	vmov s25;
	v58 =	vbroadcast v20, $0x0;
	[tilespmem:v3+s2+$0x0] =	vst.idx.msk $0xffff, v4  }
0x597: {  	s26 =	simm.s32 $0x10;
	s31 =	simm.s32 $0x30;
	v5 =	vmov s16;
	v6 =	vmov s17;
	v8 =	vmov s18;
	[tilespmem:v12+s2+$0x0] =	vst.idx.msk $0xffff, v7  }
0x598: {  	v11 =	vmov s26;
	v16 =	vmov s31;
	v21 =	vor.u32 $0x60, v21;
	v2 =	vld [tilespmem:s19+$0xFFFFFF90]  }
0x599: {  	v6 =	vshrl.u32 v6, $0x7;
	v8 =	vshrl.u32 v8, $0x7;
	v11 =	vshrl.u32 v11, $0x7;
	v4 =	vld [tilespmem:s19+$0xFFFFFFD0]  }
0x59a: {  	v16 =	vshrl.u32 v16, $0x7;
	v29 =	vshrl.u32 v5, $0x7;
	v21 =	vbroadcast v21, $0x0;
	v9 =	vld [tilespmem:s19+$0x10]  }
0x59b: {  	v3 =	vimm.s32 $0x0;
	v6 =	vshll.u32 v6, v1;
	v8 =	vshll.u32 v8, v1;
	v10 =	vld [tilespmem:s19+$0xFFFFFFB0]  }
0x59c: {  	v11 =	vshll.u32 v11, v1;
	v16 =	vshll.u32 v16, v1;
	v8 =	vor.u32 $0x40, v8;
	v13 =	vld [tilespmem:s19+$0xFFFFFF80]  }
0x59d: {  	s20 =	simm.s32 $0x70;
	s28 =	simm.s32 $0x50;
	v11 =	vor.u32 $0x10, v11;
	v6 =	vbroadcast v6, $0x0;
	v16 =	vor.u32 $0x30, v16;
	v17 =	vld [tilespmem:s19+$0xFFFFFFF0]  }
0x59e: {  	v7 =	vmov s20;
	v12 =	vmov s28;
	v8 =	vbroadcast v8, $0x0;
	v24 =	vld [tilespmem:s19+$0xFFFFFFE0];
	[tilespmem:s15+$0xFFFFFFE0] =	vst v0  }
0x59f: {  	v16 =	vbroadcast v16, $0x0;
	v7 =	vshrl.u32 v7, $0x7;
	v22 =	vld [tilespmem:s19+$0xFFFFFFC0];
	[tilespmem:s15+$0xFFFFFF90] =	vst v0;
	v2 =	vshrl.u32 v2, $0x18  }
0x5a0: {  	v19 =	vld [tilespmem:s19+$0xFFFFFFA0];
	[tilespmem:s15+$0xFFFFFFD0] =	vst v0;
	v7 =	vshll.u32 v7, v1;
	v15 =	vand.u32 $0xF, v2;
	v2 =	vshrl.u32 v12, $0x7  }
0x5a1: {  	v43 =	vld [tilespmem:s19+$0x50];
	[tilespmem:s15+$0xFFFFFFF0] =	vst v0;
	v18 =	vshrl.u32 v4, $0x18;
	v25 =	vshll.u32 v2, v1;
	v2 =	vshrl.u32 v23, $0x7  }
0x5a2: {  	v31 =	vor.u32 $0x70, v7;
	v18 =	vand.u32 $0xF, v18;
	(xrf1) =	vunique.msk.u32 $0xffff, v15;
	v23 =	vld [tilespmem:s19+$0x20];
	v2 =	vshll.u32 v2, v1  }
0x5a3: {  	v45 =	vld [tilespmem:s19+$0x60];
	v7 =	vbroadcast v11, $0x0;
	(xrf1) =	vunique.msk.u32 $0xffff, v18;
	v26 =	vor.u32 $0x10, v2;
	v2 =	vshrl.u32 v17, $0x18  }
0x5a4: {  	s17 =	simm.s32 $0x180;
	[tilespmem:s15+$0xFFFFFF80] =	vst v0;
	v11 =	vshrl.u32 v30, $0x7;
	v17 =	vld [tilespmem:s19+$0x30];
	v27 =	vand.u32 $0xF, v2;
	v2 =	vshrl.u32 v22, $0x18  }
0x5a5: {  	v55 =	vld [tilespmem:s17+$0xFFFFFFA0];
	v11 =	vshll.u32 v11, v1;
	(xrf1) =	vunique.msk.u32 $0xffff, v27;
	v28 =	vand.u32 $0xF, v2;
	v2 =	vshrl.u32 v24, $0x18  }
0x5a6: {  	s20 =	simm.s32 $0xC0;
	v59 =	vld [tilespmem:s17+$0x0];
	v11 =	vor.u32 $0x30, v11;
	v10 =	vshrl.u32 v10, $0x18;
	v2 =	vand.u32 $0xF, v2;
	(xrf1) =	vunique.msk.u32 $0xffff, v28  }
0x5a7: {  	v4 =	vmov s20;
	v10 =	vand.u32 $0xF, v10;
	v22 =	vld [tilespmem:s19+$0x0];
	v23 =	vshrl.u32 v23, $0x18;
	(xrf1) =	vunique.msk.u32 $0xffff, v2  }
0x5a8: {  	v9 =	vshrl.u32 v9, $0x18;
	v13 =	vshrl.u32 v13, $0x18;
	v23 =	vand.u32 $0xF, v23;
	(xrf1) =	vunique.msk.u32 $0xffff, v10  }
0x5a9: {  	v19 =	vshrl.u32 v19, $0x18;
	v32 =	vshrl.u32 v43, $0x18;
	v17 =	vshrl.u32 v17, $0x18;
	(xrf1) =	vunique.msk.u32 $0xffff, v23  }
0x5aa: {  	s30 =	simm.s32 $0x20;
	[tilespmem:s15+$0xFFFFFFA0] =	vst v0;
	v34 =	vshrl.u32 v45, $0x18;
	v11 =	vbroadcast v11, $0x0;
	v17 =	vand.u32 $0xF, v17  }
0x5ab: {  	v20 =	vshrl.u32 v55, $0x18;
	v60 =	vshrl.u32 v59, $0x18;
	v12 =	vmov s30;
	(xrf1) =	vunique.msk.u32 $0xffff, v17  }
0x5ac: {  	[tilespmem:s15+$0xFFFFFFC0] =	vst v0;
	v9 =	vand.u32 $0xF, v9;
	v19 =	vand.u32 $0xF, v19;
	v22 =	vshrl.u32 v22, $0x18  }
0x5ad: {  	v5 =	vld [tilespmem:s19+$0x40];
	v13 =	vand.u32 $0xF, v13;
	v12 =	vshrl.u32 v12, $0x7;
	v22 =	vand.u32 $0xF, v22;
	(xrf1) =	vunique.msk.u32 $0xffff, v19  }
0x5ae: {  	s26 =	simm.s32 $0xA0;
	v32 =	vand.u32 $0xF, v32;
	v4 =	vshrl.u32 v4, $0x7;
	v12 =	vshll.u32 v12, v1;
	v24 =	vld [tilespmem:s19+$0x70];
	(xrf1) =	vunique.msk.u32 $0xffff, v22  }
0x5af: {  	v25 =	vor.u32 $0x50, v25;
	(xrf1) =	vunique.msk.u32 $0xffff, v13;
	v13 =	vor.u32 v6, v13;
	v6 =	vmov s26  }
0x5b0: {  	[tilespmem:s15+$0xFFFFFFB0] =	vst v0;
	v12 =	vor.u32 $0x20, v12;
	v25 =	vbroadcast v25, $0x0;
	v6 =	vshrl.u32 v6, $0x7;
	_, v30, vm2 =	vpop (xrf1)  }
0x5b1: {  	v15 =	vor.u32 v7, v15;
	v12 =	vbroadcast v12, $0x0;
	(xrf1) =	vunique.msk.u32 $0xffff, v9;
	v6 =	vshll.u32 v6, v1;
	_, v44, vm5 =	vpop (xrf1)  }
0x5b2: {  	[tilespmem:s15+$0x40] =	vst v0;
	v18 =	vor.u32 v25, v18;
	v25 =	vshrl.u32 v5, $0x18;
	v6 =	vor.u32 $0x20, v6  }
0x5b3: {  	v24 =	vshrl.u32 v24, $0x18;
	v48 =	vbroadcast v6, $0x0;
	v6 =	vand.u32 $0xF, v34;
	_, v5, vm0 =	vpop (xrf1);
	(xrf1) =	vunique.msk.u32 $0xffff, v32  }
0x5b4: {  	v63 =	vld [tilespmem:s17+$0x60];
	v28 =	vor.u32 v8, v28;
	v8 =	vor.u32 v11, v17;
	v11 =	vand.u32 $0xF, v24;
	_, v47, vm3 =	vpop (xrf1);
	(xrf1) =	vunique.msk.u32 $0xffff, v6  }
0x5b5: {  	v20 =	vand.u32 $0xF, v20;
	v37 =	vand.u32 $0xF, v60;
	v4 =	vshll.u32 v4, v1;
	s19 =	simm.s32 $0x110;
	_, v7, vm1 =	vpop (xrf1);
	(xrf1) =	vunique.msk.u32 $0xffff, v11  }
0x5b6: {  	[tilespmem:s15+$0x10] =	vst v0;
	v26 =	vbroadcast v26, $0x0;
	v12 =	vor.u32 v12, v19;
	v51 =	vmov s19;
	_, v49, vm4 =	vpop (xrf1)  }
0x5b7: {  	v2 =	vor.u32 v21, v2;
	v10 =	vor.u32 v16, v10;
	v17 =	vbroadcast v31, $0x0;
	[tilespmem:v18+s9+$0x0] =	vst.idx.msk vm5, v44;
	_, v18, vm5 =	vpop (xrf1)  }
0x5b8: {  	v24 =	vshll.u32 v29, v1;
	v29 =	vbroadcast v35, $0x0;
	v23 =	vor.u32 v48, v23;
	[tilespmem:v15+s9+$0x0] =	vst.idx.msk vm2, v30;
	v30 =	vld [tilespmem:s17+$0xFFFFFFB0]  }
0x5b9: {  	[tilespmem:s15+$0x20] =	vst v0;
	v19 =	vor.u32 $0x50, v14;
	v35 =	vshrl.u32 v63, $0x18;
	v27 =	vor.u32 v17, v27;
	_, v50, vm6 =	vpop (xrf1)  }
0x5ba: {  	s31 =	simm.s32 $0x170;
	[tilespmem:s15+$0x30] =	vst v0;
	v19 =	vbroadcast v19, $0x0;
	v17 =	vor.u32 v29, v22;
	v22 =	vand.u32 $0xF, v25  }
0x5bb: {  	s20 =	simm.s32 $0x1D0;
	[tilespmem:s15+$0x0] =	vst v0;
	v25 =	vor.u32 $0x40, v4;
	v4 =	vmov s31;
	v9 =	vor.u32 v26, v9;
	_, v26, vm8 =	vpop (xrf1)  }
0x5bc: {  	s22 =	simm.s32 $0x120;
	v29 =	vshrl.u32 v4, $0x7;
	v4 =	vmov s20;
	v6 =	vor.u32 v58, v6;
	_, v31, vm7 =	vpop (xrf1);
	[tilespmem:v2+s9+$0x0] =	vst.idx.msk vm1, v7  }
0x5bd: {  	v15 =	vmov s22;
	v30 =	vshrl.u32 v30, $0x18;
	v7 =	vor.u32 v19, v32;
	[tilespmem:v23+s9+$0x0] =	vst.idx.msk vm5, v18;
	_, v14, vm5 =	vpop (xrf1)  }
0x5be: {  	s29 =	simm.s32 $0x100;
	s28 =	simm.s32 $0x1F0;
	[tilespmem:v27+s9+$0x0] =	vst.idx.msk vm0, v5;
	v2 =	vshrl.u32 v15, $0x7;
	v27 =	vand.u32 $0xF, v30;
	v18 =	vor.u32 $0x70, v24  }
0x5bf: {  	v23 =	vmov s28;
	v24 =	vmov s29;
	[tilespmem:v8+s9+$0x0] =	vst.idx.msk vm6, v50;
	v8 =	vld [tilespmem:s17+$0xFFFFFF90];
	v18 =	vbroadcast v18, $0x0;
	_, v16, vm6 =	vpop (xrf1)  }
0x5c0: {  	s21 =	simm.s32 $0x150;
	s30 =	simm.s32 $0x140;
	[tilespmem:v10+s9+$0x0] =	vst.idx.msk vm4, v49;
	v2 =	vshll.u32 v2, v1;
	v24 =	vshrl.u32 v24, $0x7;
	v30 =	vshrl.u32 v23, $0x7  }
0x5c1: {  	s23 =	simm.s32 $0x130;
	[tilespmem:v12+s9+$0x0] =	vst.idx.msk vm8, v26;
	v12 =	vmov s30;
	v26 =	vld [tilespmem:s17+$0xFFFFFFD0];
	v10 =	vor.u32 v18, v11;
	v11 =	vmov s21;
	_, v52, vm4 =	vpop (xrf1)  }
0x5c2: {  	[tilespmem:v17+s9+$0x0] =	vst.idx.msk vm7, v31;
	v12 =	vshrl.u32 v12, $0x7;
	v31 =	vld [tilespmem:s17+$0x10];
	v18 =	vmov s23;
	v11 =	vshrl.u32 v11, $0x7;
	_, v53, vm2 =	vpop (xrf1)  }
0x5c3: {  	v12 =	vshll.u32 v12, v1;
	v18 =	vshrl.u32 v18, $0x7;
	v11 =	vshll.u32 v11, v1;
	[tilespmem:v13+s9+$0x0] =	vst.idx.msk vm5, v14;
	_, v21, vm5 =	vpop (xrf1)  }
0x5c4: {  	s26 =	simm.s32 $0x160;
	(xrf1) =	vunique.msk.u32 $0xffff, v22;
	v23 =	vshll.u32 v18, v1;
	v8 =	vshrl.u32 v8, $0x18;
	v13 =	vshll.u32 v24, v1;
	v24 =	vld [tilespmem:s17+$0xFFFFFFF0]  }
0x5c5: {  	v56 =	vld [tilespmem:s17+$0xFFFFFFC0];
	v14 =	vmov s26;
	v8 =	vand.u32 $0xF, v8;
	[tilespmem:v9+s9+$0x0] =	vst.idx.msk vm6, v16;
	v9 =	vshrl.u32 v51, $0x7  }
0x5c6: {  	v57 =	vld [tilespmem:s17+$0xFFFFFFE0];
	[tilespmem:v28+s9+$0x0] =	vst.idx.msk vm3, v47;
	v16 =	vshrl.u32 v26, $0x18;
	v28 =	vshrl.u32 v14, $0x7;
	v13 =	vbroadcast v13, $0x0  }
0x5c7: {  	s28 =	simm.s32 $0x190;
	v26 =	vld [tilespmem:s17+$0xFFFFFF80];
	(xrf1) =	vunique.msk.u32 $0xffff, v8;
	v16 =	vand.u32 $0xF, v16;
	v31 =	vshrl.u32 v31, $0x18;
	v9 =	vshll.u32 v9, v1  }
0x5c8: {  	[tilespmem:s15+$0x70] =	vst v0;
	v5 =	vld [tilespmem:s15+$0xFFFFFF80];
	v28 =	vshll.u32 v28, v1;
	v14 =	vand.u32 $0xF, v31;
	v31 =	vmov s28  }
0x5c9: {  	(xrf1) =	vunique.msk.u32 $0xffff, v16;
	v15 =	vshrl.u32 v24, $0x18;
	v24 =	vld [tilespmem:s17+$0x20];
	[tilespmem:v10+s9+$0x0] =	vst.idx.msk vm5, v21;
	v10 =	vor.u32 $0x40, v12  }
0x5ca: {  	[tilespmem:s15+$0x60] =	vst v0;
	v19 =	vand.u32 $0xF, v15;
	v15 =	vbroadcast v25, $0x0;
	v25 =	vbroadcast v10, $0x0;
	v10 =	vld [tilespmem:s17+$0x30]  }
0x5cb: {  	[tilespmem:s15+$0x50] =	vst v0;
	v31 =	vshrl.u32 v31, $0x7;
	v12 =	vor.u32 $0x20, v2;
	v2 =	vshrl.u32 v56, $0x18  }
0x5cc: {  	[tilespmem:v7+s9+$0x0] =	vst.idx.msk vm4, v52;
	(xrf1) =	vunique.msk.u32 $0xffff, v19;
	v21 =	vand.u32 $0xF, v2;
	v2 =	vshrl.u32 v57, $0x18  }
0x5cd: {  	v31 =	vshll.u32 v31, v1;
	[tilespmem:v6+s9+$0x0] =	vst.idx.msk vm2, v53;
	v2 =	vand.u32 $0xF, v2;
	(xrf1) =	vunique.msk.u32 $0xffff, v21  }
0x5ce: {  	v26 =	vshrl.u32 v26, $0x18;
	v3 =	vadd.s32 v3, v5;
	(xrf1) =	vunique.msk.u32 $0xffff, v2;
	v24 =	vshrl.u32 v24, $0x18  }
0x5cf: {  	v6 =	vand.u32 $0xF, v26;
	(xrf1) =	vunique.msk.u32 $0xffff, v27;
	v24 =	vand.u32 $0xF, v24;
	v7 =	vshrl.u32 v10, $0x18  }
0x5d0: {  	s29 =	simm.s32 $0x1B0;
	v5 =	vld [tilespmem:s15+$0xFFFFFF90];
	v22 =	vor.u32 v15, v22;
	(xrf1) =	vunique.msk.u32 $0xffff, v24;
	v61 =	vand.u32 $0xF, v7;
	v7 =	vshll.u32 v29, v1  }
0x5d1: {  	s16 =	simm.s32 $0x10180;
	v15 =	vld [tilespmem:s17+$0x70];
	v10 =	vor.u32 $0x50, v11;
	(xrf1) =	vunique.msk.u32 $0xffff, v61;
	v26 =	vor.u32 $0x70, v7;
	v7 =	vmov s29  }
0x5d2: {  	[tilespmem:s16+$0xFFFFFFE0] =	vst v0;
	v9 =	vor.u32 $0x10, v9;
	v31 =	vor.u32 $0x10, v31;
	v10 =	vbroadcast v10, $0x0  }
0x5d3: {  	v49 =	vld [tilespmem:s17+$0x50];
	v9 =	vbroadcast v9, $0x0;
	v56 =	vshrl.u32 v4, $0x7;
	v31 =	vbroadcast v31, $0x0;
	(xrf1) =	vunique.msk.u32 $0xffff, v20  }
0x5d4: {  	s30 =	simm.s32 $0x1A0;
	v18 =	vld [tilespmem:s15+$0xFFFFFFA0];
	_, v33, vm2 =	vpop (xrf1);
	v36 =	vbroadcast v12, $0x0;
	v12 =	vshrl.u32 v7, $0x7;
	v16 =	vor.u32 v10, v16;
	(xrf1) =	vunique.msk.u32 $0xffff, v37  }
0x5d5: {  	v11 =	vld [tilespmem:s17+$0x40];
	v10 =	vshll.u32 v12, v1;
	v12 =	vor.u32 v13, v6;
	_, v7, vm1 =	vpop (xrf1);
	(xrf1) =	vunique.msk.u32 $0xffff, v6;
	v6 =	vmov s30  }
0x5d6: {  	[tilespmem:s16+$0xFFFFFFA0] =	vst v0;
	s31 =	simm.s32 $0x180;
	v3 =	vadd.s32 v5, v3;
	v62 =	vshrl.u32 v15, $0x18;
	v29 =	vld [tilespmem:s15+$0xFFFFFFB0];
	v6 =	vshrl.u32 v6, $0x7  }
0x5d7: {  	[tilespmem:s16+$0xFFFFFFC0] =	vst v0;
	v5 =	vld [tilespmem:s15+$0xFFFFFFC0];
	v15 =	vshrl.u32 v54, $0x7;
	v50 =	vor.u32 $0x30, v10;
	v10 =	vmov s31;
	_, v48, vm4 =	vpop (xrf1)  }
0x5d8: {  	v52 =	vld [tilespmem:s15+$0xFFFFFFD0];
	v57 =	vor.u32 $0x30, v23;
	v21 =	vor.u32 v25, v21;
	v10 =	vshrl.u32 v10, $0x7;
	(xrf1) =	vunique.msk.u32 $0xffff, v14  }
0x5d9: {  	[tilespmem:s16+$0xFFFFFFB0] =	vst v0;
	v53 =	vld [tilespmem:s15+$0xFFFFFFE0];
	v3 =	vadd.s32 v18, v3;
	v18 =	vor.u32 v9, v8;
	v9 =	vshrl.u32 v49, $0x18  }
0x5da: {  	v55 =	vld [tilespmem:s15+$0xFFFFFFF0];
	[tilespmem:v22+s9+$0x0] =	vst.idx.msk vm2, v33;
	v25 =	vbroadcast v26, $0x0;
	v51 =	vshrl.u32 v11, $0x18;
	v13 =	vshll.u32 v6, v1;
	_, v6, vm0 =	vpop (xrf1)  }
0x5db: {  	[tilespmem:s16+$0xFFFFFF90] =	vst v0;
	v22 =	vld [tilespmem:s15+$0x0];
	v11 =	vshll.u32 v15, v1;
	v3 =	vadd.s32 v29, v3;
	v54 =	vshll.u32 v10, v1;
	_, v15, vm3 =	vpop (xrf1)  }
0x5dc: {  	[tilespmem:s16+$0xFFFFFFD0] =	vst v0;
	v3 =	vadd.s32 v5, v3;
	v8 =	vor.u32 $0x20, v13;
	v13 =	vand.u32 $0xF, v9;
	_, v10, vm2 =	vpop (xrf1)  }
0x5dd: {  	v4 =	vld [tilespmem:s15+$0x20];
	v3 =	vadd.s32 v52, v3;
	v8 =	vbroadcast v8, $0x0;
	(xrf1) =	vunique.msk.u32 $0xffff, v13;
	[tilespmem:v16+s9+$0x0] =	vst.idx.msk vm4, v48;
	_, v23, vm4 =	vpop (xrf1)  }
0x5de: {  	[tilespmem:s16+$0xFFFFFFF0] =	vst v0;
	v58 =	vbroadcast v50, $0x0;
	v5 =	vld [tilespmem:s15+$0x30];
	v9 =	vand.u32 $0xF, v35;
	v3 =	vadd.s32 v53, v3;
	_, v59, vm5 =	vpop (xrf1)  }
0x5df: {  	v29 =	vor.u32 v31, v14;
	v14 =	vld [tilespmem:s15+$0x50];
	v3 =	vadd.s32 v55, v3;
	(xrf1) =	vunique.msk.u32 $0xffff, v9;
	v26 =	vor.u32 v8, v24;
	_, v60, vm6 =	vpop (xrf1)  }
0x5e0: {  	s24 =	simm.s32 $0x1C0;
	[tilespmem:s16+$0xFFFFFF80] =	vst v0;
	v31 =	vor.u32 v58, v61;
	v61 =	vshll.u32 v30, v1;
	v30 =	vadd.s32 v22, v3;
	v22 =	vld [tilespmem:s15+$0x40]  }
0x5e1: {  	v17 =	vmov s24;
	v28 =	vor.u32 $0x60, v28;
	[tilespmem:s16+$0x20] =	vst v0;
	v32 =	vand.u32 $0xF, v62;
	v8 =	vld [tilespmem:s15+$0x70]  }
0x5e2: {  	[tilespmem:s16+$0x30] =	vst v0;
	v34 =	vor.u32 $0x70, v61;
	v24 =	vbroadcast v28, $0x0;
	v28 =	vbroadcast v54, $0x0;
	v16 =	vld [tilespmem:s15+$0x10];
	_, v35, vm7 =	vpop (xrf1)  }
0x5e3: {  	v38 =	vor.u32 v36, v20;
	[tilespmem:s16+$0x40] =	vst v0;
	v62 =	vshrl.u32 v17, $0x7;
	(xrf1) =	vunique.msk.u32 $0xffff, v32;
	v3 =	vld [tilespmem:s16+$0xFFFFFFD0];
	_, v36, vm8 =	vpop (xrf1)  }
0x5e4: {  	v63 =	vbroadcast v57, $0x0;
	v40 =	vshll.u32 v62, v1;
	v39 =	vor.u32 v28, v37;
	[tilespmem:v26+s9+$0x0] =	vst.idx.msk vm5, v59;
	v26 =	vld [tilespmem:s15+$0x60]  }
0x5e5: {  	s18 =	simm.s32 $0x10280;
	v17 =	vor.u32 v25, v19;
	v19 =	vshll.u32 v56, v1;
	v20 =	vand.u32 $0xF, v51;
	_, v33, vm5 =	vpop (xrf1);
	v25 =	vld [tilespmem:s16+$0x20];
	[tilespmem:v31+s9+$0x0] =	vst.idx.msk vm6, v60  }
0x5e6: {  	s19 =	simm.s32 $0x280;
	s17 =	simm.s32 $0x2F0;
	v28 =	vor.u32 $0x50, v19;
	v37 =	vbroadcast v34, $0x0;
	(xrf1) =	vunique.msk.u32 $0xffff, v20;
	s15 =	simm.s32 $0x10;
	_, v34, vm6 =	vpop (xrf1);
	v31 =	vor.u32 v63, v27;
	v19 =	vld [tilespmem:s16+$0x30]  }
.LBB2_27:
0x5e7: {  	s20 =	sadd.s32 $0xFFFFFF10, s17;
	v41 =	vld [tilespmem:s19+$0xFFFFFF90];
	s22 =	sadd.s32 $0xFFFFFF50, s17;
	s21 =	sadd.s32 $0xFFFFFF80, s17;
	v27 =	vmov s17;
	[tilespmem:s16+$0x0] =	vst v0;
	v40 =	vor.u32 $0x40, v40;
	v16 =	vadd.s32 v16, v30  }
0x5e8: {  	s23 =	sadd.s32 $0xFFFFFFF0, s17;
	v30 =	vmov s20;
	v42 =	vld [tilespmem:s19+$0xFFFFFFB0];
	v43 =	vmov s21;
	s20 =	sadd.s32 $0xFFFFFF90, s17;
	s21 =	sadd.s32 $0xFFFFFFB0, s17;
	[tilespmem:v38+s9+$0x0] =	vst.idx.msk vm7, v35;
	v45 =	vadd.s32 v4, v16  }
0x5e9: {  	s24 =	sadd.s32 $0xFFFFFF20, s17;
	s25 =	sadd.s32 $0xFFFFFFE0, s17;
	v16 =	vshrl.u32 v30, $0x7;
	v30 =	vmov s22;
	v35 =	vld [tilespmem:s19+$0xFFFFFFD0];
	s22 =	sadd.s32 $0xFFFFFFD0, s17;
	[tilespmem:v39+s9+$0x0] =	vst.idx.msk vm8, v36;
	v39 =	vadd.s32 v5, v45  }
0x5ea: {  	s26 =	sadd.s32 $0xFFFFFF30, s17;
	s15 =	sadd.s32 $0x10, s15;
	v36 =	vld [tilespmem:s19+$0xFFFFFF80];
	v38 =	vshrl.u32 v30, $0x7;
	v30 =	vshrl.u32 v43, $0x7;
	[tilespmem:s16+$0x10] =	vst v0;
	v44 =	vadd.s32 v22, v39;
	v4 =	vmovc v25  }
0x5eb: {  	s28 =	sadd.s32 $0xFFFFFF60, s17;
	p0 =	slt.u32 s15, $0x7F0;
	v39 =	vmov s24;
	s24 =	sadd.s32 $0xFFFFFF40, s17;
	v22 =	vmov s25;
	v43 =	vld [tilespmem:s19+$0x10];
	[tilespmem:v31+s9+$0x0] =	vst.idx.msk vm4, v23;
	v31 =	vor.u32 v37, v32;
	_, v37, vm7 =	vpop (xrf1)  }
0x5ec: {  	v32 =	vmov s28;
	v5 =	vmovc v19;
	v23 =	vshrl.u32 v41, $0x18;
	[tilespmem:v18+s9+$0x0] =	vst.idx.msk vm1, v7;
	v25 =	vld [tilespmem:s16+$0xFFFFFFA0];
	v7 =	vadd.s32 v14, v44  }
0x5ed: {  	v14 =	vshrl.u32 v32, $0x7;
	v18 =	vand.u32 $0xF, v23;
	v23 =	vld [tilespmem:s16+$0xFFFFFFB0];
	[tilespmem:v29+s9+$0x0] =	vst.idx.msk vm6, v34;
	_, v34, vm6 =	vpop (xrf1);
	v7 =	vadd.s32 v26, v7  }
0x5ee: {  	v19 =	vmov s22;
	v32 =	vmov s26;
	v41 =	vmov s24;
	v44 =	vld [tilespmem:s19+$0xFFFFFFF0]  }
0x5ef: {  	s22 =	sadd.s32 $0xFFFFFF70, s17;
	v26 =	vshrl.u32 v39, $0x7;
	v35 =	vshrl.u32 v35, $0x18;
	v39 =	vadd.s32 v8, v7;
	(xrf1) =	vunique.msk.u32 $0xffff, v18;
	v29 =	vld [tilespmem:s16+$0xFFFFFF90]  }
0x5f0: {  	v35 =	vand.u32 $0xF, v35;
	v7 =	vld [tilespmem:s19+$0xFFFFFFA0];
	v8 =	vshrl.u32 v43, $0x18;
	v43 =	vmov s23;
	[tilespmem:v12+s9+$0x0] =	vst.idx.msk vm5, v33  }
0x5f1: {  	v2 =	vor.u32 v24, v2;
	v12 =	vshll.u32 v16, v1;
	v16 =	vmov s22;
	s22 =	sadd.s32 $0xFFFFFFA0, s17;
	[tilespmem:v21+s9+$0x0] =	vst.idx.msk vm3, v15;
	_, v15, vm1 =	vpop (xrf1)  }
0x5f2: {  	v33 =	vshrl.u32 v16, $0x7;
	v24 =	vand.u32 $0xF, v8;
	v8 =	vmov s22;
	(xrf1) =	vunique.msk.u32 $0xffff, v35;
	v45 =	vld [tilespmem:s16+$0xFFFFFF80]  }
0x5f3: {  	v46 =	vshll.u32 v14, v1;
	v16 =	vbroadcast v28, $0x0;
	v8 =	vshrl.u32 v8, $0x7;
	v14 =	vld [tilespmem:s19+$0xFFFFFFE0]  }
0x5f4: {  	v11 =	vor.u32 $0x60, v11;
	v47 =	vshll.u32 v26, v1;
	v8 =	vshll.u32 v8, v1;
	v48 =	vld [tilespmem:s19+$0xFFFFFFC0];
	[tilespmem:s16+$0x70] =	vst v0;
	_, v21, vm4 =	vpop (xrf1)  }
0x5f5: {  	v42 =	vshrl.u32 v42, $0x18;
	v49 =	vor.u32 $0x10, v8;
	v8 =	vbroadcast v11, $0x0;
	v26 =	vld [tilespmem:s16+$0x0];
	[tilespmem:s16+$0x60] =	vst v0  }
0x5f6: {  	v11 =	vshrl.u32 v36, $0x18;
	v7 =	vshrl.u32 v7, $0x18;
	v36 =	vld [tilespmem:s19+$0x0];
	[tilespmem:v2+s9+$0x0] =	vst.idx.msk vm2, v10;
	v10 =	vor.u32 v16, v13  }
0x5f7: {  	v2 =	vshrl.u32 v32, $0x7;
	v13 =	vshll.u32 v38, v1;
	v16 =	vshrl.u32 v44, $0x18;
	v38 =	vld [tilespmem:s19+$0x20];
	[tilespmem:v31+s9+$0x0] =	vst.idx.msk vm1, v15  }
0x5f8: {  	v2 =	vshll.u32 v2, v1;
	v13 =	vor.u32 $0x40, v13;
	v28 =	vand.u32 $0xF, v16;
	v32 =	vld [tilespmem:s16+$0xFFFFFFE0];
	[tilespmem:v17+s9+$0x0] =	vst.idx.msk vm0, v6  }
0x5f9: {  	v16 =	vbroadcast v40, $0x0;
	v6 =	vor.u32 $0x20, v2;
	v2 =	vshrl.u32 v48, $0x18;
	v15 =	vld [tilespmem:s19+$0x70];
	(xrf1) =	vunique.msk.u32 $0xffff, v28  }
0x5fa: {  	v44 =	vbroadcast v13, $0x0;
	v40 =	vand.u32 $0xF, v2;
	v2 =	vshrl.u32 v14, $0x18;
	v13 =	vld [tilespmem:s19+$0x30];
	[tilespmem:s16+$0x50] =	vst v0  }
0x5fb: {  	v17 =	vand.u32 $0xF, v7;
	v20 =	vor.u32 v16, v20;
	v2 =	vand.u32 $0xF, v2;
	(xrf1) =	vunique.msk.u32 $0xffff, v40;
	v48 =	vld [tilespmem:s16+$0xFFFFFFC0]  }
0x5fc: {  	v9 =	vor.u32 v8, v9;
	v14 =	vshrl.u32 v36, $0x18;
	v31 =	vshrl.u32 v38, $0x18;
	(xrf1) =	vunique.msk.u32 $0xffff, v2;
	v16 =	vld [tilespmem:s16+$0x10]  }
0x5fd: {  	v33 =	vshll.u32 v33, v1;
	v36 =	vor.u32 $0x10, v47;
	[tilespmem:s18+$0xFFFFFFE0] =	vst v0;
	v38 =	vand.u32 $0xF, v31;
	_, v7, vm1 =	vpop (xrf1);
	v8 =	vld [tilespmem:s16+$0x70]  }
0x5fe: {  	v41 =	vshrl.u32 v41, $0x7;
	v31 =	vand.u32 $0xF, v42;
	v42 =	vand.u32 $0xF, v14;
	v47 =	vld [tilespmem:s19+$0x40];
	[tilespmem:v10+s9+$0x0] =	vst.idx.msk vm7, v37  }
0x5ff: {  	v27 =	vshrl.u32 v27, $0x7;
	v10 =	vshrl.u32 v13, $0x18;
	(xrf1) =	vunique.msk.u32 $0xffff, v31;
	v13 =	vadd.s32 v39, v45;
	v14 =	vld [tilespmem:s16+$0x50]  }
0x600: {  	v37 =	vor.u32 $0x50, v46;
	v39 =	vbroadcast v49, $0x0;
	v45 =	vand.u32 $0xF, v10;
	_, v46, vm5 =	vpop (xrf1);
	(xrf1) =	vunique.msk.u32 $0xffff, v38  }
0x601: {  	v41 =	vshll.u32 v41, v1;
	v49 =	vshrl.u32 v15, $0x18;
	(xrf1) =	vunique.msk.u32 $0xffff, v45;
	[tilespmem:v9+s9+$0x0] =	vst.idx.msk vm6, v34  }
0x602: {  	s22 =	sadd.s32 $0xFFFFFFC0, s17;
	v10 =	vshll.u32 v30, v1;
	v9 =	vand.u32 $0xF, v11;
	v11 =	vshrl.u32 v43, $0x7;
	[tilespmem:s18+$0xFFFFFF90] =	vst v0  }
0x603: {  	v15 =	vbroadcast v37, $0x0;
	v30 =	vor.u32 $0x70, v10;
	v10 =	vmov s22;
	(xrf1) =	vunique.msk.u32 $0xffff, v17  }
0x604: {  	v37 =	vbroadcast v6, $0x0;
	v34 =	vbroadcast v36, $0x0;
	v52 =	vshrl.u32 v10, $0x7;
	v36 =	vld [tilespmem:s19+$0x60];
	(xrf1) =	vunique.msk.u32 $0xffff, v42  }
0x605: {  	v35 =	vor.u32 v15, v35;
	v10 =	vbroadcast v12, $0x0;
	v15 =	vshll.u32 v52, v1;
	[tilespmem:s18+$0xFFFFFFD0] =	vst v0;
	v43 =	vld [tilespmem:s19+$0x50]  }
0x606: {  	v13 =	vadd.s32 v29, v13;
	v47 =	vshrl.u32 v47, $0x18;
	v50 =	vor.u32 $0x30, v15;
	(xrf1) =	vunique.msk.u32 $0xffff, v9;
	v51 =	vld [tilespmem:s16+$0xFFFFFFF0]  }
0x607: {  	v33 =	vor.u32 $0x60, v33;
	v12 =	vor.u32 v10, v9;
	v9 =	vmov s21;
	_, v6, vm0 =	vpop (xrf1);
	(xrf1) =	vunique.msk.u32 $0xffff, v24  }
0x608: {  	v13 =	vadd.s32 v25, v13;
	v52 =	vmov s20;
	v9 =	vshrl.u32 v9, $0x7;
	[tilespmem:s18+$0xFFFFFFF0] =	vst v0  }
0x609: {  	v11 =	vshll.u32 v11, v1;
	v29 =	vshrl.u32 v52, $0x7;
	v9 =	vshll.u32 v9, v1;
	[tilespmem:s18+$0xFFFFFF80] =	vst v0;
	_, v15, vm3 =	vpop (xrf1)  }
0x60a: {  	v18 =	vor.u32 v34, v18;
	v25 =	vshll.u32 v29, v1;
	v9 =	vor.u32 $0x20, v9;
	[tilespmem:s18+$0xFFFFFFA0] =	vst v0;
	_, v10, vm2 =	vpop (xrf1)  }
0x60b: {  	v29 =	vshrl.u32 v43, $0x18;
	v43 =	vshrl.u32 v36, $0x18;
	v36 =	vadd.s32 v23, v13;
	[tilespmem:v20+s9+$0x0] =	vst.idx.msk vm4, v21  }
0x60c: {  	v13 =	vand.u32 $0xF, v29;
	v20 =	vshrl.u32 v22, $0x7;
	v21 =	vadd.s32 v48, v36;
	[tilespmem:v35+s9+$0x0] =	vst.idx.msk vm5, v46;
	v22 =	vld [tilespmem:s16+$0x40]  }
0x60d: {  	v41 =	vor.u32 $0x30, v41;
	v29 =	vbroadcast v9, $0x0;
	v21 =	vadd.s32 v3, v21;
	_, v23, vm4 =	vpop (xrf1);
	(xrf1) =	vunique.msk.u32 $0xffff, v13;
	v3 =	vld [tilespmem:s18+$0xFFFFFFD0]  }
0x60e: {  	v48 =	vbroadcast v50, $0x0;
	v9 =	vand.u32 $0xF, v43;
	v32 =	vadd.s32 v32, v21;
	[tilespmem:s18+$0x20] =	vst v0;
	_, v34, vm5 =	vpop (xrf1)  }
0x60f: {  	v21 =	vor.u32 v44, v40;
	v40 =	vbroadcast v30, $0x0;
	v43 =	vor.u32 v29, v38;
	_, v44, vm6 =	vpop (xrf1);
	(xrf1) =	vunique.msk.u32 $0xffff, v9  }
0x610: {  	v29 =	vor.u32 v39, v24;
	v45 =	vor.u32 v48, v45;
	v24 =	vadd.s32 v51, v32;
	[tilespmem:s18+$0xFFFFFFC0] =	vst v0  }
0x611: {  	v27 =	vshll.u32 v27, v1;
	v32 =	vand.u32 $0xF, v49;
	v30 =	vadd.s32 v26, v24;
	[tilespmem:s18+$0xFFFFFFB0] =	vst v0;
	_, v35, vm7 =	vpop (xrf1)  }
.Ltmp12:
0x612: {  	v25 =	vbroadcast v25, $0x0;
	v46 =	vshrl.u32 v19, $0x7;
	v24 =	vbroadcast v33, $0x0;
	[tilespmem:s18+$0x30] =	vst v0;
	_, v36, vm8 =	vpop (xrf1);
	(pc) =	sbr.rel @p0 .LBB2_27-.Ltmp12, $4  }
0x613: {  	v19 =	vshll.u32 v20, v1;
	v38 =	vor.u32 v37, v17;
	v17 =	vor.u32 v40, v28;
	(xrf1) =	vunique.msk.u32 $0xffff, v32  }
0x614: {  	v27 =	vor.u32 $0x70, v27;
	v39 =	vor.u32 v25, v42;
	v40 =	vbroadcast v41, $0x0;
	[tilespmem:v43+s9+$0x0] =	vst.idx.msk vm5, v34;
	_, v33, vm5 =	vpop (xrf1);
	v26 =	vld [tilespmem:s16+$0x60];
	s16 =	smov.u32 s18  }
0x615: {  	v20 =	vand.u32 $0xF, v47;
	v37 =	vbroadcast v27, $0x0;
	v28 =	vor.u32 $0x50, v19;
	v25 =	vld [tilespmem:s18+$0x20];
	[tilespmem:v45+s9+$0x0] =	vst.idx.msk vm6, v44;
	_, v34, vm6 =	vpop (xrf1)  }
0x616: {  	s17 =	sadd.s32 $0x100, s17;
	s19 =	sadd.s32 $0x100, s19;
	v31 =	vor.u32 v40, v31;
	v40 =	vshll.u32 v46, v1;
	s18 =	sadd.s32 $0x100, s18;
	v19 =	vld [tilespmem:s16+$0x30];
	[tilespmem:s16+$0x40] =	vst v0;
	(xrf1) =	vunique.msk.u32 $0xffff, v20  }
0x617: {  	_ =	sdelay $0x3  }
0x618: {  	[tilespmem:s16+$0x0] =	vst v0  }
0x619: {  	[tilespmem:v38+s9+$0x0] =	vst.idx.msk vm7, v35  }
0x61a: {  	[tilespmem:s16+$0x10] =	vst v0  }
0x61b: {  	[tilespmem:v31+s9+$0x0] =	vst.idx.msk vm4, v23  }
0x61c: {  	[tilespmem:v18+s9+$0x0] =	vst.idx.msk vm1, v7  }
0x61d: {  	v2 =	vor.u32 v24, v2;
	[tilespmem:v12+s9+$0x0] =	vst.idx.msk vm5, v33  }
0x61e: {  	[tilespmem:v21+s9+$0x0] =	vst.idx.msk vm3, v15;
	v18 =	vld [tilespmem:s16+$0xFFFFFFA0]  }
0x61f: {  	v12 =	vbroadcast v28, $0x0;
	v16 =	vadd.s32 v16, v30;
	v11 =	vor.u32 $0x60, v11;
	[tilespmem:v29+s9+$0x0] =	vst.idx.msk vm6, v34;
	v29 =	vld [tilespmem:s16+$0xFFFFFFB0]  }
0x620: {  	[tilespmem:s16+$0x70] =	vst v0;
	v30 =	vld [tilespmem:s16+$0xFFFFFF90];
	v11 =	vbroadcast v11, $0x0;
	_, v23, vm4 =	vpop (xrf1)  }
0x621: {  	v28 =	vor.u32 $0x40, v40;
	[tilespmem:v39+s9+$0x0] =	vst.idx.msk vm8, v36;
	v15 =	vld [tilespmem:s16+$0xFFFFFF80];
	v4 =	vadd.s32 v4, v16;
	v12 =	vor.u32 v12, v13;
	_, v7, vm1 =	vpop (xrf1)  }
0x622: {  	v13 =	vbroadcast v28, $0x0;
	v21 =	vld [tilespmem:s16+$0x0];
	v9 =	vor.u32 v11, v9;
	[tilespmem:v2+s9+$0x0] =	vst.idx.msk vm2, v10;
	v2 =	vadd.s32 v5, v4;
	_, v24, vm14 =	vpop (xrf1)  }
0x623: {  	v27 =	vor.u32 v37, v32;
	[tilespmem:s16+$0x60] =	vst v0;
	v11 =	vld [tilespmem:s16+$0x10];
	v2 =	vadd.s32 v22, v2;
	_, v16, vm15 =	vpop (xrf1)  }
0x624: {  	[tilespmem:s16+$0x50] =	vst v0;
	v5 =	vor.u32 v13, v20;
	v13 =	vld [tilespmem:s16+$0xFFFFFFC0];
	v2 =	vadd.s32 v14, v2  }
0x625: {  	[tilespmem:v17+s9+$0x0] =	vst.idx.msk vm0, v6;
	v4 =	vld [tilespmem:s16+$0xFFFFFFE0];
	v2 =	vadd.s32 v26, v2  }
0x626: {  	v2 =	vadd.s32 v8, v2;
	v8 =	vld [tilespmem:s16+$0xFFFFFFF0];
	[tilespmem:v12+s9+$0x0] =	vst.idx.msk vm4, v23  }
0x627: {  	v6 =	vld [tilespmem:s16+$0x50];
	[tilespmem:v9+s9+$0x0] =	vst.idx.msk vm1, v7  }
0x628: {  	v2 =	vadd.s32 v2, v15;
	v9 =	vld [tilespmem:s16+$0x60];
	[tilespmem:v27+s9+$0x0] =	vst.idx.msk vm14, v24  }
0x629: {  	v2 =	vadd.s32 v30, v2;
	v14 =	vld [tilespmem:s16+$0x70];
	[tilespmem:v5+s9+$0x0] =	vst.idx.msk vm15, v16  }
0x62a: {  	s31 =	simm.s32 $0x80;
	v2 =	vadd.s32 v18, v2;
	v7 =	vld [tilespmem:s16+$0x40]  }
0x62b: {  	s15 =	simm.s32 $0x10080;
	v2 =	vadd.s32 v29, v2;
	v10 =	vld [tilespmem:s31+$0xFFFFFFD0]  }
0x62c: {  	v2 =	vadd.s32 v13, v2;
	v23 =	vld [tilespmem:s15+$0xFFFFFFC0]  }
0x62d: {  	v2 =	vadd.s32 v3, v2;
	v24 =	vld [tilespmem:s15+$0xFFFFFFB0]  }
0x62e: {  	v2 =	vadd.s32 v4, v2;
	v27 =	vld [tilespmem:s15+$0xFFFFFFA0]  }
0x62f: {  	v2 =	vadd.s32 v8, v2;
	v26 =	vld [tilespmem:s15+$0xFFFFFF90]  }
0x630: {  	v2 =	vadd.s32 v21, v2;
	v5 =	vld [tilespmem:s31+$0xFFFFFF80]  }
0x631: {  	v2 =	vadd.s32 v11, v2;
	v3 =	vld [tilespmem:s31+$0x30]  }
0x632: {  	v2 =	vadd.s32 v25, v2;
	v8 =	vld [tilespmem:s31+$0x40]  }
0x633: {  	v15 =	vld [tilespmem:s31+$0xFFFFFFE0];
	v4 =	vadd.s32 v19, v2  }
0x634: {  	v17 =	vld [tilespmem:s31+$0x0];
	v4 =	vadd.s32 v7, v4  }
0x635: {  	v6 =	vadd.s32 v6, v4;
	v4 =	vld [tilespmem:s31+$0xFFFFFFC0]  }
0x636: {  	v13 =	vld [tilespmem:s31+$0xFFFFFFA0];
	v7 =	vadd.s32 v9, v6  }
0x637: {  	v12 =	vld [tilespmem:s31+$0xFFFFFFB0];
	v16 =	vadd.s32 v14, v7  }
0x638: {  	v25 =	vld [tilespmem:s15+$0xFFFFFF80];
	(xrf0) =	vadd.scan.msk.s32 $0xffff, v16  }
0x639: {  	v6 =	vld [tilespmem:s31+$0xFFFFFFF0];
	v9 =	vshrl.u32 v10, $0x18  }
0x63a: {  	v7 =	vld [tilespmem:s31+$0x10];
	v29 =	vand.u32 $0xF, v9;
	v11 =	vshrl.u32 v4, $0x18  }
0x63b: {  	v34 =	vld [tilespmem:s15+$0xFFFFFFE0];
	(xrf1) =	vunique.msk.u32 $0xffff, v29;
	v21 =	vand.u32 $0xF, v11  }
0x63c: {  	v37 =	vld [tilespmem:s15+$0xFFFFFFF0];
	(xrf1) =	vunique.msk.u32 $0xffff, v21  }
0x63d: {  	v38 =	vld [tilespmem:s15+$0x0];
	v18 =	vshrl.u32 v13, $0x18  }
0x63e: {  	v2 =	vld [tilespmem:s31+$0x70];
	v48 =	vand.u32 $0xF, v18;
	v20 =	vxor.u32 $0xFFFFFFFF, v16;
	v22 =	vshrl.u32 v6, $0x18;
	v19, _, _ =	vpop (xrf0)  }
0x63f: {  	v9 =	vld [tilespmem:s31+$0x20];
	v18 =	vand.u32 $0xF, v22;
	(xrf1) =	vunique.msk.u32 $0xffff, v48;
	v20 =	vadd.s32 v20, v19;
	v19 =	vshrl.u32 v7, $0x18  }
0x640: {  	v28 =	vshrl.u32 v8, $0x18;
	v14 =	vld [tilespmem:s31+$0x60];
	v22 =	vshrl.u32 v15, $0x18;
	(xrf1) =	vunique.msk.u32 $0xffff, v18;
	v19 =	vand.u32 $0xF, v19  }
0x641: {  	v30 =	vshrl.u32 v3, $0x18;
	v61 =	vshrl.u32 v17, $0x18;
	v11 =	vld [tilespmem:s31+$0x50];
	v36 =	vand.u32 $0xF, v22;
	(xrf1) =	vunique.msk.u32 $0xffff, v19  }
0x642: {  	v62 =	vshrl.u32 v5, $0x18;
	v63 =	vshrl.u32 v12, $0x18;
	v16 =	vld [tilespmem:s31+$0xFFFFFF90];
	v22 =	vand.u32 $0xF, v30;
	(xrf1) =	vunique.msk.u32 $0xffff, v36  }
0x643: {  	v39 =	vld [tilespmem:s15+$0x10];
	v31 =	vshrl.u32 v2, $0x18;
	v41 =	vand.u32 $0xF, v61;
	v25 =	vadd.s32 v20, v25;
	(xrf1) =	vunique.msk.u32 $0xffff, v22  }
0x644: {  	v51 =	vld [tilespmem:s15+$0xFFFFFFD0];
	v33 =	vand.u32 $0xF, v28;
	v30 =	vshrl.u32 v9, $0x18;
	v50 =	vadd.s32 v25, v26;
	(xrf1) =	vunique.msk.u32 $0xffff, v41  }
0x645: {  	v47 =	vld [tilespmem:s15+$0x30];
	v40 =	vand.u32 $0xF, v30;
	v26 =	vand.u32 $0xF, v31;
	v31 =	vadd.s32 v50, v27;
	(xrf1) =	vunique.msk.u32 $0xffff, v33  }
0x646: {  	v44 =	vand.u32 $0xF, v62;
	v28 =	vld [tilespmem:s15+$0x60];
	v42 =	vshrl.u32 v11, $0x18;
	v24 =	vadd.s32 v31, v24;
	(xrf1) =	vunique.msk.u32 $0xffff, v40  }
0x647: {  	v43 =	vshrl.u32 v14, $0x18;
	v45 =	vshrl.u32 v16, $0x18;
	v30 =	vld [tilespmem:s15+$0x70];
	v32 =	vand.u32 $0xF, v42;
	(xrf1) =	vunique.msk.u32 $0xffff, v44  }
0x648: {  	v35 =	vand.u32 $0xF, v63;
	v43 =	vand.u32 $0xF, v43;
	v49 =	vand.u32 $0xF, v45;
	v45 =	vld [tilespmem:s15+$0x40];
	(xrf1) =	vunique.msk.u32 $0xffff, v32  }
0x649: {  	v42 =	vld [tilespmem:s15+$0x50];
	v25 =	vperm.xlane v25, v49;
	v50 =	vperm.xlane v50, v48;
	v23 =	vadd.s32 v24, v23;
	_, v46, _ =	vpop (xrf1);
	(xrf1) =	vunique.msk.u32 $0xffff, v43  }
0x64a: {  	s17 =	simm.s32 $0x0;
	s18 =	simm.s32 $0x180;
	s19 =	simm.s32 $0x10080;
	v48 =	vld [tilespmem:s15+$0x20];
	v21 =	vperm.xlane v24, v21;
	v27 =	vperm.xlane v23, v29;
	v29 =	vadd.s32 v23, v51;
	_, v24, _ =	vpop (xrf1);
	(xrf1) =	vunique.msk.u32 $0xffff, v26  }
.LBB2_29:
0x64b: {  	v51 =	vld [tilespmem:s18+$0xFFFFFFD0];
	s17 =	sadd.s32 $0x10, s17;
	v52 =	vperm.xlane v31, v35;
	s19 =	sadd.s32 $0x100, s19;
	(xrf1) =	vunique.msk.u32 $0xffff, v35  }
0x64c: {  	v23 =	vld [tilespmem:s19+$0xFFFFFFC0];
	p0 =	slt.u32 s17, $0x7F0;
	v46 =	vadd.s32 v27, v46;
	(xrf1) =	vunique.msk.u32 $0xffff, v49  }
0x64d: {  	v27 =	vld [tilespmem:s19+$0xFFFFFFB0];
	_, v35, _ =	vpop (xrf1)  }
0x64e: {  	v36 =	vperm.xlane v29, v36;
	v29 =	vadd.s32 v29, v34;
	v31 =	vld [tilespmem:s19+$0xFFFFFFA0];
	v49 =	vadd.s32 v50, v35;
	_, v34, _ =	vpop (xrf1)  }
0x64f: {  	v20 =	vperm.xlane v20, v44;
	v44 =	vperm.xlane v29, v18;
	v56 =	vadd.s32 v29, v37;
	v35 =	vld [tilespmem:s19+$0xFFFFFF90];
	_, v37, _ =	vpop (xrf1)  }
0x650: {  	v55 =	vperm.xlane v56, v41;
	v54 =	vadd.s32 v56, v38;
	v50 =	vld [tilespmem:s18+$0xFFFFFF80];
	v29 =	vshrl.u32 v51, $0x18;
	_, v38, _ =	vpop (xrf1)  }
0x651: {  	v19 =	vperm.xlane v54, v19;
	v29 =	vand.u32 $0xF, v29;
	v53 =	vld [tilespmem:s18+$0x30];
	[tilespmem:v46+s10+$0x0] =	vst.idx.msk $0xffff, v10;
	v10 =	vadd.s32 v54, v39;
	_, v18, _ =	vpop (xrf1)  }
0x652: {  	v36 =	vadd.s32 v36, v38;
	v39 =	vld [tilespmem:s18+$0x40];
	(xrf1) =	vunique.msk.u32 $0xffff, v29;
	v38 =	vperm.xlane v10, v40;
	v54 =	vadd.s32 v10, v48;
	_, v40, _ =	vpop (xrf1)  }
0x653: {  	v48 =	vld [tilespmem:s18+$0x70];
	v40 =	vadd.s32 v55, v40;
	v22 =	vperm.xlane v54, v22;
	v47 =	vadd.s32 v54, v47;
	_, v41, _ =	vpop (xrf1)  }
0x654: {  	v46 =	vld [tilespmem:s18+$0xFFFFFFE0];
	[tilespmem:v49+s10+$0x0] =	vst.idx.msk $0xffff, v13;
	v13 =	vperm.xlane v47, v33;
	v54 =	vadd.s32 v47, v45;
	_, v45, _ =	vpop (xrf1);
	v10 =	vmov v51  }
0x655: {  	v47 =	vld [tilespmem:s18+$0xFFFFFFC0];
	v38 =	vadd.s32 v38, v45;
	v32 =	vperm.xlane v54, v32;
	v49 =	vadd.s32 v54, v42;
	_, v42, _ =	vpop (xrf1)  }
0x656: {  	v45 =	vld [tilespmem:s18+$0xFFFFFFF0];
	v41 =	vadd.s32 v13, v41;
	v43 =	vperm.xlane v49, v43;
	v28 =	vadd.s32 v49, v28;
	_, v33, _ =	vpop (xrf1)  }
0x657: {  	v42 =	vadd.s32 v20, v42;
	v49 =	vld [tilespmem:s18+$0x0];
	v51 =	vshrl.u32 v39, $0x18;
	[tilespmem:v36+s10+$0x0] =	vst.idx.msk $0xffff, v15;
	v36 =	vperm.xlane v28, v26;
	_, v20, _ =	vpop (xrf1)  }
0x658: {  	v26 =	vshrl.u32 v53, $0x18;
	v13 =	vld [tilespmem:s18+$0xFFFFFFA0];
	v54 =	vshrl.u32 v48, $0x18;
	[tilespmem:v40+s10+$0x0] =	vst.idx.msk $0xffff, v17;
	v17 =	vadd.s32 v43, v20;
	_, v20, _ =	vpop (xrf1)  }
0x659: {  	v22 =	vadd.s32 v22, v18;
	v32 =	vadd.s32 v32, v33;
	v55 =	vld [tilespmem:s18+$0x10];
	v33 =	vadd.s32 v36, v20;
	_, v15, _ =	vpop (xrf1)  }
0x65a: {  	v20 =	vadd.s32 v28, v30;
	v18 =	vshrl.u32 v47, $0x18;
	v36 =	vadd.s32 v52, v15;
	[tilespmem:v38+s10+$0x0] =	vst.idx.msk $0xffff, v9;
	v9 =	vld [tilespmem:s18+$0x20];
	_, v15, _ =	vpop (xrf1)  }
0x65b: {  	v52 =	vand.u32 $0xF, v18;
	v18 =	vshrl.u32 v45, $0x18;
	v28 =	vld [tilespmem:s18+$0x60];
	v25 =	vadd.s32 v25, v15;
	[tilespmem:v41+s10+$0x0] =	vst.idx.msk $0xffff, v8;
	v8 =	vmovc v39  }
0x65c: {  	v39 =	vadd.s32 v44, v34;
	v30 =	vld [tilespmem:s18+$0xFFFFFFB0];
	v18 =	vand.u32 $0xF, v18;
	(xrf1) =	vunique.msk.u32 $0xffff, v52;
	[tilespmem:v42+s10+$0x0] =	vst.idx.msk $0xffff, v5;
	v5 =	vmovc v50  }
0x65d: {  	v15 =	vmovc v46;
	v40 =	vshrl.u32 v49, $0x18;
	v50 =	vadd.s32 v19, v37;
	v34 =	vshrl.u32 v13, $0x18;
	v42 =	vld [tilespmem:s18+$0x50];
	[tilespmem:v17+s10+$0x0] =	vst.idx.msk $0xffff, v14  }
0x65e: {  	v21 =	vadd.s32 v21, v24;
	v43 =	vld [tilespmem:s18+$0xFFFFFF90];
	v56 =	vand.u32 $0xF, v34;
	v14 =	vshrl.u32 v55, $0x18;
	[tilespmem:v22+s10+$0x0] =	vst.idx.msk $0xffff, v3;
	v3 =	vmovc v53  }
0x65f: {  	v17 =	vmovc v49;
	v22 =	vshrl.u32 v15, $0x18;
	v24 =	vld [tilespmem:s19+$0xFFFFFF80];
	v19 =	vand.u32 $0xF, v14;
	(xrf1) =	vunique.msk.u32 $0xffff, v56;
	[tilespmem:v36+s10+$0x0] =	vst.idx.msk $0xffff, v12  }
0x660: {  	v44 =	vshrl.u32 v5, $0x18;
	v34 =	vld [tilespmem:s19+$0xFFFFFFE0];
	v53 =	vshrl.u32 v28, $0x18;
	_, v46, _ =	vpop (xrf1);
	(xrf1) =	vunique.msk.u32 $0xffff, v18;
	[tilespmem:v25+s10+$0x0] =	vst.idx.msk $0xffff, v16  }
0x661: {  	v36 =	vand.u32 $0xF, v22;
	v12 =	vshrl.u32 v9, $0x18;
	v37 =	vld [tilespmem:s19+$0xFFFFFFF0];
	(xrf1) =	vunique.msk.u32 $0xffff, v19;
	[tilespmem:v33+s10+$0x0] =	vst.idx.msk $0xffff, v2;
	v2 =	vmovc v48  }
0x662: {  	v22 =	vand.u32 $0xF, v26;
	v16 =	vshrl.u32 v30, $0x18;
	v38 =	vld [tilespmem:s19+$0x0];
	(xrf1) =	vunique.msk.u32 $0xffff, v36;
	[tilespmem:v39+s10+$0x0] =	vst.idx.msk $0xffff, v6;
	v6 =	vmovc v45  }
0x663: {  	v41 =	vand.u32 $0xF, v40;
	v14 =	vmovc v28;
	v25 =	vshrl.u32 v43, $0x18;
	v39 =	vld [tilespmem:s19+$0x10];
	(xrf1) =	vunique.msk.u32 $0xffff, v22;
	[tilespmem:v32+s10+$0x0] =	vst.idx.msk $0xffff, v11  }
0x664: {  	v40 =	vand.u32 $0xF, v12;
	v33 =	vand.u32 $0xF, v51;
	v12 =	vmovc v30;
	v24 =	vadd.s32 v20, v24;
	v48 =	vld [tilespmem:s19+$0xFFFFFFD0];
	(xrf1) =	vunique.msk.u32 $0xffff, v41  }
0x665: {  	v44 =	vand.u32 $0xF, v44;
	v32 =	vshrl.u32 v42, $0x18;
	v30 =	vld [tilespmem:s19+$0x70];
	(xrf1) =	vunique.msk.u32 $0xffff, v33;
	[tilespmem:v21+s10+$0x0] =	vst.idx.msk $0xffff, v4;
	v4 =	vmovc v47  }
.Ltmp13:
0x666: {  	v26 =	vand.u32 $0xF, v54;
	v11 =	vmovc v42;
	v51 =	vadd.s32 v24, v35;
	v35 =	vand.u32 $0xF, v16;
	v28 =	vld [tilespmem:s19+$0x60];
	(xrf1) =	vunique.msk.u32 $0xffff, v40;
	(pc) =	sbr.rel @p0 .LBB2_29-.Ltmp13, $4  }
0x667: {  	v49 =	vand.u32 $0xF, v25;
	v32 =	vand.u32 $0xF, v32;
	v16 =	vmovc v43;
	v31 =	vadd.s32 v51, v31;
	v42 =	vld [tilespmem:s19+$0x50];
	(xrf1) =	vunique.msk.u32 $0xffff, v44  }
0x668: {  	v43 =	vand.u32 $0xF, v53;
	v27 =	vadd.s32 v31, v27;
	v45 =	vld [tilespmem:s19+$0x40];
	(xrf1) =	vunique.msk.u32 $0xffff, v32;
	[tilespmem:v50+s10+$0x0] =	vst.idx.msk $0xffff, v7;
	v7 =	vmovc v55  }
0x669: {  	v25 =	vperm.xlane v24, v49;
	v21 =	vperm.xlane v27, v52;
	v23 =	vadd.s32 v27, v23;
	v47 =	vld [tilespmem:s19+$0x30];
	(xrf1) =	vunique.msk.u32 $0xffff, v43  }
0x66a: {  	s16 =	simm.s32 $0x8080;
	s18 =	sadd.s32 $0x100, s18;
	v50 =	vperm.xlane v51, v56;
	v27 =	vperm.xlane v23, v29;
	v29 =	vadd.s32 v23, v48;
	v48 =	vld [tilespmem:s19+$0x20];
	_, v24, _ =	vpop (xrf1);
	(xrf1) =	vunique.msk.u32 $0xffff, v26  }
0x66b: {  	(xrf1) =	vunique.msk.u32 $0xffff, v35  }
0x66c: {  	(xrf1) =	vunique.msk.u32 $0xffff, v49  }
0x66d: {  	_, v23, _ =	vpop (xrf1)  }
0x66e: {  	v30 =	vadd.s32 v29, v34;
	_, v58, _ =	vpop (xrf1)  }
0x66f: {  	v37 =	vadd.s32 v30, v37;
	_, v59, _ =	vpop (xrf1)  }
0x670: {  	v29 =	vperm.xlane v29, v36;
	v20 =	vperm.xlane v20, v44;
	v38 =	vadd.s32 v37, v38;
	_, v51, _ =	vpop (xrf1)  }
0x671: {  	v27 =	vadd.s32 v27, v46;
	v37 =	vperm.xlane v37, v41;
	v60 =	vadd.s32 v38, v39;
	_, v61, _ =	vpop (xrf1)  }
0x672: {  	v23 =	vadd.s32 v50, v23;
	v62 =	vadd.s32 v60, v48;
	v36 =	vperm.xlane v60, v40;
	_, v63, _ =	vpop (xrf1)  }
0x673: {  	v48 =	vadd.s32 v62, v47;
	v22 =	vperm.xlane v62, v22;
	v29 =	vadd.s32 v29, v51;
	_, v50, _ =	vpop (xrf1)  }
0x674: {  	v33 =	vperm.xlane v48, v33;
	v40 =	vadd.s32 v48, v45;
	v37 =	vadd.s32 v37, v63;
	_, v51, _ =	vpop (xrf1)  }
0x675: {  	v42 =	vadd.s32 v40, v42;
	v36 =	vadd.s32 v36, v51;
	_, v52, _ =	vpop (xrf1)  }
0x676: {  	[tilespmem:v27+s10+$0x0] =	vst.idx.msk $0xffff, v10;
	v27 =	vperm.xlane v42, v43;
	v10 =	vadd.s32 v33, v50;
	_, v53, _ =	vpop (xrf1)  }
0x677: {  	[tilespmem:v23+s10+$0x0] =	vst.idx.msk $0xffff, v13;
	v13 =	vadd.s32 v20, v52;
	_, v20, _ =	vpop (xrf1)  }
0x678: {  	v23 =	vperm.xlane v31, v35;
	[tilespmem:v29+s10+$0x0] =	vst.idx.msk $0xffff, v15;
	v15 =	vadd.s32 v27, v20;
	_, v20, _ =	vpop (xrf1)  }
0x679: {  	v27 =	vadd.s32 v42, v28;
	[tilespmem:v37+s10+$0x0] =	vst.idx.msk $0xffff, v17;
	v17 =	vadd.s32 v22, v61;
	_, v22, _ =	vpop (xrf1)  }
0x67a: {  	v26 =	vperm.xlane v27, v26;
	v22 =	vadd.s32 v23, v22;
	[tilespmem:v36+s10+$0x0] =	vst.idx.msk $0xffff, v9;
	_, v9, _ =	vpop (xrf1)  }
0x67b: {  	v18 =	vperm.xlane v30, v18;
	[tilespmem:v10+s10+$0x0] =	vst.idx.msk $0xffff, v8;
	v9 =	vadd.s32 v25, v9  }
0x67c: {  	v8 =	vperm.xlane v40, v32;
	v10 =	vadd.s32 v26, v20;
	[tilespmem:v13+s10+$0x0] =	vst.idx.msk $0xffff, v5  }
0x67d: {  	v5 =	vadd.s32 v18, v58;
	[tilespmem:v15+s10+$0x0] =	vst.idx.msk $0xffff, v14  }
0x67e: {  	v13 =	vperm.xlane v38, v19;
	v8 =	vadd.s32 v8, v53;
	[tilespmem:v17+s10+$0x0] =	vst.idx.msk $0xffff, v3  }
0x67f: {  	v3 =	vadd.s32 v21, v24;
	[tilespmem:v22+s10+$0x0] =	vst.idx.msk $0xffff, v12  }
0x680: {  	v12 =	vadd.s32 v13, v59;
	[tilespmem:v9+s10+$0x0] =	vst.idx.msk $0xffff, v16  }
0x681: {  	[tilespmem:v10+s10+$0x0] =	vst.idx.msk $0xffff, v2  }
0x682: {  	[tilespmem:v5+s10+$0x0] =	vst.idx.msk $0xffff, v6  }
0x683: {  	[tilespmem:v8+s10+$0x0] =	vst.idx.msk $0xffff, v11  }
0x684: {  	[tilespmem:v3+s10+$0x0] =	vst.idx.msk $0xffff, v4  }
0x685: {  	[tilespmem:v12+s10+$0x0] =	vst.idx.msk $0xffff, v7  }
0x686: {  	v3 =	vld [tilespmem:s16+$0xFFFFFFC0]  }
0x687: {  	s25 =	simm.s32 $0xC0  }
0x688: {  	s26 =	simm.s32 $0xD0;
	v28 =	vmov s25;
	v9 =	vld [tilespmem:s16+$0xFFFFFFB0]  }
0x689: {  	s24 =	simm.s32 $0xF0;
	v29 =	vmov s26;
	v28 =	vshrl.u32 v28, $0x7;
	v11 =	vld [tilespmem:s16+$0xFFFFFFA0]  }
0x68a: {  	s31 =	simm.s32 $0x70;
	v29 =	vshrl.u32 v29, $0x7;
	v27 =	vmov s24;
	v28 =	vshll.u32 v28, v1  }
0x68b: {  	s30 =	simm.s32 $0xE0;
	v27 =	vshrl.u32 v27, $0x7;
	v14 =	vmov s31;
	v10 =	vshrl.u32 v3, $0x1C  }
0x68c: {  	s23 =	simm.s32 $0xB0;
	v27 =	vshll.u32 v27, v1;
	v14 =	vshrl.u32 v14, $0x7;
	v13 =	vmov s30;
	v12 =	vld [tilespmem:s16+$0xFFFFFFD0];
	(xrf1) =	vunique.msk.u32 $0xffff, v10  }
0x68d: {  	s19 =	simm.s32 $0x80;
	v22 =	vmov s23;
	v14 =	vshll.u32 v14, v1;
	v9 =	vshrl.u32 v9, $0x1C  }
0x68e: {  	s17 =	simm.s32 $0x0;
	s28 =	simm.s32 $0x50;
	v2 =	vimm.s32 $0x0;
	v5 =	vmov s19;
	v11 =	vshrl.u32 v11, $0x1C;
	(xrf1) =	vunique.msk.u32 $0xffff, v9  }
0x68f: {  	s29 =	simm.s32 $0x20;
	v6 =	vmov s17;
	v8 =	vmov s28;
	v14 =	vor.u32 $0x70, v14;
	v15 =	vld [tilespmem:s16+$0xFFFFFFE0];
	(xrf1) =	vunique.msk.u32 $0xffff, v11  }
0x690: {  	v22 =	vshrl.u32 v22, $0x7;
	v8 =	vshrl.u32 v8, $0x7;
	v17 =	vld [tilespmem:s16+$0x20];
	v3 =	vmov s29  }
0x691: {  	v8 =	vshll.u32 v8, v1;
	v19 =	vld [tilespmem:s16+$0xFFFFFFF0];
	v12 =	vshrl.u32 v12, $0x1C;
	v16 =	vshrl.u32 v3, $0x7  }
0x692: {  	s18 =	simm.s32 $0x40;
	v8 =	vor.u32 $0x50, v8;
	v3 =	vshrl.u32 v13, $0x7;
	v13 =	vld [tilespmem:s16+$0xFFFFFF80];
	v16 =	vshll.u32 v16, v1;
	(xrf1) =	vunique.msk.u32 $0xffff, v12  }
0x693: {  	v4 =	vmov s18;
	v8 =	vbroadcast v8, $0x0;
	v21 =	vld [tilespmem:s16+$0x0];
	v16 =	vor.u32 $0x20, v16  }
0x694: {  	v6 =	vshrl.u32 v6, $0x7;
	v4 =	vshrl.u32 v4, $0x7;
	v16 =	vbroadcast v16, $0x0  }
0x695: {  	v4 =	vshll.u32 v4, v1;
	v15 =	vshrl.u32 v15, $0x1C;
	v8 =	vor.u32 v8, v12  }
0x696: {  	s19 =	simm.s32 $0x90;
	v12 =	vshrl.u32 v17, $0x1C;
	v17 =	vld [tilespmem:s16+$0x50];
	(xrf1) =	vunique.msk.u32 $0xffff, v15;
	v11 =	vor.u32 v16, v11;
	v16 =	vshrl.u32 v19, $0x1C  }
0x697: {  	v18 =	vmov s19;
	v4 =	vor.u32 $0x40, v4;
	v13 =	vshrl.u32 v13, $0x1C;
	(xrf1) =	vunique.msk.u32 $0xffff, v16  }
0x698: {  	v5 =	vshrl.u32 v5, $0x7;
	v23 =	vld [tilespmem:s16+$0xFFFFFF90];
	v4 =	vbroadcast v4, $0x0;
	v21 =	vshrl.u32 v21, $0x1C;
	(xrf1) =	vunique.msk.u32 $0xffff, v13  }
0x699: {  	s21 =	simm.s32 $0x30;
	v18 =	vshrl.u32 v18, $0x7;
	v6 =	vshll.u32 v6, v1;
	v5 =	vshll.u32 v5, v1;
	(xrf1) =	vunique.msk.u32 $0xffff, v21  }
0x69a: {  	s20 =	simm.s32 $0x10;
	v18 =	vshll.u32 v18, v1;
	v24 =	vld [tilespmem:s16+$0x40];
	[tilespmem:s15+$0x40] =	vst v0;
	v4 =	vor.u32 v4, v10;
	v10 =	vmov s21;
	_, v25, vm1 =	vpop (xrf1)  }
0x69b: {  	s22 =	simm.s32 $0x60;
	v7 =	vmov s20;
	v26 =	vld [tilespmem:s16+$0x70];
	[tilespmem:s15+$0x70] =	vst v0;
	v10 =	vshrl.u32 v10, $0x7;
	v17 =	vshrl.u32 v17, $0x1C  }
0x69c: {  	[tilespmem:s15+$0xFFFFFF90] =	vst v0;
	v10 =	vshll.u32 v10, v1;
	v19 =	vmov s22;
	(xrf1) =	vunique.msk.u32 $0xffff, v17;
	_, v31, vm0 =	vpop (xrf1)  }
0x69d: {  	v23 =	vshrl.u32 v23, $0x1C;
	v10 =	vor.u32 $0x30, v10;
	v19 =	vshrl.u32 v19, $0x7;
	(xrf1) =	vunique.msk.u32 $0xffff, v12;
	_, v54, vm2 =	vpop (xrf1)  }
0x69e: {  	s20 =	simm.s32 $0xA0;
	v30 =	vld [tilespmem:s16+$0x10];
	[tilespmem:s15+$0xFFFFFFC0] =	vst v0;
	v10 =	vbroadcast v10, $0x0;
	v19 =	vshll.u32 v19, v1;
	(xrf1) =	vunique.msk.u32 $0xffff, v23  }
0x69f: {  	v6 =	vbroadcast v6, $0x0;
	v20 =	vmov s20;
	[tilespmem:s15+$0xFFFFFFA0] =	vst v0;
	v19 =	vor.u32 $0x60, v19  }
0x6a0: {  	v26 =	vshrl.u32 v26, $0x1C;
	v9 =	vor.u32 v10, v9;
	v10 =	vbroadcast v19, $0x0;
	[tilespmem:v4+s9+$0x0] =	vst.idx.msk vm1, v25;
	_, v4, vm3 =	vpop (xrf1)  }
0x6a1: {  	v7 =	vshrl.u32 v7, $0x7;
	[tilespmem:s15+$0xFFFFFFD0] =	vst v0;
	v20 =	vshrl.u32 v20, $0x7;
	(xrf1) =	vunique.msk.u32 $0xffff, v26  }
0x6a2: {  	[tilespmem:s15+$0xFFFFFFB0] =	vst v0;
	v24 =	vshrl.u32 v24, $0x1C;
	v10 =	vor.u32 v10, v15;
	v15 =	vshll.u32 v20, v1  }
0x6a3: {  	s17 =	simm.s32 $0x8180;
	v19 =	vshrl.u32 v30, $0x1C;
	(xrf1) =	vunique.msk.u32 $0xffff, v24;
	[tilespmem:v11+s9+$0x0] =	vst.idx.msk vm2, v54;
	v11 =	vor.u32 $0x20, v15  }
0x6a4: {  	[tilespmem:s15+$0xFFFFFFE0] =	vst v0;
	v56 =	vld [tilespmem:s17+$0x10];
	v25 =	vor.u32 $0x40, v28;
	v28 =	vshll.u32 v29, v1;
	_, v29, vm4 =	vpop (xrf1);
	(xrf1) =	vunique.msk.u32 $0xffff, v19  }
0x6a5: {  	v18 =	vor.u32 $0x10, v18;
	[tilespmem:s15+$0x0] =	vst v0;
	v7 =	vshll.u32 v7, v1;
	v6 =	vor.u32 v6, v13;
	_, v13, vm1 =	vpop (xrf1)  }
0x6a6: {  	v18 =	vbroadcast v18, $0x0;
	v7 =	vor.u32 $0x10, v7;
	v30 =	vld [tilespmem:s16+$0x60];
	_, v15, vm2 =	vpop (xrf1);
	[tilespmem:v8+s9+$0x0] =	vst.idx.msk vm3, v4;
	v4 =	vbroadcast v5, $0x0  }
0x6a7: {  	[tilespmem:s15+$0xFFFFFFF0] =	vst v0;
	v7 =	vbroadcast v7, $0x0;
	v3 =	vshll.u32 v3, v1;
	v5 =	vbroadcast v11, $0x0;
	_, v11, vm5 =	vpop (xrf1)  }
0x6a8: {  	v3 =	vor.u32 $0x60, v3;
	[tilespmem:v9+s9+$0x0] =	vst.idx.msk vm0, v31;
	v9 =	vbroadcast v14, $0x0;
	v4 =	vor.u32 v4, v21  }
0x6a9: {  	[tilespmem:s15+$0x20] =	vst v0;
	v33 =	vshrl.u32 v56, $0x1C;
	v3 =	vbroadcast v3, $0x0;
	v28 =	vor.u32 $0x50, v28  }
0x6aa: {  	v14 =	vor.u32 v18, v19;
	v9 =	vor.u32 v9, v16;
	v8 =	vor.u32 $0x70, v27;
	v27 =	vld [tilespmem:s16+$0x30];
	[tilespmem:v10+s9+$0x0] =	vst.idx.msk vm4, v29;
	_, v10, vm0 =	vpop (xrf1)  }
0x6ab: {  	[tilespmem:s15+$0xFFFFFF80] =	vst v0;
	v18 =	vshll.u32 v22, v1;
	v19 =	vshrl.u32 v30, $0x1C;
	v20 =	vbroadcast v28, $0x0;
	_, v16, vm4 =	vpop (xrf1)  }
0x6ac: {  	s29 =	simm.s32 $0x100;
	v18 =	vor.u32 $0x30, v18;
	(xrf1) =	vunique.msk.u32 $0xffff, v19;
	v5 =	vor.u32 v5, v12;
	[tilespmem:v6+s9+$0x0] =	vst.idx.msk vm2, v15;
	_, v6, vm3 =	vpop (xrf1)  }
0x6ad: {  	v17 =	vor.u32 v20, v17;
	v20 =	vmov s29;
	[tilespmem:v4+s9+$0x0] =	vst.idx.msk vm5, v11;
	v4 =	vor.u32 v7, v23;
	v11 =	vld [tilespmem:s17+$0xFFFFFFC0]  }
0x6ae: {  	[tilespmem:s15+$0x50] =	vst v0;
	v3 =	vor.u32 v3, v19;
	v20 =	vshrl.u32 v20, $0x7;
	v8 =	vbroadcast v8, $0x0  }
0x6af: {  	s28 =	simm.s32 $0x140;
	v20 =	vshll.u32 v20, v1;
	v12 =	vbroadcast v18, $0x0;
	[tilespmem:v9+s9+$0x0] =	vst.idx.msk vm1, v13;
	v18 =	vshrl.u32 v27, $0x1C;
	_, v7, vm2 =	vpop (xrf1)  }
0x6b0: {  	s23 =	simm.s32 $0x190;
	v9 =	vmov s28;
	v8 =	vor.u32 v8, v26;
	v15 =	vbroadcast v25, $0x0;
	(xrf1) =	vunique.msk.u32 $0xffff, v18  }
0x6b1: {  	v20 =	vbroadcast v20, $0x0;
	v9 =	vshrl.u32 v9, $0x7;
	v25 =	vmov s23;
	v13 =	vld [tilespmem:s15+$0xFFFFFF80];
	_, v21, vm1 =	vpop (xrf1);
	[tilespmem:v5+s9+$0x0] =	vst.idx.msk vm4, v16  }
0x6b2: {  	s20 =	simm.s32 $0x120;
	v9 =	vshll.u32 v9, v1;
	v15 =	vor.u32 v15, v24;
	v23 =	vld [tilespmem:s17+$0xFFFFFFE0];
	_, v19, vm4 =	vpop (xrf1);
	[tilespmem:v4+s9+$0x0] =	vst.idx.msk vm3, v6;
	v6 =	vshrl.u32 v11, $0x1C  }
0x6b3: {  	s30 =	simm.s32 $0x180;
	s19 =	simm.s32 $0x150;
	v24 =	vmov s20;
	v9 =	vor.u32 $0x40, v9;
	v12 =	vor.u32 v12, v18;
	v4 =	vld [tilespmem:s17+$0xFFFFFFD0];
	(xrf1) =	vunique.msk.u32 $0xffff, v6  }
0x6b4: {  	s31 =	simm.s32 $0x110;
	s22 =	simm.s32 $0x170;
	v18 =	vmov s30;
	v9 =	vbroadcast v9, $0x0;
	[tilespmem:v17+s9+$0x0] =	vst.idx.msk vm0, v10;
	v16 =	vmov s19;
	v10 =	vld [tilespmem:s15+$0xFFFFFF90]  }
0x6b5: {  	s21 =	simm.s32 $0x1E0;
	v17 =	vmov s22;
	v5 =	vmov s31;
	v16 =	vshrl.u32 v16, $0x7;
	[tilespmem:v8+s9+$0x0] =	vst.idx.msk vm2, v7;
	v8 =	vld [tilespmem:s17+$0xFFFFFFB0]  }
0x6b6: {  	[tilespmem:s15+$0x10] =	vst v0;
	v11 =	vshll.u32 v16, v1;
	v16 =	vmov s21;
	v7 =	vshrl.u32 v24, $0x7;
	v24 =	vld [tilespmem:s17+$0xFFFFFFA0]  }
0x6b7: {  	[tilespmem:s15+$0x60] =	vst v0;
	v13 =	vadd.s32 v2, v13;
	v23 =	vshrl.u32 v23, $0x1C;
	v2 =	vshrl.u32 v16, $0x7;
	v16 =	vld [tilespmem:s17+$0x20]  }
0x6b8: {  	s25 =	simm.s32 $0x130;
	v11 =	vor.u32 $0x50, v11;
	v6 =	vor.u32 v9, v6;
	v7 =	vshll.u32 v7, v1;
	[tilespmem:v14+s9+$0x0] =	vst.idx.msk vm4, v19;
	v14 =	vld [tilespmem:s17+$0xFFFFFFF0]  }
0x6b9: {  	v22 =	vld [tilespmem:s15+$0xFFFFFFA0];
	[tilespmem:s15+$0x30] =	vst v0;
	v9 =	vmov s25;
	v11 =	vbroadcast v11, $0x0;
	v7 =	vor.u32 $0x20, v7  }
0x6ba: {  	v26 =	vld [tilespmem:s15+$0xFFFFFFB0];
	_, v27, vm0 =	vpop (xrf1);
	[tilespmem:v15+s9+$0x0] =	vst.idx.msk vm1, v21;
	v19 =	vshrl.u32 v25, $0x7;
	v7 =	vbroadcast v7, $0x0;
	v8 =	vshrl.u32 v8, $0x1C  }
0x6bb: {  	v4 =	vshrl.u32 v4, $0x1C;
	v24 =	vshrl.u32 v24, $0x1C;
	v10 =	vadd.s32 v10, v13;
	v13 =	vld [tilespmem:s15+$0xFFFFFFC0];
	(xrf1) =	vunique.msk.u32 $0xffff, v8  }
0x6bc: {  	s26 =	simm.s32 $0x160;
	v19 =	vshll.u32 v19, v1;
	v11 =	vor.u32 v11, v4;
	v29 =	vshrl.u32 v16, $0x1C;
	v16 =	vld [tilespmem:s17+$0x50];
	(xrf1) =	vunique.msk.u32 $0xffff, v24  }
0x6bd: {  	s16 =	simm.s32 $0x10180;
	v15 =	vld [tilespmem:s17+$0xFFFFFF80];
	v24 =	vor.u32 v7, v24;
	v14 =	vshrl.u32 v14, $0x1C;
	v7 =	vmov s26;
	(xrf1) =	vunique.msk.u32 $0xffff, v4  }
0x6be: {  	[tilespmem:s16+$0xFFFFFFC0] =	vst v0;
	v21 =	vld [tilespmem:s17+$0x0];
	_, v28, vm1 =	vpop (xrf1);
	v4 =	vshrl.u32 v9, $0x7;
	v9 =	vadd.s32 v22, v10;
	v7 =	vshrl.u32 v7, $0x7  }
0x6bf: {  	[tilespmem:s16+$0xFFFFFFE0] =	vst v0;
	v10 =	vld [tilespmem:s15+$0xFFFFFFD0];
	v22 =	vshll.u32 v4, v1;
	v4 =	vshrl.u32 v17, $0x7;
	v9 =	vadd.s32 v26, v9  }
0x6c0: {  	[tilespmem:v3+s9+$0x0] =	vst.idx.msk vm0, v27;
	v30 =	vshll.u32 v4, v1;
	v4 =	vor.u32 $0x10, v19;
	v9 =	vadd.s32 v13, v9  }
0x6c1: {  	s30 =	simm.s32 $0x1C0;
	(xrf1) =	vunique.msk.u32 $0xffff, v23;
	v13 =	vbroadcast v4, $0x0;
	v4 =	vshrl.u32 v16, $0x1C;
	v16 =	vshrl.u32 v18, $0x7;
	_, v18, vm2 =	vpop (xrf1)  }
0x6c2: {  	v15 =	vshrl.u32 v15, $0x1C;
	v3 =	vshll.u32 v7, v1;
	v7 =	vmov s30;
	(xrf1) =	vunique.msk.u32 $0xffff, v14  }
0x6c3: {  	s31 =	simm.s32 $0x1D0;
	[tilespmem:s16+$0xFFFFFFD0] =	vst v0;
	v21 =	vshrl.u32 v21, $0x1C;
	v26 =	vld [tilespmem:s17+$0x40];
	v7 =	vshrl.u32 v7, $0x7;
	(xrf1) =	vunique.msk.u32 $0xffff, v15  }
0x6c4: {  	[tilespmem:v12+s9+$0x0] =	vst.idx.msk vm1, v28;
	v12 =	vor.u32 $0x30, v22;
	v22 =	vld [tilespmem:s17+$0xFFFFFF90];
	v9 =	vadd.s32 v10, v9;
	v10 =	vmov s31  }
0x6c5: {  	[tilespmem:s16+$0xFFFFFFA0] =	vst v0;
	v27 =	vld [tilespmem:s17+$0x70];
	v7 =	vshll.u32 v7, v1;
	(xrf1) =	vunique.msk.u32 $0xffff, v21;
	v10 =	vshrl.u32 v10, $0x7  }
0x6c6: {  	s24 =	simm.s32 $0x1A0;
	v5 =	vshrl.u32 v5, $0x7;
	[tilespmem:s16+$0xFFFFFFB0] =	vst v0;
	v55 =	vor.u32 $0x40, v7;
	v7 =	vshll.u32 v10, v1  }
0x6c7: {  	v5 =	vshll.u32 v5, v1;
	v25 =	vmov s24;
	[tilespmem:v6+s9+$0x0] =	vst.idx.msk vm2, v18;
	v6 =	vor.u32 $0x50, v7  }
0x6c8: {  	s29 =	simm.s32 $0x1F0;
	v3 =	vor.u32 $0x60, v3;
	v19 =	vor.u32 $0x70, v30;
	(xrf1) =	vunique.msk.u32 $0xffff, v4;
	v28 =	vshll.u32 v16, v1  }
0x6c9: {  	v31 =	vld [tilespmem:s17+$0x60];
	v16 =	vmov s29;
	v30 =	vshrl.u32 v26, $0x1C;
	(xrf1) =	vunique.msk.u32 $0xffff, v29;
	v57 =	vshrl.u32 v22, $0x1C;
	_, v22, vm1 =	vpop (xrf1)  }
0x6ca: {  	[tilespmem:s16+$0x20] =	vst v0;
	v26 =	vld [tilespmem:s15+$0xFFFFFFE0];
	v10 =	vshrl.u32 v16, $0x7;
	v16 =	vshrl.u32 v25, $0x7;
	v25 =	vshrl.u32 v27, $0x1C;
	_, v27, vm2 =	vpop (xrf1)  }
0x6cb: {  	s28 =	simm.s32 $0x1B0;
	v36 =	vld [tilespmem:s15+$0xFFFFFFF0];
	(xrf1) =	vunique.msk.u32 $0xffff, v57;
	v7 =	vbroadcast v12, $0x0;
	v12 =	vshll.u32 v16, v1;
	v16 =	vbroadcast v6, $0x0;
	_, v6, vm4 =	vpop (xrf1)  }
0x6cc: {  	v37 =	vld [tilespmem:s15+$0x0];
	v17 =	vmov s28;
	v3 =	vbroadcast v3, $0x0;
	v10 =	vshll.u32 v10, v1;
	(xrf1) =	vunique.msk.u32 $0xffff, v25  }
0x6cd: {  	[tilespmem:s16+$0xFFFFFF80] =	vst v0;
	v58 =	vld [tilespmem:s15+$0x40];
	v15 =	vor.u32 v20, v15;
	v10 =	vor.u32 $0x70, v10;
	v8 =	vor.u32 v7, v8  }
0x6ce: {  	[tilespmem:s16+$0x0] =	vst v0;
	v60 =	vld [tilespmem:s15+$0x10];
	v20 =	vor.u32 $0x10, v5;
	v62 =	vor.u32 v3, v23;
	v10 =	vbroadcast v10, $0x0  }
0x6cf: {  	v23 =	vld [tilespmem:s15+$0x60];
	v3 =	vadd.s32 v26, v9;
	v9 =	vshrl.u32 v17, $0x7;
	v5 =	vor.u32 $0x20, v12;
	_, v61, vm3 =	vpop (xrf1);
	(xrf1) =	vunique.msk.u32 $0xffff, v30  }
0x6d0: {  	v26 =	vld [tilespmem:s17+$0x30];
	v3 =	vadd.s32 v36, v3;
	v59 =	vbroadcast v5, $0x0;
	(xrf1) =	vunique.msk.u32 $0xffff, v33;
	[tilespmem:v24+s9+$0x0] =	vst.idx.msk vm2, v27  }
0x6d1: {  	v17 =	vor.u32 v10, v25;
	v10 =	vbroadcast v19, $0x0;
	v12 =	vld [tilespmem:s15+$0x20];
	_, v18, vm0 =	vpop (xrf1);
	[tilespmem:v11+s9+$0x0] =	vst.idx.msk vm4, v6;
	v6 =	vbroadcast v28, $0x0  }
0x6d2: {  	v7 =	vld [tilespmem:s15+$0x50];
	v25 =	vor.u32 v59, v29;
	_, v27, vm2 =	vpop (xrf1);
	[tilespmem:v8+s9+$0x0] =	vst.idx.msk vm1, v22;
	v8 =	vshll.u32 v9, v1;
	v24 =	vshrl.u32 v31, $0x1C  }
0x6d3: {  	[tilespmem:s16+$0xFFFFFFF0] =	vst v0;
	v5 =	vld [tilespmem:s15+$0x70];
	v11 =	vadd.s32 v37, v3;
	_, v63, vm4 =	vpop (xrf1);
	v19 =	vor.u32 v6, v21;
	v6 =	vor.u32 $0x30, v8  }
0x6d4: {  	[tilespmem:s16+$0x70] =	vst v0;
	v28 =	vld [tilespmem:s15+$0x30];
	v8 =	vor.u32 v10, v14;
	v21 =	vbroadcast v55, $0x0;
	v14 =	vbroadcast v6, $0x0  }
0x6d5: {  	v29 =	vshrl.u32 v26, $0x1C;
	v31 =	vshll.u32 v2, v1;
	v9 =	vld [tilespmem:s16+$0xFFFFFFA0];
	(xrf1) =	vunique.msk.u32 $0xffff, v24;
	v11 =	vadd.s32 v60, v11  }
0x6d6: {  	[tilespmem:s16+$0x40] =	vst v0;
	v3 =	vld [tilespmem:s16+$0xFFFFFFC0];
	_, v22, vm1 =	vpop (xrf1);
	v2 =	vadd.s32 v12, v11;
	v11 =	vor.u32 v14, v29;
	v14 =	vor.u32 $0x60, v31  }
0x6d7: {  	[tilespmem:v62+s9+$0x0] =	vst.idx.msk vm3, v61;
	v10 =	vld [tilespmem:s16+$0xFFFFFFB0];
	_, v26, vm3 =	vpop (xrf1)  }
0x6d8: {  	v13 =	vor.u32 v13, v33;
	v12 =	vbroadcast v20, $0x0;
	v6 =	vld [tilespmem:s16+$0xFFFFFFD0];
	[tilespmem:v15+s9+$0x0] =	vst.idx.msk vm2, v27  }
0x6d9: {  	s18 =	simm.s32 $0x2F0;
	(xrf1) =	vunique.msk.u32 $0xffff, v29;
	v20 =	vld [tilespmem:s16+$0xFFFFFF80];
	v15 =	vadd.s32 v28, v2;
	[tilespmem:v19+s9+$0x0] =	vst.idx.msk vm4, v63;
	v19 =	vor.u32 v21, v30;
	_, v21, vm4 =	vpop (xrf1)  }
0x6da: {  	s19 =	simm.s32 $0x8280;
	[tilespmem:s16+$0xFFFFFF90] =	vst v0;
	s17 =	simm.s32 $0x10;
	s15 =	simm.s32 $0x10180;
	v2 =	vld [tilespmem:s16+$0xFFFFFFE0];
	v28 =	vor.u32 v12, v57;
	v27 =	vbroadcast v14, $0x0;
	v12 =	vadd.s32 v58, v15;
	_, v14, vm2 =	vpop (xrf1)  }
.LBB2_31:
0x6db: {  	s20 =	sadd.s32 $0xFFFFFF10, s18;
	s21 =	sadd.s32 $0xFFFFFF50, s18;
	v29 =	vld [tilespmem:s19+$0xFFFFFFC0];
	s22 =	sadd.s32 $0xFFFFFF90, s18;
	[tilespmem:v8+s9+$0x0] =	vst.idx.msk vm0, v18;
	v4 =	vor.u32 v16, v4;
	v7 =	vadd.s32 v7, v12  }
0x6dc: {  	s23 =	sadd.s32 $0xFFFFFF20, s18;
	s24 =	sadd.s32 $0xFFFFFF30, s18;
	v12 =	vmov s21;
	v16 =	vmov s22;
	s21 =	sadd.s32 $0xFFFFFFF0, s18;
	v8 =	vld [tilespmem:s19+$0x60];
	[tilespmem:s16+$0x50] =	vst v0;
	v7 =	vadd.s32 v23, v7  }
0x6dd: {  	s25 =	sadd.s32 $0xFFFFFFB0, s18;
	v23 =	vmov s20;
	s20 =	sadd.s32 $0xFFFFFF40, s18;
	s22 =	sadd.s32 $0xFFFFFF60, s18;
	v18 =	vor.u32 v27, v24;
	v12 =	vshrl.u32 v12, $0x7;
	v15 =	vld [tilespmem:s19+$0x10];
	[tilespmem:v25+s9+$0x0] =	vst.idx.msk vm3, v26;
	_, v24, vm3 =	vpop (xrf1)  }
0x6de: {  	s17 =	sadd.s32 $0x10, s17;
	v25 =	vmov s23;
	v26 =	vmov s22;
	v5 =	vadd.s32 v5, v7;
	v27 =	vld [tilespmem:s19+$0xFFFFFFE0];
	_, v30, vm5 =	vpop (xrf1)  }
0x6df: {  	p0 =	slt.u32 s17, $0x7F0;
	v7 =	vshrl.u32 v23, $0x7;
	v23 =	vmov s24;
	v26 =	vshrl.u32 v26, $0x7;
	v31 =	vld [tilespmem:s19+$0xFFFFFFD0];
	[tilespmem:v28+s9+$0x0] =	vst.idx.msk vm4, v21  }
0x6e0: {  	s22 =	sadd.s32 $0xFFFFFF80, s18;
	v33 =	vmov s21;
	v26 =	vshll.u32 v26, v1;
	v21 =	vshrl.u32 v29, $0x1C;
	v29 =	vld [tilespmem:s16+$0xFFFFFF90];
	[tilespmem:v4+s9+$0x0] =	vst.idx.msk vm1, v22  }
0x6e1: {  	v4 =	vshll.u32 v12, v1;
	v12 =	vor.u32 $0x50, v26;
	v22 =	vmov s22;
	v26 =	vld [tilespmem:s19+$0x20];
	[tilespmem:v17+s9+$0x0] =	vst.idx.msk vm2, v14  }
0x6e2: {  	s21 =	sadd.s32 $0xFFFFFFA0, s18;
	v5 =	vadd.s32 v5, v20;
	v17 =	vshrl.u32 v23, $0x7;
	v32 =	vbroadcast v12, $0x0;
	v23 =	vld [tilespmem:s19+$0xFFFFFFB0];
	(xrf1) =	vunique.msk.u32 $0xffff, v21  }
0x6e3: {  	v4 =	vor.u32 $0x40, v4;
	v12 =	vmov s21;
	v14 =	vshrl.u32 v33, $0x7;
	v20 =	vld [tilespmem:s19+$0xFFFFFFA0];
	[tilespmem:s16+$0x10] =	vst v0;
	_, v28, vm0 =	vpop (xrf1)  }
0x6e4: {  	v25 =	vshrl.u32 v25, $0x7;
	v17 =	vshll.u32 v17, v1;
	v4 =	vbroadcast v4, $0x0;
	v33 =	vld [tilespmem:s19+$0xFFFFFF80];
	[tilespmem:v13+s9+$0x0] =	vst.idx.msk vm5, v30  }
0x6e5: {  	v34 =	vmov s25;
	s16 =	sadd.s32 $0x100, s16;
	v13 =	vor.u32 $0x20, v17;
	v17 =	vshrl.u32 v12, $0x7;
	v30 =	vld [tilespmem:s19+$0xFFFFFFF0];
	[tilespmem:v19+s9+$0x0] =	vst.idx.msk vm3, v24  }
0x6e6: {  	v35 =	vor.u32 v4, v21;
	v24 =	vshll.u32 v25, v1;
	v25 =	vbroadcast v13, $0x0;
	v12 =	vld [tilespmem:s15+$0x40];
	[tilespmem:s15+$0x60] =	vst v0  }
0x6e7: {  	v4 =	vmov s20;
	v37 =	vshll.u32 v17, v1;
	v23 =	vshrl.u32 v23, $0x1C;
	v36 =	vld [tilespmem:s19+$0x0];
	[tilespmem:s15+$0x30] =	vst v0;
	_, v38, vm1 =	vpop (xrf1)  }
0x6e8: {  	v21 =	vshrl.u32 v31, $0x1C;
	v5 =	vadd.s32 v29, v5;
	v20 =	vshrl.u32 v20, $0x1C;
	(xrf1) =	vunique.msk.u32 $0xffff, v23;
	v17 =	vld [tilespmem:s15+$0x0]  }
0x6e9: {  	s20 =	sadd.s32 $0xFFFFFF70, s18;
	v29 =	vshll.u32 v7, v1;
	v13 =	vor.u32 v32, v21;
	v19 =	vshrl.u32 v26, $0x1C;
	v26 =	vld [tilespmem:s19+$0x50];
	(xrf1) =	vunique.msk.u32 $0xffff, v20  }
0x6ea: {  	v27 =	vshrl.u32 v27, $0x1C;
	v25 =	vor.u32 v25, v20;
	v20 =	vshrl.u32 v30, $0x1C;
	v30 =	vld [tilespmem:s19+$0x40];
	(xrf1) =	vunique.msk.u32 $0xffff, v21  }
0x6eb: {  	v4 =	vshrl.u32 v4, $0x7;
	v31 =	vmov s20;
	s20 =	sadd.s32 $0xFFFFFFC0, s18;
	v5 =	vadd.s32 v9, v5;
	(xrf1) =	vunique.msk.u32 $0xffff, v27;
	v21 =	vld [tilespmem:s15+$0x20]  }
0x6ec: {  	v32 =	vshll.u32 v4, v1;
	v9 =	vshrl.u32 v33, $0x1C;
	v33 =	vshrl.u32 v36, $0x1C;
	(xrf1) =	vunique.msk.u32 $0xffff, v20;
	v7 =	vld [tilespmem:s15+$0x50]  }
0x6ed: {  	v4 =	vshrl.u32 v22, $0x7;
	v22 =	vmov s20;
	v10 =	vadd.s32 v10, v5;
	(xrf1) =	vunique.msk.u32 $0xffff, v9;
	v5 =	vld [tilespmem:s15+$0x70]  }
0x6ee: {  	v3 =	vadd.s32 v3, v10;
	v36 =	vshll.u32 v4, v1;
	v4 =	vor.u32 $0x10, v37;
	(xrf1) =	vunique.msk.u32 $0xffff, v33  }
0x6ef: {  	v10 =	vshrl.u32 v31, $0x7;
	v31 =	vbroadcast v4, $0x0;
	v4 =	vshrl.u32 v26, $0x1C;
	[tilespmem:v11+s9+$0x0] =	vst.idx.msk vm1, v38  }
0x6f0: {  	v16 =	vshrl.u32 v16, $0x7;
	v26 =	vor.u32 $0x70, v36;
	v11 =	vor.u32 $0x30, v32;
	_, v32, vm1 =	vpop (xrf1);
	(xrf1) =	vunique.msk.u32 $0xffff, v4  }
0x6f1: {  	s21 =	sadd.s32 $0xFFFFFFE0, s18;
	s20 =	sadd.s32 $0xFFFFFFD0, s18;
	v6 =	vadd.s32 v6, v3;
	v37 =	vshll.u32 v16, v1;
	v16 =	vmov s18;
	v36 =	vld [tilespmem:s19+$0xFFFFFF90];
	[tilespmem:v18+s9+$0x0] =	vst.idx.msk vm0, v28  }
0x6f2: {  	v3 =	vshll.u32 v10, v1;
	v10 =	vmov s20;
	v18 =	vmov s21;
	[tilespmem:s16+$0x40] =	vst v0;
	v28 =	vld [tilespmem:s19+$0x70]  }
0x6f3: {  	v29 =	vbroadcast v29, $0x0;
	v10 =	vshrl.u32 v10, $0x7;
	v30 =	vshrl.u32 v30, $0x1C;
	[tilespmem:s16+$0x70] =	vst v0;
	v38 =	vld [tilespmem:s15+$0xFFFFFFF0]  }
0x6f4: {  	v39 =	vor.u32 $0x60, v3;
	v3 =	vshll.u32 v10, v1;
	v10 =	vshrl.u32 v18, $0x7;
	[tilespmem:s16+$0xFFFFFF90] =	vst v0  }
0x6f5: {  	v40 =	vor.u32 $0x40, v3;
	v3 =	vshll.u32 v10, v1;
	v10 =	vshrl.u32 v16, $0x7;
	(xrf1) =	vunique.msk.u32 $0xffff, v19;
	v41 =	vld [tilespmem:s15+$0x10]  }
0x6f6: {  	v16 =	vshrl.u32 v34, $0x7;
	v10 =	vshll.u32 v10, v1;
	v36 =	vshrl.u32 v36, $0x1C;
	[tilespmem:s16+$0xFFFFFFC0] =	vst v0;
	_, v34, vm2 =	vpop (xrf1)  }
0x6f7: {  	v46 =	vor.u32 $0x50, v3;
	[tilespmem:v35+s9+$0x0] =	vst.idx.msk vm1, v32;
	v28 =	vshrl.u32 v28, $0x1C;
	(xrf1) =	vunique.msk.u32 $0xffff, v36;
	_, v32, vm1 =	vpop (xrf1);
	v35 =	vld [tilespmem:s15+$0x30]  }
0x6f8: {  	v11 =	vbroadcast v11, $0x0;
	v47 =	vshll.u32 v16, v1;
	v16 =	vbroadcast v46, $0x0;
	v3 =	vld [tilespmem:s16+$0xFFFFFFC0];
	_, v43, vm6 =	vpop (xrf1);
	(xrf1) =	vunique.msk.u32 $0xffff, v28  }
0x6f9: {  	v44 =	vor.u32 $0x10, v24;
	v29 =	vor.u32 v29, v9;
	v9 =	vor.u32 $0x20, v47;
	[tilespmem:s16+$0xFFFFFFA0] =	vst v0;
	_, v42, vm3 =	vpop (xrf1)  }
0x6fa: {  	v24 =	vbroadcast v39, $0x0;
	v11 =	vor.u32 v11, v23;
	v39 =	vbroadcast v9, $0x0;
	[tilespmem:s16+$0xFFFFFFD0] =	vst v0;
	_, v18, vm0 =	vpop (xrf1);
	v23 =	vld [tilespmem:s15+$0x60];
	s15 =	smov.u32 s16  }
0x6fb: {  	v15 =	vshrl.u32 v15, $0x1C;
	v9 =	vor.u32 $0x70, v10;
	[tilespmem:s16+$0xFFFFFF80] =	vst v0;
	_, v45, vm4 =	vpop (xrf1);
	(xrf1) =	vunique.msk.u32 $0xffff, v30  }
0x6fc: {  	v2 =	vadd.s32 v2, v6;
	v27 =	vor.u32 v24, v27;
	[tilespmem:s16+$0xFFFFFFB0] =	vst v0;
	_, v46, vm5 =	vpop (xrf1);
	(xrf1) =	vunique.msk.u32 $0xffff, v15  }
0x6fd: {  	v10 =	vshrl.u32 v22, $0x7;
	v2 =	vadd.s32 v38, v2;
	[tilespmem:v25+s9+$0x0] =	vst.idx.msk vm1, v32;
	v32 =	vld [tilespmem:s19+$0x30];
	v25 =	vbroadcast v9, $0x0  }
0x6fe: {  	v37 =	vbroadcast v37, $0x0;
	v2 =	vadd.s32 v17, v2;
	v9 =	vld [tilespmem:s16+$0xFFFFFFA0];
	[tilespmem:v13+s9+$0x0] =	vst.idx.msk vm6, v43;
	v13 =	vor.u32 v31, v15;
	_, v22, vm1 =	vpop (xrf1)  }
0x6ff: {  	v24 =	vshrl.u32 v8, $0x1C;
	[tilespmem:v11+s9+$0x0] =	vst.idx.msk vm2, v34;
	v6 =	vld [tilespmem:s16+$0xFFFFFFD0];
	v11 =	vshll.u32 v10, v1;
	v17 =	vor.u32 v25, v28  }
0x700: {  	v8 =	vbroadcast v26, $0x0;
	v15 =	vor.u32 v37, v33;
	v28 =	vadd.s32 v41, v2;
	v10 =	vld [tilespmem:s16+$0xFFFFFFB0];
	[tilespmem:s16+$0xFFFFFFE0] =	vst v0  }
0x701: {  	v25 =	vor.u32 v39, v19;
	v11 =	vor.u32 $0x30, v11;
	[tilespmem:v27+s9+$0x0] =	vst.idx.msk vm3, v42;
	(xrf1) =	vunique.msk.u32 $0xffff, v24  }
.Ltmp14:
0x702: {  	v8 =	vor.u32 v8, v20;
	v19 =	vbroadcast v40, $0x0;
	v11 =	vbroadcast v11, $0x0;
	v2 =	vld [tilespmem:s16+$0xFFFFFFE0];
	[tilespmem:s16+$0x0] =	vst v0;
	(pc) =	sbr.rel @p0 .LBB2_31-.Ltmp14, $4  }
0x703: {  	v31 =	vshll.u32 v14, v1;
	v28 =	vadd.s32 v21, v28;
	v20 =	vshrl.u32 v32, $0x1C;
	[tilespmem:s16+$0xFFFFFFF0] =	vst v0;
	_, v26, vm3 =	vpop (xrf1)  }
0x704: {  	v27 =	vbroadcast v44, $0x0;
	v11 =	vor.u32 v11, v20;
	[tilespmem:v29+s9+$0x0] =	vst.idx.msk vm4, v45;
	v29 =	vadd.s32 v35, v28  }
0x705: {  	v19 =	vor.u32 v19, v30;
	[tilespmem:v15+s9+$0x0] =	vst.idx.msk vm5, v46;
	v15 =	vor.u32 $0x60, v31;
	_, v21, vm4 =	vpop (xrf1);
	(xrf1) =	vunique.msk.u32 $0xffff, v20  }
0x706: {  	s18 =	sadd.s32 $0x100, s18;
	s19 =	sadd.s32 $0x100, s19;
	v28 =	vor.u32 v27, v36;
	v12 =	vadd.s32 v12, v29;
	v20 =	vld [tilespmem:s16+$0xFFFFFF80];
	[tilespmem:s16+$0x20] =	vst v0;
	v27 =	vbroadcast v15, $0x0;
	_, v14, vm2 =	vpop (xrf1)  }
0x707: {  	_ =	sdelay $0x4  }
0x708: {  	[tilespmem:v28+s9+$0x0] =	vst.idx.msk vm4, v21  }
0x709: {  	v4 =	vor.u32 v16, v4;
	v16 =	vld [tilespmem:s16+$0xFFFFFF90];
	_, v15, vm14 =	vpop (xrf1)  }
0x70a: {  	v7 =	vadd.s32 v7, v12;
	_, v12, vm5 =	vpop (xrf1)  }
0x70b: {  	[tilespmem:v8+s9+$0x0] =	vst.idx.msk vm0, v18;
	v7 =	vadd.s32 v23, v7  }
0x70c: {  	[tilespmem:v25+s9+$0x0] =	vst.idx.msk vm3, v26;
	v5 =	vadd.s32 v5, v7  }
0x70d: {  	[tilespmem:s16+$0x50] =	vst v0;
	v5 =	vadd.s32 v5, v20  }
0x70e: {  	[tilespmem:v4+s9+$0x0] =	vst.idx.msk vm1, v22;
	v4 =	vadd.s32 v16, v5  }
0x70f: {  	[tilespmem:s16+$0x10] =	vst v0;
	v5 =	vld [tilespmem:s15+$0xFFFFFFF0];
	v4 =	vadd.s32 v9, v4;
	_, v8, vm0 =	vpop (xrf1)  }
0x710: {  	v4 =	vadd.s32 v10, v4;
	[tilespmem:v13+s9+$0x0] =	vst.idx.msk vm5, v12;
	v12 =	vld [tilespmem:s15+$0x0];
	_, v7, vm3 =	vpop (xrf1)  }
0x711: {  	v3 =	vadd.s32 v3, v4;
	v4 =	vld [tilespmem:s15+$0x10]  }
0x712: {  	[tilespmem:s15+$0x30] =	vst v0;
	v9 =	vor.u32 v27, v24;
	v3 =	vadd.s32 v6, v3  }
0x713: {  	v10 =	vld [tilespmem:s15+$0x20];
	[tilespmem:v19+s9+$0x0] =	vst.idx.msk vm14, v15;
	v2 =	vadd.s32 v2, v3  }
0x714: {  	[tilespmem:s15+$0x60] =	vst v0;
	v3 =	vld [tilespmem:s15+$0x40];
	v2 =	vadd.s32 v5, v2  }
0x715: {  	[tilespmem:v17+s9+$0x0] =	vst.idx.msk vm2, v14;
	v5 =	vld [tilespmem:s15+$0x50];
	v2 =	vadd.s32 v12, v2  }
0x716: {  	v2 =	vadd.s32 v4, v2;
	v4 =	vld [tilespmem:s15+$0x70];
	[tilespmem:v11+s9+$0x0] =	vst.idx.msk vm3, v7  }
0x717: {  	[tilespmem:v9+s9+$0x0] =	vst.idx.msk vm0, v8;
	v6 =	vld [tilespmem:s15+$0x30]  }
0x718: {  	s30 =	simm.s32 $0x8080;
	v7 =	vld [tilespmem:s15+$0x60]  }
0x719: {  	v11 =	vld [tilespmem:s30+$0x70]  }
0x71a: {  	v16 =	vld [tilespmem:s30+$0xFFFFFF90]  }
0x71b: {  	v2 =	vadd.s32 v10, v2;
	v12 =	vld [tilespmem:s30+$0xFFFFFFD0]  }
0x71c: {  	v13 =	vld [tilespmem:s30+$0x10];
	v2 =	vadd.s32 v6, v2  }
0x71d: {  	v14 =	vld [tilespmem:s30+$0xFFFFFFC0];
	v2 =	vadd.s32 v3, v2  }
0x71e: {  	v27 =	vld [tilespmem:s30+$0x30];
	v2 =	vadd.s32 v5, v2  }
0x71f: {  	v5 =	vld [tilespmem:s30+$0xFFFFFFB0];
	v2 =	vadd.s32 v7, v2  }
0x720: {  	v6 =	vld [tilespmem:s30+$0xFFFFFF80];
	v3 =	vadd.s32 v4, v2  }
0x721: {  	v18 =	vld [tilespmem:s30+$0xFFFFFFF0];
	(xrf0) =	vadd.scan.msk.s32 $0xffff, v3  }
0x722: {  	vm1 =	vlt.s32 v11, $0x0;
	v23 =	vshrl.u32 v16, $0x1C;
	v4 =	vld [tilespmem:s30+$0xFFFFFFA0]  }
0x723: {  	v20 =	vxor.u32 $0x7FFFFFFF, v16;
	v26 =	vshrl.u32 v12, $0x1C;
	vm3 =	vlt.s32 v12, $0x0  }
0x724: {  	v25 =	vld [tilespmem:s30+$0x40];
	v29 =	vxor.u32 $0x7FFFFFFF, v12;
	v15 =	vxor.u32 $0x7FFFFFFF, v13;
	v22 =	vshrl.u32 v5, $0x1C  }
0x725: {  	vm2 =	vlt.s32 v14, $0x0;
	v31 =	vshrl.u32 v14, $0x1C;
	v19 =	vshrl.u32 v6, $0x1C;
	(xrf1) =	vunique.msk.u32 $0xffff, v22  }
0x726: {  	v21 =	vld [tilespmem:s30+$0x20];
	v32 =	vshrl.u32 v27, $0x1C;
	v34 =	vshrl.u32 v13, $0x1C;
	v36 =	vshrl.u32 v18, $0x1C;
	(xrf1) =	vunique.msk.u32 $0xffff, v19  }
0x727: {  	vm15 =	vlt.s32 v18, $0x0;
	v3 =	vxor.u32 $0xFFFFFFFF, v3;
	v24 =	vshrl.u32 v4, $0x1C;
	(xrf1) =	vunique.msk.u32 $0xffff, v23;
	v7, _, _ =	vpop (xrf0)  }
0x728: {  	vm0 =	vlt.s32 v5, $0x0;
	(xrf1) =	vunique.msk.u32 $0xffff, v24;
	v17 =	vadd.s32 v3, v7;
	v3 =	vxor.u32 $0x7FFFFFFF, v5  }
0x729: {  	s31 =	simm.s32 $0x10080;
	v37 =	vxor.u32 $0x7FFFFFFF, v25;
	v7 =	vxor.u32 $0x7FFFFFFF, v11;
	v8 =	vsel vm0, v5, v3  }
0x72a: {  	v33 =	vld [tilespmem:s31+$0xFFFFFF80];
	v3 =	vsel vm1, v11, v7;
	vm0 =	vlt.s32 v6, $0x0;
	v5 =	vxor.u32 $0x7FFFFFFF, v6  }
0x72b: {  	v35 =	vld [tilespmem:s31+$0xFFFFFF90];
	vm1 =	vlt.s32 v21, $0x0;
	v6 =	vsel vm0, v6, v5;
	v5 =	vxor.u32 $0x7FFFFFFF, v21  }
0x72c: {  	v30 =	vld [tilespmem:s31+$0xFFFFFFA0];
	v29 =	vsel vm3, v12, v29;
	v9 =	vsel vm1, v21, v5;
	v5 =	vxor.u32 $0x7FFFFFFF, v14  }
0x72d: {  	v28 =	vld [tilespmem:s31+$0xFFFFFFB0];
	(xrf1) =	vunique.msk.u32 $0xffff, v26;
	v5 =	vsel vm2, v14, v5;
	v14 =	vshrl.u32 v11, $0x1C;
	v11 =	vxor.u32 $0x7FFFFFFF, v18  }
0x72e: {  	v10 =	vld [tilespmem:s30+$0xFFFFFFE0];
	vm3 =	vlt.s32 v16, $0x0;
	(xrf1) =	vunique.msk.u32 $0xffff, v32;
	vm1 =	vlt.s32 v13, $0x0;
	v18 =	vsel vm15, v18, v11  }
0x72f: {  	v38 =	vld [tilespmem:s31+$0xFFFFFFC0];
	v11 =	vsel vm3, v16, v20;
	v20 =	vperm.xlane v17, v19;
	v17 =	vadd.s32 v17, v33  }
0x730: {  	v41 =	vld [tilespmem:s31+$0xFFFFFFD0];
	v15 =	vsel vm1, v13, v15;
	v19 =	vperm.xlane v17, v23;
	v17 =	vadd.s32 v17, v35  }
0x731: {  	v57 =	vld [tilespmem:s31+$0xFFFFFFE0];
	(xrf1) =	vunique.msk.u32 $0xffff, v34;
	vm1 =	vlt.s32 v25, $0x0;
	v24 =	vperm.xlane v17, v24;
	v17 =	vadd.s32 v17, v30  }
0x732: {  	v58 =	vld [tilespmem:s31+$0xFFFFFFF0];
	v39 =	vshrl.u32 v25, $0x1C;
	(xrf1) =	vunique.msk.u32 $0xffff, v36;
	v16 =	vsel vm1, v25, v37;
	v25 =	vadd.s32 v17, v28  }
0x733: {  	v59 =	vld [tilespmem:s31+$0x10];
	(xrf1) =	vunique.msk.u32 $0xffff, v31;
	_, v56, _ =	vpop (xrf1)  }
0x734: {  	v12 =	vld [tilespmem:s30+$0x0];
	_, v23, _ =	vpop (xrf1)  }
0x735: {  	v40 =	vshrl.u32 v10, $0x1C;
	v42 =	vshrl.u32 v21, $0x1C;
	v30 =	vld [tilespmem:s31+$0x0];
	_, v21, _ =	vpop (xrf1)  }
0x736: {  	v13 =	vld [tilespmem:s30+$0x50];
	v17 =	vperm.xlane v17, v22;
	v22 =	vperm.xlane v25, v31;
	v31 =	vadd.s32 v25, v38;
	_, v25, _ =	vpop (xrf1)  }
0x737: {  	v60 =	vld [tilespmem:s31+$0x20];
	(xrf1) =	vunique.msk.u32 $0xffff, v39;
	v45 =	vperm.xlane v31, v26;
	v26 =	vadd.s32 v31, v41;
	v25 =	vadd.s32 v24, v25  }
0x738: {  	(xrf1) =	vunique.msk.u32 $0xffff, v40;
	v24 =	vadd.s32 v17, v56;
	v17 =	vperm.xlane v26, v40;
	v26 =	vadd.s32 v26, v57  }
0x739: {  	v31 =	vadd.s32 v26, v58  }
0x73a: {  	v28 =	vshrl.u32 v12, $0x1C;
	v30 =	vadd.s32 v31, v30  }
0x73b: {  	v61 =	vld [tilespmem:s31+$0x30];
	v43 =	vshrl.u32 v13, $0x1C;
	(xrf1) =	vunique.msk.u32 $0xffff, v42;
	_, v63, _ =	vpop (xrf1);
	v34 =	vperm.xlane v30, v34;
	v30 =	vadd.s32 v30, v59  }
0x73c: {  	v62 =	vld [tilespmem:s31+$0x40];
	v37 =	vperm.xlane v26, v36;
	_, v35, _ =	vpop (xrf1);
	(xrf1) =	vunique.msk.u32 $0xffff, v28;
	v26 =	vperm.xlane v31, v28;
	v28 =	vadd.s32 v30, v60  }
0x73d: {  	v46 =	vld [tilespmem:s31+$0x50];
	(xrf1) =	vunique.msk.u32 $0xffff, v43  }
0x73e: {  	v44 =	vxor.u32 $0x7FFFFFFF, v27;
	v2 =	vld [tilespmem:s30+$0x60];
	vm2 =	vlt.s32 v27, $0x0  }
0x73f: {  	v45 =	vadd.s32 v45, v63;
	v31 =	vperm.xlane v30, v42;
	v30 =	vsel vm2, v27, v44;
	_, v27, _ =	vpop (xrf1)  }
0x740: {  	v36 =	vadd.s32 v34, v27;
	v38 =	vperm.xlane v28, v32;
	v27 =	vadd.s32 v28, v61;
	_, v28, _ =	vpop (xrf1)  }
0x741: {  	v48 =	vld [tilespmem:s31+$0x60];
	(xrf1) =	vunique.msk.u32 $0xffff, v14;
	v39 =	vperm.xlane v27, v39;
	v27 =	vadd.s32 v27, v62;
	v37 =	vadd.s32 v37, v28;
	_, v28, _ =	vpop (xrf1)  }
0x742: {  	v22 =	vadd.s32 v22, v28;
	v28 =	vadd.s32 v27, v46  }
0x743: {  	v47 =	vshrl.u32 v2, $0x1C  }
0x744: {  	v7 =	vxor.u32 $0x7FFFFFFF, v2;
	(xrf1) =	vunique.msk.u32 $0xffff, v47  }
0x745: {  	vm0 =	vlt.s32 v2, $0x0;
	vm1 =	vlt.s32 v12, $0x0;
	v33 =	vxor.u32 $0x7FFFFFFF, v12;
	[tilespmem:v45+s2+$0x0] =	vst.idx.msk $0xffff, v29;
	_, v40, _ =	vpop (xrf1)  }
0x746: {  	s17 =	simm.s32 $0x8180;
	s16 =	simm.s32 $0x10180;
	s15 =	simm.s32 $0x0;
	v32 =	vld [tilespmem:s31+$0x70];
	v34 =	vperm.xlane v27, v43;
	v27 =	vperm.xlane v28, v47;
	v29 =	vadd.s32 v28, v48;
	_, v28, _ =	vpop (xrf1)  }
.LBB2_33:
0x747: {  	v41 =	vld [tilespmem:s17+$0xFFFFFFB0];
	s15 =	sadd.s32 $0x10, s15;
	vm2 =	vlt.s32 v4, $0x0;
	[tilespmem:v24+s2+$0x0] =	vst.idx.msk $0xffff, v8;
	v8 =	vadd.s32 v38, v35;
	v35 =	vadd.s32 v39, v40  }
0x748: {  	v20 =	vadd.s32 v20, v23;
	v19 =	vadd.s32 v19, v21;
	vm3 =	vlt.s32 v10, $0x0;
	v24 =	vld [tilespmem:s16+$0xFFFFFFB0];
	p0 =	slt.u32 s15, $0x7F0;
	[tilespmem:v36+s2+$0x0] =	vst.idx.msk $0xffff, v15  }
0x749: {  	v38 =	vxor.u32 $0x7FFFFFFF, v4;
	v23 =	vxor.u32 $0x7FFFFFFF, v10;
	vm4 =	vlt.s32 v13, $0x0;
	v21 =	vld [tilespmem:s16+$0xFFFFFFA0];
	[tilespmem:v37+s2+$0x0] =	vst.idx.msk $0xffff, v18;
	_, v18, _ =	vpop (xrf1)  }
0x74a: {  	v4 =	vsel vm2, v4, v38;
	v23 =	vsel vm3, v10, v23;
	v36 =	vld [tilespmem:s17+$0x70];
	v10 =	vadd.s32 v31, v18;
	_, v15, _ =	vpop (xrf1)  }
0x74b: {  	v18 =	vsel vm0, v2, v7;
	v31 =	vld [tilespmem:s16+$0xFFFFFF90];
	[tilespmem:v25+s2+$0x0] =	vst.idx.msk $0xffff, v4;
	v15 =	vadd.s32 v26, v15;
	v4 =	vxor.u32 $0x7FFFFFFF, v13;
	_, v2, _ =	vpop (xrf1)  }
0x74c: {  	v7 =	vld [tilespmem:s17+$0xFFFFFF80];
	vm0 =	vlt.s32 v41, $0x0;
	v26 =	vxor.u32 $0x7FFFFFFF, v41;
	[tilespmem:v8+s2+$0x0] =	vst.idx.msk $0xffff, v30;
	v30 =	vadd.s32 v34, v2  }
0x74d: {  	v25 =	vshrl.u32 v41, $0x1C;
	v34 =	vld [tilespmem:s17+$0xFFFFFF90];
	v8 =	vsel vm0, v41, v26;
	[tilespmem:v20+s2+$0x0] =	vst.idx.msk $0xffff, v6;
	v6 =	vsel vm4, v13, v4  }
0x74e: {  	v12 =	vsel vm1, v12, v33;
	v13 =	vperm.xlane v29, v14;
	v2 =	vld [tilespmem:s17+$0x60];
	[tilespmem:v35+s2+$0x0] =	vst.idx.msk $0xffff, v16  }
0x74f: {  	v4 =	vld [tilespmem:s17+$0xFFFFFFA0];
	vm0 =	vlt.s32 v36, $0x0;
	v14 =	vxor.u32 $0x7FFFFFFF, v36;
	[tilespmem:v10+s2+$0x0] =	vst.idx.msk $0xffff, v9;
	_, v9, _ =	vpop (xrf1)  }
0x750: {  	v26 =	vld [tilespmem:s17+$0x20];
	v10 =	vsel vm0, v36, v14;
	(xrf1) =	vunique.msk.u32 $0xffff, v25;
	[tilespmem:v15+s2+$0x0] =	vst.idx.msk $0xffff, v12;
	v9 =	vadd.s32 v13, v9  }
0x751: {  	v20 =	vshrl.u32 v7, $0x1C;
	vm0 =	vlt.s32 v7, $0x0;
	v12 =	vxor.u32 $0x7FFFFFFF, v7;
	v16 =	vld [tilespmem:s17+$0xFFFFFFD0];
	[tilespmem:v30+s2+$0x0] =	vst.idx.msk $0xffff, v6  }
0x752: {  	v6 =	vsel vm0, v7, v12;
	v30 =	vshrl.u32 v34, $0x1C;
	v33 =	vxor.u32 $0x7FFFFFFF, v34;
	v14 =	vld [tilespmem:s17+$0x10];
	(xrf1) =	vunique.msk.u32 $0xffff, v20;
	_, v7, _ =	vpop (xrf1)  }
0x753: {  	v13 =	vld [tilespmem:s17+$0xFFFFFFC0];
	vm0 =	vlt.s32 v2, $0x0;
	(xrf1) =	vunique.msk.u32 $0xffff, v30;
	v15 =	vadd.s32 v27, v7;
	v27 =	vadd.s32 v29, v32  }
0x754: {  	v7 =	vxor.u32 $0x7FFFFFFF, v2;
	v29 =	vshrl.u32 v4, $0x1C;
	v32 =	vld [tilespmem:s17+$0x30];
	[tilespmem:v19+s2+$0x0] =	vst.idx.msk $0xffff, v11;
	v11 =	vadd.s32 v17, v28  }
0x755: {  	vm2 =	vlt.s32 v26, $0x0;
	v12 =	vxor.u32 $0x7FFFFFFF, v26;
	v17 =	vld [tilespmem:s17+$0x40];
	(xrf1) =	vunique.msk.u32 $0xffff, v29;
	[tilespmem:v9+s2+$0x0] =	vst.idx.msk $0xffff, v3;
	v3 =	vmovc v10  }
0x756: {  	v28 =	vshrl.u32 v16, $0x1C;
	vm1 =	vlt.s32 v16, $0x0;
	v19 =	vld [tilespmem:s17+$0xFFFFFFF0];
	v9 =	vsel vm2, v26, v12;
	[tilespmem:v22+s2+$0x0] =	vst.idx.msk $0xffff, v5  }
0x757: {  	v22 =	vxor.u32 $0x7FFFFFFF, v16;
	v10 =	vld [tilespmem:s17+$0xFFFFFFE0];
	vm2 =	vlt.s32 v14, $0x0;
	v35 =	vxor.u32 $0x7FFFFFFF, v14;
	(xrf1) =	vunique.msk.u32 $0xffff, v28  }
0x758: {  	v37 =	vshrl.u32 v13, $0x1C;
	vm3 =	vlt.s32 v13, $0x0;
	v5 =	vxor.u32 $0x7FFFFFFF, v13;
	v12 =	vld [tilespmem:s17+$0x0];
	[tilespmem:v15+s2+$0x0] =	vst.idx.msk $0xffff, v18  }
0x759: {  	v15 =	vsel vm2, v14, v35;
	v5 =	vsel vm3, v13, v5;
	v38 =	vshrl.u32 v32, $0x1C;
	v13 =	vld [tilespmem:s17+$0x50];
	[tilespmem:v11+s2+$0x0] =	vst.idx.msk $0xffff, v23  }
0x75a: {  	v35 =	vshrl.u32 v14, $0x1C;
	vm2 =	vlt.s32 v32, $0x0;
	v23 =	vld [tilespmem:s16+$0xFFFFFF80];
	vm3 =	vlt.s32 v17, $0x0;
	(xrf1) =	vunique.msk.u32 $0xffff, v38  }
0x75b: {  	v14 =	vshrl.u32 v36, $0x1C;
	v39 =	vld [tilespmem:s16+$0xFFFFFFD0];
	v40 =	vshrl.u32 v19, $0x1C;
	vm4 =	vlt.s32 v19, $0x0;
	(xrf1) =	vunique.msk.u32 $0xffff, v35  }
0x75c: {  	v41 =	vsel vm1, v16, v22;
	v16 =	vxor.u32 $0x7FFFFFFF, v17;
	v11 =	vxor.u32 $0x7FFFFFFF, v19;
	v22 =	vld [tilespmem:s16+$0xFFFFFFE0];
	(xrf1) =	vunique.msk.u32 $0xffff, v40  }
0x75d: {  	vm1 =	vlt.s32 v34, $0x0;
	v42 =	vshrl.u32 v17, $0x1C;
	v18 =	vsel vm4, v19, v11;
	v36 =	vld [tilespmem:s16+$0xFFFFFFF0];
	(xrf1) =	vunique.msk.u32 $0xffff, v37  }
0x75e: {  	v16 =	vsel vm3, v17, v16;
	v11 =	vsel vm1, v34, v33;
	v34 =	vshrl.u32 v10, $0x1C;
	v33 =	vld [tilespmem:s16+$0xFFFFFFC0];
	_, v17, _ =	vpop (xrf1);
	(xrf1) =	vunique.msk.u32 $0xffff, v42  }
0x75f: {  	v20 =	vperm.xlane v27, v20;
	v43 =	vadd.s32 v27, v23;
	(xrf1) =	vunique.msk.u32 $0xffff, v34  }
0x760: {  	v19 =	vperm.xlane v43, v30;
	v27 =	vadd.s32 v43, v31;
	v30 =	vshrl.u32 v26, $0x1C;
	_, v23, _ =	vpop (xrf1)  }
0x761: {  	v26 =	vperm.xlane v27, v29;
	v27 =	vadd.s32 v27, v21;
	v29 =	vshrl.u32 v13, $0x1C;
	_, v21, _ =	vpop (xrf1)  }
0x762: {  	v44 =	vxor.u32 $0x7FFFFFFF, v32;
	v31 =	vshrl.u32 v12, $0x1C;
	v24 =	vadd.s32 v27, v24;
	v43 =	vld [tilespmem:s16+$0x0];
	(xrf1) =	vunique.msk.u32 $0xffff, v30  }
0x763: {  	v27 =	vperm.xlane v27, v25;
	v45 =	vperm.xlane v24, v37;
	v24 =	vadd.s32 v24, v33;
	v33 =	vld [tilespmem:s16+$0x10];
	_, v25, _ =	vpop (xrf1);
	(xrf1) =	vunique.msk.u32 $0xffff, v31  }
0x764: {  	v25 =	vadd.s32 v26, v25;
	v28 =	vperm.xlane v24, v28;
	v26 =	vadd.s32 v24, v39;
	v37 =	vld [tilespmem:s16+$0x20];
	(xrf1) =	vunique.msk.u32 $0xffff, v29  }
0x765: {  	v24 =	vadd.s32 v27, v17;
	v17 =	vperm.xlane v26, v34;
	v22 =	vadd.s32 v26, v22;
	v27 =	vld [tilespmem:s16+$0x30];
	_, v34, _ =	vpop (xrf1)  }
0x766: {  	vm1 =	vlt.s32 v12, $0x0;
	v39 =	vperm.xlane v22, v40;
	v22 =	vadd.s32 v22, v36;
	v40 =	vld [tilespmem:s16+$0x40]  }
0x767: {  	v46 =	vshrl.u32 v2, $0x1C;
	v26 =	vperm.xlane v22, v31;
	v22 =	vadd.s32 v22, v43;
	v43 =	vld [tilespmem:s16+$0x50]  }
0x768: {  	v28 =	vadd.s32 v28, v34;
	v34 =	vperm.xlane v22, v35;
	v48 =	vadd.s32 v22, v33;
	v47 =	vld [tilespmem:s16+$0x60];
	_, v35, _ =	vpop (xrf1);
	(xrf1) =	vunique.msk.u32 $0xffff, v14  }
.Ltmp15:
0x769: {  	v31 =	vperm.xlane v48, v30;
	v33 =	vadd.s32 v48, v37;
	v30 =	vsel vm2, v32, v44;
	_, v32, _ =	vpop (xrf1);
	(pc) =	sbr.rel @p0 .LBB2_33-.Ltmp15, $4  }
0x76a: {  	v36 =	vadd.s32 v34, v32;
	v38 =	vperm.xlane v33, v38;
	v32 =	vadd.s32 v33, v27;
	_, v27, _ =	vpop (xrf1)  }
0x76b: {  	v37 =	vadd.s32 v39, v27;
	v39 =	vperm.xlane v32, v42;
	v27 =	vadd.s32 v32, v40;
	_, v22, _ =	vpop (xrf1);
	(xrf1) =	vunique.msk.u32 $0xffff, v46  }
0x76c: {  	v22 =	vadd.s32 v45, v22;
	v34 =	vperm.xlane v27, v29;
	v29 =	vadd.s32 v27, v43;
	_, v40, _ =	vpop (xrf1)  }
0x76d: {  	s17 =	sadd.s32 $0x100, s17;
	v33 =	vxor.u32 $0x7FFFFFFF, v12;
	[tilespmem:v28+s2+$0x0] =	vst.idx.msk $0xffff, v41;
	v27 =	vperm.xlane v29, v46;
	v29 =	vadd.s32 v29, v47;
	v32 =	vld [tilespmem:s16+$0x70];
	s16 =	sadd.s32 $0x100, s16;
	_, v28, _ =	vpop (xrf1)  }
0x76e: {  	_ =	sdelay $0x3  }
0x76f: {  	v32 =	vadd.s32 v38, v35;
	[tilespmem:v24+s2+$0x0] =	vst.idx.msk $0xffff, v8  }
0x770: {  	v51 =	vadd.s32 v20, v23;
	[tilespmem:v36+s2+$0x0] =	vst.idx.msk $0xffff, v15  }
0x771: {  	vm2 =	vlt.s32 v4, $0x0;
	v52 =	vadd.s32 v39, v40;
	v53 =	vxor.u32 $0x7FFFFFFF, v4;
	[tilespmem:v37+s2+$0x0] =	vst.idx.msk $0xffff, v18;
	_, v54, _ =	vpop (xrf1)  }
0x772: {  	v19 =	vadd.s32 v19, v21;
	[tilespmem:v22+s2+$0x0] =	vst.idx.msk $0xffff, v5;
	v4 =	vsel vm2, v4, v53;
	_, v56, _ =	vpop (xrf1)  }
0x773: {  	v14 =	vperm.xlane v29, v14;
	[tilespmem:v25+s2+$0x0] =	vst.idx.msk $0xffff, v4;
	v55 =	vadd.s32 v31, v54;
	_, v58, _ =	vpop (xrf1)  }
0x774: {  	v57 =	vadd.s32 v26, v56;
	[tilespmem:v32+s2+$0x0] =	vst.idx.msk $0xffff, v30;
	_, v59, _ =	vpop (xrf1)  }
0x775: {  	[tilespmem:v51+s2+$0x0] =	vst.idx.msk $0xffff, v6;
	v6 =	vadd.s32 v14, v59  }
0x776: {  	v18 =	vadd.s32 v34, v58;
	[tilespmem:v52+s2+$0x0] =	vst.idx.msk $0xffff, v16  }
0x777: {  	v63 =	vadd.s32 v17, v28;
	[tilespmem:v19+s2+$0x0] =	vst.idx.msk $0xffff, v11;
	_, v61, _ =	vpop (xrf1)  }
0x778: {  	v12 =	vsel vm1, v12, v33;
	[tilespmem:v55+s2+$0x0] =	vst.idx.msk $0xffff, v9;
	v62 =	vadd.s32 v27, v61  }
0x779: {  	vm14 =	vlt.s32 v13, $0x0;
	v60 =	vxor.u32 $0x7FFFFFFF, v13;
	[tilespmem:v57+s2+$0x0] =	vst.idx.msk $0xffff, v12  }
0x77a: {  	vm15 =	vlt.s32 v10, $0x0;
	v8 =	vsel vm14, v13, v60;
	[tilespmem:v6+s2+$0x0] =	vst.idx.msk $0xffff, v3;
	v3 =	vxor.u32 $0x7FFFFFFF, v10  }
0x77b: {  	s13 =	sadd.s32 $0x1, s13;
	[tilespmem:v18+s2+$0x0] =	vst.idx.msk $0xffff, v8;
	v3 =	vsel vm15, v10, v3  }
0x77c: {  	v2 =	vsel vm0, v2, v7;
	p0 =	sne.s32 s13, $0x4;
	[tilespmem:v63+s2+$0x0] =	vst.idx.msk $0xffff, v3  }
.Ltmp16:
0x77d: {  	s14 =	sadd.s32 s4, s14;
	[tilespmem:v62+s2+$0x0] =	vst.idx.msk $0xffff, v2;
	(pc) =	sbr.rel @p0 .LBB2_2-.Ltmp16, $4  }
0x77e: {  	[hbm4b:s14+s11] =	stream.strided.scatter [tilespmem:s2], [sflag:$0x1], $0x8000, s7, s11, $0x38;
	[tilespmem:$0x18000] =	vst v63  }
0x77f: {  	_ =	swait.ge [sflag:s8], $0x8000  }
0x780: {  	[sflag:s8] =	ssyncset.done $0x0  }
0x781: {  	[sflag:s8] =	ssyncadd.s32 $0xFFFF8000  }
0x782: {  	s12 =	sadd.s32 $0x1, s12  }
0x783: {  	p0 =	sne.s32 s12, s6  }
.Ltmp17:
0x784: {  	_ = 	snop;
	(pc) =	sbr.rel @p0 .LBB2_1-.Ltmp17, $1  }
0x785: {  	_ =	sdelay $0x3  }
0x786: {  	_ =	sfence.sel $0x180000  }
0x787: {  	[bflag:$0x0] =	sbarrier.arrive $0xFFFF  }
0x788: {  	p0 =	sne.s32 s3, $0x0;
	_ =	strace $0x90000047  }
0x789: {  	s0 =	sadd.s32 @!p0 $0x100000, s0;
	[bflag:$0x2] =	sbarrier.arrive $0xFFFF  }
0x78a: {  	[sflag:s0] =	ssyncadd.tile.s32 @!p0 $0x1;
	_ =	shalt  }
.Lfunc_end2:
_tile_overlayer_lowered:
.L_overlay_start_2:
0x78b: {  	(tag) =	ssettag $0x2  }
0x78c: {  	s0 =	rddreg [dreg:$0x0];
	s2 =	stileid.u32  }
0x78d: {  	s1 =	rddreg [dreg:$0x1];
	p0 =	sne.s32 s2, $0x0  }
0x78e: {  	s3 =	rddreg [dreg:$0x2];
	[bflag:$0x3] =	sbarrier.arrive $0xFFFF;
	s2 =	simm.s32 @!p0 $0x1C01  }
0x78f: {  	[timem:s3], [sflag:s2] =	dma.local @!p0 [hbm:s0], s1  }
0x790: {  	s0 =	simm.s32 @!p0 $0x1  }
0x791: {  	_ =	swait.ge @!p0 [sflag:s0], s1  }
0x792: {  	s1 =	ssub.s32 @!p0 $0x0, s1;
	[sflag:s0] =	ssyncset.done @!p0 $0x0  }
0x793: {  	[sflag:s0] =	ssyncadd.s32 @!p0 s1  }
0x794: {  	[bflag:$0x3] =	sbarrier.arrive $0xFFFF  }
0x795: {  	_ =	shalt  }

</sc_bundles>
